<compile_context>
chip_gen: v7x
topology: tpu7x:2x2x1
jax: 0.10.2.dev20260603
libtpu: 0.0.44.dev20260713+nightly
codegen_flags: <defaults>
</compile_context>

<pallas_src>
import functools

import jax
import jax.numpy as jnp
from jax import lax
from jax.experimental import pallas as pl
from jax.experimental.pallas import tpu as pltpu
from jax.experimental.pallas import tpu_sc as plsc

N = 10000
E = 320000
D = 128
NEXP = 8
NG = 16
PAD = 240
NC, NS = 2, 16
CH = 80
NBUF_A = 4
NBUF_BC = 3
NROWS = E // CH
ROWS_A = NROWS // (NC * NS)
ROWS_BC = NROWS // NS
NPH_A = 5
PH_A = ROWS_A // NPH_A
NPH = 10
PH = ROWS_BC // NPH
NB = 10
BN = N // NB
NACC = 10240
RPT = NACC // NS
QF = RPT // CH


def _enc_body(x_ref, w1_ref, b1_ref, w2_ref, b2_ref, h_ref):
    t = jnp.dot(x_ref[...], w1_ref[...], preferred_element_type=jnp.float32)
    t = jnp.maximum(t + b1_ref[...], 0.0)
    h_ref[...] = jnp.dot(t, w2_ref[...], preferred_element_type=jnp.float32) + b2_ref[...]


def _encoder_call(x, w1, b1, w2, b2, interpret=False):
    return pl.pallas_call(
        _enc_body,
        grid=(NB,),
        in_specs=[
            pl.BlockSpec((BN, D), lambda i: (i, 0)),
            pl.BlockSpec((D, D), lambda i: (0, 0)),
            pl.BlockSpec((1, D), lambda i: (0, 0)),
            pl.BlockSpec((D, D), lambda i: (0, 0)),
            pl.BlockSpec((1, D), lambda i: (0, 0)),
        ],
        out_specs=pl.BlockSpec((BN, D), lambda i: (i, 0)),
        out_shape=jax.ShapeDtypeStruct((N, D), jnp.float32),
        interpret=interpret,
    )(x, w1, b1, w2, b2)


def _stats_body(bp_ref, src_ref, stats_ref):
    bp = bp_ref[...]
    src = src_ref[...]
    ns = [jnp.sum((bp == g).astype(jnp.float32)) for g in range(NG)]
    starts = [jnp.sum((bp < g).astype(jnp.int32)) - PAD for g in range(NG + 1)]
    es = []
    for g in range(NG):
        lo, hi = starts[g], starts[g + 1]
        es.append(jnp.sum(((src >= lo) & (src < hi)).astype(jnp.float32)))
    n_col = jnp.concatenate([v.reshape(1, 1) for v in ns], axis=0)
    e_col = jnp.concatenate([v.reshape(1, 1) for v in es], axis=0)
    gmax = jnp.max(bp)
    iota_g = lax.broadcasted_iota(jnp.int32, (NG, 1), 0)
    valid = iota_g <= gmax
    gcount = (gmax + 1).astype(jnp.float32)
    n_c = jnp.clip(n_col, 1.0, None)
    density = e_col / jnp.clip(n_c * (n_c - 1.0), 1.0, None)
    logn = jnp.log(n_c)
    logn_min = jnp.min(jnp.where(valid, logn, jnp.inf))
    logn_max = jnp.max(jnp.where(valid, logn, -jnp.inf))
    logn_norm = (logn - logn_min) / (logn_max - logn_min + 1e-6)
    feats = jnp.concatenate([n_c, e_col, density], axis=1)
    fmean = jnp.sum(jnp.where(valid, feats, 0.0), axis=0, keepdims=True) / gcount
    fvar = jnp.sum(jnp.where(valid, (feats - fmean) ** 2, 0.0), axis=0, keepdims=True) / gcount
    feats = (feats - fmean) / (jnp.sqrt(fvar) + 1e-6)
    stats_ref[...] = jnp.concatenate(
        [feats, logn_norm, jnp.zeros((NG, D - 4), jnp.float32)], axis=1)


def _stats_call(bp2, src2, interpret=False):
    return pl.pallas_call(
        _stats_body,
        out_shape=jax.ShapeDtypeStruct((NG, D), jnp.float32),
        interpret=interpret,
    )(bp2, src2)


def _moe_body(h_ref, a0_ref, a1_ref, bc_ref, st_ref, w1p_ref, rb1_ref,
              lng_ref, lnb_ref, w2_ref, rb2_ref, cent_ref,
              wr1_ref, br1_ref, wt1_ref, wr2_ref, br2_ref, wt2_ref,
              g_out, yp_out, isel_out, wsel_out):
    h = h_ref[...]
    agg1 = a0_ref[...] + a1_ref[...]
    bcol = bc_ref[...]
    iota_g = lax.broadcasted_iota(jnp.int32, (1, NG), 1)
    P = (bcol == iota_g).astype(jnp.float32)
    st = st_ref[...]
    feats3 = st[:, 0:3]
    logn16 = st[:, 3:4]
    w1p = w1p_ref[...]
    sf_w = jnp.dot(feats3, w1p[128:131, :], preferred_element_type=jnp.float32)
    t = (jnp.dot(h, w1p[0:128, :], preferred_element_type=jnp.float32)
         + jnp.dot(P, sf_w, preferred_element_type=jnp.float32,
                   precision=lax.Precision.HIGHEST) + rb1_ref[...])
    mu = jnp.mean(t, axis=1, keepdims=True)
    var = jnp.mean((t - mu) ** 2, axis=1, keepdims=True)
    tn = (t - mu) / jnp.sqrt(var + 1e-5) * lng_ref[...] + lnb_ref[...]
    learned = jnp.dot(jnp.maximum(tn, 0.0), w2_ref[...],
                      preferred_element_type=jnp.float32) + rb2_ref[...]
    logn_n = jnp.dot(P, logn16, preferred_element_type=jnp.float32,
                     precision=lax.Precision.HIGHEST)
    prior = -(logn_n - cent_ref[...]) ** 2
    logits = 0.7 * learned + 0.3 * prior
    z = logits - jnp.max(logits, axis=1, keepdims=True)
    pz = jnp.exp(z)
    probs = pz / jnp.sum(pz, axis=1, keepdims=True)
    io8 = lax.broadcasted_iota(jnp.int32, (1, NEXP), 1).astype(jnp.float32)
    m1 = jnp.max(probs, axis=1, keepdims=True)
    i1 = jnp.min(jnp.where(probs == m1, io8, 99.0), axis=1, keepdims=True)
    p2 = jnp.where(io8 == i1, -1.0, probs)
    m2 = jnp.max(p2, axis=1, keepdims=True)
    i2 = jnp.min(jnp.where(p2 == m2, io8, 99.0), axis=1, keepdims=True)
    s = m1 + m2 + 1e-8
    w1v = m1 / s
    w2v = m2 / s
    yp = jnp.zeros((BN, D), jnp.float32)
    for i in range(NEXP):
        h1 = jnp.maximum(
            jnp.dot(agg1, wr1_ref[i], preferred_element_type=jnp.float32)
            + br1_ref[i:i + 1, :]
            + jnp.dot(h, wt1_ref[i], preferred_element_type=jnp.float32), 0.0)
        g_out[i] = jnp.dot(h1, wr2_ref[i], preferred_element_type=jnp.float32)
        r2 = jnp.dot(h1, wt2_ref[i], preferred_element_type=jnp.float32)
        coef = (w1v * (i1 == float(i)).astype(jnp.float32)
                + w2v * (i2 == float(i)).astype(jnp.float32))
        yp = yp + coef * (r2 + br2_ref[i:i + 1, :])
    yp_out[...] = yp
    zcol = jnp.zeros((BN, NEXP - 2), jnp.float32)
    isel_out[...] = jnp.concatenate(
        [i1.astype(jnp.int32), i2.astype(jnp.int32),
         jnp.zeros((BN, NEXP - 2), jnp.int32)], axis=1)
    wsel_out[...] = jnp.concatenate([w1v, w2v, zcol], axis=1)


def _moe_call(h, a0, a1, bcolumn, stats, w1p, rb1, lng, lnb, w2, rb2, cent,
              wr1, br1, wt1, wr2, br2, wt2, interpret=False):
    full = lambda i: (0, 0)
    full3 = lambda i: (0, 0, 0)
    blk = lambda i: (i, 0)
    return pl.pallas_call(
        _moe_body,
        grid=(NB,),
        in_specs=[
            pl.BlockSpec((BN, D), blk),
            pl.BlockSpec((BN, D), blk),
            pl.BlockSpec((BN, D), blk),
            pl.BlockSpec((BN, 1), blk),
            pl.BlockSpec((NG, D), full),
            pl.BlockSpec((136, D), full),
            pl.BlockSpec((1, D), full),
            pl.BlockSpec((1, D), full),
            pl.BlockSpec((1, D), full),
            pl.BlockSpec((D, NEXP), full),
            pl.BlockSpec((1, NEXP), full),
            pl.BlockSpec((1, NEXP), full),
            pl.BlockSpec((NEXP, D, D), full3),
            pl.BlockSpec((NEXP, D), full),
            pl.BlockSpec((NEXP, D, D), full3),
            pl.BlockSpec((NEXP, D, D), full3),
            pl.BlockSpec((NEXP, D), full),
            pl.BlockSpec((NEXP, D, D), full3),
        ],
        out_specs=[
            pl.BlockSpec((NEXP, BN, D), lambda i: (0, i, 0)),
            pl.BlockSpec((BN, D), blk),
            pl.BlockSpec((BN, NEXP), blk),
            pl.BlockSpec((BN, NEXP), blk),
        ],
        out_shape=[
            jax.ShapeDtypeStruct((NEXP, N, D), jnp.float32),
            jax.ShapeDtypeStruct((N, D), jnp.float32),
            jax.ShapeDtypeStruct((N, NEXP), jnp.int32),
            jax.ShapeDtypeStruct((N, NEXP), jnp.float32),
        ],
        interpret=interpret,
    )(h, a0, a1, bcolumn, stats, w1p, rb1, lng, lnb, w2, rb2, cent,
      wr1, br1, wt1, wr2, br2, wt2)


def _comb_body(yp_ref, o1_ref, o2_ref, ws_ref, y_ref):
    ws = ws_ref[...]
    y_ref[...] = (yp_ref[...] + ws[:, 0:1] * o1_ref[...]
                  + ws[:, 1:2] * o2_ref[...])


def _combine_call(yp, o1, o2, ws, interpret=False):
    blk = lambda i: (i, 0)
    return pl.pallas_call(
        _comb_body,
        grid=(NB,),
        in_specs=[
            pl.BlockSpec((BN, D), blk),
            pl.BlockSpec((BN, D), blk),
            pl.BlockSpec((BN, D), blk),
            pl.BlockSpec((BN, NEXP), blk),
        ],
        out_specs=pl.BlockSpec((BN, D), blk),
        out_shape=jax.ShapeDtypeStruct((N, D), jnp.float32),
        interpret=interpret,
    )(yp, o1, o2, ws)


def _zero_acc_slice(accSp, rowsV, base):
    def za(q, carry):
        pltpu.sync_copy(rowsV, accSp.at[pl.ds(base + q * CH, CH)])
        return carry
    lax.fori_loop(0, QF, za, 0)


def _copy_out_slice(accSp, rowsV, base, out_slice_fn):
    def co(q, carry):
        pltpu.sync_copy(accSp.at[pl.ds(base + q * CH, CH)], rowsV)
        pltpu.sync_copy(rowsV, out_slice_fn(base + q * CH, CH))
        return carry
    lax.fori_loop(0, QF, co, 0)


def _pipelined_chunks(n, nbuf, issue_gather, issue_scatter, drain_g, drain_s):
    for b in range(nbuf):
        issue_gather(b, b)

    def group(gg, carry):
        j0 = gg * nbuf
        for b in range(nbuf):
            j = j0 + b

            @pl.when(j < n)
            def _(j=j, b=b):
                drain_g(b)
                issue_scatter(j, b)

                @pl.when(j + nbuf < n)
                def _():
                    drain_s(b)
                    issue_gather(j + nbuf, b)
        return carry
    lax.fori_loop(0, -(-n // nbuf), group, 0)
    for b in range(nbuf):
        drain_s(b)


def _pass_a_kernel(interpret=False):
    mesh = plsc.VectorSubcoreMesh(core_axis_name="c", subcore_axis_name="s")

    @functools.partial(
        pl.kernel,
        out_type=jax.ShapeDtypeStruct((NC, NACC, D), jnp.float32),
        mesh=mesh,
        scratch_types=[
            pltpu.VMEM((PH_A * CH,), jnp.int32),
            pltpu.VMEM((PH_A, CH), jnp.int32),
            pltpu.VMEM((NBUF_A, CH, D), jnp.float32),
            pltpu.VMEM_SHARED((NACC, D), jnp.float32),
        ] + [pltpu.SemaphoreType.DMA] * (2 * NBUF_A),
        interpret=interpret,
    )
    def body(h_hbm, srcF, dstR, z_hbm, out_hbm, srcV1, dstV2, rowsB, accSp,
             *sems):
        gsem = sems[:NBUF_A]
        ssem = sems[NBUF_A:]
        c = lax.axis_index("c")
        s = lax.axis_index("s")
        w = c * NS + s
        pltpu.sync_copy(z_hbm, rowsB.at[0])
        base = s * RPT
        _zero_acc_slice(accSp, rowsB.at[0], base)
        plsc.subcore_barrier()

        def issue_gather(j, b):
            pltpu.async_copy(h_hbm.at[srcV1.at[pl.ds(j * CH, CH)]],
                             rowsB.at[b], gsem[b])

        def issue_scatter(j, b):
            pltpu.async_copy(rowsB.at[b], accSp.at[dstV2.at[j]], ssem[b],
                             add=True)

        def drain_g(b):
            pltpu.make_async_copy(h_hbm.at[pl.ds(0, CH)], rowsB.at[b],
                                  gsem[b]).wait()

        def drain_s(b):
            pltpu.make_async_copy(h_hbm.at[pl.ds(0, CH)], rowsB.at[b],
                                  ssem[b]).wait()

        def run_phase(p, carry):
            off = w * (ROWS_A * CH) + p * (PH_A * CH)
            pltpu.sync_copy(srcF.at[pl.ds(off, PH_A * CH)], srcV1)
            pltpu.sync_copy(dstR.at[w, p], dstV2)
            _pipelined_chunks(PH_A, NBUF_A, issue_gather, issue_scatter,
                              drain_g, drain_s)
            return carry
        lax.fori_loop(0, NPH_A, run_phase, 0)
        plsc.subcore_barrier()
        _copy_out_slice(accSp, rowsB.at[0], base,
                        lambda o, l: out_hbm.at[c, pl.ds(o, l)])

    return body


def _pass_bc_kernel(interpret=False):
    mesh = plsc.VectorSubcoreMesh(core_axis_name="c", subcore_axis_name="s")

    @functools.partial(
        pl.kernel,
        out_type=jax.ShapeDtypeStruct((NC, NACC, D), jnp.float32),
        mesh=mesh,
        scratch_types=[
            pltpu.VMEM((PH * CH,), jnp.int32),
            pltpu.VMEM((PH, CH), jnp.int32),
            pltpu.VMEM((PH * CH,), jnp.int32),
            pltpu.VMEM((NBUF_BC, CH, D), jnp.float32),
            pltpu.VMEM_SHARED((NACC, D), jnp.float32),
        ] + [pltpu.SemaphoreType.DMA] * (2 * NBUF_BC + 1),
        interpret=interpret,
    )
    def body(g_hbm, srcF, dstR, isel1_hbm, isel2_hbm, z_hbm, out_hbm,
             srcV1, dstV2, ichV, rowsB, accSp, *sems):
        gsem = sems[:NBUF_BC]
        ssem = sems[NBUF_BC:2 * NBUF_BC]
        isem = sems[2 * NBUF_BC]
        c = lax.axis_index("c")
        s = lax.axis_index("s")
        pltpu.sync_copy(z_hbm, rowsB.at[0])
        base = s * RPT
        _zero_acc_slice(accSp, rowsB.at[0], base)
        plsc.subcore_barrier()

        def issue_gather(j, b):
            pltpu.async_copy(g_hbm.at[srcV1.at[pl.ds(j * CH, CH)]],
                             rowsB.at[b], gsem[b])

        def issue_scatter(j, b):
            pltpu.async_copy(rowsB.at[b], accSp.at[dstV2.at[j]], ssem[b],
                             add=True)

        def drain_g(b):
            pltpu.make_async_copy(g_hbm.at[pl.ds(0, CH)], rowsB.at[b],
                                  gsem[b]).wait()

        def drain_s(b):
            pltpu.make_async_copy(g_hbm.at[pl.ds(0, CH)], rowsB.at[b],
                                  ssem[b]).wait()

        def run_phase(p, carry):
            off = s * (ROWS_BC * CH) + p * (PH * CH)
            pltpu.sync_copy(srcF.at[pl.ds(off, PH * CH)], srcV1)
            pltpu.sync_copy(dstR.at[s, p], dstV2)

            @pl.when(c == 0)
            def _():
                def fire1(q, c2):
                    pltpu.async_copy(isel1_hbm.at[dstV2.at[q]],
                                     ichV.at[pl.ds(q * CH, CH)], isem)
                    return c2
                lax.fori_loop(0, PH, fire1, 0)

            @pl.when(c == 1)
            def _():
                def fire2(q, c2):
                    pltpu.async_copy(isel2_hbm.at[dstV2.at[q]],
                                     ichV.at[pl.ds(q * CH, CH)], isem)
                    return c2
                lax.fori_loop(0, PH, fire2, 0)

            def dfire(q, c2):
                pltpu.make_async_copy(isel1_hbm.at[pl.ds(0, CH)],
                                      ichV.at[pl.ds(0, CH)], isem).wait()
                return c2
            lax.fori_loop(0, PH, dfire, 0)

            def cidx(i, c2):
                sl = pl.ds(i * 16, 16)
                srcV1[sl] = ichV[sl] * N + srcV1[sl]
                return c2
            lax.fori_loop(0, PH * CH // 16, cidx, 0)

            _pipelined_chunks(PH, NBUF_BC, issue_gather, issue_scatter,
                              drain_g, drain_s)
            return carry
        lax.fori_loop(0, NPH, run_phase, 0)
        plsc.subcore_barrier()
        _copy_out_slice(accSp, rowsB.at[0], base,
                        lambda o, l: out_hbm.at[c, pl.ds(o, l)])

    return body


def kernel(x, edge_index, batch, enc_W1, enc_b1, enc_W2, enc_b2,
           r_W1, r_b1, r_ln_g, r_ln_b, r_W2, r_b2, size_centers,
           exp_rel_W1, exp_rel_b1, exp_root_W1, exp_rel_W2, exp_rel_b2,
           exp_root_W2):
    src = edge_index[0]
    dst = edge_index[1]
    dstA = dst.reshape(NC * NS, NPH_A, PH_A, CH)
    dstB = dst.reshape(NS, NPH, PH, CH)
    zchunk = jnp.zeros((CH, D), jnp.float32)
    bp2 = jnp.pad(batch, (0, PAD), constant_values=-1).reshape(80, 128)
    src2 = src.reshape(E // 128, 128)
    bcolumn = batch.reshape(N, 1)
    w1p = jnp.pad(r_W1, ((0, 136 - (D + 3)), (0, 0)))
    rb1 = r_b1.reshape(1, D)
    lng = r_ln_g.reshape(1, D)
    lnb = r_ln_b.reshape(1, D)
    rb2 = r_b2.reshape(1, NEXP)
    cent = size_centers.reshape(1, NEXP)

    h = _encoder_call(x, enc_W1, enc_b1.reshape(1, D), enc_W2,
                      enc_b2.reshape(1, D))
    stats = _stats_call(bp2, src2)
    outA = _pass_a_kernel()(h, src, dstA, zchunk)
    g, ypart, isel, wsel = _moe_call(
        h, outA[0], outA[1], bcolumn, stats, w1p, rb1, lng, lnb,
        r_W2, rb2, cent, exp_rel_W1, exp_rel_b1, exp_root_W1,
        exp_rel_W2, exp_rel_b2, exp_root_W2)
    gflat = g.reshape(NEXP * N, D)
    outBC = _pass_bc_kernel()(gflat, src, dstB, isel[:, 0], isel[:, 1],
                              zchunk)
    y = _combine_call(ypart, outBC[0], outBC[1], wsel)
    return y

# --- scband reference (transcript-rebuilt; emitter-appended) ---
"""Pipeline reference for scband-configurable-graph-mo-e-72267119722661 (READ-ONLY COPY).

The authoritative reference and input builder live on the scoring server;
editing this copy changes nothing except your own understanding.
"""

import jax, jax.numpy as jnp
import numpy as np

N = 10000
E_EDGES = 320000
D_IN = 128
HID = 128
OUT = 128
NEXP = 8
TOPK = 2
NGRAPH = 16


def setup_inputs(seed: int = 0) -> dict:
    key = jax.random.key(seed)
    ks = jax.random.split(key, 40)

    def w(i, shape, scale=0.05):
        return jax.random.normal(ks[i], shape, dtype=jnp.float32) * scale

    inp = {}
    inp['x'] = jax.random.normal(ks[0], (N, D_IN), dtype=jnp.float32)
    inp['edge_index'] = jax.random.randint(ks[1], (2, E_EDGES), 0, N, dtype=jnp.int32)
    inp['batch'] = jnp.sort(jax.random.randint(ks[2], (N,), 0, NGRAPH, dtype=jnp.int32))
    # encoder: Linear(D_IN,HID) -> ReLU -> Linear(HID,HID)
    inp['enc_W1'] = w(3, (D_IN, HID)); inp['enc_b1'] = jnp.zeros((HID,), jnp.float32)
    inp['enc_W2'] = w(4, (HID, HID)); inp['enc_b2'] = jnp.zeros((HID,), jnp.float32)
    # router: Linear(HID+3,HID) -> LayerNorm -> ReLU -> Linear(HID,NEXP)
    inp['r_W1'] = w(5, (HID + 3, HID)); inp['r_b1'] = jnp.zeros((HID,), jnp.float32)
    inp['r_ln_g'] = jnp.ones((HID,), jnp.float32); inp['r_ln_b'] = jnp.zeros((HID,), jnp.float32)
    inp['r_W2'] = w(6, (HID, NEXP)); inp['r_b2'] = jnp.zeros((NEXP,), jnp.float32)
    inp['size_centers'] = jnp.linspace(0.0, 1.0, NEXP).astype(jnp.float32)
    # 8 experts, each 2 GraphConv layers (start, end); PyG GraphConv: lin_rel(sum_agg) + lin_root(x)
    inp['exp_rel_W1'] = w(7, (NEXP, HID, HID)); inp['exp_rel_b1'] = jnp.zeros((NEXP, HID), jnp.float32)
    inp['exp_root_W1'] = w(8, (NEXP, HID, HID))
    inp['exp_rel_W2'] = w(9, (NEXP, HID, OUT)); inp['exp_rel_b2'] = jnp.zeros((NEXP, OUT), jnp.float32)
    inp['exp_root_W2'] = w(10, (NEXP, HID, OUT))
    return inp


def _graph_conv(h, src, dst, rel_W, rel_b, root_W):
    agg = jax.ops.segment_sum(h[src], dst, num_segments=h.shape[0])
    return agg @ rel_W + rel_b + h @ root_W


def _forward(x, edge_index, batch, enc_W1, enc_b1, enc_W2, enc_b2, r_W1, r_b1, r_ln_g, r_ln_b, r_W2, r_b2, size_centers, exp_rel_W1, exp_rel_b1, exp_root_W1, exp_rel_W2, exp_rel_b2, exp_root_W2):
    src = edge_index[0]
    dst = edge_index[1]
    # encoder
    h = jax.nn.relu(x @ enc_W1 + enc_b1) @ enc_W2 + enc_b2
    # _size_feats
    gmax = jnp.max(batch)
    valid = jnp.arange(NGRAPH) <= gmax
    gcount = (gmax + 1).astype(jnp.float32)
    n = jnp.clip(jnp.bincount(batch, length=NGRAPH).astype(jnp.float32), 1.0, None)
    e = jnp.bincount(batch[src], length=NGRAPH).astype(jnp.float32)
    density = e / jnp.clip(n * (n - 1.0), 1.0, None)
    logn = jnp.log(n)
    logn_min = jnp.where(valid, logn, jnp.inf).min()
    logn_max = jnp.where(valid, logn, -jnp.inf).max()
    logn_norm = (logn - logn_min) / (logn_max - logn_min + 1e-6)
    feats = jnp.stack([n, e, density], axis=-1)
    fmean = jnp.where(valid[:, None], feats, 0.0).sum(0, keepdims=True) / gcount
    fvar = jnp.where(valid[:, None], (feats - fmean) ** 2, 0.0).sum(0, keepdims=True) / gcount
    feats = (feats - fmean) / (jnp.sqrt(fvar) + 1e-6)
    size_feats = feats[batch]
    logn_n = logn_norm[batch]
    # router logits (router_mode='combined', eval: no noise, temperature=1)
    inp_r = jnp.concatenate([h, size_feats], axis=-1)
    t = inp_r @ r_W1 + r_b1
    mu = t.mean(-1, keepdims=True)
    var = ((t - mu) ** 2).mean(-1, keepdims=True)
    t = (t - mu) / jnp.sqrt(var + 1e-5) * r_ln_g + r_ln_b
    learned = jax.nn.relu(t) @ r_W2 + r_b2
    prior = -(logn_n[:, None] - size_centers[None, :]) ** 2
    logits = (1.0 - 0.3) * learned + 0.3 * prior
    logits = logits / 1.0
    # gate (gating_mode='topk', eval)
    probs = jax.nn.softmax(logits, axis=-1)
    top_vals, top_idx = jax.lax.top_k(probs, TOPK)
    top_vals = top_vals / (top_vals.sum(-1, keepdims=True) + 1e-8)
    weights = jnp.zeros_like(probs).at[jnp.arange(probs.shape[0])[:, None], top_idx].set(top_vals)
    # experts (dense compute, gated combine)
    outs = []
    for i in range(NEXP):
        h1 = jax.nn.relu(_graph_conv(h, src, dst, exp_rel_W1[i], exp_rel_b1[i], exp_root_W1[i]))
        outs.append(_graph_conv(h1, src, dst, exp_rel_W2[i], exp_rel_b2[i], exp_root_W2[i]))
    y_moe = (jnp.stack(outs, axis=1) * weights[:, :, None]).sum(axis=1)
    return y_moe


def reference(x, edge_index, batch, enc_W1, enc_b1, enc_W2, enc_b2, r_W1, r_b1, r_ln_g, r_ln_b, r_W2, r_b2, size_centers, exp_rel_W1, exp_rel_b1, exp_root_W1, exp_rel_W2, exp_rel_b2, exp_root_W2):
    return _forward(x=x, edge_index=edge_index, batch=batch, enc_W1=enc_W1, enc_b1=enc_b1, enc_W2=enc_W2, enc_b2=enc_b2, r_W1=r_W1, r_b1=r_b1, r_ln_g=r_ln_g, r_ln_b=r_ln_b, r_W2=r_W2, r_b2=r_b2, size_centers=size_centers, exp_rel_W1=exp_rel_W1, exp_rel_b1=exp_rel_b1, exp_root_W1=exp_root_W1, exp_rel_W2=exp_rel_W2, exp_rel_b2=exp_rel_b2, exp_root_W2=exp_root_W2)

if __name__ == "__main__":
    import jax
    _d = setup_inputs()
    print(jax.jit(kernel)(*tuple(_d.values())))

</pallas_src>

<mosaic_0001>
#map = affine_map<(d0, d1) -> (0, 0)>
#map1 = affine_map<(d0, d1) -> (0)>
#map2 = affine_map<(d0, d1) -> (0, 0, 0, 0)>
#map3 = affine_map<(d0, d1) -> (0, 0, 0)>
module attributes {stable_mosaic.version = 14 : i64} {
  func.func @body(%arg0: i32, %arg1: i32, %arg2: memref<10000x128xf32, #tpu.memory_space<hbm>>, %arg3: memref<320000xi32, #tpu.memory_space<hbm>>, %arg4: memref<32x5x25x80xi32, #tpu.memory_space<hbm>>, %arg5: memref<80x128xf32, #tpu.memory_space<hbm>>, %arg6: memref<2x10240x128xf32, #tpu.memory_space<hbm>>, %arg7: memref<2000xi32, #tpu.memory_space<vmem>>, %arg8: memref<25x80xi32, #tpu.memory_space<vmem>>, %arg9: memref<4x80x128xf32, #tpu.memory_space<vmem>>, %arg10: memref<10240x128xf32, #tpu.memory_space<vmem_shared>>, %arg11: memref<!tpu.dma_semaphore, #tpu.memory_space<semaphore_mem>>, %arg12: memref<!tpu.dma_semaphore, #tpu.memory_space<semaphore_mem>>, %arg13: memref<!tpu.dma_semaphore, #tpu.memory_space<semaphore_mem>>, %arg14: memref<!tpu.dma_semaphore, #tpu.memory_space<semaphore_mem>>, %arg15: memref<!tpu.dma_semaphore, #tpu.memory_space<semaphore_mem>>, %arg16: memref<!tpu.dma_semaphore, #tpu.memory_space<semaphore_mem>>, %arg17: memref<!tpu.dma_semaphore, #tpu.memory_space<semaphore_mem>>, %arg18: memref<!tpu.dma_semaphore, #tpu.memory_space<semaphore_mem>>) attributes {dimension_semantics = [#tpu.dimension_semantics<core_parallel>, #tpu.dimension_semantics<subcore_parallel>], iteration_bounds = array<i64: 2, 16>, scalar_prefetch = 0 : i64, scratch_operands = 12 : i64, tpu.core_type = #tpu.core_type<sc_vector_subcore>, window_params = [{transform_indices = #map}, {transform_indices = #map1}, {transform_indices = #map2}, {transform_indices = #map}, {transform_indices = #map3}]} {
    %mul3A = arith.constant 16 : i32
    %mul3A_0 = arith.muli %arg0, %mul3A : i32
    %add3A = arith.addi %mul3A_0, %arg1 : i32
    %run_scoped3A = arith.constant 0 : i32
    "tpu.region"() ({
      %run_scoped3A_23 = tpu.sem_alloc : memref<!tpu.dma_semaphore, #tpu.memory_space<semaphore_mem>>
      %dma_start3A = arith.constant 0 : i32
      %dma_start3A_24 = arith.constant 0 : i32
      %dma_start3A_25 = tpu.memref_slice %arg9[%run_scoped3A, %dma_start3A, %dma_start3A_24] : memref<4x80x128xf32, #tpu.memory_space<vmem>> -> memref<1x80x128xf32, #tpu.memory_space<vmem>>
      %dma_start3A_26 = tpu.memref_squeeze %dma_start3A_25 : memref<1x80x128xf32, #tpu.memory_space<vmem>> -> memref<80x128xf32, #tpu.memory_space<vmem>>
      %dma_start3A_27 = arith.constant 0 : i32
      %dma_start3A_28 = arith.constant 0 : i32
      %dma_start3A_29 = tpu.memref_slice %arg9[%run_scoped3A, %dma_start3A_27, %dma_start3A_28] : memref<4x80x128xf32, #tpu.memory_space<vmem>> -> memref<1x80x128xf32, #tpu.memory_space<vmem>>
      %dma_start3A_30 = tpu.memref_squeeze %dma_start3A_29 : memref<1x80x128xf32, #tpu.memory_space<vmem>> -> memref<80x128xf32, #tpu.memory_space<vmem>>
      tpu.enqueue_dma source(%arg5 : memref<80x128xf32, #tpu.memory_space<hbm>>) target(%dma_start3A_30 : memref<80x128xf32, #tpu.memory_space<vmem>>) target_semaphore(%run_scoped3A_23 : memref<!tpu.dma_semaphore, #tpu.memory_space<semaphore_mem>>)
      %dma_wait3A = arith.constant 0 : i32
      %dma_wait3A_31 = arith.constant 0 : i32
      %dma_wait3A_32 = tpu.memref_slice %arg9[%run_scoped3A, %dma_wait3A, %dma_wait3A_31] : memref<4x80x128xf32, #tpu.memory_space<vmem>> -> memref<1x80x128xf32, #tpu.memory_space<vmem>>
      %dma_wait3A_33 = tpu.memref_squeeze %dma_wait3A_32 : memref<1x80x128xf32, #tpu.memory_space<vmem>> -> memref<80x128xf32, #tpu.memory_space<vmem>>
      %dma_wait3A_34 = arith.constant 0 : i32
      %dma_wait3A_35 = arith.constant 0 : i32
      %dma_wait3A_36 = tpu.memref_slice %arg9[%run_scoped3A, %dma_wait3A_34, %dma_wait3A_35] : memref<4x80x128xf32, #tpu.memory_space<vmem>> -> memref<1x80x128xf32, #tpu.memory_space<vmem>>
      %dma_wait3A_37 = tpu.memref_squeeze %dma_wait3A_36 : memref<1x80x128xf32, #tpu.memory_space<vmem>> -> memref<80x128xf32, #tpu.memory_space<vmem>>
      tpu.wait_dma2 semaphore(%run_scoped3A_23 : memref<!tpu.dma_semaphore, #tpu.memory_space<semaphore_mem>>) src(%arg5 : memref<80x128xf32, #tpu.memory_space<hbm>>) dst(%dma_wait3A_37 : memref<80x128xf32, #tpu.memory_space<vmem>>)
      tpu.yield
    }) : () -> ()
    %mul3A_1 = arith.constant 640 : i32
    %mul3A_2 = arith.muli %arg1, %mul3A_1 : i32
    %scan3A = arith.constant 0 : i32
    %scan3A_3 = arith.constant 0 : i32
    %scan3A_4 = arith.constant 0 : i32
    %scan3A_5 = arith.constant 8 : i32
    %scan3A_6 = arith.addi %scan3A_4, %scan3A_5 : i32
    %scan3A_7 = arith.constant 1 : i32
    scf.for %scan3A_23 = %scan3A_4 to %scan3A_6 step %scan3A_7  : i32 {
      %mul3A_24 = arith.constant 80 : i32
      %mul3A_25 = arith.muli %scan3A_23, %mul3A_24 : i32
      %add3A_26 = arith.addi %mul3A_2, %mul3A_25 : i32
      "tpu.region"() ({
        %run_scoped3A_27 = tpu.sem_alloc : memref<!tpu.dma_semaphore, #tpu.memory_space<semaphore_mem>>
        %dma_start3A = arith.constant 0 : i32
        %dma_start3A_28 = arith.constant 0 : i32
        %dma_start3A_29 = tpu.memref_slice %arg9[%scan3A_3, %dma_start3A, %dma_start3A_28] : memref<4x80x128xf32, #tpu.memory_space<vmem>> -> memref<1x80x128xf32, #tpu.memory_space<vmem>>
        %dma_start3A_30 = tpu.memref_squeeze %dma_start3A_29 : memref<1x80x128xf32, #tpu.memory_space<vmem>> -> memref<80x128xf32, #tpu.memory_space<vmem>>
        %dma_start3A_31 = arith.constant 0 : i32
        %dma_start3A_32 = tpu.memref_slice %arg10[%add3A_26, %dma_start3A_31] : memref<10240x128xf32, #tpu.memory_space<vmem_shared>> -> memref<80x128xf32, #tpu.memory_space<vmem_shared>>
        %dma_start3A_33 = arith.constant 0 : i32
        %dma_start3A_34 = tpu.memref_slice %arg10[%add3A_26, %dma_start3A_33] : memref<10240x128xf32, #tpu.memory_space<vmem_shared>> -> memref<80x128xf32, #tpu.memory_space<vmem_shared>>
        %dma_start3A_35 = arith.constant 0 : i32
        %dma_start3A_36 = arith.constant 0 : i32
        %dma_start3A_37 = tpu.memref_slice %arg9[%scan3A_3, %dma_start3A_35, %dma_start3A_36] : memref<4x80x128xf32, #tpu.memory_space<vmem>> -> memref<1x80x128xf32, #tpu.memory_space<vmem>>
        %dma_start3A_38 = tpu.memref_squeeze %dma_start3A_37 : memref<1x80x128xf32, #tpu.memory_space<vmem>> -> memref<80x128xf32, #tpu.memory_space<vmem>>
        tpu.enqueue_dma source(%dma_start3A_38 : memref<80x128xf32, #tpu.memory_space<vmem>>) target(%dma_start3A_34 : memref<80x128xf32, #tpu.memory_space<vmem_shared>>) target_semaphore(%run_scoped3A_27 : memref<!tpu.dma_semaphore, #tpu.memory_space<semaphore_mem>>)
        %dma_wait3A = arith.constant 0 : i32
        %dma_wait3A_39 = arith.constant 0 : i32
        %dma_wait3A_40 = tpu.memref_slice %arg9[%scan3A_3, %dma_wait3A, %dma_wait3A_39] : memref<4x80x128xf32, #tpu.memory_space<vmem>> -> memref<1x80x128xf32, #tpu.memory_space<vmem>>
        %dma_wait3A_41 = tpu.memref_squeeze %dma_wait3A_40 : memref<1x80x128xf32, #tpu.memory_space<vmem>> -> memref<80x128xf32, #tpu.memory_space<vmem>>
        %dma_wait3A_42 = arith.constant 0 : i32
        %dma_wait3A_43 = tpu.memref_slice %arg10[%add3A_26, %dma_wait3A_42] : memref<10240x128xf32, #tpu.memory_space<vmem_shared>> -> memref<80x128xf32, #tpu.memory_space<vmem_shared>>
        %dma_wait3A_44 = arith.constant 0 : i32
        %dma_wait3A_45 = tpu.memref_slice %arg10[%add3A_26, %dma_wait3A_44] : memref<10240x128xf32, #tpu.memory_space<vmem_shared>> -> memref<80x128xf32, #tpu.memory_space<vmem_shared>>
        %dma_wait3A_46 = arith.constant 0 : i32
        %dma_wait3A_47 = arith.constant 0 : i32
        %dma_wait3A_48 = tpu.memref_slice %arg9[%scan3A_3, %dma_wait3A_46, %dma_wait3A_47] : memref<4x80x128xf32, #tpu.memory_space<vmem>> -> memref<1x80x128xf32, #tpu.memory_space<vmem>>
        %dma_wait3A_49 = tpu.memref_squeeze %dma_wait3A_48 : memref<1x80x128xf32, #tpu.memory_space<vmem>> -> memref<80x128xf32, #tpu.memory_space<vmem>>
        tpu.wait_dma2 semaphore(%run_scoped3A_27 : memref<!tpu.dma_semaphore, #tpu.memory_space<semaphore_mem>>) src(%dma_wait3A_49 : memref<80x128xf32, #tpu.memory_space<vmem>>) dst(%dma_wait3A_45 : memref<80x128xf32, #tpu.memory_space<vmem_shared>>)
        tpu.yield
      }) : () -> ()
    }
    %scan3A_8 = arith.constant 8 : i32
    %barrier3A = arith.constant 0 : index
    tpu.barrier barrier_id(%barrier3A)
    %scan3A_9 = arith.constant 0 : i32
    %scan3A_10 = arith.constant 0 : i32
    %scan3A_11 = arith.constant 5 : i32
    %scan3A_12 = arith.addi %scan3A_10, %scan3A_11 : i32
    %scan3A_13 = arith.constant 1 : i32
    scf.for %scan3A_23 = %scan3A_10 to %scan3A_12 step %scan3A_13  : i32 {
      %mul3A_24 = arith.constant 10000 : i32
      %mul3A_25 = arith.muli %add3A, %mul3A_24 : i32
      %mul3A_26 = arith.constant 2000 : i32
      %mul3A_27 = arith.muli %scan3A_23, %mul3A_26 : i32
      %add3A_28 = arith.addi %mul3A_25, %mul3A_27 : i32
      "tpu.region"() ({
        %run_scoped3A_133 = tpu.sem_alloc : memref<!tpu.dma_semaphore, #tpu.memory_space<semaphore_mem>>
        %dma_start3A_134 = tpu.memref_slice %arg3[%add3A_28] : memref<320000xi32, #tpu.memory_space<hbm>> -> memref<2000xi32, #tpu.memory_space<hbm>>
        %dma_start3A_135 = tpu.memref_slice %arg3[%add3A_28] : memref<320000xi32, #tpu.memory_space<hbm>> -> memref<2000xi32, #tpu.memory_space<hbm>>
        tpu.enqueue_dma source(%dma_start3A_135 : memref<2000xi32, #tpu.memory_space<hbm>>) target(%arg7 : memref<2000xi32, #tpu.memory_space<vmem>>) target_semaphore(%run_scoped3A_133 : memref<!tpu.dma_semaphore, #tpu.memory_space<semaphore_mem>>)
        %dma_wait3A_136 = tpu.memref_slice %arg3[%add3A_28] : memref<320000xi32, #tpu.memory_space<hbm>> -> memref<2000xi32, #tpu.memory_space<hbm>>
        %dma_wait3A_137 = tpu.memref_slice %arg3[%add3A_28] : memref<320000xi32, #tpu.memory_space<hbm>> -> memref<2000xi32, #tpu.memory_space<hbm>>
        tpu.wait_dma2 semaphore(%run_scoped3A_133 : memref<!tpu.dma_semaphore, #tpu.memory_space<semaphore_mem>>) src(%dma_wait3A_137 : memref<2000xi32, #tpu.memory_space<hbm>>) dst(%arg7 : memref<2000xi32, #tpu.memory_space<vmem>>)
        tpu.yield
      }) : () -> ()
      "tpu.region"() ({
        %run_scoped3A_133 = tpu.sem_alloc : memref<!tpu.dma_semaphore, #tpu.memory_space<semaphore_mem>>
        %dma_start3A_134 = arith.constant 0 : i32
        %dma_start3A_135 = arith.constant 0 : i32
        %dma_start3A_136 = tpu.memref_slice %arg4[%add3A, %scan3A_23, %dma_start3A_134, %dma_start3A_135] : memref<32x5x25x80xi32, #tpu.memory_space<hbm>> -> memref<1x1x25x80xi32, #tpu.memory_space<hbm>>
        %dma_start3A_137 = tpu.memref_squeeze %dma_start3A_136 : memref<1x1x25x80xi32, #tpu.memory_space<hbm>> -> memref<25x80xi32, #tpu.memory_space<hbm>>
        %dma_start3A_138 = arith.constant 0 : i32
        %dma_start3A_139 = arith.constant 0 : i32
        %dma_start3A_140 = tpu.memref_slice %arg4[%add3A, %scan3A_23, %dma_start3A_138, %dma_start3A_139] : memref<32x5x25x80xi32, #tpu.memory_space<hbm>> -> memref<1x1x25x80xi32, #tpu.memory_space<hbm>>
        %dma_start3A_141 = tpu.memref_squeeze %dma_start3A_140 : memref<1x1x25x80xi32, #tpu.memory_space<hbm>> -> memref<25x80xi32, #tpu.memory_space<hbm>>
        tpu.enqueue_dma source(%dma_start3A_141 : memref<25x80xi32, #tpu.memory_space<hbm>>) target(%arg8 : memref<25x80xi32, #tpu.memory_space<vmem>>) target_semaphore(%run_scoped3A_133 : memref<!tpu.dma_semaphore, #tpu.memory_space<semaphore_mem>>)
        %dma_wait3A_142 = arith.constant 0 : i32
        %dma_wait3A_143 = arith.constant 0 : i32
        %dma_wait3A_144 = tpu.memref_slice %arg4[%add3A, %scan3A_23, %dma_wait3A_142, %dma_wait3A_143] : memref<32x5x25x80xi32, #tpu.memory_space<hbm>> -> memref<1x1x25x80xi32, #tpu.memory_space<hbm>>
        %dma_wait3A_145 = tpu.memref_squeeze %dma_wait3A_144 : memref<1x1x25x80xi32, #tpu.memory_space<hbm>> -> memref<25x80xi32, #tpu.memory_space<hbm>>
        %dma_wait3A_146 = arith.constant 0 : i32
        %dma_wait3A_147 = arith.constant 0 : i32
        %dma_wait3A_148 = tpu.memref_slice %arg4[%add3A, %scan3A_23, %dma_wait3A_146, %dma_wait3A_147] : memref<32x5x25x80xi32, #tpu.memory_space<hbm>> -> memref<1x1x25x80xi32, #tpu.memory_space<hbm>>
        %dma_wait3A_149 = tpu.memref_squeeze %dma_wait3A_148 : memref<1x1x25x80xi32, #tpu.memory_space<hbm>> -> memref<25x80xi32, #tpu.memory_space<hbm>>
        tpu.wait_dma2 semaphore(%run_scoped3A_133 : memref<!tpu.dma_semaphore, #tpu.memory_space<semaphore_mem>>) src(%dma_wait3A_149 : memref<25x80xi32, #tpu.memory_space<hbm>>) dst(%arg8 : memref<25x80xi32, #tpu.memory_space<vmem>>)
        tpu.yield
      }) : () -> ()
      %dma_start3A = arith.constant 0 : i32
      %dma_start3A_29 = arith.constant 0 : i32
      %dma_start3A_30 = arith.constant 0 : i32
      %dma_start3A_31 = tpu.memref_slice %arg9[%dma_start3A, %dma_start3A_29, %dma_start3A_30] : memref<4x80x128xf32, #tpu.memory_space<vmem>> -> memref<1x80x128xf32, #tpu.memory_space<vmem>>
      %dma_start3A_32 = tpu.memref_squeeze %dma_start3A_31 : memref<1x80x128xf32, #tpu.memory_space<vmem>> -> memref<80x128xf32, #tpu.memory_space<vmem>>
      %dma_start3A_33 = arith.constant 0 : i32
      %dma_start3A_34 = tpu.memref_slice %arg7[%dma_start3A_33] : memref<2000xi32, #tpu.memory_space<vmem>> -> memref<80xi32, #tpu.memory_space<vmem>>
      %dma_start3A_35 = arith.constant 0 : i32
      %dma_start3A_36 = arith.constant 0 : i32
      %dma_start3A_37 = tpu.memref_slice %arg2[%dma_start3A_35, %dma_start3A_36] : memref<10000x128xf32, #tpu.memory_space<hbm>> -> memref<10000x128xf32, #tpu.memory_space<hbm>>
      tpu.enqueue_indirect_dma source(%dma_start3A_37 : memref<10000x128xf32, #tpu.memory_space<hbm>>) target(%dma_start3A_32 : memref<80x128xf32, #tpu.memory_space<vmem>>) offsets(%dma_start3A_34 : memref<80xi32, #tpu.memory_space<vmem>>) semaphore(%arg11 : memref<!tpu.dma_semaphore, #tpu.memory_space<semaphore_mem>>)
      %dma_start3A_38 = arith.constant 1 : i32
      %dma_start3A_39 = arith.constant 0 : i32
      %dma_start3A_40 = arith.constant 0 : i32
      %dma_start3A_41 = tpu.memref_slice %arg9[%dma_start3A_38, %dma_start3A_39, %dma_start3A_40] : memref<4x80x128xf32, #tpu.memory_space<vmem>> -> memref<1x80x128xf32, #tpu.memory_space<vmem>>
      %dma_start3A_42 = tpu.memref_squeeze %dma_start3A_41 : memref<1x80x128xf32, #tpu.memory_space<vmem>> -> memref<80x128xf32, #tpu.memory_space<vmem>>
      %dma_start3A_43 = arith.constant 80 : i32
      %dma_start3A_44 = tpu.memref_slice %arg7[%dma_start3A_43] : memref<2000xi32, #tpu.memory_space<vmem>> -> memref<80xi32, #tpu.memory_space<vmem>>
      %dma_start3A_45 = arith.constant 0 : i32
      %dma_start3A_46 = arith.constant 0 : i32
      %dma_start3A_47 = tpu.memref_slice %arg2[%dma_start3A_45, %dma_start3A_46] : memref<10000x128xf32, #tpu.memory_space<hbm>> -> memref<10000x128xf32, #tpu.memory_space<hbm>>
      tpu.enqueue_indirect_dma source(%dma_start3A_47 : memref<10000x128xf32, #tpu.memory_space<hbm>>) target(%dma_start3A_42 : memref<80x128xf32, #tpu.memory_space<vmem>>) offsets(%dma_start3A_44 : memref<80xi32, #tpu.memory_space<vmem>>) semaphore(%arg12 : memref<!tpu.dma_semaphore, #tpu.memory_space<semaphore_mem>>)
      %dma_start3A_48 = arith.constant 2 : i32
      %dma_start3A_49 = arith.constant 0 : i32
      %dma_start3A_50 = arith.constant 0 : i32
      %dma_start3A_51 = tpu.memref_slice %arg9[%dma_start3A_48, %dma_start3A_49, %dma_start3A_50] : memref<4x80x128xf32, #tpu.memory_space<vmem>> -> memref<1x80x128xf32, #tpu.memory_space<vmem>>
      %dma_start3A_52 = tpu.memref_squeeze %dma_start3A_51 : memref<1x80x128xf32, #tpu.memory_space<vmem>> -> memref<80x128xf32, #tpu.memory_space<vmem>>
      %dma_start3A_53 = arith.constant 160 : i32
      %dma_start3A_54 = tpu.memref_slice %arg7[%dma_start3A_53] : memref<2000xi32, #tpu.memory_space<vmem>> -> memref<80xi32, #tpu.memory_space<vmem>>
      %dma_start3A_55 = arith.constant 0 : i32
      %dma_start3A_56 = arith.constant 0 : i32
      %dma_start3A_57 = tpu.memref_slice %arg2[%dma_start3A_55, %dma_start3A_56] : memref<10000x128xf32, #tpu.memory_space<hbm>> -> memref<10000x128xf32, #tpu.memory_space<hbm>>
      tpu.enqueue_indirect_dma source(%dma_start3A_57 : memref<10000x128xf32, #tpu.memory_space<hbm>>) target(%dma_start3A_52 : memref<80x128xf32, #tpu.memory_space<vmem>>) offsets(%dma_start3A_54 : memref<80xi32, #tpu.memory_space<vmem>>) semaphore(%arg13 : memref<!tpu.dma_semaphore, #tpu.memory_space<semaphore_mem>>)
      %dma_start3A_58 = arith.constant 3 : i32
      %dma_start3A_59 = arith.constant 0 : i32
      %dma_start3A_60 = arith.constant 0 : i32
      %dma_start3A_61 = tpu.memref_slice %arg9[%dma_start3A_58, %dma_start3A_59, %dma_start3A_60] : memref<4x80x128xf32, #tpu.memory_space<vmem>> -> memref<1x80x128xf32, #tpu.memory_space<vmem>>
      %dma_start3A_62 = tpu.memref_squeeze %dma_start3A_61 : memref<1x80x128xf32, #tpu.memory_space<vmem>> -> memref<80x128xf32, #tpu.memory_space<vmem>>
      %dma_start3A_63 = arith.constant 240 : i32
      %dma_start3A_64 = tpu.memref_slice %arg7[%dma_start3A_63] : memref<2000xi32, #tpu.memory_space<vmem>> -> memref<80xi32, #tpu.memory_space<vmem>>
      %dma_start3A_65 = arith.constant 0 : i32
      %dma_start3A_66 = arith.constant 0 : i32
      %dma_start3A_67 = tpu.memref_slice %arg2[%dma_start3A_65, %dma_start3A_66] : memref<10000x128xf32, #tpu.memory_space<hbm>> -> memref<10000x128xf32, #tpu.memory_space<hbm>>
      tpu.enqueue_indirect_dma source(%dma_start3A_67 : memref<10000x128xf32, #tpu.memory_space<hbm>>) target(%dma_start3A_62 : memref<80x128xf32, #tpu.memory_space<vmem>>) offsets(%dma_start3A_64 : memref<80xi32, #tpu.memory_space<vmem>>) semaphore(%arg14 : memref<!tpu.dma_semaphore, #tpu.memory_space<semaphore_mem>>)
      %scan3A_68 = arith.constant 0 : i32
      %scan3A_69 = arith.constant 0 : i32
      %scan3A_70 = arith.constant 7 : i32
      %scan3A_71 = arith.addi %scan3A_69, %scan3A_70 : i32
      %scan3A_72 = arith.constant 1 : i32
      scf.for %scan3A_133 = %scan3A_69 to %scan3A_71 step %scan3A_72  : i32 {
        %mul3A_134 = arith.constant 4 : i32
        %mul3A_135 = arith.muli %scan3A_133, %mul3A_134 : i32
        %add3A_136 = arith.constant 0 : i32
        %add3A_137 = arith.addi %mul3A_135, %add3A_136 : i32
        %lt3A = arith.constant 25 : i32
        %lt3A_138 = arith.cmpi slt, %add3A_137, %lt3A : i32
        %convert_element_type3A = arith.extui %lt3A_138 : i1 to i32
        %cond3A = arith.constant 0 : i32
        %cond3A_139 = arith.cmpi ne, %convert_element_type3A, %cond3A : i32
        scf.if %cond3A_139 {
          %dma_wait3A_161 = arith.constant 0 : i32
          %dma_wait3A_162 = arith.constant 0 : i32
          %dma_wait3A_163 = arith.constant 0 : i32
          %dma_wait3A_164 = tpu.memref_slice %arg9[%dma_wait3A_161, %dma_wait3A_162, %dma_wait3A_163] : memref<4x80x128xf32, #tpu.memory_space<vmem>> -> memref<1x80x128xf32, #tpu.memory_space<vmem>>
          %dma_wait3A_165 = tpu.memref_squeeze %dma_wait3A_164 : memref<1x80x128xf32, #tpu.memory_space<vmem>> -> memref<80x128xf32, #tpu.memory_space<vmem>>
          %dma_wait3A_166 = arith.constant 0 : i32
          %dma_wait3A_167 = arith.constant 0 : i32
          %dma_wait3A_168 = tpu.memref_slice %arg2[%dma_wait3A_166, %dma_wait3A_167] : memref<10000x128xf32, #tpu.memory_space<hbm>> -> memref<80x128xf32, #tpu.memory_space<hbm>>
          %dma_wait3A_169 = arith.constant 0 : i32
          %dma_wait3A_170 = arith.constant 0 : i32
          %dma_wait3A_171 = tpu.memref_slice %arg9[%dma_wait3A_161, %dma_wait3A_169, %dma_wait3A_170] : memref<4x80x128xf32, #tpu.memory_space<vmem>> -> memref<1x80x128xf32, #tpu.memory_space<vmem>>
          %dma_wait3A_172 = tpu.memref_squeeze %dma_wait3A_171 : memref<1x80x128xf32, #tpu.memory_space<vmem>> -> memref<80x128xf32, #tpu.memory_space<vmem>>
          %dma_wait3A_173 = arith.constant 0 : i32
          %dma_wait3A_174 = arith.constant 0 : i32
          %dma_wait3A_175 = tpu.memref_slice %arg2[%dma_wait3A_173, %dma_wait3A_174] : memref<10000x128xf32, #tpu.memory_space<hbm>> -> memref<80x128xf32, #tpu.memory_space<hbm>>
          tpu.wait_dma2 semaphore(%arg11 : memref<!tpu.dma_semaphore, #tpu.memory_space<semaphore_mem>>) src(%dma_wait3A_175 : memref<80x128xf32, #tpu.memory_space<hbm>>) dst(%dma_wait3A_172 : memref<80x128xf32, #tpu.memory_space<vmem>>)
          %dma_start3A_176 = arith.constant 0 : i32
          %dma_start3A_177 = arith.constant 0 : i32
          %dma_start3A_178 = arith.constant 0 : i32
          %dma_start3A_179 = tpu.memref_slice %arg9[%dma_start3A_176, %dma_start3A_177, %dma_start3A_178] : memref<4x80x128xf32, #tpu.memory_space<vmem>> -> memref<1x80x128xf32, #tpu.memory_space<vmem>>
          %dma_start3A_180 = tpu.memref_squeeze %dma_start3A_179 : memref<1x80x128xf32, #tpu.memory_space<vmem>> -> memref<80x128xf32, #tpu.memory_space<vmem>>
          %dma_start3A_181 = arith.constant 0 : i32
          %dma_start3A_182 = tpu.memref_slice %arg8[%add3A_137, %dma_start3A_181] : memref<25x80xi32, #tpu.memory_space<vmem>> -> memref<1x80xi32, #tpu.memory_space<vmem>>
          %dma_start3A_183 = tpu.memref_squeeze %dma_start3A_182 : memref<1x80xi32, #tpu.memory_space<vmem>> -> memref<80xi32, #tpu.memory_space<vmem>>
          %dma_start3A_184 = arith.constant 0 : i32
          %dma_start3A_185 = arith.constant 0 : i32
          %dma_start3A_186 = tpu.memref_slice %arg10[%dma_start3A_184, %dma_start3A_185] : memref<10240x128xf32, #tpu.memory_space<vmem_shared>> -> memref<10240x128xf32, #tpu.memory_space<vmem_shared>>
          tpu.enqueue_indirect_dma source(%dma_start3A_180 : memref<80x128xf32, #tpu.memory_space<vmem>>) target(%dma_start3A_186 : memref<10240x128xf32, #tpu.memory_space<vmem_shared>>) offsets(%dma_start3A_183 : memref<80xi32, #tpu.memory_space<vmem>>) semaphore(%arg15 : memref<!tpu.dma_semaphore, #tpu.memory_space<semaphore_mem>>) {add = true}
          %add3A_187 = arith.constant 4 : i32
          %add3A_188 = arith.addi %add3A_137, %add3A_187 : i32
          %lt3A_189 = arith.constant 25 : i32
          %lt3A_190 = arith.cmpi slt, %add3A_188, %lt3A_189 : i32
          %convert_element_type3A_191 = arith.extui %lt3A_190 : i1 to i32
          %cond3A_192 = arith.constant 0 : i32
          %cond3A_193 = arith.cmpi ne, %convert_element_type3A_191, %cond3A_192 : i32
          scf.if %cond3A_193 {
            %dma_wait3A_194 = arith.constant 0 : i32
            %dma_wait3A_195 = arith.constant 0 : i32
            %dma_wait3A_196 = arith.constant 0 : i32
            %dma_wait3A_197 = tpu.memref_slice %arg9[%dma_wait3A_194, %dma_wait3A_195, %dma_wait3A_196] : memref<4x80x128xf32, #tpu.memory_space<vmem>> -> memref<1x80x128xf32, #tpu.memory_space<vmem>>
            %dma_wait3A_198 = tpu.memref_squeeze %dma_wait3A_197 : memref<1x80x128xf32, #tpu.memory_space<vmem>> -> memref<80x128xf32, #tpu.memory_space<vmem>>
            %dma_wait3A_199 = arith.constant 0 : i32
            %dma_wait3A_200 = arith.constant 0 : i32
            %dma_wait3A_201 = tpu.memref_slice %arg2[%dma_wait3A_199, %dma_wait3A_200] : memref<10000x128xf32, #tpu.memory_space<hbm>> -> memref<80x128xf32, #tpu.memory_space<hbm>>
            %dma_wait3A_202 = arith.constant 0 : i32
            %dma_wait3A_203 = arith.constant 0 : i32
            %dma_wait3A_204 = tpu.memref_slice %arg9[%dma_wait3A_194, %dma_wait3A_202, %dma_wait3A_203] : memref<4x80x128xf32, #tpu.memory_space<vmem>> -> memref<1x80x128xf32, #tpu.memory_space<vmem>>
            %dma_wait3A_205 = tpu.memref_squeeze %dma_wait3A_204 : memref<1x80x128xf32, #tpu.memory_space<vmem>> -> memref<80x128xf32, #tpu.memory_space<vmem>>
            %dma_wait3A_206 = arith.constant 0 : i32
            %dma_wait3A_207 = arith.constant 0 : i32
            %dma_wait3A_208 = tpu.memref_slice %arg2[%dma_wait3A_206, %dma_wait3A_207] : memref<10000x128xf32, #tpu.memory_space<hbm>> -> memref<80x128xf32, #tpu.memory_space<hbm>>
            tpu.wait_dma2 semaphore(%arg15 : memref<!tpu.dma_semaphore, #tpu.memory_space<semaphore_mem>>) src(%dma_wait3A_208 : memref<80x128xf32, #tpu.memory_space<hbm>>) dst(%dma_wait3A_205 : memref<80x128xf32, #tpu.memory_space<vmem>>)
            %add3A_209 = arith.constant 4 : i32
            %add3A_210 = arith.addi %add3A_137, %add3A_209 : i32
            %mul3A_211 = arith.constant 80 : i32
            %mul3A_212 = arith.muli %add3A_210, %mul3A_211 : i32
            %dma_start3A_213 = arith.constant 0 : i32
            %dma_start3A_214 = arith.constant 0 : i32
            %dma_start3A_215 = arith.constant 0 : i32
            %dma_start3A_216 = tpu.memref_slice %arg9[%dma_start3A_213, %dma_start3A_214, %dma_start3A_215] : memref<4x80x128xf32, #tpu.memory_space<vmem>> -> memref<1x80x128xf32, #tpu.memory_space<vmem>>
            %dma_start3A_217 = tpu.memref_squeeze %dma_start3A_216 : memref<1x80x128xf32, #tpu.memory_space<vmem>> -> memref<80x128xf32, #tpu.memory_space<vmem>>
            %dma_start3A_218 = tpu.memref_slice %arg7[%mul3A_212] : memref<2000xi32, #tpu.memory_space<vmem>> -> memref<80xi32, #tpu.memory_space<vmem>>
            %dma_start3A_219 = arith.constant 0 : i32
            %dma_start3A_220 = arith.constant 0 : i32
            %dma_start3A_221 = tpu.memref_slice %arg2[%dma_start3A_219, %dma_start3A_220] : memref<10000x128xf32, #tpu.memory_space<hbm>> -> memref<10000x128xf32, #tpu.memory_space<hbm>>
            tpu.enqueue_indirect_dma source(%dma_start3A_221 : memref<10000x128xf32, #tpu.memory_space<hbm>>) target(%dma_start3A_217 : memref<80x128xf32, #tpu.memory_space<vmem>>) offsets(%dma_start3A_218 : memref<80xi32, #tpu.memory_space<vmem>>) semaphore(%arg11 : memref<!tpu.dma_semaphore, #tpu.memory_space<semaphore_mem>>)
          } else {
          }
        } else {
        }
        %add3A_140 = arith.constant 1 : i32
        %add3A_141 = arith.addi %mul3A_135, %add3A_140 : i32
        %lt3A_142 = arith.constant 25 : i32
        %lt3A_143 = arith.cmpi slt, %add3A_141, %lt3A_142 : i32
        %convert_element_type3A_144 = arith.extui %lt3A_143 : i1 to i32
        %cond3A_145 = arith.constant 0 : i32
        %cond3A_146 = arith.cmpi ne, %convert_element_type3A_144, %cond3A_145 : i32
        scf.if %cond3A_146 {
          %dma_wait3A_161 = arith.constant 1 : i32
          %dma_wait3A_162 = arith.constant 0 : i32
          %dma_wait3A_163 = arith.constant 0 : i32
          %dma_wait3A_164 = tpu.memref_slice %arg9[%dma_wait3A_161, %dma_wait3A_162, %dma_wait3A_163] : memref<4x80x128xf32, #tpu.memory_space<vmem>> -> memref<1x80x128xf32, #tpu.memory_space<vmem>>
          %dma_wait3A_165 = tpu.memref_squeeze %dma_wait3A_164 : memref<1x80x128xf32, #tpu.memory_space<vmem>> -> memref<80x128xf32, #tpu.memory_space<vmem>>
          %dma_wait3A_166 = arith.constant 0 : i32
          %dma_wait3A_167 = arith.constant 0 : i32
          %dma_wait3A_168 = tpu.memref_slice %arg2[%dma_wait3A_166, %dma_wait3A_167] : memref<10000x128xf32, #tpu.memory_space<hbm>> -> memref<80x128xf32, #tpu.memory_space<hbm>>
          %dma_wait3A_169 = arith.constant 0 : i32
          %dma_wait3A_170 = arith.constant 0 : i32
          %dma_wait3A_171 = tpu.memref_slice %arg9[%dma_wait3A_161, %dma_wait3A_169, %dma_wait3A_170] : memref<4x80x128xf32, #tpu.memory_space<vmem>> -> memref<1x80x128xf32, #tpu.memory_space<vmem>>
          %dma_wait3A_172 = tpu.memref_squeeze %dma_wait3A_171 : memref<1x80x128xf32, #tpu.memory_space<vmem>> -> memref<80x128xf32, #tpu.memory_space<vmem>>
          %dma_wait3A_173 = arith.constant 0 : i32
          %dma_wait3A_174 = arith.constant 0 : i32
          %dma_wait3A_175 = tpu.memref_slice %arg2[%dma_wait3A_173, %dma_wait3A_174] : memref<10000x128xf32, #tpu.memory_space<hbm>> -> memref<80x128xf32, #tpu.memory_space<hbm>>
          tpu.wait_dma2 semaphore(%arg12 : memref<!tpu.dma_semaphore, #tpu.memory_space<semaphore_mem>>) src(%dma_wait3A_175 : memref<80x128xf32, #tpu.memory_space<hbm>>) dst(%dma_wait3A_172 : memref<80x128xf32, #tpu.memory_space<vmem>>)
          %dma_start3A_176 = arith.constant 1 : i32
          %dma_start3A_177 = arith.constant 0 : i32
          %dma_start3A_178 = arith.constant 0 : i32
          %dma_start3A_179 = tpu.memref_slice %arg9[%dma_start3A_176, %dma_start3A_177, %dma_start3A_178] : memref<4x80x128xf32, #tpu.memory_space<vmem>> -> memref<1x80x128xf32, #tpu.memory_space<vmem>>
          %dma_start3A_180 = tpu.memref_squeeze %dma_start3A_179 : memref<1x80x128xf32, #tpu.memory_space<vmem>> -> memref<80x128xf32, #tpu.memory_space<vmem>>
          %dma_start3A_181 = arith.constant 0 : i32
          %dma_start3A_182 = tpu.memref_slice %arg8[%add3A_141, %dma_start3A_181] : memref<25x80xi32, #tpu.memory_space<vmem>> -> memref<1x80xi32, #tpu.memory_space<vmem>>
          %dma_start3A_183 = tpu.memref_squeeze %dma_start3A_182 : memref<1x80xi32, #tpu.memory_space<vmem>> -> memref<80xi32, #tpu.memory_space<vmem>>
          %dma_start3A_184 = arith.constant 0 : i32
          %dma_start3A_185 = arith.constant 0 : i32
          %dma_start3A_186 = tpu.memref_slice %arg10[%dma_start3A_184, %dma_start3A_185] : memref<10240x128xf32, #tpu.memory_space<vmem_shared>> -> memref<10240x128xf32, #tpu.memory_space<vmem_shared>>
          tpu.enqueue_indirect_dma source(%dma_start3A_180 : memref<80x128xf32, #tpu.memory_space<vmem>>) target(%dma_start3A_186 : memref<10240x128xf32, #tpu.memory_space<vmem_shared>>) offsets(%dma_start3A_183 : memref<80xi32, #tpu.memory_space<vmem>>) semaphore(%arg16 : memref<!tpu.dma_semaphore, #tpu.memory_space<semaphore_mem>>) {add = true}
          %add3A_187 = arith.constant 4 : i32
          %add3A_188 = arith.addi %add3A_141, %add3A_187 : i32
          %lt3A_189 = arith.constant 25 : i32
          %lt3A_190 = arith.cmpi slt, %add3A_188, %lt3A_189 : i32
          %convert_element_type3A_191 = arith.extui %lt3A_190 : i1 to i32
          %cond3A_192 = arith.constant 0 : i32
          %cond3A_193 = arith.cmpi ne, %convert_element_type3A_191, %cond3A_192 : i32
          scf.if %cond3A_193 {
            %dma_wait3A_194 = arith.constant 1 : i32
            %dma_wait3A_195 = arith.constant 0 : i32
            %dma_wait3A_196 = arith.constant 0 : i32
            %dma_wait3A_197 = tpu.memref_slice %arg9[%dma_wait3A_194, %dma_wait3A_195, %dma_wait3A_196] : memref<4x80x128xf32, #tpu.memory_space<vmem>> -> memref<1x80x128xf32, #tpu.memory_space<vmem>>
            %dma_wait3A_198 = tpu.memref_squeeze %dma_wait3A_197 : memref<1x80x128xf32, #tpu.memory_space<vmem>> -> memref<80x128xf32, #tpu.memory_space<vmem>>
            %dma_wait3A_199 = arith.constant 0 : i32
            %dma_wait3A_200 = arith.constant 0 : i32
            %dma_wait3A_201 = tpu.memref_slice %arg2[%dma_wait3A_199, %dma_wait3A_200] : memref<10000x128xf32, #tpu.memory_space<hbm>> -> memref<80x128xf32, #tpu.memory_space<hbm>>
            %dma_wait3A_202 = arith.constant 0 : i32
            %dma_wait3A_203 = arith.constant 0 : i32
            %dma_wait3A_204 = tpu.memref_slice %arg9[%dma_wait3A_194, %dma_wait3A_202, %dma_wait3A_203] : memref<4x80x128xf32, #tpu.memory_space<vmem>> -> memref<1x80x128xf32, #tpu.memory_space<vmem>>
            %dma_wait3A_205 = tpu.memref_squeeze %dma_wait3A_204 : memref<1x80x128xf32, #tpu.memory_space<vmem>> -> memref<80x128xf32, #tpu.memory_space<vmem>>
            %dma_wait3A_206 = arith.constant 0 : i32
            %dma_wait3A_207 = arith.constant 0 : i32
            %dma_wait3A_208 = tpu.memref_slice %arg2[%dma_wait3A_206, %dma_wait3A_207] : memref<10000x128xf32, #tpu.memory_space<hbm>> -> memref<80x128xf32, #tpu.memory_space<hbm>>
            tpu.wait_dma2 semaphore(%arg16 : memref<!tpu.dma_semaphore, #tpu.memory_space<semaphore_mem>>) src(%dma_wait3A_208 : memref<80x128xf32, #tpu.memory_space<hbm>>) dst(%dma_wait3A_205 : memref<80x128xf32, #tpu.memory_space<vmem>>)
            %add3A_209 = arith.constant 4 : i32
            %add3A_210 = arith.addi %add3A_141, %add3A_209 : i32
            %mul3A_211 = arith.constant 80 : i32
            %mul3A_212 = arith.muli %add3A_210, %mul3A_211 : i32
            %dma_start3A_213 = arith.constant 1 : i32
            %dma_start3A_214 = arith.constant 0 : i32
            %dma_start3A_215 = arith.constant 0 : i32
            %dma_start3A_216 = tpu.memref_slice %arg9[%dma_start3A_213, %dma_start3A_214, %dma_start3A_215] : memref<4x80x128xf32, #tpu.memory_space<vmem>> -> memref<1x80x128xf32, #tpu.memory_space<vmem>>
            %dma_start3A_217 = tpu.memref_squeeze %dma_start3A_216 : memref<1x80x128xf32, #tpu.memory_space<vmem>> -> memref<80x128xf32, #tpu.memory_space<vmem>>
            %dma_start3A_218 = tpu.memref_slice %arg7[%mul3A_212] : memref<2000xi32, #tpu.memory_space<vmem>> -> memref<80xi32, #tpu.memory_space<vmem>>
            %dma_start3A_219 = arith.constant 0 : i32
            %dma_start3A_220 = arith.constant 0 : i32
            %dma_start3A_221 = tpu.memref_slice %arg2[%dma_start3A_219, %dma_start3A_220] : memref<10000x128xf32, #tpu.memory_space<hbm>> -> memref<10000x128xf32, #tpu.memory_space<hbm>>
            tpu.enqueue_indirect_dma source(%dma_start3A_221 : memref<10000x128xf32, #tpu.memory_space<hbm>>) target(%dma_start3A_217 : memref<80x128xf32, #tpu.memory_space<vmem>>) offsets(%dma_start3A_218 : memref<80xi32, #tpu.memory_space<vmem>>) semaphore(%arg12 : memref<!tpu.dma_semaphore, #tpu.memory_space<semaphore_mem>>)
          } else {
          }
        } else {
        }
        %add3A_147 = arith.constant 2 : i32
        %add3A_148 = arith.addi %mul3A_135, %add3A_147 : i32
        %lt3A_149 = arith.constant 25 : i32
        %lt3A_150 = arith.cmpi slt, %add3A_148, %lt3A_149 : i32
        %convert_element_type3A_151 = arith.extui %lt3A_150 : i1 to i32
        %cond3A_152 = arith.constant 0 : i32
        %cond3A_153 = arith.cmpi ne, %convert_element_type3A_151, %cond3A_152 : i32
        scf.if %cond3A_153 {
          %dma_wait3A_161 = arith.constant 2 : i32
          %dma_wait3A_162 = arith.constant 0 : i32
          %dma_wait3A_163 = arith.constant 0 : i32
          %dma_wait3A_164 = tpu.memref_slice %arg9[%dma_wait3A_161, %dma_wait3A_162, %dma_wait3A_163] : memref<4x80x128xf32, #tpu.memory_space<vmem>> -> memref<1x80x128xf32, #tpu.memory_space<vmem>>
          %dma_wait3A_165 = tpu.memref_squeeze %dma_wait3A_164 : memref<1x80x128xf32, #tpu.memory_space<vmem>> -> memref<80x128xf32, #tpu.memory_space<vmem>>
          %dma_wait3A_166 = arith.constant 0 : i32
          %dma_wait3A_167 = arith.constant 0 : i32
          %dma_wait3A_168 = tpu.memref_slice %arg2[%dma_wait3A_166, %dma_wait3A_167] : memref<10000x128xf32, #tpu.memory_space<hbm>> -> memref<80x128xf32, #tpu.memory_space<hbm>>
          %dma_wait3A_169 = arith.constant 0 : i32
          %dma_wait3A_170 = arith.constant 0 : i32
          %dma_wait3A_171 = tpu.memref_slice %arg9[%dma_wait3A_161, %dma_wait3A_169, %dma_wait3A_170] : memref<4x80x128xf32, #tpu.memory_space<vmem>> -> memref<1x80x128xf32, #tpu.memory_space<vmem>>
          %dma_wait3A_172 = tpu.memref_squeeze %dma_wait3A_171 : memref<1x80x128xf32, #tpu.memory_space<vmem>> -> memref<80x128xf32, #tpu.memory_space<vmem>>
          %dma_wait3A_173 = arith.constant 0 : i32
          %dma_wait3A_174 = arith.constant 0 : i32
          %dma_wait3A_175 = tpu.memref_slice %arg2[%dma_wait3A_173, %dma_wait3A_174] : memref<10000x128xf32, #tpu.memory_space<hbm>> -> memref<80x128xf32, #tpu.memory_space<hbm>>
          tpu.wait_dma2 semaphore(%arg13 : memref<!tpu.dma_semaphore, #tpu.memory_space<semaphore_mem>>) src(%dma_wait3A_175 : memref<80x128xf32, #tpu.memory_space<hbm>>) dst(%dma_wait3A_172 : memref<80x128xf32, #tpu.memory_space<vmem>>)
          %dma_start3A_176 = arith.constant 2 : i32
          %dma_start3A_177 = arith.constant 0 : i32
          %dma_start3A_178 = arith.constant 0 : i32
          %dma_start3A_179 = tpu.memref_slice %arg9[%dma_start3A_176, %dma_start3A_177, %dma_start3A_178] : memref<4x80x128xf32, #tpu.memory_space<vmem>> -> memref<1x80x128xf32, #tpu.memory_space<vmem>>
          %dma_start3A_180 = tpu.memref_squeeze %dma_start3A_179 : memref<1x80x128xf32, #tpu.memory_space<vmem>> -> memref<80x128xf32, #tpu.memory_space<vmem>>
          %dma_start3A_181 = arith.constant 0 : i32
          %dma_start3A_182 = tpu.memref_slice %arg8[%add3A_148, %dma_start3A_181] : memref<25x80xi32, #tpu.memory_space<vmem>> -> memref<1x80xi32, #tpu.memory_space<vmem>>
          %dma_start3A_183 = tpu.memref_squeeze %dma_start3A_182 : memref<1x80xi32, #tpu.memory_space<vmem>> -> memref<80xi32, #tpu.memory_space<vmem>>
          %dma_start3A_184 = arith.constant 0 : i32
          %dma_start3A_185 = arith.constant 0 : i32
          %dma_start3A_186 = tpu.memref_slice %arg10[%dma_start3A_184, %dma_start3A_185] : memref<10240x128xf32, #tpu.memory_space<vmem_shared>> -> memref<10240x128xf32, #tpu.memory_space<vmem_shared>>
          tpu.enqueue_indirect_dma source(%dma_start3A_180 : memref<80x128xf32, #tpu.memory_space<vmem>>) target(%dma_start3A_186 : memref<10240x128xf32, #tpu.memory_space<vmem_shared>>) offsets(%dma_start3A_183 : memref<80xi32, #tpu.memory_space<vmem>>) semaphore(%arg17 : memref<!tpu.dma_semaphore, #tpu.memory_space<semaphore_mem>>) {add = true}
          %add3A_187 = arith.constant 4 : i32
          %add3A_188 = arith.addi %add3A_148, %add3A_187 : i32
          %lt3A_189 = arith.constant 25 : i32
          %lt3A_190 = arith.cmpi slt, %add3A_188, %lt3A_189 : i32
          %convert_element_type3A_191 = arith.extui %lt3A_190 : i1 to i32
          %cond3A_192 = arith.constant 0 : i32
          %cond3A_193 = arith.cmpi ne, %convert_element_type3A_191, %cond3A_192 : i32
          scf.if %cond3A_193 {
            %dma_wait3A_194 = arith.constant 2 : i32
            %dma_wait3A_195 = arith.constant 0 : i32
            %dma_wait3A_196 = arith.constant 0 : i32
            %dma_wait3A_197 = tpu.memref_slice %arg9[%dma_wait3A_194, %dma_wait3A_195, %dma_wait3A_196] : memref<4x80x128xf32, #tpu.memory_space<vmem>> -> memref<1x80x128xf32, #tpu.memory_space<vmem>>
            %dma_wait3A_198 = tpu.memref_squeeze %dma_wait3A_197 : memref<1x80x128xf32, #tpu.memory_space<vmem>> -> memref<80x128xf32, #tpu.memory_space<vmem>>
            %dma_wait3A_199 = arith.constant 0 : i32
            %dma_wait3A_200 = arith.constant 0 : i32
            %dma_wait3A_201 = tpu.memref_slice %arg2[%dma_wait3A_199, %dma_wait3A_200] : memref<10000x128xf32, #tpu.memory_space<hbm>> -> memref<80x128xf32, #tpu.memory_space<hbm>>
            %dma_wait3A_202 = arith.constant 0 : i32
            %dma_wait3A_203 = arith.constant 0 : i32
            %dma_wait3A_204 = tpu.memref_slice %arg9[%dma_wait3A_194, %dma_wait3A_202, %dma_wait3A_203] : memref<4x80x128xf32, #tpu.memory_space<vmem>> -> memref<1x80x128xf32, #tpu.memory_space<vmem>>
            %dma_wait3A_205 = tpu.memref_squeeze %dma_wait3A_204 : memref<1x80x128xf32, #tpu.memory_space<vmem>> -> memref<80x128xf32, #tpu.memory_space<vmem>>
            %dma_wait3A_206 = arith.constant 0 : i32
            %dma_wait3A_207 = arith.constant 0 : i32
            %dma_wait3A_208 = tpu.memref_slice %arg2[%dma_wait3A_206, %dma_wait3A_207] : memref<10000x128xf32, #tpu.memory_space<hbm>> -> memref<80x128xf32, #tpu.memory_space<hbm>>
            tpu.wait_dma2 semaphore(%arg17 : memref<!tpu.dma_semaphore, #tpu.memory_space<semaphore_mem>>) src(%dma_wait3A_208 : memref<80x128xf32, #tpu.memory_space<hbm>>) dst(%dma_wait3A_205 : memref<80x128xf32, #tpu.memory_space<vmem>>)
            %add3A_209 = arith.constant 4 : i32
            %add3A_210 = arith.addi %add3A_148, %add3A_209 : i32
            %mul3A_211 = arith.constant 80 : i32
            %mul3A_212 = arith.muli %add3A_210, %mul3A_211 : i32
            %dma_start3A_213 = arith.constant 2 : i32
            %dma_start3A_214 = arith.constant 0 : i32
            %dma_start3A_215 = arith.constant 0 : i32
            %dma_start3A_216 = tpu.memref_slice %arg9[%dma_start3A_213, %dma_start3A_214, %dma_start3A_215] : memref<4x80x128xf32, #tpu.memory_space<vmem>> -> memref<1x80x128xf32, #tpu.memory_space<vmem>>
            %dma_start3A_217 = tpu.memref_squeeze %dma_start3A_216 : memref<1x80x128xf32, #tpu.memory_space<vmem>> -> memref<80x128xf32, #tpu.memory_space<vmem>>
            %dma_start3A_218 = tpu.memref_slice %arg7[%mul3A_212] : memref<2000xi32, #tpu.memory_space<vmem>> -> memref<80xi32, #tpu.memory_space<vmem>>
            %dma_start3A_219 = arith.constant 0 : i32
            %dma_start3A_220 = arith.constant 0 : i32
            %dma_start3A_221 = tpu.memref_slice %arg2[%dma_start3A_219, %dma_start3A_220] : memref<10000x128xf32, #tpu.memory_space<hbm>> -> memref<10000x128xf32, #tpu.memory_space<hbm>>
            tpu.enqueue_indirect_dma source(%dma_start3A_221 : memref<10000x128xf32, #tpu.memory_space<hbm>>) target(%dma_start3A_217 : memref<80x128xf32, #tpu.memory_space<vmem>>) offsets(%dma_start3A_218 : memref<80xi32, #tpu.memory_space<vmem>>) semaphore(%arg13 : memref<!tpu.dma_semaphore, #tpu.memory_space<semaphore_mem>>)
          } else {
          }
        } else {
        }
        %add3A_154 = arith.constant 3 : i32
        %add3A_155 = arith.addi %mul3A_135, %add3A_154 : i32
        %lt3A_156 = arith.constant 25 : i32
        %lt3A_157 = arith.cmpi slt, %add3A_155, %lt3A_156 : i32
        %convert_element_type3A_158 = arith.extui %lt3A_157 : i1 to i32
        %cond3A_159 = arith.constant 0 : i32
        %cond3A_160 = arith.cmpi ne, %convert_element_type3A_158, %cond3A_159 : i32
        scf.if %cond3A_160 {
          %dma_wait3A_161 = arith.constant 3 : i32
          %dma_wait3A_162 = arith.constant 0 : i32
          %dma_wait3A_163 = arith.constant 0 : i32
          %dma_wait3A_164 = tpu.memref_slice %arg9[%dma_wait3A_161, %dma_wait3A_162, %dma_wait3A_163] : memref<4x80x128xf32, #tpu.memory_space<vmem>> -> memref<1x80x128xf32, #tpu.memory_space<vmem>>
          %dma_wait3A_165 = tpu.memref_squeeze %dma_wait3A_164 : memref<1x80x128xf32, #tpu.memory_space<vmem>> -> memref<80x128xf32, #tpu.memory_space<vmem>>
          %dma_wait3A_166 = arith.constant 0 : i32
          %dma_wait3A_167 = arith.constant 0 : i32
          %dma_wait3A_168 = tpu.memref_slice %arg2[%dma_wait3A_166, %dma_wait3A_167] : memref<10000x128xf32, #tpu.memory_space<hbm>> -> memref<80x128xf32, #tpu.memory_space<hbm>>
          %dma_wait3A_169 = arith.constant 0 : i32
          %dma_wait3A_170 = arith.constant 0 : i32
          %dma_wait3A_171 = tpu.memref_slice %arg9[%dma_wait3A_161, %dma_wait3A_169, %dma_wait3A_170] : memref<4x80x128xf32, #tpu.memory_space<vmem>> -> memref<1x80x128xf32, #tpu.memory_space<vmem>>
          %dma_wait3A_172 = tpu.memref_squeeze %dma_wait3A_171 : memref<1x80x128xf32, #tpu.memory_space<vmem>> -> memref<80x128xf32, #tpu.memory_space<vmem>>
          %dma_wait3A_173 = arith.constant 0 : i32
          %dma_wait3A_174 = arith.constant 0 : i32
          %dma_wait3A_175 = tpu.memref_slice %arg2[%dma_wait3A_173, %dma_wait3A_174] : memref<10000x128xf32, #tpu.memory_space<hbm>> -> memref<80x128xf32, #tpu.memory_space<hbm>>
          tpu.wait_dma2 semaphore(%arg14 : memref<!tpu.dma_semaphore, #tpu.memory_space<semaphore_mem>>) src(%dma_wait3A_175 : memref<80x128xf32, #tpu.memory_space<hbm>>) dst(%dma_wait3A_172 : memref<80x128xf32, #tpu.memory_space<vmem>>)
          %dma_start3A_176 = arith.constant 3 : i32
          %dma_start3A_177 = arith.constant 0 : i32
          %dma_start3A_178 = arith.constant 0 : i32
          %dma_start3A_179 = tpu.memref_slice %arg9[%dma_start3A_176, %dma_start3A_177, %dma_start3A_178] : memref<4x80x128xf32, #tpu.memory_space<vmem>> -> memref<1x80x128xf32, #tpu.memory_space<vmem>>
          %dma_start3A_180 = tpu.memref_squeeze %dma_start3A_179 : memref<1x80x128xf32, #tpu.memory_space<vmem>> -> memref<80x128xf32, #tpu.memory_space<vmem>>
          %dma_start3A_181 = arith.constant 0 : i32
          %dma_start3A_182 = tpu.memref_slice %arg8[%add3A_155, %dma_start3A_181] : memref<25x80xi32, #tpu.memory_space<vmem>> -> memref<1x80xi32, #tpu.memory_space<vmem>>
          %dma_start3A_183 = tpu.memref_squeeze %dma_start3A_182 : memref<1x80xi32, #tpu.memory_space<vmem>> -> memref<80xi32, #tpu.memory_space<vmem>>
          %dma_start3A_184 = arith.constant 0 : i32
          %dma_start3A_185 = arith.constant 0 : i32
          %dma_start3A_186 = tpu.memref_slice %arg10[%dma_start3A_184, %dma_start3A_185] : memref<10240x128xf32, #tpu.memory_space<vmem_shared>> -> memref<10240x128xf32, #tpu.memory_space<vmem_shared>>
          tpu.enqueue_indirect_dma source(%dma_start3A_180 : memref<80x128xf32, #tpu.memory_space<vmem>>) target(%dma_start3A_186 : memref<10240x128xf32, #tpu.memory_space<vmem_shared>>) offsets(%dma_start3A_183 : memref<80xi32, #tpu.memory_space<vmem>>) semaphore(%arg18 : memref<!tpu.dma_semaphore, #tpu.memory_space<semaphore_mem>>) {add = true}
          %add3A_187 = arith.constant 4 : i32
          %add3A_188 = arith.addi %add3A_155, %add3A_187 : i32
          %lt3A_189 = arith.constant 25 : i32
          %lt3A_190 = arith.cmpi slt, %add3A_188, %lt3A_189 : i32
          %convert_element_type3A_191 = arith.extui %lt3A_190 : i1 to i32
          %cond3A_192 = arith.constant 0 : i32
          %cond3A_193 = arith.cmpi ne, %convert_element_type3A_191, %cond3A_192 : i32
          scf.if %cond3A_193 {
            %dma_wait3A_194 = arith.constant 3 : i32
            %dma_wait3A_195 = arith.constant 0 : i32
            %dma_wait3A_196 = arith.constant 0 : i32
            %dma_wait3A_197 = tpu.memref_slice %arg9[%dma_wait3A_194, %dma_wait3A_195, %dma_wait3A_196] : memref<4x80x128xf32, #tpu.memory_space<vmem>> -> memref<1x80x128xf32, #tpu.memory_space<vmem>>
            %dma_wait3A_198 = tpu.memref_squeeze %dma_wait3A_197 : memref<1x80x128xf32, #tpu.memory_space<vmem>> -> memref<80x128xf32, #tpu.memory_space<vmem>>
            %dma_wait3A_199 = arith.constant 0 : i32
            %dma_wait3A_200 = arith.constant 0 : i32
            %dma_wait3A_201 = tpu.memref_slice %arg2[%dma_wait3A_199, %dma_wait3A_200] : memref<10000x128xf32, #tpu.memory_space<hbm>> -> memref<80x128xf32, #tpu.memory_space<hbm>>
            %dma_wait3A_202 = arith.constant 0 : i32
            %dma_wait3A_203 = arith.constant 0 : i32
            %dma_wait3A_204 = tpu.memref_slice %arg9[%dma_wait3A_194, %dma_wait3A_202, %dma_wait3A_203] : memref<4x80x128xf32, #tpu.memory_space<vmem>> -> memref<1x80x128xf32, #tpu.memory_space<vmem>>
            %dma_wait3A_205 = tpu.memref_squeeze %dma_wait3A_204 : memref<1x80x128xf32, #tpu.memory_space<vmem>> -> memref<80x128xf32, #tpu.memory_space<vmem>>
            %dma_wait3A_206 = arith.constant 0 : i32
            %dma_wait3A_207 = arith.constant 0 : i32
            %dma_wait3A_208 = tpu.memref_slice %arg2[%dma_wait3A_206, %dma_wait3A_207] : memref<10000x128xf32, #tpu.memory_space<hbm>> -> memref<80x128xf32, #tpu.memory_space<hbm>>
            tpu.wait_dma2 semaphore(%arg18 : memref<!tpu.dma_semaphore, #tpu.memory_space<semaphore_mem>>) src(%dma_wait3A_208 : memref<80x128xf32, #tpu.memory_space<hbm>>) dst(%dma_wait3A_205 : memref<80x128xf32, #tpu.memory_space<vmem>>)
            %add3A_209 = arith.constant 4 : i32
            %add3A_210 = arith.addi %add3A_155, %add3A_209 : i32
            %mul3A_211 = arith.constant 80 : i32
            %mul3A_212 = arith.muli %add3A_210, %mul3A_211 : i32
            %dma_start3A_213 = arith.constant 3 : i32
            %dma_start3A_214 = arith.constant 0 : i32
            %dma_start3A_215 = arith.constant 0 : i32
            %dma_start3A_216 = tpu.memref_slice %arg9[%dma_start3A_213, %dma_start3A_214, %dma_start3A_215] : memref<4x80x128xf32, #tpu.memory_space<vmem>> -> memref<1x80x128xf32, #tpu.memory_space<vmem>>
            %dma_start3A_217 = tpu.memref_squeeze %dma_start3A_216 : memref<1x80x128xf32, #tpu.memory_space<vmem>> -> memref<80x128xf32, #tpu.memory_space<vmem>>
            %dma_start3A_218 = tpu.memref_slice %arg7[%mul3A_212] : memref<2000xi32, #tpu.memory_space<vmem>> -> memref<80xi32, #tpu.memory_space<vmem>>
            %dma_start3A_219 = arith.constant 0 : i32
            %dma_start3A_220 = arith.constant 0 : i32
            %dma_start3A_221 = tpu.memref_slice %arg2[%dma_start3A_219, %dma_start3A_220] : memref<10000x128xf32, #tpu.memory_space<hbm>> -> memref<10000x128xf32, #tpu.memory_space<hbm>>
            tpu.enqueue_indirect_dma source(%dma_start3A_221 : memref<10000x128xf32, #tpu.memory_space<hbm>>) target(%dma_start3A_217 : memref<80x128xf32, #tpu.memory_space<vmem>>) offsets(%dma_start3A_218 : memref<80xi32, #tpu.memory_space<vmem>>) semaphore(%arg14 : memref<!tpu.dma_semaphore, #tpu.memory_space<semaphore_mem>>)
          } else {
          }
        } else {
        }
      }
      %scan3A_73 = arith.constant 7 : i32
      %dma_wait3A = arith.constant 0 : i32
      %dma_wait3A_74 = arith.constant 0 : i32
      %dma_wait3A_75 = arith.constant 0 : i32
      %dma_wait3A_76 = tpu.memref_slice %arg9[%dma_wait3A, %dma_wait3A_74, %dma_wait3A_75] : memref<4x80x128xf32, #tpu.memory_space<vmem>> -> memref<1x80x128xf32, #tpu.memory_space<vmem>>
      %dma_wait3A_77 = tpu.memref_squeeze %dma_wait3A_76 : memref<1x80x128xf32, #tpu.memory_space<vmem>> -> memref<80x128xf32, #tpu.memory_space<vmem>>
      %dma_wait3A_78 = arith.constant 0 : i32
      %dma_wait3A_79 = arith.constant 0 : i32
      %dma_wait3A_80 = tpu.memref_slice %arg2[%dma_wait3A_78, %dma_wait3A_79] : memref<10000x128xf32, #tpu.memory_space<hbm>> -> memref<80x128xf32, #tpu.memory_space<hbm>>
      %dma_wait3A_81 = arith.constant 0 : i32
      %dma_wait3A_82 = arith.constant 0 : i32
      %dma_wait3A_83 = tpu.memref_slice %arg9[%dma_wait3A, %dma_wait3A_81, %dma_wait3A_82] : memref<4x80x128xf32, #tpu.memory_space<vmem>> -> memref<1x80x128xf32, #tpu.memory_space<vmem>>
      %dma_wait3A_84 = tpu.memref_squeeze %dma_wait3A_83 : memref<1x80x128xf32, #tpu.memory_space<vmem>> -> memref<80x128xf32, #tpu.memory_space<vmem>>
      %dma_wait3A_85 = arith.constant 0 : i32
      %dma_wait3A_86 = arith.constant 0 : i32
      %dma_wait3A_87 = tpu.memref_slice %arg2[%dma_wait3A_85, %dma_wait3A_86] : memref<10000x128xf32, #tpu.memory_space<hbm>> -> memref<80x128xf32, #tpu.memory_space<hbm>>
      tpu.wait_dma2 semaphore(%arg15 : memref<!tpu.dma_semaphore, #tpu.memory_space<semaphore_mem>>) src(%dma_wait3A_87 : memref<80x128xf32, #tpu.memory_space<hbm>>) dst(%dma_wait3A_84 : memref<80x128xf32, #tpu.memory_space<vmem>>)
      %dma_wait3A_88 = arith.constant 1 : i32
      %dma_wait3A_89 = arith.constant 0 : i32
      %dma_wait3A_90 = arith.constant 0 : i32
      %dma_wait3A_91 = tpu.memref_slice %arg9[%dma_wait3A_88, %dma_wait3A_89, %dma_wait3A_90] : memref<4x80x128xf32, #tpu.memory_space<vmem>> -> memref<1x80x128xf32, #tpu.memory_space<vmem>>
      %dma_wait3A_92 = tpu.memref_squeeze %dma_wait3A_91 : memref<1x80x128xf32, #tpu.memory_space<vmem>> -> memref<80x128xf32, #tpu.memory_space<vmem>>
      %dma_wait3A_93 = arith.constant 0 : i32
      %dma_wait3A_94 = arith.constant 0 : i32
      %dma_wait3A_95 = tpu.memref_slice %arg2[%dma_wait3A_93, %dma_wait3A_94] : memref<10000x128xf32, #tpu.memory_space<hbm>> -> memref<80x128xf32, #tpu.memory_space<hbm>>
      %dma_wait3A_96 = arith.constant 0 : i32
      %dma_wait3A_97 = arith.constant 0 : i32
      %dma_wait3A_98 = tpu.memref_slice %arg9[%dma_wait3A_88, %dma_wait3A_96, %dma_wait3A_97] : memref<4x80x128xf32, #tpu.memory_space<vmem>> -> memref<1x80x128xf32, #tpu.memory_space<vmem>>
      %dma_wait3A_99 = tpu.memref_squeeze %dma_wait3A_98 : memref<1x80x128xf32, #tpu.memory_space<vmem>> -> memref<80x128xf32, #tpu.memory_space<vmem>>
      %dma_wait3A_100 = arith.constant 0 : i32
      %dma_wait3A_101 = arith.constant 0 : i32
      %dma_wait3A_102 = tpu.memref_slice %arg2[%dma_wait3A_100, %dma_wait3A_101] : memref<10000x128xf32, #tpu.memory_space<hbm>> -> memref<80x128xf32, #tpu.memory_space<hbm>>
      tpu.wait_dma2 semaphore(%arg16 : memref<!tpu.dma_semaphore, #tpu.memory_space<semaphore_mem>>) src(%dma_wait3A_102 : memref<80x128xf32, #tpu.memory_space<hbm>>) dst(%dma_wait3A_99 : memref<80x128xf32, #tpu.memory_space<vmem>>)
      %dma_wait3A_103 = arith.constant 2 : i32
      %dma_wait3A_104 = arith.constant 0 : i32
      %dma_wait3A_105 = arith.constant 0 : i32
      %dma_wait3A_106 = tpu.memref_slice %arg9[%dma_wait3A_103, %dma_wait3A_104, %dma_wait3A_105] : memref<4x80x128xf32, #tpu.memory_space<vmem>> -> memref<1x80x128xf32, #tpu.memory_space<vmem>>
      %dma_wait3A_107 = tpu.memref_squeeze %dma_wait3A_106 : memref<1x80x128xf32, #tpu.memory_space<vmem>> -> memref<80x128xf32, #tpu.memory_space<vmem>>
      %dma_wait3A_108 = arith.constant 0 : i32
      %dma_wait3A_109 = arith.constant 0 : i32
      %dma_wait3A_110 = tpu.memref_slice %arg2[%dma_wait3A_108, %dma_wait3A_109] : memref<10000x128xf32, #tpu.memory_space<hbm>> -> memref<80x128xf32, #tpu.memory_space<hbm>>
      %dma_wait3A_111 = arith.constant 0 : i32
      %dma_wait3A_112 = arith.constant 0 : i32
      %dma_wait3A_113 = tpu.memref_slice %arg9[%dma_wait3A_103, %dma_wait3A_111, %dma_wait3A_112] : memref<4x80x128xf32, #tpu.memory_space<vmem>> -> memref<1x80x128xf32, #tpu.memory_space<vmem>>
      %dma_wait3A_114 = tpu.memref_squeeze %dma_wait3A_113 : memref<1x80x128xf32, #tpu.memory_space<vmem>> -> memref<80x128xf32, #tpu.memory_space<vmem>>
      %dma_wait3A_115 = arith.constant 0 : i32
      %dma_wait3A_116 = arith.constant 0 : i32
      %dma_wait3A_117 = tpu.memref_slice %arg2[%dma_wait3A_115, %dma_wait3A_116] : memref<10000x128xf32, #tpu.memory_space<hbm>> -> memref<80x128xf32, #tpu.memory_space<hbm>>
      tpu.wait_dma2 semaphore(%arg17 : memref<!tpu.dma_semaphore, #tpu.memory_space<semaphore_mem>>) src(%dma_wait3A_117 : memref<80x128xf32, #tpu.memory_space<hbm>>) dst(%dma_wait3A_114 : memref<80x128xf32, #tpu.memory_space<vmem>>)
      %dma_wait3A_118 = arith.constant 3 : i32
      %dma_wait3A_119 = arith.constant 0 : i32
      %dma_wait3A_120 = arith.constant 0 : i32
      %dma_wait3A_121 = tpu.memref_slice %arg9[%dma_wait3A_118, %dma_wait3A_119, %dma_wait3A_120] : memref<4x80x128xf32, #tpu.memory_space<vmem>> -> memref<1x80x128xf32, #tpu.memory_space<vmem>>
      %dma_wait3A_122 = tpu.memref_squeeze %dma_wait3A_121 : memref<1x80x128xf32, #tpu.memory_space<vmem>> -> memref<80x128xf32, #tpu.memory_space<vmem>>
      %dma_wait3A_123 = arith.constant 0 : i32
      %dma_wait3A_124 = arith.constant 0 : i32
      %dma_wait3A_125 = tpu.memref_slice %arg2[%dma_wait3A_123, %dma_wait3A_124] : memref<10000x128xf32, #tpu.memory_space<hbm>> -> memref<80x128xf32, #tpu.memory_space<hbm>>
      %dma_wait3A_126 = arith.constant 0 : i32
      %dma_wait3A_127 = arith.constant 0 : i32
      %dma_wait3A_128 = tpu.memref_slice %arg9[%dma_wait3A_118, %dma_wait3A_126, %dma_wait3A_127] : memref<4x80x128xf32, #tpu.memory_space<vmem>> -> memref<1x80x128xf32, #tpu.memory_space<vmem>>
      %dma_wait3A_129 = tpu.memref_squeeze %dma_wait3A_128 : memref<1x80x128xf32, #tpu.memory_space<vmem>> -> memref<80x128xf32, #tpu.memory_space<vmem>>
      %dma_wait3A_130 = arith.constant 0 : i32
      %dma_wait3A_131 = arith.constant 0 : i32
      %dma_wait3A_132 = tpu.memref_slice %arg2[%dma_wait3A_130, %dma_wait3A_131] : memref<10000x128xf32, #tpu.memory_space<hbm>> -> memref<80x128xf32, #tpu.memory_space<hbm>>
      tpu.wait_dma2 semaphore(%arg18 : memref<!tpu.dma_semaphore, #tpu.memory_space<semaphore_mem>>) src(%dma_wait3A_132 : memref<80x128xf32, #tpu.memory_space<hbm>>) dst(%dma_wait3A_129 : memref<80x128xf32, #tpu.memory_space<vmem>>)
    }
    %scan3A_14 = arith.constant 5 : i32
    %barrier3A_15 = arith.constant 0 : index
    tpu.barrier barrier_id(%barrier3A_15)
    %scan3A_16 = arith.constant 0 : i32
    %scan3A_17 = arith.constant 0 : i32
    %scan3A_18 = arith.constant 0 : i32
    %scan3A_19 = arith.constant 8 : i32
    %scan3A_20 = arith.addi %scan3A_18, %scan3A_19 : i32
    %scan3A_21 = arith.constant 1 : i32
    scf.for %scan3A_23 = %scan3A_18 to %scan3A_20 step %scan3A_21  : i32 {
      %mul3A_24 = arith.constant 80 : i32
      %mul3A_25 = arith.muli %scan3A_23, %mul3A_24 : i32
      %add3A_26 = arith.addi %mul3A_2, %mul3A_25 : i32
      "tpu.region"() ({
        %run_scoped3A_30 = tpu.sem_alloc : memref<!tpu.dma_semaphore, #tpu.memory_space<semaphore_mem>>
        %dma_start3A = arith.constant 0 : i32
        %dma_start3A_31 = arith.constant 0 : i32
        %dma_start3A_32 = tpu.memref_slice %arg9[%scan3A_17, %dma_start3A, %dma_start3A_31] : memref<4x80x128xf32, #tpu.memory_space<vmem>> -> memref<1x80x128xf32, #tpu.memory_space<vmem>>
        %dma_start3A_33 = tpu.memref_squeeze %dma_start3A_32 : memref<1x80x128xf32, #tpu.memory_space<vmem>> -> memref<80x128xf32, #tpu.memory_space<vmem>>
        %dma_start3A_34 = arith.constant 0 : i32
        %dma_start3A_35 = tpu.memref_slice %arg10[%add3A_26, %dma_start3A_34] : memref<10240x128xf32, #tpu.memory_space<vmem_shared>> -> memref<80x128xf32, #tpu.memory_space<vmem_shared>>
        %dma_start3A_36 = arith.constant 0 : i32
        %dma_start3A_37 = arith.constant 0 : i32
        %dma_start3A_38 = tpu.memref_slice %arg9[%scan3A_17, %dma_start3A_36, %dma_start3A_37] : memref<4x80x128xf32, #tpu.memory_space<vmem>> -> memref<1x80x128xf32, #tpu.memory_space<vmem>>
        %dma_start3A_39 = tpu.memref_squeeze %dma_start3A_38 : memref<1x80x128xf32, #tpu.memory_space<vmem>> -> memref<80x128xf32, #tpu.memory_space<vmem>>
        %dma_start3A_40 = arith.constant 0 : i32
        %dma_start3A_41 = tpu.memref_slice %arg10[%add3A_26, %dma_start3A_40] : memref<10240x128xf32, #tpu.memory_space<vmem_shared>> -> memref<80x128xf32, #tpu.memory_space<vmem_shared>>
        tpu.enqueue_dma source(%dma_start3A_41 : memref<80x128xf32, #tpu.memory_space<vmem_shared>>) target(%dma_start3A_39 : memref<80x128xf32, #tpu.memory_space<vmem>>) target_semaphore(%run_scoped3A_30 : memref<!tpu.dma_semaphore, #tpu.memory_space<semaphore_mem>>)
        %dma_wait3A = arith.constant 0 : i32
        %dma_wait3A_42 = arith.constant 0 : i32
        %dma_wait3A_43 = tpu.memref_slice %arg9[%scan3A_17, %dma_wait3A, %dma_wait3A_42] : memref<4x80x128xf32, #tpu.memory_space<vmem>> -> memref<1x80x128xf32, #tpu.memory_space<vmem>>
        %dma_wait3A_44 = tpu.memref_squeeze %dma_wait3A_43 : memref<1x80x128xf32, #tpu.memory_space<vmem>> -> memref<80x128xf32, #tpu.memory_space<vmem>>
        %dma_wait3A_45 = arith.constant 0 : i32
        %dma_wait3A_46 = tpu.memref_slice %arg10[%add3A_26, %dma_wait3A_45] : memref<10240x128xf32, #tpu.memory_space<vmem_shared>> -> memref<80x128xf32, #tpu.memory_space<vmem_shared>>
        %dma_wait3A_47 = arith.constant 0 : i32
        %dma_wait3A_48 = arith.constant 0 : i32
        %dma_wait3A_49 = tpu.memref_slice %arg9[%scan3A_17, %dma_wait3A_47, %dma_wait3A_48] : memref<4x80x128xf32, #tpu.memory_space<vmem>> -> memref<1x80x128xf32, #tpu.memory_space<vmem>>
        %dma_wait3A_50 = tpu.memref_squeeze %dma_wait3A_49 : memref<1x80x128xf32, #tpu.memory_space<vmem>> -> memref<80x128xf32, #tpu.memory_space<vmem>>
        %dma_wait3A_51 = arith.constant 0 : i32
        %dma_wait3A_52 = tpu.memref_slice %arg10[%add3A_26, %dma_wait3A_51] : memref<10240x128xf32, #tpu.memory_space<vmem_shared>> -> memref<80x128xf32, #tpu.memory_space<vmem_shared>>
        tpu.wait_dma2 semaphore(%run_scoped3A_30 : memref<!tpu.dma_semaphore, #tpu.memory_space<semaphore_mem>>) src(%dma_wait3A_52 : memref<80x128xf32, #tpu.memory_space<vmem_shared>>) dst(%dma_wait3A_50 : memref<80x128xf32, #tpu.memory_space<vmem>>)
        tpu.yield
      }) : () -> ()
      %mul3A_27 = arith.constant 80 : i32
      %mul3A_28 = arith.muli %scan3A_23, %mul3A_27 : i32
      %add3A_29 = arith.addi %mul3A_2, %mul3A_28 : i32
      "tpu.region"() ({
        %run_scoped3A_30 = tpu.sem_alloc : memref<!tpu.dma_semaphore, #tpu.memory_space<semaphore_mem>>
        %dma_start3A = arith.constant 0 : i32
        %dma_start3A_31 = arith.constant 0 : i32
        %dma_start3A_32 = tpu.memref_slice %arg9[%scan3A_17, %dma_start3A, %dma_start3A_31] : memref<4x80x128xf32, #tpu.memory_space<vmem>> -> memref<1x80x128xf32, #tpu.memory_space<vmem>>
        %dma_start3A_33 = tpu.memref_squeeze %dma_start3A_32 : memref<1x80x128xf32, #tpu.memory_space<vmem>> -> memref<80x128xf32, #tpu.memory_space<vmem>>
        %dma_start3A_34 = arith.constant 0 : i32
        %dma_start3A_35 = tpu.memref_slice %arg6[%arg0, %add3A_29, %dma_start3A_34] : memref<2x10240x128xf32, #tpu.memory_space<hbm>> -> memref<1x80x128xf32, #tpu.memory_space<hbm>>
        %dma_start3A_36 = tpu.memref_squeeze %dma_start3A_35 : memref<1x80x128xf32, #tpu.memory_space<hbm>> -> memref<80x128xf32, #tpu.memory_space<hbm>>
        %dma_start3A_37 = arith.constant 0 : i32
        %dma_start3A_38 = tpu.memref_slice %arg6[%arg0, %add3A_29, %dma_start3A_37] : memref<2x10240x128xf32, #tpu.memory_space<hbm>> -> memref<1x80x128xf32, #tpu.memory_space<hbm>>
        %dma_start3A_39 = tpu.memref_squeeze %dma_start3A_38 : memref<1x80x128xf32, #tpu.memory_space<hbm>> -> memref<80x128xf32, #tpu.memory_space<hbm>>
        %dma_start3A_40 = arith.constant 0 : i32
        %dma_start3A_41 = arith.constant 0 : i32
        %dma_start3A_42 = tpu.memref_slice %arg9[%scan3A_17, %dma_start3A_40, %dma_start3A_41] : memref<4x80x128xf32, #tpu.memory_space<vmem>> -> memref<1x80x128xf32, #tpu.memory_space<vmem>>
        %dma_start3A_43 = tpu.memref_squeeze %dma_start3A_42 : memref<1x80x128xf32, #tpu.memory_space<vmem>> -> memref<80x128xf32, #tpu.memory_space<vmem>>
        tpu.enqueue_dma source(%dma_start3A_43 : memref<80x128xf32, #tpu.memory_space<vmem>>) target(%dma_start3A_39 : memref<80x128xf32, #tpu.memory_space<hbm>>) target_semaphore(%run_scoped3A_30 : memref<!tpu.dma_semaphore, #tpu.memory_space<semaphore_mem>>)
        %dma_wait3A = arith.constant 0 : i32
        %dma_wait3A_44 = arith.constant 0 : i32
        %dma_wait3A_45 = tpu.memref_slice %arg9[%scan3A_17, %dma_wait3A, %dma_wait3A_44] : memref<4x80x128xf32, #tpu.memory_space<vmem>> -> memref<1x80x128xf32, #tpu.memory_space<vmem>>
        %dma_wait3A_46 = tpu.memref_squeeze %dma_wait3A_45 : memref<1x80x128xf32, #tpu.memory_space<vmem>> -> memref<80x128xf32, #tpu.memory_space<vmem>>
        %dma_wait3A_47 = arith.constant 0 : i32
        %dma_wait3A_48 = tpu.memref_slice %arg6[%arg0, %add3A_29, %dma_wait3A_47] : memref<2x10240x128xf32, #tpu.memory_space<hbm>> -> memref<1x80x128xf32, #tpu.memory_space<hbm>>
        %dma_wait3A_49 = tpu.memref_squeeze %dma_wait3A_48 : memref<1x80x128xf32, #tpu.memory_space<hbm>> -> memref<80x128xf32, #tpu.memory_space<hbm>>
        %dma_wait3A_50 = arith.constant 0 : i32
        %dma_wait3A_51 = tpu.memref_slice %arg6[%arg0, %add3A_29, %dma_wait3A_50] : memref<2x10240x128xf32, #tpu.memory_space<hbm>> -> memref<1x80x128xf32, #tpu.memory_space<hbm>>
        %dma_wait3A_52 = tpu.memref_squeeze %dma_wait3A_51 : memref<1x80x128xf32, #tpu.memory_space<hbm>> -> memref<80x128xf32, #tpu.memory_space<hbm>>
        %dma_wait3A_53 = arith.constant 0 : i32
        %dma_wait3A_54 = arith.constant 0 : i32
        %dma_wait3A_55 = tpu.memref_slice %arg9[%scan3A_17, %dma_wait3A_53, %dma_wait3A_54] : memref<4x80x128xf32, #tpu.memory_space<vmem>> -> memref<1x80x128xf32, #tpu.memory_space<vmem>>
        %dma_wait3A_56 = tpu.memref_squeeze %dma_wait3A_55 : memref<1x80x128xf32, #tpu.memory_space<vmem>> -> memref<80x128xf32, #tpu.memory_space<vmem>>
        tpu.wait_dma2 semaphore(%run_scoped3A_30 : memref<!tpu.dma_semaphore, #tpu.memory_space<semaphore_mem>>) src(%dma_wait3A_56 : memref<80x128xf32, #tpu.memory_space<vmem>>) dst(%dma_wait3A_52 : memref<80x128xf32, #tpu.memory_space<hbm>>)
        tpu.yield
      }) : () -> ()
    }
    %scan3A_22 = arith.constant 8 : i32
    return
  }
}

#map = affine_map<(d0, d1) -> (0, 0)>
#map1 = affine_map<(d0, d1) -> (0)>
#map2 = affine_map<(d0, d1) -> (0, 0, 0, 0)>
#map3 = affine_map<(d0, d1) -> (0, 0, 0)>
module attributes {stable_mosaic.version = 14 : i64} {
  func.func @body(%arg0: i32, %arg1: i32, %arg2: memref<80000x128xf32, #tpu.memory_space<hbm>>, %arg3: memref<320000xi32, #tpu.memory_space<hbm>>, %arg4: memref<16x10x25x80xi32, #tpu.memory_space<hbm>>, %arg5: memref<10000xi32, #tpu.memory_space<hbm>>, %arg6: memref<10000xi32, #tpu.memory_space<hbm>>, %arg7: memref<80x128xf32, #tpu.memory_space<hbm>>, %arg8: memref<2x10240x128xf32, #tpu.memory_space<hbm>>, %arg9: memref<2000xi32, #tpu.memory_space<vmem>>, %arg10: memref<25x80xi32, #tpu.memory_space<vmem>>, %arg11: memref<2000xi32, #tpu.memory_space<vmem>>, %arg12: memref<3x80x128xf32, #tpu.memory_space<vmem>>, %arg13: memref<10240x128xf32, #tpu.memory_space<vmem_shared>>, %arg14: memref<!tpu.dma_semaphore, #tpu.memory_space<semaphore_mem>>, %arg15: memref<!tpu.dma_semaphore, #tpu.memory_space<semaphore_mem>>, %arg16: memref<!tpu.dma_semaphore, #tpu.memory_space<semaphore_mem>>, %arg17: memref<!tpu.dma_semaphore, #tpu.memory_space<semaphore_mem>>, %arg18: memref<!tpu.dma_semaphore, #tpu.memory_space<semaphore_mem>>, %arg19: memref<!tpu.dma_semaphore, #tpu.memory_space<semaphore_mem>>, %arg20: memref<!tpu.dma_semaphore, #tpu.memory_space<semaphore_mem>>) attributes {dimension_semantics = [#tpu.dimension_semantics<core_parallel>, #tpu.dimension_semantics<subcore_parallel>], iteration_bounds = array<i64: 2, 16>, scalar_prefetch = 0 : i64, scratch_operands = 12 : i64, tpu.core_type = #tpu.core_type<sc_vector_subcore>, window_params = [{transform_indices = #map}, {transform_indices = #map1}, {transform_indices = #map2}, {transform_indices = #map1}, {transform_indices = #map1}, {transform_indices = #map}, {transform_indices = #map3}]} {
    %run_scoped3A = arith.constant 0 : i32
    "tpu.region"() ({
      %run_scoped3A_21 = tpu.sem_alloc : memref<!tpu.dma_semaphore, #tpu.memory_space<semaphore_mem>>
      %dma_start3A = arith.constant 0 : i32
      %dma_start3A_22 = arith.constant 0 : i32
      %dma_start3A_23 = tpu.memref_slice %arg12[%run_scoped3A, %dma_start3A, %dma_start3A_22] : memref<3x80x128xf32, #tpu.memory_space<vmem>> -> memref<1x80x128xf32, #tpu.memory_space<vmem>>
      %dma_start3A_24 = tpu.memref_squeeze %dma_start3A_23 : memref<1x80x128xf32, #tpu.memory_space<vmem>> -> memref<80x128xf32, #tpu.memory_space<vmem>>
      %dma_start3A_25 = arith.constant 0 : i32
      %dma_start3A_26 = arith.constant 0 : i32
      %dma_start3A_27 = tpu.memref_slice %arg12[%run_scoped3A, %dma_start3A_25, %dma_start3A_26] : memref<3x80x128xf32, #tpu.memory_space<vmem>> -> memref<1x80x128xf32, #tpu.memory_space<vmem>>
      %dma_start3A_28 = tpu.memref_squeeze %dma_start3A_27 : memref<1x80x128xf32, #tpu.memory_space<vmem>> -> memref<80x128xf32, #tpu.memory_space<vmem>>
      tpu.enqueue_dma source(%arg7 : memref<80x128xf32, #tpu.memory_space<hbm>>) target(%dma_start3A_28 : memref<80x128xf32, #tpu.memory_space<vmem>>) target_semaphore(%run_scoped3A_21 : memref<!tpu.dma_semaphore, #tpu.memory_space<semaphore_mem>>)
      %dma_wait3A = arith.constant 0 : i32
      %dma_wait3A_29 = arith.constant 0 : i32
      %dma_wait3A_30 = tpu.memref_slice %arg12[%run_scoped3A, %dma_wait3A, %dma_wait3A_29] : memref<3x80x128xf32, #tpu.memory_space<vmem>> -> memref<1x80x128xf32, #tpu.memory_space<vmem>>
      %dma_wait3A_31 = tpu.memref_squeeze %dma_wait3A_30 : memref<1x80x128xf32, #tpu.memory_space<vmem>> -> memref<80x128xf32, #tpu.memory_space<vmem>>
      %dma_wait3A_32 = arith.constant 0 : i32
      %dma_wait3A_33 = arith.constant 0 : i32
      %dma_wait3A_34 = tpu.memref_slice %arg12[%run_scoped3A, %dma_wait3A_32, %dma_wait3A_33] : memref<3x80x128xf32, #tpu.memory_space<vmem>> -> memref<1x80x128xf32, #tpu.memory_space<vmem>>
      %dma_wait3A_35 = tpu.memref_squeeze %dma_wait3A_34 : memref<1x80x128xf32, #tpu.memory_space<vmem>> -> memref<80x128xf32, #tpu.memory_space<vmem>>
      tpu.wait_dma2 semaphore(%run_scoped3A_21 : memref<!tpu.dma_semaphore, #tpu.memory_space<semaphore_mem>>) src(%arg7 : memref<80x128xf32, #tpu.memory_space<hbm>>) dst(%dma_wait3A_35 : memref<80x128xf32, #tpu.memory_space<vmem>>)
      tpu.yield
    }) : () -> ()
    %mul3A = arith.constant 640 : i32
    %mul3A_0 = arith.muli %arg1, %mul3A : i32
    %scan3A = arith.constant 0 : i32
    %scan3A_1 = arith.constant 0 : i32
    %scan3A_2 = arith.constant 0 : i32
    %scan3A_3 = arith.constant 8 : i32
    %scan3A_4 = arith.addi %scan3A_2, %scan3A_3 : i32
    %scan3A_5 = arith.constant 1 : i32
    scf.for %scan3A_21 = %scan3A_2 to %scan3A_4 step %scan3A_5  : i32 {
      %mul3A_22 = arith.constant 80 : i32
      %mul3A_23 = arith.muli %scan3A_21, %mul3A_22 : i32
      %add3A = arith.addi %mul3A_0, %mul3A_23 : i32
      "tpu.region"() ({
        %run_scoped3A_24 = tpu.sem_alloc : memref<!tpu.dma_semaphore, #tpu.memory_space<semaphore_mem>>
        %dma_start3A = arith.constant 0 : i32
        %dma_start3A_25 = arith.constant 0 : i32
        %dma_start3A_26 = tpu.memref_slice %arg12[%scan3A_1, %dma_start3A, %dma_start3A_25] : memref<3x80x128xf32, #tpu.memory_space<vmem>> -> memref<1x80x128xf32, #tpu.memory_space<vmem>>
        %dma_start3A_27 = tpu.memref_squeeze %dma_start3A_26 : memref<1x80x128xf32, #tpu.memory_space<vmem>> -> memref<80x128xf32, #tpu.memory_space<vmem>>
        %dma_start3A_28 = arith.constant 0 : i32
        %dma_start3A_29 = tpu.memref_slice %arg13[%add3A, %dma_start3A_28] : memref<10240x128xf32, #tpu.memory_space<vmem_shared>> -> memref<80x128xf32, #tpu.memory_space<vmem_shared>>
        %dma_start3A_30 = arith.constant 0 : i32
        %dma_start3A_31 = tpu.memref_slice %arg13[%add3A, %dma_start3A_30] : memref<10240x128xf32, #tpu.memory_space<vmem_shared>> -> memref<80x128xf32, #tpu.memory_space<vmem_shared>>
        %dma_start3A_32 = arith.constant 0 : i32
        %dma_start3A_33 = arith.constant 0 : i32
        %dma_start3A_34 = tpu.memref_slice %arg12[%scan3A_1, %dma_start3A_32, %dma_start3A_33] : memref<3x80x128xf32, #tpu.memory_space<vmem>> -> memref<1x80x128xf32, #tpu.memory_space<vmem>>
        %dma_start3A_35 = tpu.memref_squeeze %dma_start3A_34 : memref<1x80x128xf32, #tpu.memory_space<vmem>> -> memref<80x128xf32, #tpu.memory_space<vmem>>
        tpu.enqueue_dma source(%dma_start3A_35 : memref<80x128xf32, #tpu.memory_space<vmem>>) target(%dma_start3A_31 : memref<80x128xf32, #tpu.memory_space<vmem_shared>>) target_semaphore(%run_scoped3A_24 : memref<!tpu.dma_semaphore, #tpu.memory_space<semaphore_mem>>)
        %dma_wait3A = arith.constant 0 : i32
        %dma_wait3A_36 = arith.constant 0 : i32
        %dma_wait3A_37 = tpu.memref_slice %arg12[%scan3A_1, %dma_wait3A, %dma_wait3A_36] : memref<3x80x128xf32, #tpu.memory_space<vmem>> -> memref<1x80x128xf32, #tpu.memory_space<vmem>>
        %dma_wait3A_38 = tpu.memref_squeeze %dma_wait3A_37 : memref<1x80x128xf32, #tpu.memory_space<vmem>> -> memref<80x128xf32, #tpu.memory_space<vmem>>
        %dma_wait3A_39 = arith.constant 0 : i32
        %dma_wait3A_40 = tpu.memref_slice %arg13[%add3A, %dma_wait3A_39] : memref<10240x128xf32, #tpu.memory_space<vmem_shared>> -> memref<80x128xf32, #tpu.memory_space<vmem_shared>>
        %dma_wait3A_41 = arith.constant 0 : i32
        %dma_wait3A_42 = tpu.memref_slice %arg13[%add3A, %dma_wait3A_41] : memref<10240x128xf32, #tpu.memory_space<vmem_shared>> -> memref<80x128xf32, #tpu.memory_space<vmem_shared>>
        %dma_wait3A_43 = arith.constant 0 : i32
        %dma_wait3A_44 = arith.constant 0 : i32
        %dma_wait3A_45 = tpu.memref_slice %arg12[%scan3A_1, %dma_wait3A_43, %dma_wait3A_44] : memref<3x80x128xf32, #tpu.memory_space<vmem>> -> memref<1x80x128xf32, #tpu.memory_space<vmem>>
        %dma_wait3A_46 = tpu.memref_squeeze %dma_wait3A_45 : memref<1x80x128xf32, #tpu.memory_space<vmem>> -> memref<80x128xf32, #tpu.memory_space<vmem>>
        tpu.wait_dma2 semaphore(%run_scoped3A_24 : memref<!tpu.dma_semaphore, #tpu.memory_space<semaphore_mem>>) src(%dma_wait3A_46 : memref<80x128xf32, #tpu.memory_space<vmem>>) dst(%dma_wait3A_42 : memref<80x128xf32, #tpu.memory_space<vmem_shared>>)
        tpu.yield
      }) : () -> ()
    }
    %scan3A_6 = arith.constant 8 : i32
    %barrier3A = arith.constant 0 : index
    tpu.barrier barrier_id(%barrier3A)
    %scan3A_7 = arith.constant 0 : i32
    %scan3A_8 = arith.constant 0 : i32
    %scan3A_9 = arith.constant 10 : i32
    %scan3A_10 = arith.addi %scan3A_8, %scan3A_9 : i32
    %scan3A_11 = arith.constant 1 : i32
    scf.for %scan3A_21 = %scan3A_8 to %scan3A_10 step %scan3A_11  : i32 {
      %mul3A_22 = arith.constant 20000 : i32
      %mul3A_23 = arith.muli %arg1, %mul3A_22 : i32
      %mul3A_24 = arith.constant 2000 : i32
      %mul3A_25 = arith.muli %scan3A_21, %mul3A_24 : i32
      %add3A = arith.addi %mul3A_23, %mul3A_25 : i32
      "tpu.region"() ({
        %run_scoped3A_124 = tpu.sem_alloc : memref<!tpu.dma_semaphore, #tpu.memory_space<semaphore_mem>>
        %dma_start3A_125 = tpu.memref_slice %arg3[%add3A] : memref<320000xi32, #tpu.memory_space<hbm>> -> memref<2000xi32, #tpu.memory_space<hbm>>
        %dma_start3A_126 = tpu.memref_slice %arg3[%add3A] : memref<320000xi32, #tpu.memory_space<hbm>> -> memref<2000xi32, #tpu.memory_space<hbm>>
        tpu.enqueue_dma source(%dma_start3A_126 : memref<2000xi32, #tpu.memory_space<hbm>>) target(%arg9 : memref<2000xi32, #tpu.memory_space<vmem>>) target_semaphore(%run_scoped3A_124 : memref<!tpu.dma_semaphore, #tpu.memory_space<semaphore_mem>>)
        %dma_wait3A_127 = tpu.memref_slice %arg3[%add3A] : memref<320000xi32, #tpu.memory_space<hbm>> -> memref<2000xi32, #tpu.memory_space<hbm>>
        %dma_wait3A_128 = tpu.memref_slice %arg3[%add3A] : memref<320000xi32, #tpu.memory_space<hbm>> -> memref<2000xi32, #tpu.memory_space<hbm>>
        tpu.wait_dma2 semaphore(%run_scoped3A_124 : memref<!tpu.dma_semaphore, #tpu.memory_space<semaphore_mem>>) src(%dma_wait3A_128 : memref<2000xi32, #tpu.memory_space<hbm>>) dst(%arg9 : memref<2000xi32, #tpu.memory_space<vmem>>)
        tpu.yield
      }) : () -> ()
      "tpu.region"() ({
        %run_scoped3A_124 = tpu.sem_alloc : memref<!tpu.dma_semaphore, #tpu.memory_space<semaphore_mem>>
        %dma_start3A_125 = arith.constant 0 : i32
        %dma_start3A_126 = arith.constant 0 : i32
        %dma_start3A_127 = tpu.memref_slice %arg4[%arg1, %scan3A_21, %dma_start3A_125, %dma_start3A_126] : memref<16x10x25x80xi32, #tpu.memory_space<hbm>> -> memref<1x1x25x80xi32, #tpu.memory_space<hbm>>
        %dma_start3A_128 = tpu.memref_squeeze %dma_start3A_127 : memref<1x1x25x80xi32, #tpu.memory_space<hbm>> -> memref<25x80xi32, #tpu.memory_space<hbm>>
        %dma_start3A_129 = arith.constant 0 : i32
        %dma_start3A_130 = arith.constant 0 : i32
        %dma_start3A_131 = tpu.memref_slice %arg4[%arg1, %scan3A_21, %dma_start3A_129, %dma_start3A_130] : memref<16x10x25x80xi32, #tpu.memory_space<hbm>> -> memref<1x1x25x80xi32, #tpu.memory_space<hbm>>
        %dma_start3A_132 = tpu.memref_squeeze %dma_start3A_131 : memref<1x1x25x80xi32, #tpu.memory_space<hbm>> -> memref<25x80xi32, #tpu.memory_space<hbm>>
        tpu.enqueue_dma source(%dma_start3A_132 : memref<25x80xi32, #tpu.memory_space<hbm>>) target(%arg10 : memref<25x80xi32, #tpu.memory_space<vmem>>) target_semaphore(%run_scoped3A_124 : memref<!tpu.dma_semaphore, #tpu.memory_space<semaphore_mem>>)
        %dma_wait3A_133 = arith.constant 0 : i32
        %dma_wait3A_134 = arith.constant 0 : i32
        %dma_wait3A_135 = tpu.memref_slice %arg4[%arg1, %scan3A_21, %dma_wait3A_133, %dma_wait3A_134] : memref<16x10x25x80xi32, #tpu.memory_space<hbm>> -> memref<1x1x25x80xi32, #tpu.memory_space<hbm>>
        %dma_wait3A_136 = tpu.memref_squeeze %dma_wait3A_135 : memref<1x1x25x80xi32, #tpu.memory_space<hbm>> -> memref<25x80xi32, #tpu.memory_space<hbm>>
        %dma_wait3A_137 = arith.constant 0 : i32
        %dma_wait3A_138 = arith.constant 0 : i32
        %dma_wait3A_139 = tpu.memref_slice %arg4[%arg1, %scan3A_21, %dma_wait3A_137, %dma_wait3A_138] : memref<16x10x25x80xi32, #tpu.memory_space<hbm>> -> memref<1x1x25x80xi32, #tpu.memory_space<hbm>>
        %dma_wait3A_140 = tpu.memref_squeeze %dma_wait3A_139 : memref<1x1x25x80xi32, #tpu.memory_space<hbm>> -> memref<25x80xi32, #tpu.memory_space<hbm>>
        tpu.wait_dma2 semaphore(%run_scoped3A_124 : memref<!tpu.dma_semaphore, #tpu.memory_space<semaphore_mem>>) src(%dma_wait3A_140 : memref<25x80xi32, #tpu.memory_space<hbm>>) dst(%arg10 : memref<25x80xi32, #tpu.memory_space<vmem>>)
        tpu.yield
      }) : () -> ()
      %eq3A = arith.constant 0 : i32
      %eq3A_26 = arith.cmpi eq, %arg0, %eq3A : i32
      %convert_element_type3A = arith.extui %eq3A_26 : i1 to i32
      %cond3A = arith.constant 0 : i32
      %cond3A_27 = arith.cmpi ne, %convert_element_type3A, %cond3A : i32
      scf.if %cond3A_27 {
        %scan3A_124 = arith.constant 0 : i32
        %scan3A_125 = arith.constant 0 : i32
        %scan3A_126 = arith.constant 25 : i32
        %scan3A_127 = arith.addi %scan3A_125, %scan3A_126 : i32
        %scan3A_128 = arith.constant 1 : i32
        scf.for %scan3A_130 = %scan3A_125 to %scan3A_127 step %scan3A_128  : i32 {
          %mul3A_131 = arith.constant 80 : i32
          %mul3A_132 = arith.muli %scan3A_130, %mul3A_131 : i32
          %dma_start3A_133 = tpu.memref_slice %arg11[%mul3A_132] : memref<2000xi32, #tpu.memory_space<vmem>> -> memref<80xi32, #tpu.memory_space<vmem>>
          %dma_start3A_134 = arith.constant 0 : i32
          %dma_start3A_135 = tpu.memref_slice %arg10[%scan3A_130, %dma_start3A_134] : memref<25x80xi32, #tpu.memory_space<vmem>> -> memref<1x80xi32, #tpu.memory_space<vmem>>
          %dma_start3A_136 = tpu.memref_squeeze %dma_start3A_135 : memref<1x80xi32, #tpu.memory_space<vmem>> -> memref<80xi32, #tpu.memory_space<vmem>>
          %dma_start3A_137 = arith.constant 0 : i32
          %dma_start3A_138 = tpu.memref_slice %arg5[%dma_start3A_137] : memref<10000xi32, #tpu.memory_space<hbm>> -> memref<10000xi32, #tpu.memory_space<hbm>>
          tpu.enqueue_indirect_dma source(%dma_start3A_138 : memref<10000xi32, #tpu.memory_space<hbm>>) target(%dma_start3A_133 : memref<80xi32, #tpu.memory_space<vmem>>) offsets(%dma_start3A_136 : memref<80xi32, #tpu.memory_space<vmem>>) semaphore(%arg20 : memref<!tpu.dma_semaphore, #tpu.memory_space<semaphore_mem>>)
        }
        %scan3A_129 = arith.constant 25 : i32
      } else {
      }
      %eq3A_28 = arith.constant 1 : i32
      %eq3A_29 = arith.cmpi eq, %arg0, %eq3A_28 : i32
      %convert_element_type3A_30 = arith.extui %eq3A_29 : i1 to i32
      %cond3A_31 = arith.constant 0 : i32
      %cond3A_32 = arith.cmpi ne, %convert_element_type3A_30, %cond3A_31 : i32
      scf.if %cond3A_32 {
        %scan3A_124 = arith.constant 0 : i32
        %scan3A_125 = arith.constant 0 : i32
        %scan3A_126 = arith.constant 25 : i32
        %scan3A_127 = arith.addi %scan3A_125, %scan3A_126 : i32
        %scan3A_128 = arith.constant 1 : i32
        scf.for %scan3A_130 = %scan3A_125 to %scan3A_127 step %scan3A_128  : i32 {
          %mul3A_131 = arith.constant 80 : i32
          %mul3A_132 = arith.muli %scan3A_130, %mul3A_131 : i32
          %dma_start3A_133 = tpu.memref_slice %arg11[%mul3A_132] : memref<2000xi32, #tpu.memory_space<vmem>> -> memref<80xi32, #tpu.memory_space<vmem>>
          %dma_start3A_134 = arith.constant 0 : i32
          %dma_start3A_135 = tpu.memref_slice %arg10[%scan3A_130, %dma_start3A_134] : memref<25x80xi32, #tpu.memory_space<vmem>> -> memref<1x80xi32, #tpu.memory_space<vmem>>
          %dma_start3A_136 = tpu.memref_squeeze %dma_start3A_135 : memref<1x80xi32, #tpu.memory_space<vmem>> -> memref<80xi32, #tpu.memory_space<vmem>>
          %dma_start3A_137 = arith.constant 0 : i32
          %dma_start3A_138 = tpu.memref_slice %arg6[%dma_start3A_137] : memref<10000xi32, #tpu.memory_space<hbm>> -> memref<10000xi32, #tpu.memory_space<hbm>>
          tpu.enqueue_indirect_dma source(%dma_start3A_138 : memref<10000xi32, #tpu.memory_space<hbm>>) target(%dma_start3A_133 : memref<80xi32, #tpu.memory_space<vmem>>) offsets(%dma_start3A_136 : memref<80xi32, #tpu.memory_space<vmem>>) semaphore(%arg20 : memref<!tpu.dma_semaphore, #tpu.memory_space<semaphore_mem>>)
        }
        %scan3A_129 = arith.constant 25 : i32
      } else {
      }
      %scan3A_33 = arith.constant 0 : i32
      %scan3A_34 = arith.constant 0 : i32
      %scan3A_35 = arith.constant 25 : i32
      %scan3A_36 = arith.addi %scan3A_34, %scan3A_35 : i32
      %scan3A_37 = arith.constant 1 : i32
      scf.for %scan3A_124 = %scan3A_34 to %scan3A_36 step %scan3A_37  : i32 {
        %dma_wait3A_125 = arith.constant 0 : i32
        %dma_wait3A_126 = tpu.memref_slice %arg11[%dma_wait3A_125] : memref<2000xi32, #tpu.memory_space<vmem>> -> memref<80xi32, #tpu.memory_space<vmem>>
        %dma_wait3A_127 = arith.constant 0 : i32
        %dma_wait3A_128 = tpu.memref_slice %arg5[%dma_wait3A_127] : memref<10000xi32, #tpu.memory_space<hbm>> -> memref<80xi32, #tpu.memory_space<hbm>>
        %dma_wait3A_129 = arith.constant 0 : i32
        %dma_wait3A_130 = tpu.memref_slice %arg11[%dma_wait3A_129] : memref<2000xi32, #tpu.memory_space<vmem>> -> memref<80xi32, #tpu.memory_space<vmem>>
        %dma_wait3A_131 = arith.constant 0 : i32
        %dma_wait3A_132 = tpu.memref_slice %arg5[%dma_wait3A_131] : memref<10000xi32, #tpu.memory_space<hbm>> -> memref<80xi32, #tpu.memory_space<hbm>>
        tpu.wait_dma2 semaphore(%arg20 : memref<!tpu.dma_semaphore, #tpu.memory_space<semaphore_mem>>) src(%dma_wait3A_132 : memref<80xi32, #tpu.memory_space<hbm>>) dst(%dma_wait3A_130 : memref<80xi32, #tpu.memory_space<vmem>>)
      }
      %scan3A_38 = arith.constant 25 : i32
      %scan3A_39 = arith.constant 0 : i32
      %scan3A_40 = arith.constant 0 : i32
      %scan3A_41 = arith.constant 125 : i32
      %scan3A_42 = arith.addi %scan3A_40, %scan3A_41 : i32
      %scan3A_43 = arith.constant 1 : i32
      scf.for %scan3A_124 = %scan3A_40 to %scan3A_42 step %scan3A_43  : i32 {
        %mul3A_125 = arith.constant 16 : i32
        %mul3A_126 = arith.muli %scan3A_124, %mul3A_125 : i32
        %get3A = arith.index_cast %mul3A_126 : i32 to index
        %get3A_127 = tpu.vector_load %arg11[%get3A] {strides = array<i32>} : memref<2000xi32, #tpu.memory_space<vmem>>, vector<16xi32>,
        %get3A_128 = vector.shape_cast %get3A_127 : vector<16xi32> to vector<16xi32>
        %mul3A_129 = arith.constant 10000 : i32
        %mul3A_130 = vector.broadcast %mul3A_129 : i32 to vector<16xi32>
        %mul3A_131 = arith.muli %get3A_128, %mul3A_130 : vector<16xi32>
        %get3A_132 = arith.index_cast %mul3A_126 : i32 to index
        %get3A_133 = tpu.vector_load %arg9[%get3A_132] {strides = array<i32>} : memref<2000xi32, #tpu.memory_space<vmem>>, vector<16xi32>,
        %get3A_134 = vector.shape_cast %get3A_133 : vector<16xi32> to vector<16xi32>
        %add3A_135 = arith.addi %mul3A_131, %get3A_134 : vector<16xi32>
        %swap3A = arith.index_cast %mul3A_126 : i32 to index
        %swap3A_136 = tpu.vector_load %arg9[%swap3A] {strides = array<i32>} : memref<2000xi32, #tpu.memory_space<vmem>>, vector<16xi32>,
        %swap3A_137 = vector.shape_cast %swap3A_136 : vector<16xi32> to vector<16xi32>
        %swap3A_138 = vector.shape_cast %add3A_135 : vector<16xi32> to vector<16xi32>
        tpu.vector_store %arg9[%swap3A], %swap3A_138 {strides = array<i32>} : memref<2000xi32, #tpu.memory_space<vmem>>, vector<16xi32>,
      }
      %scan3A_44 = arith.constant 125 : i32
      %dma_start3A = arith.constant 0 : i32
      %dma_start3A_45 = arith.constant 0 : i32
      %dma_start3A_46 = arith.constant 0 : i32
      %dma_start3A_47 = tpu.memref_slice %arg12[%dma_start3A, %dma_start3A_45, %dma_start3A_46] : memref<3x80x128xf32, #tpu.memory_space<vmem>> -> memref<1x80x128xf32, #tpu.memory_space<vmem>>
      %dma_start3A_48 = tpu.memref_squeeze %dma_start3A_47 : memref<1x80x128xf32, #tpu.memory_space<vmem>> -> memref<80x128xf32, #tpu.memory_space<vmem>>
      %dma_start3A_49 = arith.constant 0 : i32
      %dma_start3A_50 = tpu.memref_slice %arg9[%dma_start3A_49] : memref<2000xi32, #tpu.memory_space<vmem>> -> memref<80xi32, #tpu.memory_space<vmem>>
      %dma_start3A_51 = arith.constant 0 : i32
      %dma_start3A_52 = arith.constant 0 : i32
      %dma_start3A_53 = tpu.memref_slice %arg2[%dma_start3A_51, %dma_start3A_52] : memref<80000x128xf32, #tpu.memory_space<hbm>> -> memref<80000x128xf32, #tpu.memory_space<hbm>>
      tpu.enqueue_indirect_dma source(%dma_start3A_53 : memref<80000x128xf32, #tpu.memory_space<hbm>>) target(%dma_start3A_48 : memref<80x128xf32, #tpu.memory_space<vmem>>) offsets(%dma_start3A_50 : memref<80xi32, #tpu.memory_space<vmem>>) semaphore(%arg14 : memref<!tpu.dma_semaphore, #tpu.memory_space<semaphore_mem>>)
      %dma_start3A_54 = arith.constant 1 : i32
      %dma_start3A_55 = arith.constant 0 : i32
      %dma_start3A_56 = arith.constant 0 : i32
      %dma_start3A_57 = tpu.memref_slice %arg12[%dma_start3A_54, %dma_start3A_55, %dma_start3A_56] : memref<3x80x128xf32, #tpu.memory_space<vmem>> -> memref<1x80x128xf32, #tpu.memory_space<vmem>>
      %dma_start3A_58 = tpu.memref_squeeze %dma_start3A_57 : memref<1x80x128xf32, #tpu.memory_space<vmem>> -> memref<80x128xf32, #tpu.memory_space<vmem>>
      %dma_start3A_59 = arith.constant 80 : i32
      %dma_start3A_60 = tpu.memref_slice %arg9[%dma_start3A_59] : memref<2000xi32, #tpu.memory_space<vmem>> -> memref<80xi32, #tpu.memory_space<vmem>>
      %dma_start3A_61 = arith.constant 0 : i32
      %dma_start3A_62 = arith.constant 0 : i32
      %dma_start3A_63 = tpu.memref_slice %arg2[%dma_start3A_61, %dma_start3A_62] : memref<80000x128xf32, #tpu.memory_space<hbm>> -> memref<80000x128xf32, #tpu.memory_space<hbm>>
      tpu.enqueue_indirect_dma source(%dma_start3A_63 : memref<80000x128xf32, #tpu.memory_space<hbm>>) target(%dma_start3A_58 : memref<80x128xf32, #tpu.memory_space<vmem>>) offsets(%dma_start3A_60 : memref<80xi32, #tpu.memory_space<vmem>>) semaphore(%arg15 : memref<!tpu.dma_semaphore, #tpu.memory_space<semaphore_mem>>)
      %dma_start3A_64 = arith.constant 2 : i32
      %dma_start3A_65 = arith.constant 0 : i32
      %dma_start3A_66 = arith.constant 0 : i32
      %dma_start3A_67 = tpu.memref_slice %arg12[%dma_start3A_64, %dma_start3A_65, %dma_start3A_66] : memref<3x80x128xf32, #tpu.memory_space<vmem>> -> memref<1x80x128xf32, #tpu.memory_space<vmem>>
      %dma_start3A_68 = tpu.memref_squeeze %dma_start3A_67 : memref<1x80x128xf32, #tpu.memory_space<vmem>> -> memref<80x128xf32, #tpu.memory_space<vmem>>
      %dma_start3A_69 = arith.constant 160 : i32
      %dma_start3A_70 = tpu.memref_slice %arg9[%dma_start3A_69] : memref<2000xi32, #tpu.memory_space<vmem>> -> memref<80xi32, #tpu.memory_space<vmem>>
      %dma_start3A_71 = arith.constant 0 : i32
      %dma_start3A_72 = arith.constant 0 : i32
      %dma_start3A_73 = tpu.memref_slice %arg2[%dma_start3A_71, %dma_start3A_72] : memref<80000x128xf32, #tpu.memory_space<hbm>> -> memref<80000x128xf32, #tpu.memory_space<hbm>>
      tpu.enqueue_indirect_dma source(%dma_start3A_73 : memref<80000x128xf32, #tpu.memory_space<hbm>>) target(%dma_start3A_68 : memref<80x128xf32, #tpu.memory_space<vmem>>) offsets(%dma_start3A_70 : memref<80xi32, #tpu.memory_space<vmem>>) semaphore(%arg16 : memref<!tpu.dma_semaphore, #tpu.memory_space<semaphore_mem>>)
      %scan3A_74 = arith.constant 0 : i32
      %scan3A_75 = arith.constant 0 : i32
      %scan3A_76 = arith.constant 9 : i32
      %scan3A_77 = arith.addi %scan3A_75, %scan3A_76 : i32
      %scan3A_78 = arith.constant 1 : i32
      scf.for %scan3A_124 = %scan3A_75 to %scan3A_77 step %scan3A_78  : i32 {
        %mul3A_125 = arith.constant 3 : i32
        %mul3A_126 = arith.muli %scan3A_124, %mul3A_125 : i32
        %add3A_127 = arith.constant 0 : i32
        %add3A_128 = arith.addi %mul3A_126, %add3A_127 : i32
        %lt3A = arith.constant 25 : i32
        %lt3A_129 = arith.cmpi slt, %add3A_128, %lt3A : i32
        %convert_element_type3A_130 = arith.extui %lt3A_129 : i1 to i32
        %cond3A_131 = arith.constant 0 : i32
        %cond3A_132 = arith.cmpi ne, %convert_element_type3A_130, %cond3A_131 : i32
        scf.if %cond3A_132 {
          %dma_wait3A_147 = arith.constant 0 : i32
          %dma_wait3A_148 = arith.constant 0 : i32
          %dma_wait3A_149 = arith.constant 0 : i32
          %dma_wait3A_150 = tpu.memref_slice %arg12[%dma_wait3A_147, %dma_wait3A_148, %dma_wait3A_149] : memref<3x80x128xf32, #tpu.memory_space<vmem>> -> memref<1x80x128xf32, #tpu.memory_space<vmem>>
          %dma_wait3A_151 = tpu.memref_squeeze %dma_wait3A_150 : memref<1x80x128xf32, #tpu.memory_space<vmem>> -> memref<80x128xf32, #tpu.memory_space<vmem>>
          %dma_wait3A_152 = arith.constant 0 : i32
          %dma_wait3A_153 = arith.constant 0 : i32
          %dma_wait3A_154 = tpu.memref_slice %arg2[%dma_wait3A_152, %dma_wait3A_153] : memref<80000x128xf32, #tpu.memory_space<hbm>> -> memref<80x128xf32, #tpu.memory_space<hbm>>
          %dma_wait3A_155 = arith.constant 0 : i32
          %dma_wait3A_156 = arith.constant 0 : i32
          %dma_wait3A_157 = tpu.memref_slice %arg12[%dma_wait3A_147, %dma_wait3A_155, %dma_wait3A_156] : memref<3x80x128xf32, #tpu.memory_space<vmem>> -> memref<1x80x128xf32, #tpu.memory_space<vmem>>
          %dma_wait3A_158 = tpu.memref_squeeze %dma_wait3A_157 : memref<1x80x128xf32, #tpu.memory_space<vmem>> -> memref<80x128xf32, #tpu.memory_space<vmem>>
          %dma_wait3A_159 = arith.constant 0 : i32
          %dma_wait3A_160 = arith.constant 0 : i32
          %dma_wait3A_161 = tpu.memref_slice %arg2[%dma_wait3A_159, %dma_wait3A_160] : memref<80000x128xf32, #tpu.memory_space<hbm>> -> memref<80x128xf32, #tpu.memory_space<hbm>>
          tpu.wait_dma2 semaphore(%arg14 : memref<!tpu.dma_semaphore, #tpu.memory_space<semaphore_mem>>) src(%dma_wait3A_161 : memref<80x128xf32, #tpu.memory_space<hbm>>) dst(%dma_wait3A_158 : memref<80x128xf32, #tpu.memory_space<vmem>>)
          %dma_start3A_162 = arith.constant 0 : i32
          %dma_start3A_163 = arith.constant 0 : i32
          %dma_start3A_164 = arith.constant 0 : i32
          %dma_start3A_165 = tpu.memref_slice %arg12[%dma_start3A_162, %dma_start3A_163, %dma_start3A_164] : memref<3x80x128xf32, #tpu.memory_space<vmem>> -> memref<1x80x128xf32, #tpu.memory_space<vmem>>
          %dma_start3A_166 = tpu.memref_squeeze %dma_start3A_165 : memref<1x80x128xf32, #tpu.memory_space<vmem>> -> memref<80x128xf32, #tpu.memory_space<vmem>>
          %dma_start3A_167 = arith.constant 0 : i32
          %dma_start3A_168 = tpu.memref_slice %arg10[%add3A_128, %dma_start3A_167] : memref<25x80xi32, #tpu.memory_space<vmem>> -> memref<1x80xi32, #tpu.memory_space<vmem>>
          %dma_start3A_169 = tpu.memref_squeeze %dma_start3A_168 : memref<1x80xi32, #tpu.memory_space<vmem>> -> memref<80xi32, #tpu.memory_space<vmem>>
          %dma_start3A_170 = arith.constant 0 : i32
          %dma_start3A_171 = arith.constant 0 : i32
          %dma_start3A_172 = tpu.memref_slice %arg13[%dma_start3A_170, %dma_start3A_171] : memref<10240x128xf32, #tpu.memory_space<vmem_shared>> -> memref<10240x128xf32, #tpu.memory_space<vmem_shared>>
          tpu.enqueue_indirect_dma source(%dma_start3A_166 : memref<80x128xf32, #tpu.memory_space<vmem>>) target(%dma_start3A_172 : memref<10240x128xf32, #tpu.memory_space<vmem_shared>>) offsets(%dma_start3A_169 : memref<80xi32, #tpu.memory_space<vmem>>) semaphore(%arg17 : memref<!tpu.dma_semaphore, #tpu.memory_space<semaphore_mem>>) {add = true}
          %add3A_173 = arith.constant 3 : i32
          %add3A_174 = arith.addi %add3A_128, %add3A_173 : i32
          %lt3A_175 = arith.constant 25 : i32
          %lt3A_176 = arith.cmpi slt, %add3A_174, %lt3A_175 : i32
          %convert_element_type3A_177 = arith.extui %lt3A_176 : i1 to i32
          %cond3A_178 = arith.constant 0 : i32
          %cond3A_179 = arith.cmpi ne, %convert_element_type3A_177, %cond3A_178 : i32
          scf.if %cond3A_179 {
            %dma_wait3A_180 = arith.constant 0 : i32
            %dma_wait3A_181 = arith.constant 0 : i32
            %dma_wait3A_182 = arith.constant 0 : i32
            %dma_wait3A_183 = tpu.memref_slice %arg12[%dma_wait3A_180, %dma_wait3A_181, %dma_wait3A_182] : memref<3x80x128xf32, #tpu.memory_space<vmem>> -> memref<1x80x128xf32, #tpu.memory_space<vmem>>
            %dma_wait3A_184 = tpu.memref_squeeze %dma_wait3A_183 : memref<1x80x128xf32, #tpu.memory_space<vmem>> -> memref<80x128xf32, #tpu.memory_space<vmem>>
            %dma_wait3A_185 = arith.constant 0 : i32
            %dma_wait3A_186 = arith.constant 0 : i32
            %dma_wait3A_187 = tpu.memref_slice %arg2[%dma_wait3A_185, %dma_wait3A_186] : memref<80000x128xf32, #tpu.memory_space<hbm>> -> memref<80x128xf32, #tpu.memory_space<hbm>>
            %dma_wait3A_188 = arith.constant 0 : i32
            %dma_wait3A_189 = arith.constant 0 : i32
            %dma_wait3A_190 = tpu.memref_slice %arg12[%dma_wait3A_180, %dma_wait3A_188, %dma_wait3A_189] : memref<3x80x128xf32, #tpu.memory_space<vmem>> -> memref<1x80x128xf32, #tpu.memory_space<vmem>>
            %dma_wait3A_191 = tpu.memref_squeeze %dma_wait3A_190 : memref<1x80x128xf32, #tpu.memory_space<vmem>> -> memref<80x128xf32, #tpu.memory_space<vmem>>
            %dma_wait3A_192 = arith.constant 0 : i32
            %dma_wait3A_193 = arith.constant 0 : i32
            %dma_wait3A_194 = tpu.memref_slice %arg2[%dma_wait3A_192, %dma_wait3A_193] : memref<80000x128xf32, #tpu.memory_space<hbm>> -> memref<80x128xf32, #tpu.memory_space<hbm>>
            tpu.wait_dma2 semaphore(%arg17 : memref<!tpu.dma_semaphore, #tpu.memory_space<semaphore_mem>>) src(%dma_wait3A_194 : memref<80x128xf32, #tpu.memory_space<hbm>>) dst(%dma_wait3A_191 : memref<80x128xf32, #tpu.memory_space<vmem>>)
            %add3A_195 = arith.constant 3 : i32
            %add3A_196 = arith.addi %add3A_128, %add3A_195 : i32
            %mul3A_197 = arith.constant 80 : i32
            %mul3A_198 = arith.muli %add3A_196, %mul3A_197 : i32
            %dma_start3A_199 = arith.constant 0 : i32
            %dma_start3A_200 = arith.constant 0 : i32
            %dma_start3A_201 = arith.constant 0 : i32
            %dma_start3A_202 = tpu.memref_slice %arg12[%dma_start3A_199, %dma_start3A_200, %dma_start3A_201] : memref<3x80x128xf32, #tpu.memory_space<vmem>> -> memref<1x80x128xf32, #tpu.memory_space<vmem>>
            %dma_start3A_203 = tpu.memref_squeeze %dma_start3A_202 : memref<1x80x128xf32, #tpu.memory_space<vmem>> -> memref<80x128xf32, #tpu.memory_space<vmem>>
            %dma_start3A_204 = tpu.memref_slice %arg9[%mul3A_198] : memref<2000xi32, #tpu.memory_space<vmem>> -> memref<80xi32, #tpu.memory_space<vmem>>
            %dma_start3A_205 = arith.constant 0 : i32
            %dma_start3A_206 = arith.constant 0 : i32
            %dma_start3A_207 = tpu.memref_slice %arg2[%dma_start3A_205, %dma_start3A_206] : memref<80000x128xf32, #tpu.memory_space<hbm>> -> memref<80000x128xf32, #tpu.memory_space<hbm>>
            tpu.enqueue_indirect_dma source(%dma_start3A_207 : memref<80000x128xf32, #tpu.memory_space<hbm>>) target(%dma_start3A_203 : memref<80x128xf32, #tpu.memory_space<vmem>>) offsets(%dma_start3A_204 : memref<80xi32, #tpu.memory_space<vmem>>) semaphore(%arg14 : memref<!tpu.dma_semaphore, #tpu.memory_space<semaphore_mem>>)
          } else {
          }
        } else {
        }
        %add3A_133 = arith.constant 1 : i32
        %add3A_134 = arith.addi %mul3A_126, %add3A_133 : i32
        %lt3A_135 = arith.constant 25 : i32
        %lt3A_136 = arith.cmpi slt, %add3A_134, %lt3A_135 : i32
        %convert_element_type3A_137 = arith.extui %lt3A_136 : i1 to i32
        %cond3A_138 = arith.constant 0 : i32
        %cond3A_139 = arith.cmpi ne, %convert_element_type3A_137, %cond3A_138 : i32
        scf.if %cond3A_139 {
          %dma_wait3A_147 = arith.constant 1 : i32
          %dma_wait3A_148 = arith.constant 0 : i32
          %dma_wait3A_149 = arith.constant 0 : i32
          %dma_wait3A_150 = tpu.memref_slice %arg12[%dma_wait3A_147, %dma_wait3A_148, %dma_wait3A_149] : memref<3x80x128xf32, #tpu.memory_space<vmem>> -> memref<1x80x128xf32, #tpu.memory_space<vmem>>
          %dma_wait3A_151 = tpu.memref_squeeze %dma_wait3A_150 : memref<1x80x128xf32, #tpu.memory_space<vmem>> -> memref<80x128xf32, #tpu.memory_space<vmem>>
          %dma_wait3A_152 = arith.constant 0 : i32
          %dma_wait3A_153 = arith.constant 0 : i32
          %dma_wait3A_154 = tpu.memref_slice %arg2[%dma_wait3A_152, %dma_wait3A_153] : memref<80000x128xf32, #tpu.memory_space<hbm>> -> memref<80x128xf32, #tpu.memory_space<hbm>>
          %dma_wait3A_155 = arith.constant 0 : i32
          %dma_wait3A_156 = arith.constant 0 : i32
          %dma_wait3A_157 = tpu.memref_slice %arg12[%dma_wait3A_147, %dma_wait3A_155, %dma_wait3A_156] : memref<3x80x128xf32, #tpu.memory_space<vmem>> -> memref<1x80x128xf32, #tpu.memory_space<vmem>>
          %dma_wait3A_158 = tpu.memref_squeeze %dma_wait3A_157 : memref<1x80x128xf32, #tpu.memory_space<vmem>> -> memref<80x128xf32, #tpu.memory_space<vmem>>
          %dma_wait3A_159 = arith.constant 0 : i32
          %dma_wait3A_160 = arith.constant 0 : i32
          %dma_wait3A_161 = tpu.memref_slice %arg2[%dma_wait3A_159, %dma_wait3A_160] : memref<80000x128xf32, #tpu.memory_space<hbm>> -> memref<80x128xf32, #tpu.memory_space<hbm>>
          tpu.wait_dma2 semaphore(%arg15 : memref<!tpu.dma_semaphore, #tpu.memory_space<semaphore_mem>>) src(%dma_wait3A_161 : memref<80x128xf32, #tpu.memory_space<hbm>>) dst(%dma_wait3A_158 : memref<80x128xf32, #tpu.memory_space<vmem>>)
          %dma_start3A_162 = arith.constant 1 : i32
          %dma_start3A_163 = arith.constant 0 : i32
          %dma_start3A_164 = arith.constant 0 : i32
          %dma_start3A_165 = tpu.memref_slice %arg12[%dma_start3A_162, %dma_start3A_163, %dma_start3A_164] : memref<3x80x128xf32, #tpu.memory_space<vmem>> -> memref<1x80x128xf32, #tpu.memory_space<vmem>>
          %dma_start3A_166 = tpu.memref_squeeze %dma_start3A_165 : memref<1x80x128xf32, #tpu.memory_space<vmem>> -> memref<80x128xf32, #tpu.memory_space<vmem>>
          %dma_start3A_167 = arith.constant 0 : i32
          %dma_start3A_168 = tpu.memref_slice %arg10[%add3A_134, %dma_start3A_167] : memref<25x80xi32, #tpu.memory_space<vmem>> -> memref<1x80xi32, #tpu.memory_space<vmem>>
          %dma_start3A_169 = tpu.memref_squeeze %dma_start3A_168 : memref<1x80xi32, #tpu.memory_space<vmem>> -> memref<80xi32, #tpu.memory_space<vmem>>
          %dma_start3A_170 = arith.constant 0 : i32
          %dma_start3A_171 = arith.constant 0 : i32
          %dma_start3A_172 = tpu.memref_slice %arg13[%dma_start3A_170, %dma_start3A_171] : memref<10240x128xf32, #tpu.memory_space<vmem_shared>> -> memref<10240x128xf32, #tpu.memory_space<vmem_shared>>
          tpu.enqueue_indirect_dma source(%dma_start3A_166 : memref<80x128xf32, #tpu.memory_space<vmem>>) target(%dma_start3A_172 : memref<10240x128xf32, #tpu.memory_space<vmem_shared>>) offsets(%dma_start3A_169 : memref<80xi32, #tpu.memory_space<vmem>>) semaphore(%arg18 : memref<!tpu.dma_semaphore, #tpu.memory_space<semaphore_mem>>) {add = true}
          %add3A_173 = arith.constant 3 : i32
          %add3A_174 = arith.addi %add3A_134, %add3A_173 : i32
          %lt3A_175 = arith.constant 25 : i32
          %lt3A_176 = arith.cmpi slt, %add3A_174, %lt3A_175 : i32
          %convert_element_type3A_177 = arith.extui %lt3A_176 : i1 to i32
          %cond3A_178 = arith.constant 0 : i32
          %cond3A_179 = arith.cmpi ne, %convert_element_type3A_177, %cond3A_178 : i32
          scf.if %cond3A_179 {
            %dma_wait3A_180 = arith.constant 1 : i32
            %dma_wait3A_181 = arith.constant 0 : i32
            %dma_wait3A_182 = arith.constant 0 : i32
            %dma_wait3A_183 = tpu.memref_slice %arg12[%dma_wait3A_180, %dma_wait3A_181, %dma_wait3A_182] : memref<3x80x128xf32, #tpu.memory_space<vmem>> -> memref<1x80x128xf32, #tpu.memory_space<vmem>>
            %dma_wait3A_184 = tpu.memref_squeeze %dma_wait3A_183 : memref<1x80x128xf32, #tpu.memory_space<vmem>> -> memref<80x128xf32, #tpu.memory_space<vmem>>
            %dma_wait3A_185 = arith.constant 0 : i32
            %dma_wait3A_186 = arith.constant 0 : i32
            %dma_wait3A_187 = tpu.memref_slice %arg2[%dma_wait3A_185, %dma_wait3A_186] : memref<80000x128xf32, #tpu.memory_space<hbm>> -> memref<80x128xf32, #tpu.memory_space<hbm>>
            %dma_wait3A_188 = arith.constant 0 : i32
            %dma_wait3A_189 = arith.constant 0 : i32
            %dma_wait3A_190 = tpu.memref_slice %arg12[%dma_wait3A_180, %dma_wait3A_188, %dma_wait3A_189] : memref<3x80x128xf32, #tpu.memory_space<vmem>> -> memref<1x80x128xf32, #tpu.memory_space<vmem>>
            %dma_wait3A_191 = tpu.memref_squeeze %dma_wait3A_190 : memref<1x80x128xf32, #tpu.memory_space<vmem>> -> memref<80x128xf32, #tpu.memory_space<vmem>>
            %dma_wait3A_192 = arith.constant 0 : i32
            %dma_wait3A_193 = arith.constant 0 : i32
            %dma_wait3A_194 = tpu.memref_slice %arg2[%dma_wait3A_192, %dma_wait3A_193] : memref<80000x128xf32, #tpu.memory_space<hbm>> -> memref<80x128xf32, #tpu.memory_space<hbm>>
            tpu.wait_dma2 semaphore(%arg18 : memref<!tpu.dma_semaphore, #tpu.memory_space<semaphore_mem>>) src(%dma_wait3A_194 : memref<80x128xf32, #tpu.memory_space<hbm>>) dst(%dma_wait3A_191 : memref<80x128xf32, #tpu.memory_space<vmem>>)
            %add3A_195 = arith.constant 3 : i32
            %add3A_196 = arith.addi %add3A_134, %add3A_195 : i32
            %mul3A_197 = arith.constant 80 : i32
            %mul3A_198 = arith.muli %add3A_196, %mul3A_197 : i32
            %dma_start3A_199 = arith.constant 1 : i32
            %dma_start3A_200 = arith.constant 0 : i32
            %dma_start3A_201 = arith.constant 0 : i32
            %dma_start3A_202 = tpu.memref_slice %arg12[%dma_start3A_199, %dma_start3A_200, %dma_start3A_201] : memref<3x80x128xf32, #tpu.memory_space<vmem>> -> memref<1x80x128xf32, #tpu.memory_space<vmem>>
            %dma_start3A_203 = tpu.memref_squeeze %dma_start3A_202 : memref<1x80x128xf32, #tpu.memory_space<vmem>> -> memref<80x128xf32, #tpu.memory_space<vmem>>
            %dma_start3A_204 = tpu.memref_slice %arg9[%mul3A_198] : memref<2000xi32, #tpu.memory_space<vmem>> -> memref<80xi32, #tpu.memory_space<vmem>>
            %dma_start3A_205 = arith.constant 0 : i32
            %dma_start3A_206 = arith.constant 0 : i32
            %dma_start3A_207 = tpu.memref_slice %arg2[%dma_start3A_205, %dma_start3A_206] : memref<80000x128xf32, #tpu.memory_space<hbm>> -> memref<80000x128xf32, #tpu.memory_space<hbm>>
            tpu.enqueue_indirect_dma source(%dma_start3A_207 : memref<80000x128xf32, #tpu.memory_space<hbm>>) target(%dma_start3A_203 : memref<80x128xf32, #tpu.memory_space<vmem>>) offsets(%dma_start3A_204 : memref<80xi32, #tpu.memory_space<vmem>>) semaphore(%arg15 : memref<!tpu.dma_semaphore, #tpu.memory_space<semaphore_mem>>)
          } else {
          }
        } else {
        }
        %add3A_140 = arith.constant 2 : i32
        %add3A_141 = arith.addi %mul3A_126, %add3A_140 : i32
        %lt3A_142 = arith.constant 25 : i32
        %lt3A_143 = arith.cmpi slt, %add3A_141, %lt3A_142 : i32
        %convert_element_type3A_144 = arith.extui %lt3A_143 : i1 to i32
        %cond3A_145 = arith.constant 0 : i32
        %cond3A_146 = arith.cmpi ne, %convert_element_type3A_144, %cond3A_145 : i32
        scf.if %cond3A_146 {
          %dma_wait3A_147 = arith.constant 2 : i32
          %dma_wait3A_148 = arith.constant 0 : i32
          %dma_wait3A_149 = arith.constant 0 : i32
          %dma_wait3A_150 = tpu.memref_slice %arg12[%dma_wait3A_147, %dma_wait3A_148, %dma_wait3A_149] : memref<3x80x128xf32, #tpu.memory_space<vmem>> -> memref<1x80x128xf32, #tpu.memory_space<vmem>>
          %dma_wait3A_151 = tpu.memref_squeeze %dma_wait3A_150 : memref<1x80x128xf32, #tpu.memory_space<vmem>> -> memref<80x128xf32, #tpu.memory_space<vmem>>
          %dma_wait3A_152 = arith.constant 0 : i32
          %dma_wait3A_153 = arith.constant 0 : i32
          %dma_wait3A_154 = tpu.memref_slice %arg2[%dma_wait3A_152, %dma_wait3A_153] : memref<80000x128xf32, #tpu.memory_space<hbm>> -> memref<80x128xf32, #tpu.memory_space<hbm>>
          %dma_wait3A_155 = arith.constant 0 : i32
          %dma_wait3A_156 = arith.constant 0 : i32
          %dma_wait3A_157 = tpu.memref_slice %arg12[%dma_wait3A_147, %dma_wait3A_155, %dma_wait3A_156] : memref<3x80x128xf32, #tpu.memory_space<vmem>> -> memref<1x80x128xf32, #tpu.memory_space<vmem>>
          %dma_wait3A_158 = tpu.memref_squeeze %dma_wait3A_157 : memref<1x80x128xf32, #tpu.memory_space<vmem>> -> memref<80x128xf32, #tpu.memory_space<vmem>>
          %dma_wait3A_159 = arith.constant 0 : i32
          %dma_wait3A_160 = arith.constant 0 : i32
          %dma_wait3A_161 = tpu.memref_slice %arg2[%dma_wait3A_159, %dma_wait3A_160] : memref<80000x128xf32, #tpu.memory_space<hbm>> -> memref<80x128xf32, #tpu.memory_space<hbm>>
          tpu.wait_dma2 semaphore(%arg16 : memref<!tpu.dma_semaphore, #tpu.memory_space<semaphore_mem>>) src(%dma_wait3A_161 : memref<80x128xf32, #tpu.memory_space<hbm>>) dst(%dma_wait3A_158 : memref<80x128xf32, #tpu.memory_space<vmem>>)
          %dma_start3A_162 = arith.constant 2 : i32
          %dma_start3A_163 = arith.constant 0 : i32
          %dma_start3A_164 = arith.constant 0 : i32
          %dma_start3A_165 = tpu.memref_slice %arg12[%dma_start3A_162, %dma_start3A_163, %dma_start3A_164] : memref<3x80x128xf32, #tpu.memory_space<vmem>> -> memref<1x80x128xf32, #tpu.memory_space<vmem>>
          %dma_start3A_166 = tpu.memref_squeeze %dma_start3A_165 : memref<1x80x128xf32, #tpu.memory_space<vmem>> -> memref<80x128xf32, #tpu.memory_space<vmem>>
          %dma_start3A_167 = arith.constant 0 : i32
          %dma_start3A_168 = tpu.memref_slice %arg10[%add3A_141, %dma_start3A_167] : memref<25x80xi32, #tpu.memory_space<vmem>> -> memref<1x80xi32, #tpu.memory_space<vmem>>
          %dma_start3A_169 = tpu.memref_squeeze %dma_start3A_168 : memref<1x80xi32, #tpu.memory_space<vmem>> -> memref<80xi32, #tpu.memory_space<vmem>>
          %dma_start3A_170 = arith.constant 0 : i32
          %dma_start3A_171 = arith.constant 0 : i32
          %dma_start3A_172 = tpu.memref_slice %arg13[%dma_start3A_170, %dma_start3A_171] : memref<10240x128xf32, #tpu.memory_space<vmem_shared>> -> memref<10240x128xf32, #tpu.memory_space<vmem_shared>>
          tpu.enqueue_indirect_dma source(%dma_start3A_166 : memref<80x128xf32, #tpu.memory_space<vmem>>) target(%dma_start3A_172 : memref<10240x128xf32, #tpu.memory_space<vmem_shared>>) offsets(%dma_start3A_169 : memref<80xi32, #tpu.memory_space<vmem>>) semaphore(%arg19 : memref<!tpu.dma_semaphore, #tpu.memory_space<semaphore_mem>>) {add = true}
          %add3A_173 = arith.constant 3 : i32
          %add3A_174 = arith.addi %add3A_141, %add3A_173 : i32
          %lt3A_175 = arith.constant 25 : i32
          %lt3A_176 = arith.cmpi slt, %add3A_174, %lt3A_175 : i32
          %convert_element_type3A_177 = arith.extui %lt3A_176 : i1 to i32
          %cond3A_178 = arith.constant 0 : i32
          %cond3A_179 = arith.cmpi ne, %convert_element_type3A_177, %cond3A_178 : i32
          scf.if %cond3A_179 {
            %dma_wait3A_180 = arith.constant 2 : i32
            %dma_wait3A_181 = arith.constant 0 : i32
            %dma_wait3A_182 = arith.constant 0 : i32
            %dma_wait3A_183 = tpu.memref_slice %arg12[%dma_wait3A_180, %dma_wait3A_181, %dma_wait3A_182] : memref<3x80x128xf32, #tpu.memory_space<vmem>> -> memref<1x80x128xf32, #tpu.memory_space<vmem>>
            %dma_wait3A_184 = tpu.memref_squeeze %dma_wait3A_183 : memref<1x80x128xf32, #tpu.memory_space<vmem>> -> memref<80x128xf32, #tpu.memory_space<vmem>>
            %dma_wait3A_185 = arith.constant 0 : i32
            %dma_wait3A_186 = arith.constant 0 : i32
            %dma_wait3A_187 = tpu.memref_slice %arg2[%dma_wait3A_185, %dma_wait3A_186] : memref<80000x128xf32, #tpu.memory_space<hbm>> -> memref<80x128xf32, #tpu.memory_space<hbm>>
            %dma_wait3A_188 = arith.constant 0 : i32
            %dma_wait3A_189 = arith.constant 0 : i32
            %dma_wait3A_190 = tpu.memref_slice %arg12[%dma_wait3A_180, %dma_wait3A_188, %dma_wait3A_189] : memref<3x80x128xf32, #tpu.memory_space<vmem>> -> memref<1x80x128xf32, #tpu.memory_space<vmem>>
            %dma_wait3A_191 = tpu.memref_squeeze %dma_wait3A_190 : memref<1x80x128xf32, #tpu.memory_space<vmem>> -> memref<80x128xf32, #tpu.memory_space<vmem>>
            %dma_wait3A_192 = arith.constant 0 : i32
            %dma_wait3A_193 = arith.constant 0 : i32
            %dma_wait3A_194 = tpu.memref_slice %arg2[%dma_wait3A_192, %dma_wait3A_193] : memref<80000x128xf32, #tpu.memory_space<hbm>> -> memref<80x128xf32, #tpu.memory_space<hbm>>
            tpu.wait_dma2 semaphore(%arg19 : memref<!tpu.dma_semaphore, #tpu.memory_space<semaphore_mem>>) src(%dma_wait3A_194 : memref<80x128xf32, #tpu.memory_space<hbm>>) dst(%dma_wait3A_191 : memref<80x128xf32, #tpu.memory_space<vmem>>)
            %add3A_195 = arith.constant 3 : i32
            %add3A_196 = arith.addi %add3A_141, %add3A_195 : i32
            %mul3A_197 = arith.constant 80 : i32
            %mul3A_198 = arith.muli %add3A_196, %mul3A_197 : i32
            %dma_start3A_199 = arith.constant 2 : i32
            %dma_start3A_200 = arith.constant 0 : i32
            %dma_start3A_201 = arith.constant 0 : i32
            %dma_start3A_202 = tpu.memref_slice %arg12[%dma_start3A_199, %dma_start3A_200, %dma_start3A_201] : memref<3x80x128xf32, #tpu.memory_space<vmem>> -> memref<1x80x128xf32, #tpu.memory_space<vmem>>
            %dma_start3A_203 = tpu.memref_squeeze %dma_start3A_202 : memref<1x80x128xf32, #tpu.memory_space<vmem>> -> memref<80x128xf32, #tpu.memory_space<vmem>>
            %dma_start3A_204 = tpu.memref_slice %arg9[%mul3A_198] : memref<2000xi32, #tpu.memory_space<vmem>> -> memref<80xi32, #tpu.memory_space<vmem>>
            %dma_start3A_205 = arith.constant 0 : i32
            %dma_start3A_206 = arith.constant 0 : i32
            %dma_start3A_207 = tpu.memref_slice %arg2[%dma_start3A_205, %dma_start3A_206] : memref<80000x128xf32, #tpu.memory_space<hbm>> -> memref<80000x128xf32, #tpu.memory_space<hbm>>
            tpu.enqueue_indirect_dma source(%dma_start3A_207 : memref<80000x128xf32, #tpu.memory_space<hbm>>) target(%dma_start3A_203 : memref<80x128xf32, #tpu.memory_space<vmem>>) offsets(%dma_start3A_204 : memref<80xi32, #tpu.memory_space<vmem>>) semaphore(%arg16 : memref<!tpu.dma_semaphore, #tpu.memory_space<semaphore_mem>>)
          } else {
          }
        } else {
        }
      }
      %scan3A_79 = arith.constant 9 : i32
      %dma_wait3A = arith.constant 0 : i32
      %dma_wait3A_80 = arith.constant 0 : i32
      %dma_wait3A_81 = arith.constant 0 : i32
      %dma_wait3A_82 = tpu.memref_slice %arg12[%dma_wait3A, %dma_wait3A_80, %dma_wait3A_81] : memref<3x80x128xf32, #tpu.memory_space<vmem>> -> memref<1x80x128xf32, #tpu.memory_space<vmem>>
      %dma_wait3A_83 = tpu.memref_squeeze %dma_wait3A_82 : memref<1x80x128xf32, #tpu.memory_space<vmem>> -> memref<80x128xf32, #tpu.memory_space<vmem>>
      %dma_wait3A_84 = arith.constant 0 : i32
      %dma_wait3A_85 = arith.constant 0 : i32
      %dma_wait3A_86 = tpu.memref_slice %arg2[%dma_wait3A_84, %dma_wait3A_85] : memref<80000x128xf32, #tpu.memory_space<hbm>> -> memref<80x128xf32, #tpu.memory_space<hbm>>
      %dma_wait3A_87 = arith.constant 0 : i32
      %dma_wait3A_88 = arith.constant 0 : i32
      %dma_wait3A_89 = tpu.memref_slice %arg12[%dma_wait3A, %dma_wait3A_87, %dma_wait3A_88] : memref<3x80x128xf32, #tpu.memory_space<vmem>> -> memref<1x80x128xf32, #tpu.memory_space<vmem>>
      %dma_wait3A_90 = tpu.memref_squeeze %dma_wait3A_89 : memref<1x80x128xf32, #tpu.memory_space<vmem>> -> memref<80x128xf32, #tpu.memory_space<vmem>>
      %dma_wait3A_91 = arith.constant 0 : i32
      %dma_wait3A_92 = arith.constant 0 : i32
      %dma_wait3A_93 = tpu.memref_slice %arg2[%dma_wait3A_91, %dma_wait3A_92] : memref<80000x128xf32, #tpu.memory_space<hbm>> -> memref<80x128xf32, #tpu.memory_space<hbm>>
      tpu.wait_dma2 semaphore(%arg17 : memref<!tpu.dma_semaphore, #tpu.memory_space<semaphore_mem>>) src(%dma_wait3A_93 : memref<80x128xf32, #tpu.memory_space<hbm>>) dst(%dma_wait3A_90 : memref<80x128xf32, #tpu.memory_space<vmem>>)
      %dma_wait3A_94 = arith.constant 1 : i32
      %dma_wait3A_95 = arith.constant 0 : i32
      %dma_wait3A_96 = arith.constant 0 : i32
      %dma_wait3A_97 = tpu.memref_slice %arg12[%dma_wait3A_94, %dma_wait3A_95, %dma_wait3A_96] : memref<3x80x128xf32, #tpu.memory_space<vmem>> -> memref<1x80x128xf32, #tpu.memory_space<vmem>>
      %dma_wait3A_98 = tpu.memref_squeeze %dma_wait3A_97 : memref<1x80x128xf32, #tpu.memory_space<vmem>> -> memref<80x128xf32, #tpu.memory_space<vmem>>
      %dma_wait3A_99 = arith.constant 0 : i32
      %dma_wait3A_100 = arith.constant 0 : i32
      %dma_wait3A_101 = tpu.memref_slice %arg2[%dma_wait3A_99, %dma_wait3A_100] : memref<80000x128xf32, #tpu.memory_space<hbm>> -> memref<80x128xf32, #tpu.memory_space<hbm>>
      %dma_wait3A_102 = arith.constant 0 : i32
      %dma_wait3A_103 = arith.constant 0 : i32
      %dma_wait3A_104 = tpu.memref_slice %arg12[%dma_wait3A_94, %dma_wait3A_102, %dma_wait3A_103] : memref<3x80x128xf32, #tpu.memory_space<vmem>> -> memref<1x80x128xf32, #tpu.memory_space<vmem>>
      %dma_wait3A_105 = tpu.memref_squeeze %dma_wait3A_104 : memref<1x80x128xf32, #tpu.memory_space<vmem>> -> memref<80x128xf32, #tpu.memory_space<vmem>>
      %dma_wait3A_106 = arith.constant 0 : i32
      %dma_wait3A_107 = arith.constant 0 : i32
      %dma_wait3A_108 = tpu.memref_slice %arg2[%dma_wait3A_106, %dma_wait3A_107] : memref<80000x128xf32, #tpu.memory_space<hbm>> -> memref<80x128xf32, #tpu.memory_space<hbm>>
      tpu.wait_dma2 semaphore(%arg18 : memref<!tpu.dma_semaphore, #tpu.memory_space<semaphore_mem>>) src(%dma_wait3A_108 : memref<80x128xf32, #tpu.memory_space<hbm>>) dst(%dma_wait3A_105 : memref<80x128xf32, #tpu.memory_space<vmem>>)
      %dma_wait3A_109 = arith.constant 2 : i32
      %dma_wait3A_110 = arith.constant 0 : i32
      %dma_wait3A_111 = arith.constant 0 : i32
      %dma_wait3A_112 = tpu.memref_slice %arg12[%dma_wait3A_109, %dma_wait3A_110, %dma_wait3A_111] : memref<3x80x128xf32, #tpu.memory_space<vmem>> -> memref<1x80x128xf32, #tpu.memory_space<vmem>>
      %dma_wait3A_113 = tpu.memref_squeeze %dma_wait3A_112 : memref<1x80x128xf32, #tpu.memory_space<vmem>> -> memref<80x128xf32, #tpu.memory_space<vmem>>
      %dma_wait3A_114 = arith.constant 0 : i32
      %dma_wait3A_115 = arith.constant 0 : i32
      %dma_wait3A_116 = tpu.memref_slice %arg2[%dma_wait3A_114, %dma_wait3A_115] : memref<80000x128xf32, #tpu.memory_space<hbm>> -> memref<80x128xf32, #tpu.memory_space<hbm>>
      %dma_wait3A_117 = arith.constant 0 : i32
      %dma_wait3A_118 = arith.constant 0 : i32
      %dma_wait3A_119 = tpu.memref_slice %arg12[%dma_wait3A_109, %dma_wait3A_117, %dma_wait3A_118] : memref<3x80x128xf32, #tpu.memory_space<vmem>> -> memref<1x80x128xf32, #tpu.memory_space<vmem>>
      %dma_wait3A_120 = tpu.memref_squeeze %dma_wait3A_119 : memref<1x80x128xf32, #tpu.memory_space<vmem>> -> memref<80x128xf32, #tpu.memory_space<vmem>>
      %dma_wait3A_121 = arith.constant 0 : i32
      %dma_wait3A_122 = arith.constant 0 : i32
      %dma_wait3A_123 = tpu.memref_slice %arg2[%dma_wait3A_121, %dma_wait3A_122] : memref<80000x128xf32, #tpu.memory_space<hbm>> -> memref<80x128xf32, #tpu.memory_space<hbm>>
      tpu.wait_dma2 semaphore(%arg19 : memref<!tpu.dma_semaphore, #tpu.memory_space<semaphore_mem>>) src(%dma_wait3A_123 : memref<80x128xf32, #tpu.memory_space<hbm>>) dst(%dma_wait3A_120 : memref<80x128xf32, #tpu.memory_space<vmem>>)
    }
    %scan3A_12 = arith.constant 10 : i32
    %barrier3A_13 = arith.constant 0 : index
    tpu.barrier barrier_id(%barrier3A_13)
    %scan3A_14 = arith.constant 0 : i32
    %scan3A_15 = arith.constant 0 : i32
    %scan3A_16 = arith.constant 0 : i32
    %scan3A_17 = arith.constant 8 : i32
    %scan3A_18 = arith.addi %scan3A_16, %scan3A_17 : i32
    %scan3A_19 = arith.constant 1 : i32
    scf.for %scan3A_21 = %scan3A_16 to %scan3A_18 step %scan3A_19  : i32 {
      %mul3A_22 = arith.constant 80 : i32
      %mul3A_23 = arith.muli %scan3A_21, %mul3A_22 : i32
      %add3A = arith.addi %mul3A_0, %mul3A_23 : i32
      "tpu.region"() ({
        %run_scoped3A_27 = tpu.sem_alloc : memref<!tpu.dma_semaphore, #tpu.memory_space<semaphore_mem>>
        %dma_start3A = arith.constant 0 : i32
        %dma_start3A_28 = arith.constant 0 : i32
        %dma_start3A_29 = tpu.memref_slice %arg12[%scan3A_15, %dma_start3A, %dma_start3A_28] : memref<3x80x128xf32, #tpu.memory_space<vmem>> -> memref<1x80x128xf32, #tpu.memory_space<vmem>>
        %dma_start3A_30 = tpu.memref_squeeze %dma_start3A_29 : memref<1x80x128xf32, #tpu.memory_space<vmem>> -> memref<80x128xf32, #tpu.memory_space<vmem>>
        %dma_start3A_31 = arith.constant 0 : i32
        %dma_start3A_32 = tpu.memref_slice %arg13[%add3A, %dma_start3A_31] : memref<10240x128xf32, #tpu.memory_space<vmem_shared>> -> memref<80x128xf32, #tpu.memory_space<vmem_shared>>
        %dma_start3A_33 = arith.constant 0 : i32
        %dma_start3A_34 = arith.constant 0 : i32
        %dma_start3A_35 = tpu.memref_slice %arg12[%scan3A_15, %dma_start3A_33, %dma_start3A_34] : memref<3x80x128xf32, #tpu.memory_space<vmem>> -> memref<1x80x128xf32, #tpu.memory_space<vmem>>
        %dma_start3A_36 = tpu.memref_squeeze %dma_start3A_35 : memref<1x80x128xf32, #tpu.memory_space<vmem>> -> memref<80x128xf32, #tpu.memory_space<vmem>>
        %dma_start3A_37 = arith.constant 0 : i32
        %dma_start3A_38 = tpu.memref_slice %arg13[%add3A, %dma_start3A_37] : memref<10240x128xf32, #tpu.memory_space<vmem_shared>> -> memref<80x128xf32, #tpu.memory_space<vmem_shared>>
        tpu.enqueue_dma source(%dma_start3A_38 : memref<80x128xf32, #tpu.memory_space<vmem_shared>>) target(%dma_start3A_36 : memref<80x128xf32, #tpu.memory_space<vmem>>) target_semaphore(%run_scoped3A_27 : memref<!tpu.dma_semaphore, #tpu.memory_space<semaphore_mem>>)
        %dma_wait3A = arith.constant 0 : i32
        %dma_wait3A_39 = arith.constant 0 : i32
        %dma_wait3A_40 = tpu.memref_slice %arg12[%scan3A_15, %dma_wait3A, %dma_wait3A_39] : memref<3x80x128xf32, #tpu.memory_space<vmem>> -> memref<1x80x128xf32, #tpu.memory_space<vmem>>
        %dma_wait3A_41 = tpu.memref_squeeze %dma_wait3A_40 : memref<1x80x128xf32, #tpu.memory_space<vmem>> -> memref<80x128xf32, #tpu.memory_space<vmem>>
        %dma_wait3A_42 = arith.constant 0 : i32
        %dma_wait3A_43 = tpu.memref_slice %arg13[%add3A, %dma_wait3A_42] : memref<10240x128xf32, #tpu.memory_space<vmem_shared>> -> memref<80x128xf32, #tpu.memory_space<vmem_shared>>
        %dma_wait3A_44 = arith.constant 0 : i32
        %dma_wait3A_45 = arith.constant 0 : i32
        %dma_wait3A_46 = tpu.memref_slice %arg12[%scan3A_15, %dma_wait3A_44, %dma_wait3A_45] : memref<3x80x128xf32, #tpu.memory_space<vmem>> -> memref<1x80x128xf32, #tpu.memory_space<vmem>>
        %dma_wait3A_47 = tpu.memref_squeeze %dma_wait3A_46 : memref<1x80x128xf32, #tpu.memory_space<vmem>> -> memref<80x128xf32, #tpu.memory_space<vmem>>
        %dma_wait3A_48 = arith.constant 0 : i32
        %dma_wait3A_49 = tpu.memref_slice %arg13[%add3A, %dma_wait3A_48] : memref<10240x128xf32, #tpu.memory_space<vmem_shared>> -> memref<80x128xf32, #tpu.memory_space<vmem_shared>>
        tpu.wait_dma2 semaphore(%run_scoped3A_27 : memref<!tpu.dma_semaphore, #tpu.memory_space<semaphore_mem>>) src(%dma_wait3A_49 : memref<80x128xf32, #tpu.memory_space<vmem_shared>>) dst(%dma_wait3A_47 : memref<80x128xf32, #tpu.memory_space<vmem>>)
        tpu.yield
      }) : () -> ()
      %mul3A_24 = arith.constant 80 : i32
      %mul3A_25 = arith.muli %scan3A_21, %mul3A_24 : i32
      %add3A_26 = arith.addi %mul3A_0, %mul3A_25 : i32
      "tpu.region"() ({
        %run_scoped3A_27 = tpu.sem_alloc : memref<!tpu.dma_semaphore, #tpu.memory_space<semaphore_mem>>
        %dma_start3A = arith.constant 0 : i32
        %dma_start3A_28 = arith.constant 0 : i32
        %dma_start3A_29 = tpu.memref_slice %arg12[%scan3A_15, %dma_start3A, %dma_start3A_28] : memref<3x80x128xf32, #tpu.memory_space<vmem>> -> memref<1x80x128xf32, #tpu.memory_space<vmem>>
        %dma_start3A_30 = tpu.memref_squeeze %dma_start3A_29 : memref<1x80x128xf32, #tpu.memory_space<vmem>> -> memref<80x128xf32, #tpu.memory_space<vmem>>
        %dma_start3A_31 = arith.constant 0 : i32
        %dma_start3A_32 = tpu.memref_slice %arg8[%arg0, %add3A_26, %dma_start3A_31] : memref<2x10240x128xf32, #tpu.memory_space<hbm>> -> memref<1x80x128xf32, #tpu.memory_space<hbm>>
        %dma_start3A_33 = tpu.memref_squeeze %dma_start3A_32 : memref<1x80x128xf32, #tpu.memory_space<hbm>> -> memref<80x128xf32, #tpu.memory_space<hbm>>
        %dma_start3A_34 = arith.constant 0 : i32
        %dma_start3A_35 = tpu.memref_slice %arg8[%arg0, %add3A_26, %dma_start3A_34] : memref<2x10240x128xf32, #tpu.memory_space<hbm>> -> memref<1x80x128xf32, #tpu.memory_space<hbm>>
        %dma_start3A_36 = tpu.memref_squeeze %dma_start3A_35 : memref<1x80x128xf32, #tpu.memory_space<hbm>> -> memref<80x128xf32, #tpu.memory_space<hbm>>
        %dma_start3A_37 = arith.constant 0 : i32
        %dma_start3A_38 = arith.constant 0 : i32
        %dma_start3A_39 = tpu.memref_slice %arg12[%scan3A_15, %dma_start3A_37, %dma_start3A_38] : memref<3x80x128xf32, #tpu.memory_space<vmem>> -> memref<1x80x128xf32, #tpu.memory_space<vmem>>
        %dma_start3A_40 = tpu.memref_squeeze %dma_start3A_39 : memref<1x80x128xf32, #tpu.memory_space<vmem>> -> memref<80x128xf32, #tpu.memory_space<vmem>>
        tpu.enqueue_dma source(%dma_start3A_40 : memref<80x128xf32, #tpu.memory_space<vmem>>) target(%dma_start3A_36 : memref<80x128xf32, #tpu.memory_space<hbm>>) target_semaphore(%run_scoped3A_27 : memref<!tpu.dma_semaphore, #tpu.memory_space<semaphore_mem>>)
        %dma_wait3A = arith.constant 0 : i32
        %dma_wait3A_41 = arith.constant 0 : i32
        %dma_wait3A_42 = tpu.memref_slice %arg12[%scan3A_15, %dma_wait3A, %dma_wait3A_41] : memref<3x80x128xf32, #tpu.memory_space<vmem>> -> memref<1x80x128xf32, #tpu.memory_space<vmem>>
        %dma_wait3A_43 = tpu.memref_squeeze %dma_wait3A_42 : memref<1x80x128xf32, #tpu.memory_space<vmem>> -> memref<80x128xf32, #tpu.memory_space<vmem>>
        %dma_wait3A_44 = arith.constant 0 : i32
        %dma_wait3A_45 = tpu.memref_slice %arg8[%arg0, %add3A_26, %dma_wait3A_44] : memref<2x10240x128xf32, #tpu.memory_space<hbm>> -> memref<1x80x128xf32, #tpu.memory_space<hbm>>
        %dma_wait3A_46 = tpu.memref_squeeze %dma_wait3A_45 : memref<1x80x128xf32, #tpu.memory_space<hbm>> -> memref<80x128xf32, #tpu.memory_space<hbm>>
        %dma_wait3A_47 = arith.constant 0 : i32
        %dma_wait3A_48 = tpu.memref_slice %arg8[%arg0, %add3A_26, %dma_wait3A_47] : memref<2x10240x128xf32, #tpu.memory_space<hbm>> -> memref<1x80x128xf32, #tpu.memory_space<hbm>>
        %dma_wait3A_49 = tpu.memref_squeeze %dma_wait3A_48 : memref<1x80x128xf32, #tpu.memory_space<hbm>> -> memref<80x128xf32, #tpu.memory_space<hbm>>
        %dma_wait3A_50 = arith.constant 0 : i32
        %dma_wait3A_51 = arith.constant 0 : i32
        %dma_wait3A_52 = tpu.memref_slice %arg12[%scan3A_15, %dma_wait3A_50, %dma_wait3A_51] : memref<3x80x128xf32, #tpu.memory_space<vmem>> -> memref<1x80x128xf32, #tpu.memory_space<vmem>>
        %dma_wait3A_53 = tpu.memref_squeeze %dma_wait3A_52 : memref<1x80x128xf32, #tpu.memory_space<vmem>> -> memref<80x128xf32, #tpu.memory_space<vmem>>
        tpu.wait_dma2 semaphore(%run_scoped3A_27 : memref<!tpu.dma_semaphore, #tpu.memory_space<semaphore_mem>>) src(%dma_wait3A_53 : memref<80x128xf32, #tpu.memory_space<vmem>>) dst(%dma_wait3A_49 : memref<80x128xf32, #tpu.memory_space<hbm>>)
        tpu.yield
      }) : () -> ()
    }
    %scan3A_20 = arith.constant 8 : i32
    return
  }
}

module attributes {stable_mosaic.version = 14 : i64} {
  func.func @_enc_body(%arg0: i32, %arg1: memref<1000x128xf32, #tpu.memory_space<vmem>>, %arg2: memref<128x128xf32, #tpu.memory_space<vmem>>, %arg3: memref<1x128xf32, #tpu.memory_space<vmem>>, %arg4: memref<128x128xf32, #tpu.memory_space<vmem>>, %arg5: memref<1x128xf32, #tpu.memory_space<vmem>>, %arg6: memref<1000x128xf32, #tpu.memory_space<vmem>>) attributes {dimension_semantics = [#tpu.dimension_semantics<arbitrary>], iteration_bounds = array<i64: 10>, scalar_prefetch = 0 : i64, scratch_operands = 0 : i64, tpu.core_type = #tpu.core_type<tc>, window_params = [{transform_indices = @transform_0, window_bounds = array<i64: 1000, 128>}, {pipeline_mode = #tpu.pipeline_mode<synchronous>, transform_indices = @transform_1, window_bounds = array<i64: 128, 128>}, {pipeline_mode = #tpu.pipeline_mode<synchronous>, transform_indices = @transform_2, window_bounds = array<i64: 1, 128>}, {pipeline_mode = #tpu.pipeline_mode<synchronous>, transform_indices = @transform_3, window_bounds = array<i64: 128, 128>}, {pipeline_mode = #tpu.pipeline_mode<synchronous>, transform_indices = @transform_4, window_bounds = array<i64: 1, 128>}, {transform_indices = @transform_5, window_bounds = array<i64: 1000, 128>}]} {
    %get3A = arith.constant 0 : index
    %get3A_0 = arith.constant 0 : index
    %get3A_1 = vector.load %arg1[%get3A, %get3A_0] : memref<1000x128xf32, #tpu.memory_space<vmem>>, vector<1000x128xf32>
    %get3A_2 = arith.constant 0 : index
    %get3A_3 = arith.constant 0 : index
    %get3A_4 = vector.load %arg2[%get3A_2, %get3A_3] : memref<128x128xf32, #tpu.memory_space<vmem>>, vector<128x128xf32>
    %dot_general3A = arith.constant dense<0.000000e+00> : vector<1000x128xf32>
    %dot_general3A_5 = tpu.matmul %get3A_1, %get3A_4, %dot_general3A {dimension_numbers = #tpu.dot_dimension_numbers<[1], [0], [0], [1], [0, 0, 1, 1], [], []>, transpose_lhs_hint = false} : vector<1000x128xf32>, vector<128x128xf32>, vector<1000x128xf32> -> vector<1000x128xf32>
    %get3A_6 = arith.constant 0 : index
    %get3A_7 = arith.constant 0 : index
    %get3A_8 = vector.load %arg3[%get3A_6, %get3A_7] : memref<1x128xf32, #tpu.memory_space<vmem>>, vector<1x128xf32>
    %add3A = vector.broadcast %get3A_8 : vector<1x128xf32> to vector<1000x128xf32>
    %add3A_9 = arith.addf %dot_general3A_5, %add3A : vector<1000x128xf32>
    %max3A = arith.constant 0.000000e+00 : f32
    %max3A_10 = vector.broadcast %max3A : f32 to vector<1000x128xf32>
    %max3A_11 = arith.maximumf %add3A_9, %max3A_10 : vector<1000x128xf32>
    %get3A_12 = arith.constant 0 : index
    %get3A_13 = arith.constant 0 : index
    %get3A_14 = vector.load %arg4[%get3A_12, %get3A_13] : memref<128x128xf32, #tpu.memory_space<vmem>>, vector<128x128xf32>
    %dot_general3A_15 = arith.constant dense<0.000000e+00> : vector<1000x128xf32>
    %dot_general3A_16 = tpu.matmul %max3A_11, %get3A_14, %dot_general3A_15 {dimension_numbers = #tpu.dot_dimension_numbers<[1], [0], [0], [1], [0, 0, 1, 1], [], []>, transpose_lhs_hint = false} : vector<1000x128xf32>, vector<128x128xf32>, vector<1000x128xf32> -> vector<1000x128xf32>
    %get3A_17 = arith.constant 0 : index
    %get3A_18 = arith.constant 0 : index
    %get3A_19 = vector.load %arg5[%get3A_17, %get3A_18] : memref<1x128xf32, #tpu.memory_space<vmem>>, vector<1x128xf32>
    %add3A_20 = vector.broadcast %get3A_19 : vector<1x128xf32> to vector<1000x128xf32>
    %add3A_21 = arith.addf %dot_general3A_16, %add3A_20 : vector<1000x128xf32>
    %swap3A = arith.constant 0 : index
    %swap3A_22 = arith.constant 0 : index
    %swap3A_23 = vector.load %arg6[%swap3A, %swap3A_22] : memref<1000x128xf32, #tpu.memory_space<vmem>>, vector<1000x128xf32>
    tpu.vector_store %arg6[%swap3A, %swap3A_22], %add3A_21 {strides = array<i32>} : memref<1000x128xf32, #tpu.memory_space<vmem>>, vector<1000x128xf32>,
    return
  }
  func.func @transform_0(%arg0: i32) -> (i32, i32) {
    %c0_i32 = arith.constant 0 : i32
    %c0_i32_0 = arith.constant 0 : i32
    return %arg0, %c0_i32 : i32, i32
  }
  func.func @transform_1(%arg0: i32) -> (i32, i32) {
    %c0_i32 = arith.constant 0 : i32
    %c0_i32_0 = arith.constant 0 : i32
    %c0_i32_1 = arith.constant 0 : i32
    return %c0_i32, %c0_i32_0 : i32, i32
  }
  func.func @transform_2(%arg0: i32) -> (i32, i32) {
    %c0_i32 = arith.constant 0 : i32
    %c0_i32_0 = arith.constant 0 : i32
    %c0_i32_1 = arith.constant 0 : i32
    return %c0_i32, %c0_i32_0 : i32, i32
  }
  func.func @transform_3(%arg0: i32) -> (i32, i32) {
    %c0_i32 = arith.constant 0 : i32
    %c0_i32_0 = arith.constant 0 : i32
    %c0_i32_1 = arith.constant 0 : i32
    return %c0_i32, %c0_i32_0 : i32, i32
  }
  func.func @transform_4(%arg0: i32) -> (i32, i32) {
    %c0_i32 = arith.constant 0 : i32
    %c0_i32_0 = arith.constant 0 : i32
    %c0_i32_1 = arith.constant 0 : i32
    return %c0_i32, %c0_i32_0 : i32, i32
  }
  func.func @transform_5(%arg0: i32) -> (i32, i32) {
    %c0_i32 = arith.constant 0 : i32
    %c0_i32_0 = arith.constant 0 : i32
    return %arg0, %c0_i32 : i32, i32
  }
}

module attributes {stable_mosaic.version = 14 : i64} {
  func.func @_stats_body(%arg0: memref<80x128xi32, #tpu.memory_space<vmem>>, %arg1: memref<2500x128xi32, #tpu.memory_space<vmem>>, %arg2: memref<16x128xf32, #tpu.memory_space<vmem>>) attributes {dimension_semantics = [], scalar_prefetch = 0 : i64, scratch_operands = 0 : i64, tpu.core_type = #tpu.core_type<tc>} {
    %get3A = arith.constant 0 : index
    %get3A_0 = arith.constant 0 : index
    %get3A_1 = vector.load %arg0[%get3A, %get3A_0] : memref<80x128xi32, #tpu.memory_space<vmem>>, vector<80x128xi32>
    %get3A_2 = arith.constant 0 : index
    %get3A_3 = arith.constant 0 : index
    %get3A_4 = vector.load %arg1[%get3A_2, %get3A_3] : memref<2500x128xi32, #tpu.memory_space<vmem>>, vector<2500x128xi32>
    %eq3A = arith.constant 0 : i32
    %eq3A_5 = vector.broadcast %eq3A : i32 to vector<80x128xi32>
    %eq3A_6 = arith.cmpi eq, %get3A_1, %eq3A_5 : vector<80x128xi32>
    %convert_element_type3A = arith.extui %eq3A_6 : vector<80x128xi1> to vector<80x128xi32>
    %convert_element_type3A_7 = arith.sitofp %convert_element_type3A : vector<80x128xi32> to vector<80x128xf32>
    %reduce_sum3A = vector.shape_cast %convert_element_type3A_7 : vector<80x128xf32> to vector<1x80x128xf32>
    %reduce_sum3A_8 = arith.constant dense<0.000000e+00> : vector<1xf32>
    %reduce_sum3A_9 = vector.multi_reduction <add>, %reduce_sum3A, %reduce_sum3A_8 [1, 2] : vector<1x80x128xf32> to vector<1xf32>
    %reduce_sum3A_10 = vector.shape_cast %reduce_sum3A_9 : vector<1xf32> to vector<1x1x1xf32>
    %reduce_sum3A_11 = vector.extract %reduce_sum3A_10[0, 0, 0] : f32 from vector<1x1x1xf32>
    %eq3A_12 = arith.constant 1 : i32
    %eq3A_13 = vector.broadcast %eq3A_12 : i32 to vector<80x128xi32>
    %eq3A_14 = arith.cmpi eq, %get3A_1, %eq3A_13 : vector<80x128xi32>
    %convert_element_type3A_15 = arith.extui %eq3A_14 : vector<80x128xi1> to vector<80x128xi32>
    %convert_element_type3A_16 = arith.sitofp %convert_element_type3A_15 : vector<80x128xi32> to vector<80x128xf32>
    %reduce_sum3A_17 = vector.shape_cast %convert_element_type3A_16 : vector<80x128xf32> to vector<1x80x128xf32>
    %reduce_sum3A_18 = arith.constant dense<0.000000e+00> : vector<1xf32>
    %reduce_sum3A_19 = vector.multi_reduction <add>, %reduce_sum3A_17, %reduce_sum3A_18 [1, 2] : vector<1x80x128xf32> to vector<1xf32>
    %reduce_sum3A_20 = vector.shape_cast %reduce_sum3A_19 : vector<1xf32> to vector<1x1x1xf32>
    %reduce_sum3A_21 = vector.extract %reduce_sum3A_20[0, 0, 0] : f32 from vector<1x1x1xf32>
    %eq3A_22 = arith.constant 2 : i32
    %eq3A_23 = vector.broadcast %eq3A_22 : i32 to vector<80x128xi32>
    %eq3A_24 = arith.cmpi eq, %get3A_1, %eq3A_23 : vector<80x128xi32>
    %convert_element_type3A_25 = arith.extui %eq3A_24 : vector<80x128xi1> to vector<80x128xi32>
    %convert_element_type3A_26 = arith.sitofp %convert_element_type3A_25 : vector<80x128xi32> to vector<80x128xf32>
    %reduce_sum3A_27 = vector.shape_cast %convert_element_type3A_26 : vector<80x128xf32> to vector<1x80x128xf32>
    %reduce_sum3A_28 = arith.constant dense<0.000000e+00> : vector<1xf32>
    %reduce_sum3A_29 = vector.multi_reduction <add>, %reduce_sum3A_27, %reduce_sum3A_28 [1, 2] : vector<1x80x128xf32> to vector<1xf32>
    %reduce_sum3A_30 = vector.shape_cast %reduce_sum3A_29 : vector<1xf32> to vector<1x1x1xf32>
    %reduce_sum3A_31 = vector.extract %reduce_sum3A_30[0, 0, 0] : f32 from vector<1x1x1xf32>
    %eq3A_32 = arith.constant 3 : i32
    %eq3A_33 = vector.broadcast %eq3A_32 : i32 to vector<80x128xi32>
    %eq3A_34 = arith.cmpi eq, %get3A_1, %eq3A_33 : vector<80x128xi32>
    %convert_element_type3A_35 = arith.extui %eq3A_34 : vector<80x128xi1> to vector<80x128xi32>
    %convert_element_type3A_36 = arith.sitofp %convert_element_type3A_35 : vector<80x128xi32> to vector<80x128xf32>
    %reduce_sum3A_37 = vector.shape_cast %convert_element_type3A_36 : vector<80x128xf32> to vector<1x80x128xf32>
    %reduce_sum3A_38 = arith.constant dense<0.000000e+00> : vector<1xf32>
    %reduce_sum3A_39 = vector.multi_reduction <add>, %reduce_sum3A_37, %reduce_sum3A_38 [1, 2] : vector<1x80x128xf32> to vector<1xf32>
    %reduce_sum3A_40 = vector.shape_cast %reduce_sum3A_39 : vector<1xf32> to vector<1x1x1xf32>
    %reduce_sum3A_41 = vector.extract %reduce_sum3A_40[0, 0, 0] : f32 from vector<1x1x1xf32>
    %eq3A_42 = arith.constant 4 : i32
    %eq3A_43 = vector.broadcast %eq3A_42 : i32 to vector<80x128xi32>
    %eq3A_44 = arith.cmpi eq, %get3A_1, %eq3A_43 : vector<80x128xi32>
    %convert_element_type3A_45 = arith.extui %eq3A_44 : vector<80x128xi1> to vector<80x128xi32>
    %convert_element_type3A_46 = arith.sitofp %convert_element_type3A_45 : vector<80x128xi32> to vector<80x128xf32>
    %reduce_sum3A_47 = vector.shape_cast %convert_element_type3A_46 : vector<80x128xf32> to vector<1x80x128xf32>
    %reduce_sum3A_48 = arith.constant dense<0.000000e+00> : vector<1xf32>
    %reduce_sum3A_49 = vector.multi_reduction <add>, %reduce_sum3A_47, %reduce_sum3A_48 [1, 2] : vector<1x80x128xf32> to vector<1xf32>
    %reduce_sum3A_50 = vector.shape_cast %reduce_sum3A_49 : vector<1xf32> to vector<1x1x1xf32>
    %reduce_sum3A_51 = vector.extract %reduce_sum3A_50[0, 0, 0] : f32 from vector<1x1x1xf32>
    %eq3A_52 = arith.constant 5 : i32
    %eq3A_53 = vector.broadcast %eq3A_52 : i32 to vector<80x128xi32>
    %eq3A_54 = arith.cmpi eq, %get3A_1, %eq3A_53 : vector<80x128xi32>
    %convert_element_type3A_55 = arith.extui %eq3A_54 : vector<80x128xi1> to vector<80x128xi32>
    %convert_element_type3A_56 = arith.sitofp %convert_element_type3A_55 : vector<80x128xi32> to vector<80x128xf32>
    %reduce_sum3A_57 = vector.shape_cast %convert_element_type3A_56 : vector<80x128xf32> to vector<1x80x128xf32>
    %reduce_sum3A_58 = arith.constant dense<0.000000e+00> : vector<1xf32>
    %reduce_sum3A_59 = vector.multi_reduction <add>, %reduce_sum3A_57, %reduce_sum3A_58 [1, 2] : vector<1x80x128xf32> to vector<1xf32>
    %reduce_sum3A_60 = vector.shape_cast %reduce_sum3A_59 : vector<1xf32> to vector<1x1x1xf32>
    %reduce_sum3A_61 = vector.extract %reduce_sum3A_60[0, 0, 0] : f32 from vector<1x1x1xf32>
    %eq3A_62 = arith.constant 6 : i32
    %eq3A_63 = vector.broadcast %eq3A_62 : i32 to vector<80x128xi32>
    %eq3A_64 = arith.cmpi eq, %get3A_1, %eq3A_63 : vector<80x128xi32>
    %convert_element_type3A_65 = arith.extui %eq3A_64 : vector<80x128xi1> to vector<80x128xi32>
    %convert_element_type3A_66 = arith.sitofp %convert_element_type3A_65 : vector<80x128xi32> to vector<80x128xf32>
    %reduce_sum3A_67 = vector.shape_cast %convert_element_type3A_66 : vector<80x128xf32> to vector<1x80x128xf32>
    %reduce_sum3A_68 = arith.constant dense<0.000000e+00> : vector<1xf32>
    %reduce_sum3A_69 = vector.multi_reduction <add>, %reduce_sum3A_67, %reduce_sum3A_68 [1, 2] : vector<1x80x128xf32> to vector<1xf32>
    %reduce_sum3A_70 = vector.shape_cast %reduce_sum3A_69 : vector<1xf32> to vector<1x1x1xf32>
    %reduce_sum3A_71 = vector.extract %reduce_sum3A_70[0, 0, 0] : f32 from vector<1x1x1xf32>
    %eq3A_72 = arith.constant 7 : i32
    %eq3A_73 = vector.broadcast %eq3A_72 : i32 to vector<80x128xi32>
    %eq3A_74 = arith.cmpi eq, %get3A_1, %eq3A_73 : vector<80x128xi32>
    %convert_element_type3A_75 = arith.extui %eq3A_74 : vector<80x128xi1> to vector<80x128xi32>
    %convert_element_type3A_76 = arith.sitofp %convert_element_type3A_75 : vector<80x128xi32> to vector<80x128xf32>
    %reduce_sum3A_77 = vector.shape_cast %convert_element_type3A_76 : vector<80x128xf32> to vector<1x80x128xf32>
    %reduce_sum3A_78 = arith.constant dense<0.000000e+00> : vector<1xf32>
    %reduce_sum3A_79 = vector.multi_reduction <add>, %reduce_sum3A_77, %reduce_sum3A_78 [1, 2] : vector<1x80x128xf32> to vector<1xf32>
    %reduce_sum3A_80 = vector.shape_cast %reduce_sum3A_79 : vector<1xf32> to vector<1x1x1xf32>
    %reduce_sum3A_81 = vector.extract %reduce_sum3A_80[0, 0, 0] : f32 from vector<1x1x1xf32>
    %eq3A_82 = arith.constant 8 : i32
    %eq3A_83 = vector.broadcast %eq3A_82 : i32 to vector<80x128xi32>
    %eq3A_84 = arith.cmpi eq, %get3A_1, %eq3A_83 : vector<80x128xi32>
    %convert_element_type3A_85 = arith.extui %eq3A_84 : vector<80x128xi1> to vector<80x128xi32>
    %convert_element_type3A_86 = arith.sitofp %convert_element_type3A_85 : vector<80x128xi32> to vector<80x128xf32>
    %reduce_sum3A_87 = vector.shape_cast %convert_element_type3A_86 : vector<80x128xf32> to vector<1x80x128xf32>
    %reduce_sum3A_88 = arith.constant dense<0.000000e+00> : vector<1xf32>
    %reduce_sum3A_89 = vector.multi_reduction <add>, %reduce_sum3A_87, %reduce_sum3A_88 [1, 2] : vector<1x80x128xf32> to vector<1xf32>
    %reduce_sum3A_90 = vector.shape_cast %reduce_sum3A_89 : vector<1xf32> to vector<1x1x1xf32>
    %reduce_sum3A_91 = vector.extract %reduce_sum3A_90[0, 0, 0] : f32 from vector<1x1x1xf32>
    %eq3A_92 = arith.constant 9 : i32
    %eq3A_93 = vector.broadcast %eq3A_92 : i32 to vector<80x128xi32>
    %eq3A_94 = arith.cmpi eq, %get3A_1, %eq3A_93 : vector<80x128xi32>
    %convert_element_type3A_95 = arith.extui %eq3A_94 : vector<80x128xi1> to vector<80x128xi32>
    %convert_element_type3A_96 = arith.sitofp %convert_element_type3A_95 : vector<80x128xi32> to vector<80x128xf32>
    %reduce_sum3A_97 = vector.shape_cast %convert_element_type3A_96 : vector<80x128xf32> to vector<1x80x128xf32>
    %reduce_sum3A_98 = arith.constant dense<0.000000e+00> : vector<1xf32>
    %reduce_sum3A_99 = vector.multi_reduction <add>, %reduce_sum3A_97, %reduce_sum3A_98 [1, 2] : vector<1x80x128xf32> to vector<1xf32>
    %reduce_sum3A_100 = vector.shape_cast %reduce_sum3A_99 : vector<1xf32> to vector<1x1x1xf32>
    %reduce_sum3A_101 = vector.extract %reduce_sum3A_100[0, 0, 0] : f32 from vector<1x1x1xf32>
    %eq3A_102 = arith.constant 10 : i32
    %eq3A_103 = vector.broadcast %eq3A_102 : i32 to vector<80x128xi32>
    %eq3A_104 = arith.cmpi eq, %get3A_1, %eq3A_103 : vector<80x128xi32>
    %convert_element_type3A_105 = arith.extui %eq3A_104 : vector<80x128xi1> to vector<80x128xi32>
    %convert_element_type3A_106 = arith.sitofp %convert_element_type3A_105 : vector<80x128xi32> to vector<80x128xf32>
    %reduce_sum3A_107 = vector.shape_cast %convert_element_type3A_106 : vector<80x128xf32> to vector<1x80x128xf32>
    %reduce_sum3A_108 = arith.constant dense<0.000000e+00> : vector<1xf32>
    %reduce_sum3A_109 = vector.multi_reduction <add>, %reduce_sum3A_107, %reduce_sum3A_108 [1, 2] : vector<1x80x128xf32> to vector<1xf32>
    %reduce_sum3A_110 = vector.shape_cast %reduce_sum3A_109 : vector<1xf32> to vector<1x1x1xf32>
    %reduce_sum3A_111 = vector.extract %reduce_sum3A_110[0, 0, 0] : f32 from vector<1x1x1xf32>
    %eq3A_112 = arith.constant 11 : i32
    %eq3A_113 = vector.broadcast %eq3A_112 : i32 to vector<80x128xi32>
    %eq3A_114 = arith.cmpi eq, %get3A_1, %eq3A_113 : vector<80x128xi32>
    %convert_element_type3A_115 = arith.extui %eq3A_114 : vector<80x128xi1> to vector<80x128xi32>
    %convert_element_type3A_116 = arith.sitofp %convert_element_type3A_115 : vector<80x128xi32> to vector<80x128xf32>
    %reduce_sum3A_117 = vector.shape_cast %convert_element_type3A_116 : vector<80x128xf32> to vector<1x80x128xf32>
    %reduce_sum3A_118 = arith.constant dense<0.000000e+00> : vector<1xf32>
    %reduce_sum3A_119 = vector.multi_reduction <add>, %reduce_sum3A_117, %reduce_sum3A_118 [1, 2] : vector<1x80x128xf32> to vector<1xf32>
    %reduce_sum3A_120 = vector.shape_cast %reduce_sum3A_119 : vector<1xf32> to vector<1x1x1xf32>
    %reduce_sum3A_121 = vector.extract %reduce_sum3A_120[0, 0, 0] : f32 from vector<1x1x1xf32>
    %eq3A_122 = arith.constant 12 : i32
    %eq3A_123 = vector.broadcast %eq3A_122 : i32 to vector<80x128xi32>
    %eq3A_124 = arith.cmpi eq, %get3A_1, %eq3A_123 : vector<80x128xi32>
    %convert_element_type3A_125 = arith.extui %eq3A_124 : vector<80x128xi1> to vector<80x128xi32>
    %convert_element_type3A_126 = arith.sitofp %convert_element_type3A_125 : vector<80x128xi32> to vector<80x128xf32>
    %reduce_sum3A_127 = vector.shape_cast %convert_element_type3A_126 : vector<80x128xf32> to vector<1x80x128xf32>
    %reduce_sum3A_128 = arith.constant dense<0.000000e+00> : vector<1xf32>
    %reduce_sum3A_129 = vector.multi_reduction <add>, %reduce_sum3A_127, %reduce_sum3A_128 [1, 2] : vector<1x80x128xf32> to vector<1xf32>
    %reduce_sum3A_130 = vector.shape_cast %reduce_sum3A_129 : vector<1xf32> to vector<1x1x1xf32>
    %reduce_sum3A_131 = vector.extract %reduce_sum3A_130[0, 0, 0] : f32 from vector<1x1x1xf32>
    %eq3A_132 = arith.constant 13 : i32
    %eq3A_133 = vector.broadcast %eq3A_132 : i32 to vector<80x128xi32>
    %eq3A_134 = arith.cmpi eq, %get3A_1, %eq3A_133 : vector<80x128xi32>
    %convert_element_type3A_135 = arith.extui %eq3A_134 : vector<80x128xi1> to vector<80x128xi32>
    %convert_element_type3A_136 = arith.sitofp %convert_element_type3A_135 : vector<80x128xi32> to vector<80x128xf32>
    %reduce_sum3A_137 = vector.shape_cast %convert_element_type3A_136 : vector<80x128xf32> to vector<1x80x128xf32>
    %reduce_sum3A_138 = arith.constant dense<0.000000e+00> : vector<1xf32>
    %reduce_sum3A_139 = vector.multi_reduction <add>, %reduce_sum3A_137, %reduce_sum3A_138 [1, 2] : vector<1x80x128xf32> to vector<1xf32>
    %reduce_sum3A_140 = vector.shape_cast %reduce_sum3A_139 : vector<1xf32> to vector<1x1x1xf32>
    %reduce_sum3A_141 = vector.extract %reduce_sum3A_140[0, 0, 0] : f32 from vector<1x1x1xf32>
    %eq3A_142 = arith.constant 14 : i32
    %eq3A_143 = vector.broadcast %eq3A_142 : i32 to vector<80x128xi32>
    %eq3A_144 = arith.cmpi eq, %get3A_1, %eq3A_143 : vector<80x128xi32>
    %convert_element_type3A_145 = arith.extui %eq3A_144 : vector<80x128xi1> to vector<80x128xi32>
    %convert_element_type3A_146 = arith.sitofp %convert_element_type3A_145 : vector<80x128xi32> to vector<80x128xf32>
    %reduce_sum3A_147 = vector.shape_cast %convert_element_type3A_146 : vector<80x128xf32> to vector<1x80x128xf32>
    %reduce_sum3A_148 = arith.constant dense<0.000000e+00> : vector<1xf32>
    %reduce_sum3A_149 = vector.multi_reduction <add>, %reduce_sum3A_147, %reduce_sum3A_148 [1, 2] : vector<1x80x128xf32> to vector<1xf32>
    %reduce_sum3A_150 = vector.shape_cast %reduce_sum3A_149 : vector<1xf32> to vector<1x1x1xf32>
    %reduce_sum3A_151 = vector.extract %reduce_sum3A_150[0, 0, 0] : f32 from vector<1x1x1xf32>
    %eq3A_152 = arith.constant 15 : i32
    %eq3A_153 = vector.broadcast %eq3A_152 : i32 to vector<80x128xi32>
    %eq3A_154 = arith.cmpi eq, %get3A_1, %eq3A_153 : vector<80x128xi32>
    %convert_element_type3A_155 = arith.extui %eq3A_154 : vector<80x128xi1> to vector<80x128xi32>
    %convert_element_type3A_156 = arith.sitofp %convert_element_type3A_155 : vector<80x128xi32> to vector<80x128xf32>
    %reduce_sum3A_157 = vector.shape_cast %convert_element_type3A_156 : vector<80x128xf32> to vector<1x80x128xf32>
    %reduce_sum3A_158 = arith.constant dense<0.000000e+00> : vector<1xf32>
    %reduce_sum3A_159 = vector.multi_reduction <add>, %reduce_sum3A_157, %reduce_sum3A_158 [1, 2] : vector<1x80x128xf32> to vector<1xf32>
    %reduce_sum3A_160 = vector.shape_cast %reduce_sum3A_159 : vector<1xf32> to vector<1x1x1xf32>
    %reduce_sum3A_161 = vector.extract %reduce_sum3A_160[0, 0, 0] : f32 from vector<1x1x1xf32>
    %lt3A = arith.constant 0 : i32
    %lt3A_162 = vector.broadcast %lt3A : i32 to vector<80x128xi32>
    %lt3A_163 = arith.cmpi slt, %get3A_1, %lt3A_162 : vector<80x128xi32>
    %convert_element_type3A_164 = arith.extui %lt3A_163 : vector<80x128xi1> to vector<80x128xi32>
    %reduce_sum3A_165 = vector.shape_cast %convert_element_type3A_164 : vector<80x128xi32> to vector<1x80x128xi32>
    %reduce_sum3A_166 = arith.constant dense<0> : vector<1xi32>
    %reduce_sum3A_167 = vector.multi_reduction <add>, %reduce_sum3A_165, %reduce_sum3A_166 [1, 2] : vector<1x80x128xi32> to vector<1xi32>
    %reduce_sum3A_168 = vector.shape_cast %reduce_sum3A_167 : vector<1xi32> to vector<1x1x1xi32>
    %reduce_sum3A_169 = vector.extract %reduce_sum3A_168[0, 0, 0] : i32 from vector<1x1x1xi32>
    %sub3A = arith.constant 240 : i32
    %sub3A_170 = arith.subi %reduce_sum3A_169, %sub3A : i32
    %lt3A_171 = arith.constant 1 : i32
    %lt3A_172 = vector.broadcast %lt3A_171 : i32 to vector<80x128xi32>
    %lt3A_173 = arith.cmpi slt, %get3A_1, %lt3A_172 : vector<80x128xi32>
    %convert_element_type3A_174 = arith.extui %lt3A_173 : vector<80x128xi1> to vector<80x128xi32>
    %reduce_sum3A_175 = vector.shape_cast %convert_element_type3A_174 : vector<80x128xi32> to vector<1x80x128xi32>
    %reduce_sum3A_176 = arith.constant dense<0> : vector<1xi32>
    %reduce_sum3A_177 = vector.multi_reduction <add>, %reduce_sum3A_175, %reduce_sum3A_176 [1, 2] : vector<1x80x128xi32> to vector<1xi32>
    %reduce_sum3A_178 = vector.shape_cast %reduce_sum3A_177 : vector<1xi32> to vector<1x1x1xi32>
    %reduce_sum3A_179 = vector.extract %reduce_sum3A_178[0, 0, 0] : i32 from vector<1x1x1xi32>
    %sub3A_180 = arith.constant 240 : i32
    %sub3A_181 = arith.subi %reduce_sum3A_179, %sub3A_180 : i32
    %lt3A_182 = arith.constant 2 : i32
    %lt3A_183 = vector.broadcast %lt3A_182 : i32 to vector<80x128xi32>
    %lt3A_184 = arith.cmpi slt, %get3A_1, %lt3A_183 : vector<80x128xi32>
    %convert_element_type3A_185 = arith.extui %lt3A_184 : vector<80x128xi1> to vector<80x128xi32>
    %reduce_sum3A_186 = vector.shape_cast %convert_element_type3A_185 : vector<80x128xi32> to vector<1x80x128xi32>
    %reduce_sum3A_187 = arith.constant dense<0> : vector<1xi32>
    %reduce_sum3A_188 = vector.multi_reduction <add>, %reduce_sum3A_186, %reduce_sum3A_187 [1, 2] : vector<1x80x128xi32> to vector<1xi32>
    %reduce_sum3A_189 = vector.shape_cast %reduce_sum3A_188 : vector<1xi32> to vector<1x1x1xi32>
    %reduce_sum3A_190 = vector.extract %reduce_sum3A_189[0, 0, 0] : i32 from vector<1x1x1xi32>
    %sub3A_191 = arith.constant 240 : i32
    %sub3A_192 = arith.subi %reduce_sum3A_190, %sub3A_191 : i32
    %lt3A_193 = arith.constant 3 : i32
    %lt3A_194 = vector.broadcast %lt3A_193 : i32 to vector<80x128xi32>
    %lt3A_195 = arith.cmpi slt, %get3A_1, %lt3A_194 : vector<80x128xi32>
    %convert_element_type3A_196 = arith.extui %lt3A_195 : vector<80x128xi1> to vector<80x128xi32>
    %reduce_sum3A_197 = vector.shape_cast %convert_element_type3A_196 : vector<80x128xi32> to vector<1x80x128xi32>
    %reduce_sum3A_198 = arith.constant dense<0> : vector<1xi32>
    %reduce_sum3A_199 = vector.multi_reduction <add>, %reduce_sum3A_197, %reduce_sum3A_198 [1, 2] : vector<1x80x128xi32> to vector<1xi32>
    %reduce_sum3A_200 = vector.shape_cast %reduce_sum3A_199 : vector<1xi32> to vector<1x1x1xi32>
    %reduce_sum3A_201 = vector.extract %reduce_sum3A_200[0, 0, 0] : i32 from vector<1x1x1xi32>
    %sub3A_202 = arith.constant 240 : i32
    %sub3A_203 = arith.subi %reduce_sum3A_201, %sub3A_202 : i32
    %lt3A_204 = arith.constant 4 : i32
    %lt3A_205 = vector.broadcast %lt3A_204 : i32 to vector<80x128xi32>
    %lt3A_206 = arith.cmpi slt, %get3A_1, %lt3A_205 : vector<80x128xi32>
    %convert_element_type3A_207 = arith.extui %lt3A_206 : vector<80x128xi1> to vector<80x128xi32>
    %reduce_sum3A_208 = vector.shape_cast %convert_element_type3A_207 : vector<80x128xi32> to vector<1x80x128xi32>
    %reduce_sum3A_209 = arith.constant dense<0> : vector<1xi32>
    %reduce_sum3A_210 = vector.multi_reduction <add>, %reduce_sum3A_208, %reduce_sum3A_209 [1, 2] : vector<1x80x128xi32> to vector<1xi32>
    %reduce_sum3A_211 = vector.shape_cast %reduce_sum3A_210 : vector<1xi32> to vector<1x1x1xi32>
    %reduce_sum3A_212 = vector.extract %reduce_sum3A_211[0, 0, 0] : i32 from vector<1x1x1xi32>
    %sub3A_213 = arith.constant 240 : i32
    %sub3A_214 = arith.subi %reduce_sum3A_212, %sub3A_213 : i32
    %lt3A_215 = arith.constant 5 : i32
    %lt3A_216 = vector.broadcast %lt3A_215 : i32 to vector<80x128xi32>
    %lt3A_217 = arith.cmpi slt, %get3A_1, %lt3A_216 : vector<80x128xi32>
    %convert_element_type3A_218 = arith.extui %lt3A_217 : vector<80x128xi1> to vector<80x128xi32>
    %reduce_sum3A_219 = vector.shape_cast %convert_element_type3A_218 : vector<80x128xi32> to vector<1x80x128xi32>
    %reduce_sum3A_220 = arith.constant dense<0> : vector<1xi32>
    %reduce_sum3A_221 = vector.multi_reduction <add>, %reduce_sum3A_219, %reduce_sum3A_220 [1, 2] : vector<1x80x128xi32> to vector<1xi32>
    %reduce_sum3A_222 = vector.shape_cast %reduce_sum3A_221 : vector<1xi32> to vector<1x1x1xi32>
    %reduce_sum3A_223 = vector.extract %reduce_sum3A_222[0, 0, 0] : i32 from vector<1x1x1xi32>
    %sub3A_224 = arith.constant 240 : i32
    %sub3A_225 = arith.subi %reduce_sum3A_223, %sub3A_224 : i32
    %lt3A_226 = arith.constant 6 : i32
    %lt3A_227 = vector.broadcast %lt3A_226 : i32 to vector<80x128xi32>
    %lt3A_228 = arith.cmpi slt, %get3A_1, %lt3A_227 : vector<80x128xi32>
    %convert_element_type3A_229 = arith.extui %lt3A_228 : vector<80x128xi1> to vector<80x128xi32>
    %reduce_sum3A_230 = vector.shape_cast %convert_element_type3A_229 : vector<80x128xi32> to vector<1x80x128xi32>
    %reduce_sum3A_231 = arith.constant dense<0> : vector<1xi32>
    %reduce_sum3A_232 = vector.multi_reduction <add>, %reduce_sum3A_230, %reduce_sum3A_231 [1, 2] : vector<1x80x128xi32> to vector<1xi32>
    %reduce_sum3A_233 = vector.shape_cast %reduce_sum3A_232 : vector<1xi32> to vector<1x1x1xi32>
    %reduce_sum3A_234 = vector.extract %reduce_sum3A_233[0, 0, 0] : i32 from vector<1x1x1xi32>
    %sub3A_235 = arith.constant 240 : i32
    %sub3A_236 = arith.subi %reduce_sum3A_234, %sub3A_235 : i32
    %lt3A_237 = arith.constant 7 : i32
    %lt3A_238 = vector.broadcast %lt3A_237 : i32 to vector<80x128xi32>
    %lt3A_239 = arith.cmpi slt, %get3A_1, %lt3A_238 : vector<80x128xi32>
    %convert_element_type3A_240 = arith.extui %lt3A_239 : vector<80x128xi1> to vector<80x128xi32>
    %reduce_sum3A_241 = vector.shape_cast %convert_element_type3A_240 : vector<80x128xi32> to vector<1x80x128xi32>
    %reduce_sum3A_242 = arith.constant dense<0> : vector<1xi32>
    %reduce_sum3A_243 = vector.multi_reduction <add>, %reduce_sum3A_241, %reduce_sum3A_242 [1, 2] : vector<1x80x128xi32> to vector<1xi32>
    %reduce_sum3A_244 = vector.shape_cast %reduce_sum3A_243 : vector<1xi32> to vector<1x1x1xi32>
    %reduce_sum3A_245 = vector.extract %reduce_sum3A_244[0, 0, 0] : i32 from vector<1x1x1xi32>
    %sub3A_246 = arith.constant 240 : i32
    %sub3A_247 = arith.subi %reduce_sum3A_245, %sub3A_246 : i32
    %lt3A_248 = arith.constant 8 : i32
    %lt3A_249 = vector.broadcast %lt3A_248 : i32 to vector<80x128xi32>
    %lt3A_250 = arith.cmpi slt, %get3A_1, %lt3A_249 : vector<80x128xi32>
    %convert_element_type3A_251 = arith.extui %lt3A_250 : vector<80x128xi1> to vector<80x128xi32>
    %reduce_sum3A_252 = vector.shape_cast %convert_element_type3A_251 : vector<80x128xi32> to vector<1x80x128xi32>
    %reduce_sum3A_253 = arith.constant dense<0> : vector<1xi32>
    %reduce_sum3A_254 = vector.multi_reduction <add>, %reduce_sum3A_252, %reduce_sum3A_253 [1, 2] : vector<1x80x128xi32> to vector<1xi32>
    %reduce_sum3A_255 = vector.shape_cast %reduce_sum3A_254 : vector<1xi32> to vector<1x1x1xi32>
    %reduce_sum3A_256 = vector.extract %reduce_sum3A_255[0, 0, 0] : i32 from vector<1x1x1xi32>
    %sub3A_257 = arith.constant 240 : i32
    %sub3A_258 = arith.subi %reduce_sum3A_256, %sub3A_257 : i32
    %lt3A_259 = arith.constant 9 : i32
    %lt3A_260 = vector.broadcast %lt3A_259 : i32 to vector<80x128xi32>
    %lt3A_261 = arith.cmpi slt, %get3A_1, %lt3A_260 : vector<80x128xi32>
    %convert_element_type3A_262 = arith.extui %lt3A_261 : vector<80x128xi1> to vector<80x128xi32>
    %reduce_sum3A_263 = vector.shape_cast %convert_element_type3A_262 : vector<80x128xi32> to vector<1x80x128xi32>
    %reduce_sum3A_264 = arith.constant dense<0> : vector<1xi32>
    %reduce_sum3A_265 = vector.multi_reduction <add>, %reduce_sum3A_263, %reduce_sum3A_264 [1, 2] : vector<1x80x128xi32> to vector<1xi32>
    %reduce_sum3A_266 = vector.shape_cast %reduce_sum3A_265 : vector<1xi32> to vector<1x1x1xi32>
    %reduce_sum3A_267 = vector.extract %reduce_sum3A_266[0, 0, 0] : i32 from vector<1x1x1xi32>
    %sub3A_268 = arith.constant 240 : i32
    %sub3A_269 = arith.subi %reduce_sum3A_267, %sub3A_268 : i32
    %lt3A_270 = arith.constant 10 : i32
    %lt3A_271 = vector.broadcast %lt3A_270 : i32 to vector<80x128xi32>
    %lt3A_272 = arith.cmpi slt, %get3A_1, %lt3A_271 : vector<80x128xi32>
    %convert_element_type3A_273 = arith.extui %lt3A_272 : vector<80x128xi1> to vector<80x128xi32>
    %reduce_sum3A_274 = vector.shape_cast %convert_element_type3A_273 : vector<80x128xi32> to vector<1x80x128xi32>
    %reduce_sum3A_275 = arith.constant dense<0> : vector<1xi32>
    %reduce_sum3A_276 = vector.multi_reduction <add>, %reduce_sum3A_274, %reduce_sum3A_275 [1, 2] : vector<1x80x128xi32> to vector<1xi32>
    %reduce_sum3A_277 = vector.shape_cast %reduce_sum3A_276 : vector<1xi32> to vector<1x1x1xi32>
    %reduce_sum3A_278 = vector.extract %reduce_sum3A_277[0, 0, 0] : i32 from vector<1x1x1xi32>
    %sub3A_279 = arith.constant 240 : i32
    %sub3A_280 = arith.subi %reduce_sum3A_278, %sub3A_279 : i32
    %lt3A_281 = arith.constant 11 : i32
    %lt3A_282 = vector.broadcast %lt3A_281 : i32 to vector<80x128xi32>
    %lt3A_283 = arith.cmpi slt, %get3A_1, %lt3A_282 : vector<80x128xi32>
    %convert_element_type3A_284 = arith.extui %lt3A_283 : vector<80x128xi1> to vector<80x128xi32>
    %reduce_sum3A_285 = vector.shape_cast %convert_element_type3A_284 : vector<80x128xi32> to vector<1x80x128xi32>
    %reduce_sum3A_286 = arith.constant dense<0> : vector<1xi32>
    %reduce_sum3A_287 = vector.multi_reduction <add>, %reduce_sum3A_285, %reduce_sum3A_286 [1, 2] : vector<1x80x128xi32> to vector<1xi32>
    %reduce_sum3A_288 = vector.shape_cast %reduce_sum3A_287 : vector<1xi32> to vector<1x1x1xi32>
    %reduce_sum3A_289 = vector.extract %reduce_sum3A_288[0, 0, 0] : i32 from vector<1x1x1xi32>
    %sub3A_290 = arith.constant 240 : i32
    %sub3A_291 = arith.subi %reduce_sum3A_289, %sub3A_290 : i32
    %lt3A_292 = arith.constant 12 : i32
    %lt3A_293 = vector.broadcast %lt3A_292 : i32 to vector<80x128xi32>
    %lt3A_294 = arith.cmpi slt, %get3A_1, %lt3A_293 : vector<80x128xi32>
    %convert_element_type3A_295 = arith.extui %lt3A_294 : vector<80x128xi1> to vector<80x128xi32>
    %reduce_sum3A_296 = vector.shape_cast %convert_element_type3A_295 : vector<80x128xi32> to vector<1x80x128xi32>
    %reduce_sum3A_297 = arith.constant dense<0> : vector<1xi32>
    %reduce_sum3A_298 = vector.multi_reduction <add>, %reduce_sum3A_296, %reduce_sum3A_297 [1, 2] : vector<1x80x128xi32> to vector<1xi32>
    %reduce_sum3A_299 = vector.shape_cast %reduce_sum3A_298 : vector<1xi32> to vector<1x1x1xi32>
    %reduce_sum3A_300 = vector.extract %reduce_sum3A_299[0, 0, 0] : i32 from vector<1x1x1xi32>
    %sub3A_301 = arith.constant 240 : i32
    %sub3A_302 = arith.subi %reduce_sum3A_300, %sub3A_301 : i32
    %lt3A_303 = arith.constant 13 : i32
    %lt3A_304 = vector.broadcast %lt3A_303 : i32 to vector<80x128xi32>
    %lt3A_305 = arith.cmpi slt, %get3A_1, %lt3A_304 : vector<80x128xi32>
    %convert_element_type3A_306 = arith.extui %lt3A_305 : vector<80x128xi1> to vector<80x128xi32>
    %reduce_sum3A_307 = vector.shape_cast %convert_element_type3A_306 : vector<80x128xi32> to vector<1x80x128xi32>
    %reduce_sum3A_308 = arith.constant dense<0> : vector<1xi32>
    %reduce_sum3A_309 = vector.multi_reduction <add>, %reduce_sum3A_307, %reduce_sum3A_308 [1, 2] : vector<1x80x128xi32> to vector<1xi32>
    %reduce_sum3A_310 = vector.shape_cast %reduce_sum3A_309 : vector<1xi32> to vector<1x1x1xi32>
    %reduce_sum3A_311 = vector.extract %reduce_sum3A_310[0, 0, 0] : i32 from vector<1x1x1xi32>
    %sub3A_312 = arith.constant 240 : i32
    %sub3A_313 = arith.subi %reduce_sum3A_311, %sub3A_312 : i32
    %lt3A_314 = arith.constant 14 : i32
    %lt3A_315 = vector.broadcast %lt3A_314 : i32 to vector<80x128xi32>
    %lt3A_316 = arith.cmpi slt, %get3A_1, %lt3A_315 : vector<80x128xi32>
    %convert_element_type3A_317 = arith.extui %lt3A_316 : vector<80x128xi1> to vector<80x128xi32>
    %reduce_sum3A_318 = vector.shape_cast %convert_element_type3A_317 : vector<80x128xi32> to vector<1x80x128xi32>
    %reduce_sum3A_319 = arith.constant dense<0> : vector<1xi32>
    %reduce_sum3A_320 = vector.multi_reduction <add>, %reduce_sum3A_318, %reduce_sum3A_319 [1, 2] : vector<1x80x128xi32> to vector<1xi32>
    %reduce_sum3A_321 = vector.shape_cast %reduce_sum3A_320 : vector<1xi32> to vector<1x1x1xi32>
    %reduce_sum3A_322 = vector.extract %reduce_sum3A_321[0, 0, 0] : i32 from vector<1x1x1xi32>
    %sub3A_323 = arith.constant 240 : i32
    %sub3A_324 = arith.subi %reduce_sum3A_322, %sub3A_323 : i32
    %lt3A_325 = arith.constant 15 : i32
    %lt3A_326 = vector.broadcast %lt3A_325 : i32 to vector<80x128xi32>
    %lt3A_327 = arith.cmpi slt, %get3A_1, %lt3A_326 : vector<80x128xi32>
    %convert_element_type3A_328 = arith.extui %lt3A_327 : vector<80x128xi1> to vector<80x128xi32>
    %reduce_sum3A_329 = vector.shape_cast %convert_element_type3A_328 : vector<80x128xi32> to vector<1x80x128xi32>
    %reduce_sum3A_330 = arith.constant dense<0> : vector<1xi32>
    %reduce_sum3A_331 = vector.multi_reduction <add>, %reduce_sum3A_329, %reduce_sum3A_330 [1, 2] : vector<1x80x128xi32> to vector<1xi32>
    %reduce_sum3A_332 = vector.shape_cast %reduce_sum3A_331 : vector<1xi32> to vector<1x1x1xi32>
    %reduce_sum3A_333 = vector.extract %reduce_sum3A_332[0, 0, 0] : i32 from vector<1x1x1xi32>
    %sub3A_334 = arith.constant 240 : i32
    %sub3A_335 = arith.subi %reduce_sum3A_333, %sub3A_334 : i32
    %lt3A_336 = arith.constant 16 : i32
    %lt3A_337 = vector.broadcast %lt3A_336 : i32 to vector<80x128xi32>
    %lt3A_338 = arith.cmpi slt, %get3A_1, %lt3A_337 : vector<80x128xi32>
    %convert_element_type3A_339 = arith.extui %lt3A_338 : vector<80x128xi1> to vector<80x128xi32>
    %reduce_sum3A_340 = vector.shape_cast %convert_element_type3A_339 : vector<80x128xi32> to vector<1x80x128xi32>
    %reduce_sum3A_341 = arith.constant dense<0> : vector<1xi32>
    %reduce_sum3A_342 = vector.multi_reduction <add>, %reduce_sum3A_340, %reduce_sum3A_341 [1, 2] : vector<1x80x128xi32> to vector<1xi32>
    %reduce_sum3A_343 = vector.shape_cast %reduce_sum3A_342 : vector<1xi32> to vector<1x1x1xi32>
    %reduce_sum3A_344 = vector.extract %reduce_sum3A_343[0, 0, 0] : i32 from vector<1x1x1xi32>
    %sub3A_345 = arith.constant 240 : i32
    %sub3A_346 = arith.subi %reduce_sum3A_344, %sub3A_345 : i32
    %ge3A = vector.broadcast %sub3A_170 : i32 to vector<2500x128xi32>
    %ge3A_347 = arith.cmpi sge, %get3A_4, %ge3A : vector<2500x128xi32>
    %lt3A_348 = vector.broadcast %sub3A_181 : i32 to vector<2500x128xi32>
    %lt3A_349 = arith.cmpi slt, %get3A_4, %lt3A_348 : vector<2500x128xi32>
    %and3A = arith.andi %ge3A_347, %lt3A_349 : vector<2500x128xi1>
    %convert_element_type3A_350 = arith.extui %and3A : vector<2500x128xi1> to vector<2500x128xi32>
    %convert_element_type3A_351 = arith.sitofp %convert_element_type3A_350 : vector<2500x128xi32> to vector<2500x128xf32>
    %reduce_sum3A_352 = vector.shape_cast %convert_element_type3A_351 : vector<2500x128xf32> to vector<1x2500x128xf32>
    %reduce_sum3A_353 = arith.constant dense<0.000000e+00> : vector<1xf32>
    %reduce_sum3A_354 = vector.multi_reduction <add>, %reduce_sum3A_352, %reduce_sum3A_353 [1, 2] : vector<1x2500x128xf32> to vector<1xf32>
    %reduce_sum3A_355 = vector.shape_cast %reduce_sum3A_354 : vector<1xf32> to vector<1x1x1xf32>
    %reduce_sum3A_356 = vector.extract %reduce_sum3A_355[0, 0, 0] : f32 from vector<1x1x1xf32>
    %ge3A_357 = vector.broadcast %sub3A_181 : i32 to vector<2500x128xi32>
    %ge3A_358 = arith.cmpi sge, %get3A_4, %ge3A_357 : vector<2500x128xi32>
    %lt3A_359 = vector.broadcast %sub3A_192 : i32 to vector<2500x128xi32>
    %lt3A_360 = arith.cmpi slt, %get3A_4, %lt3A_359 : vector<2500x128xi32>
    %and3A_361 = arith.andi %ge3A_358, %lt3A_360 : vector<2500x128xi1>
    %convert_element_type3A_362 = arith.extui %and3A_361 : vector<2500x128xi1> to vector<2500x128xi32>
    %convert_element_type3A_363 = arith.sitofp %convert_element_type3A_362 : vector<2500x128xi32> to vector<2500x128xf32>
    %reduce_sum3A_364 = vector.shape_cast %convert_element_type3A_363 : vector<2500x128xf32> to vector<1x2500x128xf32>
    %reduce_sum3A_365 = arith.constant dense<0.000000e+00> : vector<1xf32>
    %reduce_sum3A_366 = vector.multi_reduction <add>, %reduce_sum3A_364, %reduce_sum3A_365 [1, 2] : vector<1x2500x128xf32> to vector<1xf32>
    %reduce_sum3A_367 = vector.shape_cast %reduce_sum3A_366 : vector<1xf32> to vector<1x1x1xf32>
    %reduce_sum3A_368 = vector.extract %reduce_sum3A_367[0, 0, 0] : f32 from vector<1x1x1xf32>
    %ge3A_369 = vector.broadcast %sub3A_192 : i32 to vector<2500x128xi32>
    %ge3A_370 = arith.cmpi sge, %get3A_4, %ge3A_369 : vector<2500x128xi32>
    %lt3A_371 = vector.broadcast %sub3A_203 : i32 to vector<2500x128xi32>
    %lt3A_372 = arith.cmpi slt, %get3A_4, %lt3A_371 : vector<2500x128xi32>
    %and3A_373 = arith.andi %ge3A_370, %lt3A_372 : vector<2500x128xi1>
    %convert_element_type3A_374 = arith.extui %and3A_373 : vector<2500x128xi1> to vector<2500x128xi32>
    %convert_element_type3A_375 = arith.sitofp %convert_element_type3A_374 : vector<2500x128xi32> to vector<2500x128xf32>
    %reduce_sum3A_376 = vector.shape_cast %convert_element_type3A_375 : vector<2500x128xf32> to vector<1x2500x128xf32>
    %reduce_sum3A_377 = arith.constant dense<0.000000e+00> : vector<1xf32>
    %reduce_sum3A_378 = vector.multi_reduction <add>, %reduce_sum3A_376, %reduce_sum3A_377 [1, 2] : vector<1x2500x128xf32> to vector<1xf32>
    %reduce_sum3A_379 = vector.shape_cast %reduce_sum3A_378 : vector<1xf32> to vector<1x1x1xf32>
    %reduce_sum3A_380 = vector.extract %reduce_sum3A_379[0, 0, 0] : f32 from vector<1x1x1xf32>
    %ge3A_381 = vector.broadcast %sub3A_203 : i32 to vector<2500x128xi32>
    %ge3A_382 = arith.cmpi sge, %get3A_4, %ge3A_381 : vector<2500x128xi32>
    %lt3A_383 = vector.broadcast %sub3A_214 : i32 to vector<2500x128xi32>
    %lt3A_384 = arith.cmpi slt, %get3A_4, %lt3A_383 : vector<2500x128xi32>
    %and3A_385 = arith.andi %ge3A_382, %lt3A_384 : vector<2500x128xi1>
    %convert_element_type3A_386 = arith.extui %and3A_385 : vector<2500x128xi1> to vector<2500x128xi32>
    %convert_element_type3A_387 = arith.sitofp %convert_element_type3A_386 : vector<2500x128xi32> to vector<2500x128xf32>
    %reduce_sum3A_388 = vector.shape_cast %convert_element_type3A_387 : vector<2500x128xf32> to vector<1x2500x128xf32>
    %reduce_sum3A_389 = arith.constant dense<0.000000e+00> : vector<1xf32>
    %reduce_sum3A_390 = vector.multi_reduction <add>, %reduce_sum3A_388, %reduce_sum3A_389 [1, 2] : vector<1x2500x128xf32> to vector<1xf32>
    %reduce_sum3A_391 = vector.shape_cast %reduce_sum3A_390 : vector<1xf32> to vector<1x1x1xf32>
    %reduce_sum3A_392 = vector.extract %reduce_sum3A_391[0, 0, 0] : f32 from vector<1x1x1xf32>
    %ge3A_393 = vector.broadcast %sub3A_214 : i32 to vector<2500x128xi32>
    %ge3A_394 = arith.cmpi sge, %get3A_4, %ge3A_393 : vector<2500x128xi32>
    %lt3A_395 = vector.broadcast %sub3A_225 : i32 to vector<2500x128xi32>
    %lt3A_396 = arith.cmpi slt, %get3A_4, %lt3A_395 : vector<2500x128xi32>
    %and3A_397 = arith.andi %ge3A_394, %lt3A_396 : vector<2500x128xi1>
    %convert_element_type3A_398 = arith.extui %and3A_397 : vector<2500x128xi1> to vector<2500x128xi32>
    %convert_element_type3A_399 = arith.sitofp %convert_element_type3A_398 : vector<2500x128xi32> to vector<2500x128xf32>
    %reduce_sum3A_400 = vector.shape_cast %convert_element_type3A_399 : vector<2500x128xf32> to vector<1x2500x128xf32>
    %reduce_sum3A_401 = arith.constant dense<0.000000e+00> : vector<1xf32>
    %reduce_sum3A_402 = vector.multi_reduction <add>, %reduce_sum3A_400, %reduce_sum3A_401 [1, 2] : vector<1x2500x128xf32> to vector<1xf32>
    %reduce_sum3A_403 = vector.shape_cast %reduce_sum3A_402 : vector<1xf32> to vector<1x1x1xf32>
    %reduce_sum3A_404 = vector.extract %reduce_sum3A_403[0, 0, 0] : f32 from vector<1x1x1xf32>
    %ge3A_405 = vector.broadcast %sub3A_225 : i32 to vector<2500x128xi32>
    %ge3A_406 = arith.cmpi sge, %get3A_4, %ge3A_405 : vector<2500x128xi32>
    %lt3A_407 = vector.broadcast %sub3A_236 : i32 to vector<2500x128xi32>
    %lt3A_408 = arith.cmpi slt, %get3A_4, %lt3A_407 : vector<2500x128xi32>
    %and3A_409 = arith.andi %ge3A_406, %lt3A_408 : vector<2500x128xi1>
    %convert_element_type3A_410 = arith.extui %and3A_409 : vector<2500x128xi1> to vector<2500x128xi32>
    %convert_element_type3A_411 = arith.sitofp %convert_element_type3A_410 : vector<2500x128xi32> to vector<2500x128xf32>
    %reduce_sum3A_412 = vector.shape_cast %convert_element_type3A_411 : vector<2500x128xf32> to vector<1x2500x128xf32>
    %reduce_sum3A_413 = arith.constant dense<0.000000e+00> : vector<1xf32>
    %reduce_sum3A_414 = vector.multi_reduction <add>, %reduce_sum3A_412, %reduce_sum3A_413 [1, 2] : vector<1x2500x128xf32> to vector<1xf32>
    %reduce_sum3A_415 = vector.shape_cast %reduce_sum3A_414 : vector<1xf32> to vector<1x1x1xf32>
    %reduce_sum3A_416 = vector.extract %reduce_sum3A_415[0, 0, 0] : f32 from vector<1x1x1xf32>
    %ge3A_417 = vector.broadcast %sub3A_236 : i32 to vector<2500x128xi32>
    %ge3A_418 = arith.cmpi sge, %get3A_4, %ge3A_417 : vector<2500x128xi32>
    %lt3A_419 = vector.broadcast %sub3A_247 : i32 to vector<2500x128xi32>
    %lt3A_420 = arith.cmpi slt, %get3A_4, %lt3A_419 : vector<2500x128xi32>
    %and3A_421 = arith.andi %ge3A_418, %lt3A_420 : vector<2500x128xi1>
    %convert_element_type3A_422 = arith.extui %and3A_421 : vector<2500x128xi1> to vector<2500x128xi32>
    %convert_element_type3A_423 = arith.sitofp %convert_element_type3A_422 : vector<2500x128xi32> to vector<2500x128xf32>
    %reduce_sum3A_424 = vector.shape_cast %convert_element_type3A_423 : vector<2500x128xf32> to vector<1x2500x128xf32>
    %reduce_sum3A_425 = arith.constant dense<0.000000e+00> : vector<1xf32>
    %reduce_sum3A_426 = vector.multi_reduction <add>, %reduce_sum3A_424, %reduce_sum3A_425 [1, 2] : vector<1x2500x128xf32> to vector<1xf32>
    %reduce_sum3A_427 = vector.shape_cast %reduce_sum3A_426 : vector<1xf32> to vector<1x1x1xf32>
    %reduce_sum3A_428 = vector.extract %reduce_sum3A_427[0, 0, 0] : f32 from vector<1x1x1xf32>
    %ge3A_429 = vector.broadcast %sub3A_247 : i32 to vector<2500x128xi32>
    %ge3A_430 = arith.cmpi sge, %get3A_4, %ge3A_429 : vector<2500x128xi32>
    %lt3A_431 = vector.broadcast %sub3A_258 : i32 to vector<2500x128xi32>
    %lt3A_432 = arith.cmpi slt, %get3A_4, %lt3A_431 : vector<2500x128xi32>
    %and3A_433 = arith.andi %ge3A_430, %lt3A_432 : vector<2500x128xi1>
    %convert_element_type3A_434 = arith.extui %and3A_433 : vector<2500x128xi1> to vector<2500x128xi32>
    %convert_element_type3A_435 = arith.sitofp %convert_element_type3A_434 : vector<2500x128xi32> to vector<2500x128xf32>
    %reduce_sum3A_436 = vector.shape_cast %convert_element_type3A_435 : vector<2500x128xf32> to vector<1x2500x128xf32>
    %reduce_sum3A_437 = arith.constant dense<0.000000e+00> : vector<1xf32>
    %reduce_sum3A_438 = vector.multi_reduction <add>, %reduce_sum3A_436, %reduce_sum3A_437 [1, 2] : vector<1x2500x128xf32> to vector<1xf32>
    %reduce_sum3A_439 = vector.shape_cast %reduce_sum3A_438 : vector<1xf32> to vector<1x1x1xf32>
    %reduce_sum3A_440 = vector.extract %reduce_sum3A_439[0, 0, 0] : f32 from vector<1x1x1xf32>
    %ge3A_441 = vector.broadcast %sub3A_258 : i32 to vector<2500x128xi32>
    %ge3A_442 = arith.cmpi sge, %get3A_4, %ge3A_441 : vector<2500x128xi32>
    %lt3A_443 = vector.broadcast %sub3A_269 : i32 to vector<2500x128xi32>
    %lt3A_444 = arith.cmpi slt, %get3A_4, %lt3A_443 : vector<2500x128xi32>
    %and3A_445 = arith.andi %ge3A_442, %lt3A_444 : vector<2500x128xi1>
    %convert_element_type3A_446 = arith.extui %and3A_445 : vector<2500x128xi1> to vector<2500x128xi32>
    %convert_element_type3A_447 = arith.sitofp %convert_element_type3A_446 : vector<2500x128xi32> to vector<2500x128xf32>
    %reduce_sum3A_448 = vector.shape_cast %convert_element_type3A_447 : vector<2500x128xf32> to vector<1x2500x128xf32>
    %reduce_sum3A_449 = arith.constant dense<0.000000e+00> : vector<1xf32>
    %reduce_sum3A_450 = vector.multi_reduction <add>, %reduce_sum3A_448, %reduce_sum3A_449 [1, 2] : vector<1x2500x128xf32> to vector<1xf32>
    %reduce_sum3A_451 = vector.shape_cast %reduce_sum3A_450 : vector<1xf32> to vector<1x1x1xf32>
    %reduce_sum3A_452 = vector.extract %reduce_sum3A_451[0, 0, 0] : f32 from vector<1x1x1xf32>
    %ge3A_453 = vector.broadcast %sub3A_269 : i32 to vector<2500x128xi32>
    %ge3A_454 = arith.cmpi sge, %get3A_4, %ge3A_453 : vector<2500x128xi32>
    %lt3A_455 = vector.broadcast %sub3A_280 : i32 to vector<2500x128xi32>
    %lt3A_456 = arith.cmpi slt, %get3A_4, %lt3A_455 : vector<2500x128xi32>
    %and3A_457 = arith.andi %ge3A_454, %lt3A_456 : vector<2500x128xi1>
    %convert_element_type3A_458 = arith.extui %and3A_457 : vector<2500x128xi1> to vector<2500x128xi32>
    %convert_element_type3A_459 = arith.sitofp %convert_element_type3A_458 : vector<2500x128xi32> to vector<2500x128xf32>
    %reduce_sum3A_460 = vector.shape_cast %convert_element_type3A_459 : vector<2500x128xf32> to vector<1x2500x128xf32>
    %reduce_sum3A_461 = arith.constant dense<0.000000e+00> : vector<1xf32>
    %reduce_sum3A_462 = vector.multi_reduction <add>, %reduce_sum3A_460, %reduce_sum3A_461 [1, 2] : vector<1x2500x128xf32> to vector<1xf32>
    %reduce_sum3A_463 = vector.shape_cast %reduce_sum3A_462 : vector<1xf32> to vector<1x1x1xf32>
    %reduce_sum3A_464 = vector.extract %reduce_sum3A_463[0, 0, 0] : f32 from vector<1x1x1xf32>
    %ge3A_465 = vector.broadcast %sub3A_280 : i32 to vector<2500x128xi32>
    %ge3A_466 = arith.cmpi sge, %get3A_4, %ge3A_465 : vector<2500x128xi32>
    %lt3A_467 = vector.broadcast %sub3A_291 : i32 to vector<2500x128xi32>
    %lt3A_468 = arith.cmpi slt, %get3A_4, %lt3A_467 : vector<2500x128xi32>
    %and3A_469 = arith.andi %ge3A_466, %lt3A_468 : vector<2500x128xi1>
    %convert_element_type3A_470 = arith.extui %and3A_469 : vector<2500x128xi1> to vector<2500x128xi32>
    %convert_element_type3A_471 = arith.sitofp %convert_element_type3A_470 : vector<2500x128xi32> to vector<2500x128xf32>
    %reduce_sum3A_472 = vector.shape_cast %convert_element_type3A_471 : vector<2500x128xf32> to vector<1x2500x128xf32>
    %reduce_sum3A_473 = arith.constant dense<0.000000e+00> : vector<1xf32>
    %reduce_sum3A_474 = vector.multi_reduction <add>, %reduce_sum3A_472, %reduce_sum3A_473 [1, 2] : vector<1x2500x128xf32> to vector<1xf32>
    %reduce_sum3A_475 = vector.shape_cast %reduce_sum3A_474 : vector<1xf32> to vector<1x1x1xf32>
    %reduce_sum3A_476 = vector.extract %reduce_sum3A_475[0, 0, 0] : f32 from vector<1x1x1xf32>
    %ge3A_477 = vector.broadcast %sub3A_291 : i32 to vector<2500x128xi32>
    %ge3A_478 = arith.cmpi sge, %get3A_4, %ge3A_477 : vector<2500x128xi32>
    %lt3A_479 = vector.broadcast %sub3A_302 : i32 to vector<2500x128xi32>
    %lt3A_480 = arith.cmpi slt, %get3A_4, %lt3A_479 : vector<2500x128xi32>
    %and3A_481 = arith.andi %ge3A_478, %lt3A_480 : vector<2500x128xi1>
    %convert_element_type3A_482 = arith.extui %and3A_481 : vector<2500x128xi1> to vector<2500x128xi32>
    %convert_element_type3A_483 = arith.sitofp %convert_element_type3A_482 : vector<2500x128xi32> to vector<2500x128xf32>
    %reduce_sum3A_484 = vector.shape_cast %convert_element_type3A_483 : vector<2500x128xf32> to vector<1x2500x128xf32>
    %reduce_sum3A_485 = arith.constant dense<0.000000e+00> : vector<1xf32>
    %reduce_sum3A_486 = vector.multi_reduction <add>, %reduce_sum3A_484, %reduce_sum3A_485 [1, 2] : vector<1x2500x128xf32> to vector<1xf32>
    %reduce_sum3A_487 = vector.shape_cast %reduce_sum3A_486 : vector<1xf32> to vector<1x1x1xf32>
    %reduce_sum3A_488 = vector.extract %reduce_sum3A_487[0, 0, 0] : f32 from vector<1x1x1xf32>
    %ge3A_489 = vector.broadcast %sub3A_302 : i32 to vector<2500x128xi32>
    %ge3A_490 = arith.cmpi sge, %get3A_4, %ge3A_489 : vector<2500x128xi32>
    %lt3A_491 = vector.broadcast %sub3A_313 : i32 to vector<2500x128xi32>
    %lt3A_492 = arith.cmpi slt, %get3A_4, %lt3A_491 : vector<2500x128xi32>
    %and3A_493 = arith.andi %ge3A_490, %lt3A_492 : vector<2500x128xi1>
    %convert_element_type3A_494 = arith.extui %and3A_493 : vector<2500x128xi1> to vector<2500x128xi32>
    %convert_element_type3A_495 = arith.sitofp %convert_element_type3A_494 : vector<2500x128xi32> to vector<2500x128xf32>
    %reduce_sum3A_496 = vector.shape_cast %convert_element_type3A_495 : vector<2500x128xf32> to vector<1x2500x128xf32>
    %reduce_sum3A_497 = arith.constant dense<0.000000e+00> : vector<1xf32>
    %reduce_sum3A_498 = vector.multi_reduction <add>, %reduce_sum3A_496, %reduce_sum3A_497 [1, 2] : vector<1x2500x128xf32> to vector<1xf32>
    %reduce_sum3A_499 = vector.shape_cast %reduce_sum3A_498 : vector<1xf32> to vector<1x1x1xf32>
    %reduce_sum3A_500 = vector.extract %reduce_sum3A_499[0, 0, 0] : f32 from vector<1x1x1xf32>
    %ge3A_501 = vector.broadcast %sub3A_313 : i32 to vector<2500x128xi32>
    %ge3A_502 = arith.cmpi sge, %get3A_4, %ge3A_501 : vector<2500x128xi32>
    %lt3A_503 = vector.broadcast %sub3A_324 : i32 to vector<2500x128xi32>
    %lt3A_504 = arith.cmpi slt, %get3A_4, %lt3A_503 : vector<2500x128xi32>
    %and3A_505 = arith.andi %ge3A_502, %lt3A_504 : vector<2500x128xi1>
    %convert_element_type3A_506 = arith.extui %and3A_505 : vector<2500x128xi1> to vector<2500x128xi32>
    %convert_element_type3A_507 = arith.sitofp %convert_element_type3A_506 : vector<2500x128xi32> to vector<2500x128xf32>
    %reduce_sum3A_508 = vector.shape_cast %convert_element_type3A_507 : vector<2500x128xf32> to vector<1x2500x128xf32>
    %reduce_sum3A_509 = arith.constant dense<0.000000e+00> : vector<1xf32>
    %reduce_sum3A_510 = vector.multi_reduction <add>, %reduce_sum3A_508, %reduce_sum3A_509 [1, 2] : vector<1x2500x128xf32> to vector<1xf32>
    %reduce_sum3A_511 = vector.shape_cast %reduce_sum3A_510 : vector<1xf32> to vector<1x1x1xf32>
    %reduce_sum3A_512 = vector.extract %reduce_sum3A_511[0, 0, 0] : f32 from vector<1x1x1xf32>
    %ge3A_513 = vector.broadcast %sub3A_324 : i32 to vector<2500x128xi32>
    %ge3A_514 = arith.cmpi sge, %get3A_4, %ge3A_513 : vector<2500x128xi32>
    %lt3A_515 = vector.broadcast %sub3A_335 : i32 to vector<2500x128xi32>
    %lt3A_516 = arith.cmpi slt, %get3A_4, %lt3A_515 : vector<2500x128xi32>
    %and3A_517 = arith.andi %ge3A_514, %lt3A_516 : vector<2500x128xi1>
    %convert_element_type3A_518 = arith.extui %and3A_517 : vector<2500x128xi1> to vector<2500x128xi32>
    %convert_element_type3A_519 = arith.sitofp %convert_element_type3A_518 : vector<2500x128xi32> to vector<2500x128xf32>
    %reduce_sum3A_520 = vector.shape_cast %convert_element_type3A_519 : vector<2500x128xf32> to vector<1x2500x128xf32>
    %reduce_sum3A_521 = arith.constant dense<0.000000e+00> : vector<1xf32>
    %reduce_sum3A_522 = vector.multi_reduction <add>, %reduce_sum3A_520, %reduce_sum3A_521 [1, 2] : vector<1x2500x128xf32> to vector<1xf32>
    %reduce_sum3A_523 = vector.shape_cast %reduce_sum3A_522 : vector<1xf32> to vector<1x1x1xf32>
    %reduce_sum3A_524 = vector.extract %reduce_sum3A_523[0, 0, 0] : f32 from vector<1x1x1xf32>
    %ge3A_525 = vector.broadcast %sub3A_335 : i32 to vector<2500x128xi32>
    %ge3A_526 = arith.cmpi sge, %get3A_4, %ge3A_525 : vector<2500x128xi32>
    %lt3A_527 = vector.broadcast %sub3A_346 : i32 to vector<2500x128xi32>
    %lt3A_528 = arith.cmpi slt, %get3A_4, %lt3A_527 : vector<2500x128xi32>
    %and3A_529 = arith.andi %ge3A_526, %lt3A_528 : vector<2500x128xi1>
    %convert_element_type3A_530 = arith.extui %and3A_529 : vector<2500x128xi1> to vector<2500x128xi32>
    %convert_element_type3A_531 = arith.sitofp %convert_element_type3A_530 : vector<2500x128xi32> to vector<2500x128xf32>
    %reduce_sum3A_532 = vector.shape_cast %convert_element_type3A_531 : vector<2500x128xf32> to vector<1x2500x128xf32>
    %reduce_sum3A_533 = arith.constant dense<0.000000e+00> : vector<1xf32>
    %reduce_sum3A_534 = vector.multi_reduction <add>, %reduce_sum3A_532, %reduce_sum3A_533 [1, 2] : vector<1x2500x128xf32> to vector<1xf32>
    %reduce_sum3A_535 = vector.shape_cast %reduce_sum3A_534 : vector<1xf32> to vector<1x1x1xf32>
    %reduce_sum3A_536 = vector.extract %reduce_sum3A_535[0, 0, 0] : f32 from vector<1x1x1xf32>
    %reshape3A = vector.broadcast %reduce_sum3A_11 : f32 to vector<1x1xf32>
    %reshape3A_537 = vector.broadcast %reduce_sum3A_21 : f32 to vector<1x1xf32>
    %reshape3A_538 = vector.broadcast %reduce_sum3A_31 : f32 to vector<1x1xf32>
    %reshape3A_539 = vector.broadcast %reduce_sum3A_41 : f32 to vector<1x1xf32>
    %reshape3A_540 = vector.broadcast %reduce_sum3A_51 : f32 to vector<1x1xf32>
    %reshape3A_541 = vector.broadcast %reduce_sum3A_61 : f32 to vector<1x1xf32>
    %reshape3A_542 = vector.broadcast %reduce_sum3A_71 : f32 to vector<1x1xf32>
    %reshape3A_543 = vector.broadcast %reduce_sum3A_81 : f32 to vector<1x1xf32>
    %reshape3A_544 = vector.broadcast %reduce_sum3A_91 : f32 to vector<1x1xf32>
    %reshape3A_545 = vector.broadcast %reduce_sum3A_101 : f32 to vector<1x1xf32>
    %reshape3A_546 = vector.broadcast %reduce_sum3A_111 : f32 to vector<1x1xf32>
    %reshape3A_547 = vector.broadcast %reduce_sum3A_121 : f32 to vector<1x1xf32>
    %reshape3A_548 = vector.broadcast %reduce_sum3A_131 : f32 to vector<1x1xf32>
    %reshape3A_549 = vector.broadcast %reduce_sum3A_141 : f32 to vector<1x1xf32>
    %reshape3A_550 = vector.broadcast %reduce_sum3A_151 : f32 to vector<1x1xf32>
    %reshape3A_551 = vector.broadcast %reduce_sum3A_161 : f32 to vector<1x1xf32>
    %concatenate3A = tpu.concatenate %reshape3A, %reshape3A_537, %reshape3A_538, %reshape3A_539, %reshape3A_540, %reshape3A_541, %reshape3A_542, %reshape3A_543, %reshape3A_544, %reshape3A_545, %reshape3A_546, %reshape3A_547, %reshape3A_548, %reshape3A_549, %reshape3A_550, %reshape3A_551 in 0 : vector<1x1xf32>, vector<1x1xf32>, vector<1x1xf32>, vector<1x1xf32>, vector<1x1xf32>, vector<1x1xf32>, vector<1x1xf32>, vector<1x1xf32>, vector<1x1xf32>, vector<1x1xf32>, vector<1x1xf32>, vector<1x1xf32>, vector<1x1xf32>, vector<1x1xf32>, vector<1x1xf32>, vector<1x1xf32> -> vector<16x1xf32>
    %reshape3A_552 = vector.broadcast %reduce_sum3A_356 : f32 to vector<1x1xf32>
    %reshape3A_553 = vector.broadcast %reduce_sum3A_368 : f32 to vector<1x1xf32>
    %reshape3A_554 = vector.broadcast %reduce_sum3A_380 : f32 to vector<1x1xf32>
    %reshape3A_555 = vector.broadcast %reduce_sum3A_392 : f32 to vector<1x1xf32>
    %reshape3A_556 = vector.broadcast %reduce_sum3A_404 : f32 to vector<1x1xf32>
    %reshape3A_557 = vector.broadcast %reduce_sum3A_416 : f32 to vector<1x1xf32>
    %reshape3A_558 = vector.broadcast %reduce_sum3A_428 : f32 to vector<1x1xf32>
    %reshape3A_559 = vector.broadcast %reduce_sum3A_440 : f32 to vector<1x1xf32>
    %reshape3A_560 = vector.broadcast %reduce_sum3A_452 : f32 to vector<1x1xf32>
    %reshape3A_561 = vector.broadcast %reduce_sum3A_464 : f32 to vector<1x1xf32>
    %reshape3A_562 = vector.broadcast %reduce_sum3A_476 : f32 to vector<1x1xf32>
    %reshape3A_563 = vector.broadcast %reduce_sum3A_488 : f32 to vector<1x1xf32>
    %reshape3A_564 = vector.broadcast %reduce_sum3A_500 : f32 to vector<1x1xf32>
    %reshape3A_565 = vector.broadcast %reduce_sum3A_512 : f32 to vector<1x1xf32>
    %reshape3A_566 = vector.broadcast %reduce_sum3A_524 : f32 to vector<1x1xf32>
    %reshape3A_567 = vector.broadcast %reduce_sum3A_536 : f32 to vector<1x1xf32>
    %concatenate3A_568 = tpu.concatenate %reshape3A_552, %reshape3A_553, %reshape3A_554, %reshape3A_555, %reshape3A_556, %reshape3A_557, %reshape3A_558, %reshape3A_559, %reshape3A_560, %reshape3A_561, %reshape3A_562, %reshape3A_563, %reshape3A_564, %reshape3A_565, %reshape3A_566, %reshape3A_567 in 0 : vector<1x1xf32>, vector<1x1xf32>, vector<1x1xf32>, vector<1x1xf32>, vector<1x1xf32>, vector<1x1xf32>, vector<1x1xf32>, vector<1x1xf32>, vector<1x1xf32>, vector<1x1xf32>, vector<1x1xf32>, vector<1x1xf32>, vector<1x1xf32>, vector<1x1xf32>, vector<1x1xf32>, vector<1x1xf32> -> vector<16x1xf32>
    %reduce_max3A = vector.shape_cast %get3A_1 : vector<80x128xi32> to vector<1x80x128xi32>
    %reduce_max3A_569 = arith.constant dense<-2147483648> : vector<1xi32>
    %reduce_max3A_570 = vector.multi_reduction <maxsi>, %reduce_max3A, %reduce_max3A_569 [1, 2] : vector<1x80x128xi32> to vector<1xi32>
    %reduce_max3A_571 = vector.shape_cast %reduce_max3A_570 : vector<1xi32> to vector<1x1x1xi32>
    %reduce_max3A_572 = vector.extract %reduce_max3A_571[0, 0, 0] : i32 from vector<1x1x1xi32>
    %iota3A = tpu.iota {dimensions = array<i32: 0>} : vector<16x1xi32>
    %le3A = vector.broadcast %reduce_max3A_572 : i32 to vector<16x1xi32>
    %le3A_573 = arith.cmpi sle, %iota3A, %le3A : vector<16x1xi32>
    %add3A = arith.constant 1 : i32
    %add3A_574 = arith.addi %reduce_max3A_572, %add3A : i32
    %convert_element_type3A_575 = arith.sitofp %add3A_574 : i32 to f32
    %jit3A = arith.constant 1.000000e+00 : f32
    %max3A = vector.broadcast %jit3A : f32 to vector<16x1xf32>
    %max3A_576 = arith.maximumf %max3A, %concatenate3A : vector<16x1xf32>
    %sub3A_577 = arith.constant 1.000000e+00 : f32
    %sub3A_578 = vector.broadcast %sub3A_577 : f32 to vector<16x1xf32>
    %sub3A_579 = arith.subf %max3A_576, %sub3A_578 : vector<16x1xf32>
    %mul3A = arith.mulf %max3A_576, %sub3A_579 : vector<16x1xf32>
    %jit3A_580 = arith.constant 1.000000e+00 : f32
    %max3A_581 = vector.broadcast %jit3A_580 : f32 to vector<16x1xf32>
    %max3A_582 = arith.maximumf %max3A_581, %mul3A : vector<16x1xf32>
    %div3A = arith.divf %concatenate3A_568, %max3A_582 : vector<16x1xf32>
    %log3A = math.log %max3A_576 : vector<16x1xf32>
    %jit3A_583 = arith.constant 0x7F800000 : f32
    %broadcast_in_dim3A = vector.broadcast %jit3A_583 : f32 to vector<16x1xf32>
    %select_n3A = arith.select %le3A_573, %log3A, %broadcast_in_dim3A : vector<16x1xi1>, vector<16x1xf32>
    %reduce_min3A = vector.shape_cast %select_n3A : vector<16x1xf32> to vector<1x16x1xf32>
    %reduce_min3A_584 = arith.constant dense<0x7F800000> : vector<1xf32>
    %reduce_min3A_585 = vector.multi_reduction <minimumf>, %reduce_min3A, %reduce_min3A_584 [1, 2] : vector<1x16x1xf32> to vector<1xf32>
    %reduce_min3A_586 = vector.shape_cast %reduce_min3A_585 : vector<1xf32> to vector<1x1x1xf32>
    %reduce_min3A_587 = vector.extract %reduce_min3A_586[0, 0, 0] : f32 from vector<1x1x1xf32>
    %jit3A_588 = arith.constant 0xFF800000 : f32
    %broadcast_in_dim3A_589 = vector.broadcast %jit3A_588 : f32 to vector<16x1xf32>
    %select_n3A_590 = arith.select %le3A_573, %log3A, %broadcast_in_dim3A_589 : vector<16x1xi1>, vector<16x1xf32>
    %reduce_max3A_591 = vector.shape_cast %select_n3A_590 : vector<16x1xf32> to vector<1x16x1xf32>
    %reduce_max3A_592 = arith.constant dense<0xFF800000> : vector<1xf32>
    %reduce_max3A_593 = vector.multi_reduction <maximumf>, %reduce_max3A_591, %reduce_max3A_592 [1, 2] : vector<1x16x1xf32> to vector<1xf32>
    %reduce_max3A_594 = vector.shape_cast %reduce_max3A_593 : vector<1xf32> to vector<1x1x1xf32>
    %reduce_max3A_595 = vector.extract %reduce_max3A_594[0, 0, 0] : f32 from vector<1x1x1xf32>
    %sub3A_596 = vector.broadcast %reduce_min3A_587 : f32 to vector<16x1xf32>
    %sub3A_597 = arith.subf %log3A, %sub3A_596 : vector<16x1xf32>
    %sub3A_598 = arith.subf %reduce_max3A_595, %reduce_min3A_587 : f32
    %add3A_599 = arith.constant 9.99999997E-7 : f32
    %add3A_600 = arith.addf %sub3A_598, %add3A_599 : f32
    %div3A_601 = vector.broadcast %add3A_600 : f32 to vector<16x1xf32>
    %div3A_602 = arith.divf %sub3A_597, %div3A_601 : vector<16x1xf32>
    %concatenate3A_603 = tpu.concatenate %max3A_576, %concatenate3A_568, %div3A in 1 : vector<16x1xf32>, vector<16x1xf32>, vector<16x1xf32> -> vector<16x3xf32>
    %jit3A_604 = arith.constant 0.000000e+00 : f32
    %broadcast_in_dim3A_605 = vector.shape_cast %le3A_573 : vector<16x1xi1> to vector<16x1xi1>
    %broadcast_in_dim3A_606 = vector.broadcast %broadcast_in_dim3A_605 : vector<16x1xi1> to vector<16x3xi1>
    %broadcast_in_dim3A_607 = vector.broadcast %jit3A_604 : f32 to vector<16x3xf32>
    %select_n3A_608 = arith.select %broadcast_in_dim3A_606, %concatenate3A_603, %broadcast_in_dim3A_607 : vector<16x3xi1>, vector<16x3xf32>
    %reduce_sum3A_609 = arith.constant dense<0.000000e+00> : vector<3xf32>
    %reduce_sum3A_610 = vector.multi_reduction <add>, %select_n3A_608, %reduce_sum3A_609 [0] : vector<16x3xf32> to vector<3xf32>
    %broadcast_in_dim3A_611 = vector.shape_cast %reduce_sum3A_610 : vector<3xf32> to vector<1x3xf32>
    %div3A_612 = vector.broadcast %convert_element_type3A_575 : f32 to vector<1x3xf32>
    %div3A_613 = arith.divf %broadcast_in_dim3A_611, %div3A_612 : vector<1x3xf32>
    %sub3A_614 = vector.broadcast %div3A_613 : vector<1x3xf32> to vector<16x3xf32>
    %sub3A_615 = arith.subf %concatenate3A_603, %sub3A_614 : vector<16x3xf32>
    %integer_pow3A = arith.mulf %sub3A_615, %sub3A_615 : vector<16x3xf32>
    %jit3A_616 = arith.constant 0.000000e+00 : f32
    %broadcast_in_dim3A_617 = vector.shape_cast %le3A_573 : vector<16x1xi1> to vector<16x1xi1>
    %broadcast_in_dim3A_618 = vector.broadcast %broadcast_in_dim3A_617 : vector<16x1xi1> to vector<16x3xi1>
    %broadcast_in_dim3A_619 = vector.broadcast %jit3A_616 : f32 to vector<16x3xf32>
    %select_n3A_620 = arith.select %broadcast_in_dim3A_618, %integer_pow3A, %broadcast_in_dim3A_619 : vector<16x3xi1>, vector<16x3xf32>
    %reduce_sum3A_621 = arith.constant dense<0.000000e+00> : vector<3xf32>
    %reduce_sum3A_622 = vector.multi_reduction <add>, %select_n3A_620, %reduce_sum3A_621 [0] : vector<16x3xf32> to vector<3xf32>
    %broadcast_in_dim3A_623 = vector.shape_cast %reduce_sum3A_622 : vector<3xf32> to vector<1x3xf32>
    %div3A_624 = vector.broadcast %convert_element_type3A_575 : f32 to vector<1x3xf32>
    %div3A_625 = arith.divf %broadcast_in_dim3A_623, %div3A_624 : vector<1x3xf32>
    %sub3A_626 = vector.broadcast %div3A_613 : vector<1x3xf32> to vector<16x3xf32>
    %sub3A_627 = arith.subf %concatenate3A_603, %sub3A_626 : vector<16x3xf32>
    %sqrt3A = math.sqrt %div3A_625 : vector<1x3xf32>
    %add3A_628 = arith.constant 9.99999997E-7 : f32
    %add3A_629 = vector.broadcast %add3A_628 : f32 to vector<1x3xf32>
    %add3A_630 = arith.addf %sqrt3A, %add3A_629 : vector<1x3xf32>
    %div3A_631 = vector.broadcast %add3A_630 : vector<1x3xf32> to vector<16x3xf32>
    %div3A_632 = arith.divf %sub3A_627, %div3A_631 : vector<16x3xf32>
    %broadcast_in_dim3A_633 = arith.constant 0.000000e+00 : f32
    %broadcast_in_dim3A_634 = vector.broadcast %broadcast_in_dim3A_633 : f32 to vector<16x124xf32>
    %concatenate3A_635 = tpu.concatenate %div3A_632, %div3A_602, %broadcast_in_dim3A_634 in 1 : vector<16x3xf32>, vector<16x1xf32>, vector<16x124xf32> -> vector<16x128xf32>
    %swap3A = arith.constant 0 : index
    %swap3A_636 = arith.constant 0 : index
    %swap3A_637 = vector.load %arg2[%swap3A, %swap3A_636] : memref<16x128xf32, #tpu.memory_space<vmem>>, vector<16x128xf32>
    tpu.vector_store %arg2[%swap3A, %swap3A_636], %concatenate3A_635 {strides = array<i32>} : memref<16x128xf32, #tpu.memory_space<vmem>>, vector<16x128xf32>,
    return
  }
}

module attributes {stable_mosaic.version = 14 : i64} {
  func.func @_moe_body(%arg0: i32, %arg1: memref<1000x128xf32, #tpu.memory_space<vmem>>, %arg2: memref<1000x128xf32, #tpu.memory_space<vmem>>, %arg3: memref<1000x128xf32, #tpu.memory_space<vmem>>, %arg4: memref<1000x1xi32, #tpu.memory_space<vmem>>, %arg5: memref<16x128xf32, #tpu.memory_space<vmem>>, %arg6: memref<136x128xf32, #tpu.memory_space<vmem>>, %arg7: memref<1x128xf32, #tpu.memory_space<vmem>>, %arg8: memref<1x128xf32, #tpu.memory_space<vmem>>, %arg9: memref<1x128xf32, #tpu.memory_space<vmem>>, %arg10: memref<128x8xf32, #tpu.memory_space<vmem>>, %arg11: memref<1x8xf32, #tpu.memory_space<vmem>>, %arg12: memref<1x8xf32, #tpu.memory_space<vmem>>, %arg13: memref<8x128x128xf32, #tpu.memory_space<vmem>>, %arg14: memref<8x128xf32, #tpu.memory_space<vmem>>, %arg15: memref<8x128x128xf32, #tpu.memory_space<vmem>>, %arg16: memref<8x128x128xf32, #tpu.memory_space<vmem>>, %arg17: memref<8x128xf32, #tpu.memory_space<vmem>>, %arg18: memref<8x128x128xf32, #tpu.memory_space<vmem>>, %arg19: memref<8x1000x128xf32, #tpu.memory_space<vmem>>, %arg20: memref<1000x128xf32, #tpu.memory_space<vmem>>, %arg21: memref<1000x8xi32, #tpu.memory_space<vmem>>, %arg22: memref<1000x8xf32, #tpu.memory_space<vmem>>) attributes {dimension_semantics = [#tpu.dimension_semantics<arbitrary>], iteration_bounds = array<i64: 10>, scalar_prefetch = 0 : i64, scratch_operands = 0 : i64, tpu.core_type = #tpu.core_type<tc>, window_params = [{transform_indices = @transform_0, window_bounds = array<i64: 1000, 128>}, {transform_indices = @transform_1, window_bounds = array<i64: 1000, 128>}, {transform_indices = @transform_2, window_bounds = array<i64: 1000, 128>}, {transform_indices = @transform_3, window_bounds = array<i64: 1000, 1>}, {pipeline_mode = #tpu.pipeline_mode<synchronous>, transform_indices = @transform_4, window_bounds = array<i64: 16, 128>}, {pipeline_mode = #tpu.pipeline_mode<synchronous>, transform_indices = @transform_5, window_bounds = array<i64: 136, 128>}, {pipeline_mode = #tpu.pipeline_mode<synchronous>, transform_indices = @transform_6, window_bounds = array<i64: 1, 128>}, {pipeline_mode = #tpu.pipeline_mode<synchronous>, transform_indices = @transform_7, window_bounds = array<i64: 1, 128>}, {pipeline_mode = #tpu.pipeline_mode<synchronous>, transform_indices = @transform_8, window_bounds = array<i64: 1, 128>}, {pipeline_mode = #tpu.pipeline_mode<synchronous>, transform_indices = @transform_9, window_bounds = array<i64: 128, 8>}, {pipeline_mode = #tpu.pipeline_mode<synchronous>, transform_indices = @transform_10, window_bounds = array<i64: 1, 8>}, {pipeline_mode = #tpu.pipeline_mode<synchronous>, transform_indices = @transform_11, window_bounds = array<i64: 1, 8>}, {pipeline_mode = #tpu.pipeline_mode<synchronous>, transform_indices = @transform_12, window_bounds = array<i64: 8, 128, 128>}, {pipeline_mode = #tpu.pipeline_mode<synchronous>, transform_indices = @transform_13, window_bounds = array<i64: 8, 128>}, {pipeline_mode = #tpu.pipeline_mode<synchronous>, transform_indices = @transform_14, window_bounds = array<i64: 8, 128, 128>}, {pipeline_mode = #tpu.pipeline_mode<synchronous>, transform_indices = @transform_15, window_bounds = array<i64: 8, 128, 128>}, {pipeline_mode = #tpu.pipeline_mode<synchronous>, transform_indices = @transform_16, window_bounds = array<i64: 8, 128>}, {pipeline_mode = #tpu.pipeline_mode<synchronous>, transform_indices = @transform_17, window_bounds = array<i64: 8, 128, 128>}, {transform_indices = @transform_18, window_bounds = array<i64: 8, 1000, 128>}, {transform_indices = @transform_19, window_bounds = array<i64: 1000, 128>}, {transform_indices = @transform_20, window_bounds = array<i64: 1000, 8>}, {transform_indices = @transform_21, window_bounds = array<i64: 1000, 8>}]} {
    %get3A = arith.constant 0 : index
    %get3A_0 = arith.constant 0 : index
    %get3A_1 = vector.load %arg1[%get3A, %get3A_0] : memref<1000x128xf32, #tpu.memory_space<vmem>>, vector<1000x128xf32>
    %get3A_2 = arith.constant 0 : index
    %get3A_3 = arith.constant 0 : index
    %get3A_4 = vector.load %arg2[%get3A_2, %get3A_3] : memref<1000x128xf32, #tpu.memory_space<vmem>>, vector<1000x128xf32>
    %get3A_5 = arith.constant 0 : index
    %get3A_6 = arith.constant 0 : index
    %get3A_7 = vector.load %arg3[%get3A_5, %get3A_6] : memref<1000x128xf32, #tpu.memory_space<vmem>>, vector<1000x128xf32>
    %add3A = arith.addf %get3A_4, %get3A_7 : vector<1000x128xf32>
    %get3A_8 = arith.constant 0 : index
    %get3A_9 = arith.constant 0 : index
    %get3A_10 = vector.load %arg4[%get3A_8, %get3A_9] : memref<1000x1xi32, #tpu.memory_space<vmem>>, vector<1000x1xi32>
    %iota3A = tpu.iota {dimensions = array<i32: 1>} : vector<1x16xi32>
    %eq3A = vector.broadcast %get3A_10 : vector<1000x1xi32> to vector<1000x16xi32>
    %eq3A_11 = vector.broadcast %iota3A : vector<1x16xi32> to vector<1000x16xi32>
    %eq3A_12 = arith.cmpi eq, %eq3A, %eq3A_11 : vector<1000x16xi32>
    %convert_element_type3A = arith.extui %eq3A_12 : vector<1000x16xi1> to vector<1000x16xi32>
    %convert_element_type3A_13 = arith.sitofp %convert_element_type3A : vector<1000x16xi32> to vector<1000x16xf32>
    %get3A_14 = arith.constant 0 : index
    %get3A_15 = arith.constant 0 : index
    %get3A_16 = vector.load %arg5[%get3A_14, %get3A_15] : memref<16x128xf32, #tpu.memory_space<vmem>>, vector<16x128xf32>
    %slice3A = vector.extract_strided_slice %get3A_16 {offsets = [0, 0], sizes = [16, 3], strides = [1, 1]} : vector<16x128xf32> to vector<16x3xf32>
    %slice3A_17 = vector.extract_strided_slice %get3A_16 {offsets = [0, 3], sizes = [16, 1], strides = [1, 1]} : vector<16x128xf32> to vector<16x1xf32>
    %get3A_18 = arith.constant 0 : index
    %get3A_19 = arith.constant 0 : index
    %get3A_20 = vector.load %arg6[%get3A_18, %get3A_19] : memref<136x128xf32, #tpu.memory_space<vmem>>, vector<136x128xf32>
    %slice3A_21 = vector.extract_strided_slice %get3A_20 {offsets = [128, 0], sizes = [3, 128], strides = [1, 1]} : vector<136x128xf32> to vector<3x128xf32>
    %dot_general3A = arith.constant dense<0.000000e+00> : vector<16x128xf32>
    %dot_general3A_22 = tpu.matmul %slice3A, %slice3A_21, %dot_general3A {dimension_numbers = #tpu.dot_dimension_numbers<[1], [0], [0], [1], [0, 0, 1, 1], [], []>, transpose_lhs_hint = false} : vector<16x3xf32>, vector<3x128xf32>, vector<16x128xf32> -> vector<16x128xf32>
    %slice3A_23 = vector.extract_strided_slice %get3A_20 {offsets = [0, 0], sizes = [128, 128], strides = [1, 1]} : vector<136x128xf32> to vector<128x128xf32>
    %dot_general3A_24 = arith.constant dense<0.000000e+00> : vector<1000x128xf32>
    %dot_general3A_25 = tpu.matmul %get3A_1, %slice3A_23, %dot_general3A_24 {dimension_numbers = #tpu.dot_dimension_numbers<[1], [0], [0], [1], [0, 0, 1, 1], [], []>, transpose_lhs_hint = false} : vector<1000x128xf32>, vector<128x128xf32>, vector<1000x128xf32> -> vector<1000x128xf32>
    %dot_general3A_26 = arith.constant dense<0.000000e+00> : vector<1000x128xf32>
    %dot_general3A_27 = tpu.matmul %convert_element_type3A_13, %dot_general3A_22, %dot_general3A_26 {dimension_numbers = #tpu.dot_dimension_numbers<[1], [0], [0], [1], [0, 0, 1, 1], [], []>, precision = #tpu.contract_precision<fp32>, transpose_lhs_hint = false} : vector<1000x16xf32>, vector<16x128xf32>, vector<1000x128xf32> -> vector<1000x128xf32>
    %add3A_28 = arith.addf %dot_general3A_25, %dot_general3A_27 : vector<1000x128xf32>
    %get3A_29 = arith.constant 0 : index
    %get3A_30 = arith.constant 0 : index
    %get3A_31 = vector.load %arg7[%get3A_29, %get3A_30] : memref<1x128xf32, #tpu.memory_space<vmem>>, vector<1x128xf32>
    %add3A_32 = vector.broadcast %get3A_31 : vector<1x128xf32> to vector<1000x128xf32>
    %add3A_33 = arith.addf %add3A_28, %add3A_32 : vector<1000x128xf32>
    %reduce_sum3A = arith.constant dense<0.000000e+00> : vector<1000xf32>
    %reduce_sum3A_34 = vector.multi_reduction <add>, %add3A_33, %reduce_sum3A [1] : vector<1000x128xf32> to vector<1000xf32>
    %broadcast_in_dim3A = vector.shape_cast %reduce_sum3A_34 : vector<1000xf32> to vector<1000x1xf32>
    %div3A = arith.constant 1.280000e+02 : f32
    %div3A_35 = vector.broadcast %div3A : f32 to vector<1000x1xf32>
    %div3A_36 = arith.divf %broadcast_in_dim3A, %div3A_35 : vector<1000x1xf32>
    %sub3A = vector.broadcast %div3A_36 : vector<1000x1xf32> to vector<1000x128xf32>
    %sub3A_37 = arith.subf %add3A_33, %sub3A : vector<1000x128xf32>
    %integer_pow3A = arith.mulf %sub3A_37, %sub3A_37 : vector<1000x128xf32>
    %reduce_sum3A_38 = arith.constant dense<0.000000e+00> : vector<1000xf32>
    %reduce_sum3A_39 = vector.multi_reduction <add>, %integer_pow3A, %reduce_sum3A_38 [1] : vector<1000x128xf32> to vector<1000xf32>
    %broadcast_in_dim3A_40 = vector.shape_cast %reduce_sum3A_39 : vector<1000xf32> to vector<1000x1xf32>
    %div3A_41 = arith.constant 1.280000e+02 : f32
    %div3A_42 = vector.broadcast %div3A_41 : f32 to vector<1000x1xf32>
    %div3A_43 = arith.divf %broadcast_in_dim3A_40, %div3A_42 : vector<1000x1xf32>
    %sub3A_44 = vector.broadcast %div3A_36 : vector<1000x1xf32> to vector<1000x128xf32>
    %sub3A_45 = arith.subf %add3A_33, %sub3A_44 : vector<1000x128xf32>
    %add3A_46 = arith.constant 9.99999974E-6 : f32
    %add3A_47 = vector.broadcast %add3A_46 : f32 to vector<1000x1xf32>
    %add3A_48 = arith.addf %div3A_43, %add3A_47 : vector<1000x1xf32>
    %sqrt3A = math.sqrt %add3A_48 : vector<1000x1xf32>
    %div3A_49 = vector.broadcast %sqrt3A : vector<1000x1xf32> to vector<1000x128xf32>
    %div3A_50 = arith.divf %sub3A_45, %div3A_49 : vector<1000x128xf32>
    %get3A_51 = arith.constant 0 : index
    %get3A_52 = arith.constant 0 : index
    %get3A_53 = vector.load %arg8[%get3A_51, %get3A_52] : memref<1x128xf32, #tpu.memory_space<vmem>>, vector<1x128xf32>
    %mul3A = vector.broadcast %get3A_53 : vector<1x128xf32> to vector<1000x128xf32>
    %mul3A_54 = arith.mulf %div3A_50, %mul3A : vector<1000x128xf32>
    %get3A_55 = arith.constant 0 : index
    %get3A_56 = arith.constant 0 : index
    %get3A_57 = vector.load %arg9[%get3A_55, %get3A_56] : memref<1x128xf32, #tpu.memory_space<vmem>>, vector<1x128xf32>
    %add3A_58 = vector.broadcast %get3A_57 : vector<1x128xf32> to vector<1000x128xf32>
    %add3A_59 = arith.addf %mul3A_54, %add3A_58 : vector<1000x128xf32>
    %max3A = arith.constant 0.000000e+00 : f32
    %max3A_60 = vector.broadcast %max3A : f32 to vector<1000x128xf32>
    %max3A_61 = arith.maximumf %add3A_59, %max3A_60 : vector<1000x128xf32>
    %get3A_62 = arith.constant 0 : index
    %get3A_63 = arith.constant 0 : index
    %get3A_64 = vector.load %arg10[%get3A_62, %get3A_63] : memref<128x8xf32, #tpu.memory_space<vmem>>, vector<128x8xf32>
    %dot_general3A_65 = arith.constant dense<0.000000e+00> : vector<1000x8xf32>
    %dot_general3A_66 = tpu.matmul %max3A_61, %get3A_64, %dot_general3A_65 {dimension_numbers = #tpu.dot_dimension_numbers<[1], [0], [0], [1], [0, 0, 1, 1], [], []>, transpose_lhs_hint = false} : vector<1000x128xf32>, vector<128x8xf32>, vector<1000x8xf32> -> vector<1000x8xf32>
    %get3A_67 = arith.constant 0 : index
    %get3A_68 = arith.constant 0 : index
    %get3A_69 = vector.load %arg11[%get3A_67, %get3A_68] : memref<1x8xf32, #tpu.memory_space<vmem>>, vector<1x8xf32>
    %add3A_70 = vector.broadcast %get3A_69 : vector<1x8xf32> to vector<1000x8xf32>
    %add3A_71 = arith.addf %dot_general3A_66, %add3A_70 : vector<1000x8xf32>
    %dot_general3A_72 = arith.constant dense<0.000000e+00> : vector<1000x1xf32>
    %dot_general3A_73 = tpu.matmul %convert_element_type3A_13, %slice3A_17, %dot_general3A_72 {dimension_numbers = #tpu.dot_dimension_numbers<[1], [0], [0], [1], [0, 0, 1, 1], [], []>, precision = #tpu.contract_precision<fp32>, transpose_lhs_hint = false} : vector<1000x16xf32>, vector<16x1xf32>, vector<1000x1xf32> -> vector<1000x1xf32>
    %get3A_74 = arith.constant 0 : index
    %get3A_75 = arith.constant 0 : index
    %get3A_76 = vector.load %arg12[%get3A_74, %get3A_75] : memref<1x8xf32, #tpu.memory_space<vmem>>, vector<1x8xf32>
    %sub3A_77 = vector.broadcast %dot_general3A_73 : vector<1000x1xf32> to vector<1000x8xf32>
    %sub3A_78 = vector.broadcast %get3A_76 : vector<1x8xf32> to vector<1000x8xf32>
    %sub3A_79 = arith.subf %sub3A_77, %sub3A_78 : vector<1000x8xf32>
    %integer_pow3A_80 = arith.mulf %sub3A_79, %sub3A_79 : vector<1000x8xf32>
    %neg3A = arith.constant 0.000000e+00 : f32
    %neg3A_81 = vector.broadcast %neg3A : f32 to vector<1000x8xf32>
    %neg3A_82 = arith.subf %neg3A_81, %integer_pow3A_80 : vector<1000x8xf32>
    %mul3A_83 = arith.constant 0.699999988 : f32
    %mul3A_84 = vector.broadcast %mul3A_83 : f32 to vector<1000x8xf32>
    %mul3A_85 = arith.mulf %mul3A_84, %add3A_71 : vector<1000x8xf32>
    %mul3A_86 = arith.constant 3.000000e-01 : f32
    %mul3A_87 = vector.broadcast %mul3A_86 : f32 to vector<1000x8xf32>
    %mul3A_88 = arith.mulf %mul3A_87, %neg3A_82 : vector<1000x8xf32>
    %add3A_89 = arith.addf %mul3A_85, %mul3A_88 : vector<1000x8xf32>
    %reduce_max3A = arith.constant dense<0xFF800000> : vector<1000xf32>
    %reduce_max3A_90 = vector.multi_reduction <maximumf>, %add3A_89, %reduce_max3A [1] : vector<1000x8xf32> to vector<1000xf32>
    %broadcast_in_dim3A_91 = vector.shape_cast %reduce_max3A_90 : vector<1000xf32> to vector<1000x1xf32>
    %sub3A_92 = vector.broadcast %broadcast_in_dim3A_91 : vector<1000x1xf32> to vector<1000x8xf32>
    %sub3A_93 = arith.subf %add3A_89, %sub3A_92 : vector<1000x8xf32>
    %exp3A = math.exp %sub3A_93 : vector<1000x8xf32>
    %reduce_sum3A_94 = arith.constant dense<0.000000e+00> : vector<1000xf32>
    %reduce_sum3A_95 = vector.multi_reduction <add>, %exp3A, %reduce_sum3A_94 [1] : vector<1000x8xf32> to vector<1000xf32>
    %broadcast_in_dim3A_96 = vector.shape_cast %reduce_sum3A_95 : vector<1000xf32> to vector<1000x1xf32>
    %div3A_97 = vector.broadcast %broadcast_in_dim3A_96 : vector<1000x1xf32> to vector<1000x8xf32>
    %div3A_98 = arith.divf %exp3A, %div3A_97 : vector<1000x8xf32>
    %iota3A_99 = tpu.iota {dimensions = array<i32: 1>} : vector<1x8xi32>
    %convert_element_type3A_100 = arith.sitofp %iota3A_99 : vector<1x8xi32> to vector<1x8xf32>
    %reduce_max3A_101 = arith.constant dense<0xFF800000> : vector<1000xf32>
    %reduce_max3A_102 = vector.multi_reduction <maximumf>, %div3A_98, %reduce_max3A_101 [1] : vector<1000x8xf32> to vector<1000xf32>
    %broadcast_in_dim3A_103 = vector.shape_cast %reduce_max3A_102 : vector<1000xf32> to vector<1000x1xf32>
    %eq3A_104 = vector.broadcast %broadcast_in_dim3A_103 : vector<1000x1xf32> to vector<1000x8xf32>
    %eq3A_105 = arith.cmpf oeq, %div3A_98, %eq3A_104 : vector<1000x8xf32>
    %jit3A = arith.constant 9.900000e+01 : f32
    %broadcast_in_dim3A_106 = vector.shape_cast %convert_element_type3A_100 : vector<1x8xf32> to vector<1x8xf32>
    %broadcast_in_dim3A_107 = vector.broadcast %broadcast_in_dim3A_106 : vector<1x8xf32> to vector<1000x8xf32>
    %broadcast_in_dim3A_108 = vector.broadcast %jit3A : f32 to vector<1000x8xf32>
    %select_n3A = arith.select %eq3A_105, %broadcast_in_dim3A_107, %broadcast_in_dim3A_108 : vector<1000x8xi1>, vector<1000x8xf32>
    %reduce_min3A = arith.constant dense<0x7F800000> : vector<1000xf32>
    %reduce_min3A_109 = vector.multi_reduction <minimumf>, %select_n3A, %reduce_min3A [1] : vector<1000x8xf32> to vector<1000xf32>
    %broadcast_in_dim3A_110 = vector.shape_cast %reduce_min3A_109 : vector<1000xf32> to vector<1000x1xf32>
    %eq3A_111 = vector.broadcast %convert_element_type3A_100 : vector<1x8xf32> to vector<1000x8xf32>
    %eq3A_112 = vector.broadcast %broadcast_in_dim3A_110 : vector<1000x1xf32> to vector<1000x8xf32>
    %eq3A_113 = arith.cmpf oeq, %eq3A_111, %eq3A_112 : vector<1000x8xf32>
    %jit3A_114 = arith.constant -1.000000e+00 : f32
    %broadcast_in_dim3A_115 = vector.broadcast %jit3A_114 : f32 to vector<1000x8xf32>
    %select_n3A_116 = arith.select %eq3A_113, %broadcast_in_dim3A_115, %div3A_98 : vector<1000x8xi1>, vector<1000x8xf32>
    %reduce_max3A_117 = arith.constant dense<0xFF800000> : vector<1000xf32>
    %reduce_max3A_118 = vector.multi_reduction <maximumf>, %select_n3A_116, %reduce_max3A_117 [1] : vector<1000x8xf32> to vector<1000xf32>
    %broadcast_in_dim3A_119 = vector.shape_cast %reduce_max3A_118 : vector<1000xf32> to vector<1000x1xf32>
    %eq3A_120 = vector.broadcast %broadcast_in_dim3A_119 : vector<1000x1xf32> to vector<1000x8xf32>
    %eq3A_121 = arith.cmpf oeq, %select_n3A_116, %eq3A_120 : vector<1000x8xf32>
    %jit3A_122 = arith.constant 9.900000e+01 : f32
    %broadcast_in_dim3A_123 = vector.shape_cast %convert_element_type3A_100 : vector<1x8xf32> to vector<1x8xf32>
    %broadcast_in_dim3A_124 = vector.broadcast %broadcast_in_dim3A_123 : vector<1x8xf32> to vector<1000x8xf32>
    %broadcast_in_dim3A_125 = vector.broadcast %jit3A_122 : f32 to vector<1000x8xf32>
    %select_n3A_126 = arith.select %eq3A_121, %broadcast_in_dim3A_124, %broadcast_in_dim3A_125 : vector<1000x8xi1>, vector<1000x8xf32>
    %reduce_min3A_127 = arith.constant dense<0x7F800000> : vector<1000xf32>
    %reduce_min3A_128 = vector.multi_reduction <minimumf>, %select_n3A_126, %reduce_min3A_127 [1] : vector<1000x8xf32> to vector<1000xf32>
    %broadcast_in_dim3A_129 = vector.shape_cast %reduce_min3A_128 : vector<1000xf32> to vector<1000x1xf32>
    %add3A_130 = arith.addf %broadcast_in_dim3A_103, %broadcast_in_dim3A_119 : vector<1000x1xf32>
    %add3A_131 = arith.constant 9.99999993E-9 : f32
    %add3A_132 = vector.broadcast %add3A_131 : f32 to vector<1000x1xf32>
    %add3A_133 = arith.addf %add3A_130, %add3A_132 : vector<1000x1xf32>
    %div3A_134 = arith.divf %broadcast_in_dim3A_103, %add3A_133 : vector<1000x1xf32>
    %div3A_135 = arith.divf %broadcast_in_dim3A_119, %add3A_133 : vector<1000x1xf32>
    %broadcast_in_dim3A_136 = arith.constant 0.000000e+00 : f32
    %broadcast_in_dim3A_137 = vector.broadcast %broadcast_in_dim3A_136 : f32 to vector<1000x128xf32>
    %get3A_138 = arith.constant 0 : index
    %get3A_139 = arith.constant 0 : index
    %get3A_140 = arith.constant 0 : index
    %get3A_141 = vector.load %arg13[%get3A_138, %get3A_139, %get3A_140] : memref<8x128x128xf32, #tpu.memory_space<vmem>>, vector<1x128x128xf32>
    %get3A_142 = vector.shape_cast %get3A_141 : vector<1x128x128xf32> to vector<128x128xf32>
    %dot_general3A_143 = arith.constant dense<0.000000e+00> : vector<1000x128xf32>
    %dot_general3A_144 = tpu.matmul %add3A, %get3A_142, %dot_general3A_143 {dimension_numbers = #tpu.dot_dimension_numbers<[1], [0], [0], [1], [0, 0, 1, 1], [], []>, transpose_lhs_hint = false} : vector<1000x128xf32>, vector<128x128xf32>, vector<1000x128xf32> -> vector<1000x128xf32>
    %get3A_145 = arith.constant 0 : index
    %get3A_146 = arith.constant 0 : index
    %get3A_147 = vector.load %arg14[%get3A_145, %get3A_146] : memref<8x128xf32, #tpu.memory_space<vmem>>, vector<1x128xf32>
    %add3A_148 = vector.broadcast %get3A_147 : vector<1x128xf32> to vector<1000x128xf32>
    %add3A_149 = arith.addf %dot_general3A_144, %add3A_148 : vector<1000x128xf32>
    %get3A_150 = arith.constant 0 : index
    %get3A_151 = arith.constant 0 : index
    %get3A_152 = arith.constant 0 : index
    %get3A_153 = vector.load %arg15[%get3A_150, %get3A_151, %get3A_152] : memref<8x128x128xf32, #tpu.memory_space<vmem>>, vector<1x128x128xf32>
    %get3A_154 = vector.shape_cast %get3A_153 : vector<1x128x128xf32> to vector<128x128xf32>
    %dot_general3A_155 = arith.constant dense<0.000000e+00> : vector<1000x128xf32>
    %dot_general3A_156 = tpu.matmul %get3A_1, %get3A_154, %dot_general3A_155 {dimension_numbers = #tpu.dot_dimension_numbers<[1], [0], [0], [1], [0, 0, 1, 1], [], []>, transpose_lhs_hint = false} : vector<1000x128xf32>, vector<128x128xf32>, vector<1000x128xf32> -> vector<1000x128xf32>
    %add3A_157 = arith.addf %add3A_149, %dot_general3A_156 : vector<1000x128xf32>
    %max3A_158 = arith.constant 0.000000e+00 : f32
    %max3A_159 = vector.broadcast %max3A_158 : f32 to vector<1000x128xf32>
    %max3A_160 = arith.maximumf %add3A_157, %max3A_159 : vector<1000x128xf32>
    %get3A_161 = arith.constant 0 : index
    %get3A_162 = arith.constant 0 : index
    %get3A_163 = arith.constant 0 : index
    %get3A_164 = vector.load %arg16[%get3A_161, %get3A_162, %get3A_163] : memref<8x128x128xf32, #tpu.memory_space<vmem>>, vector<1x128x128xf32>
    %get3A_165 = vector.shape_cast %get3A_164 : vector<1x128x128xf32> to vector<128x128xf32>
    %dot_general3A_166 = arith.constant dense<0.000000e+00> : vector<1000x128xf32>
    %dot_general3A_167 = tpu.matmul %max3A_160, %get3A_165, %dot_general3A_166 {dimension_numbers = #tpu.dot_dimension_numbers<[1], [0], [0], [1], [0, 0, 1, 1], [], []>, transpose_lhs_hint = false} : vector<1000x128xf32>, vector<128x128xf32>, vector<1000x128xf32> -> vector<1000x128xf32>
    %swap3A = arith.constant 0 : index
    %swap3A_168 = arith.constant 0 : index
    %swap3A_169 = arith.constant 0 : index
    %swap3A_170 = vector.load %arg19[%swap3A, %swap3A_168, %swap3A_169] : memref<8x1000x128xf32, #tpu.memory_space<vmem>>, vector<1x1000x128xf32>
    %swap3A_171 = vector.shape_cast %swap3A_170 : vector<1x1000x128xf32> to vector<1000x128xf32>
    %swap3A_172 = vector.shape_cast %dot_general3A_167 : vector<1000x128xf32> to vector<1x1000x128xf32>
    tpu.vector_store %arg19[%swap3A, %swap3A_168, %swap3A_169], %swap3A_172 {strides = array<i32>} : memref<8x1000x128xf32, #tpu.memory_space<vmem>>, vector<1x1000x128xf32>,
    %get3A_173 = arith.constant 0 : index
    %get3A_174 = arith.constant 0 : index
    %get3A_175 = arith.constant 0 : index
    %get3A_176 = vector.load %arg18[%get3A_173, %get3A_174, %get3A_175] : memref<8x128x128xf32, #tpu.memory_space<vmem>>, vector<1x128x128xf32>
    %get3A_177 = vector.shape_cast %get3A_176 : vector<1x128x128xf32> to vector<128x128xf32>
    %dot_general3A_178 = arith.constant dense<0.000000e+00> : vector<1000x128xf32>
    %dot_general3A_179 = tpu.matmul %max3A_160, %get3A_177, %dot_general3A_178 {dimension_numbers = #tpu.dot_dimension_numbers<[1], [0], [0], [1], [0, 0, 1, 1], [], []>, transpose_lhs_hint = false} : vector<1000x128xf32>, vector<128x128xf32>, vector<1000x128xf32> -> vector<1000x128xf32>
    %eq3A_180 = arith.constant 0.000000e+00 : f32
    %eq3A_181 = vector.broadcast %eq3A_180 : f32 to vector<1000x1xf32>
    %eq3A_182 = arith.cmpf oeq, %broadcast_in_dim3A_110, %eq3A_181 : vector<1000x1xf32>
    %convert_element_type3A_183 = arith.extui %eq3A_182 : vector<1000x1xi1> to vector<1000x1xi32>
    %convert_element_type3A_184 = arith.sitofp %convert_element_type3A_183 : vector<1000x1xi32> to vector<1000x1xf32>
    %mul3A_185 = arith.mulf %div3A_134, %convert_element_type3A_184 : vector<1000x1xf32>
    %eq3A_186 = arith.constant 0.000000e+00 : f32
    %eq3A_187 = vector.broadcast %eq3A_186 : f32 to vector<1000x1xf32>
    %eq3A_188 = arith.cmpf oeq, %broadcast_in_dim3A_129, %eq3A_187 : vector<1000x1xf32>
    %convert_element_type3A_189 = arith.extui %eq3A_188 : vector<1000x1xi1> to vector<1000x1xi32>
    %convert_element_type3A_190 = arith.sitofp %convert_element_type3A_189 : vector<1000x1xi32> to vector<1000x1xf32>
    %mul3A_191 = arith.mulf %div3A_135, %convert_element_type3A_190 : vector<1000x1xf32>
    %add3A_192 = arith.addf %mul3A_185, %mul3A_191 : vector<1000x1xf32>
    %get3A_193 = arith.constant 0 : index
    %get3A_194 = arith.constant 0 : index
    %get3A_195 = vector.load %arg17[%get3A_193, %get3A_194] : memref<8x128xf32, #tpu.memory_space<vmem>>, vector<1x128xf32>
    %add3A_196 = vector.broadcast %get3A_195 : vector<1x128xf32> to vector<1000x128xf32>
    %add3A_197 = arith.addf %dot_general3A_179, %add3A_196 : vector<1000x128xf32>
    %mul3A_198 = vector.broadcast %add3A_192 : vector<1000x1xf32> to vector<1000x128xf32>
    %mul3A_199 = arith.mulf %mul3A_198, %add3A_197 : vector<1000x128xf32>
    %add3A_200 = arith.addf %broadcast_in_dim3A_137, %mul3A_199 : vector<1000x128xf32>
    %get3A_201 = arith.constant 1 : index
    %get3A_202 = arith.constant 0 : index
    %get3A_203 = arith.constant 0 : index
    %get3A_204 = vector.load %arg13[%get3A_201, %get3A_202, %get3A_203] : memref<8x128x128xf32, #tpu.memory_space<vmem>>, vector<1x128x128xf32>
    %get3A_205 = vector.shape_cast %get3A_204 : vector<1x128x128xf32> to vector<128x128xf32>
    %dot_general3A_206 = arith.constant dense<0.000000e+00> : vector<1000x128xf32>
    %dot_general3A_207 = tpu.matmul %add3A, %get3A_205, %dot_general3A_206 {dimension_numbers = #tpu.dot_dimension_numbers<[1], [0], [0], [1], [0, 0, 1, 1], [], []>, transpose_lhs_hint = false} : vector<1000x128xf32>, vector<128x128xf32>, vector<1000x128xf32> -> vector<1000x128xf32>
    %get3A_208 = arith.constant 1 : index
    %get3A_209 = arith.constant 0 : index
    %get3A_210 = vector.load %arg14[%get3A_208, %get3A_209] : memref<8x128xf32, #tpu.memory_space<vmem>>, vector<1x128xf32>
    %add3A_211 = vector.broadcast %get3A_210 : vector<1x128xf32> to vector<1000x128xf32>
    %add3A_212 = arith.addf %dot_general3A_207, %add3A_211 : vector<1000x128xf32>
    %get3A_213 = arith.constant 1 : index
    %get3A_214 = arith.constant 0 : index
    %get3A_215 = arith.constant 0 : index
    %get3A_216 = vector.load %arg15[%get3A_213, %get3A_214, %get3A_215] : memref<8x128x128xf32, #tpu.memory_space<vmem>>, vector<1x128x128xf32>
    %get3A_217 = vector.shape_cast %get3A_216 : vector<1x128x128xf32> to vector<128x128xf32>
    %dot_general3A_218 = arith.constant dense<0.000000e+00> : vector<1000x128xf32>
    %dot_general3A_219 = tpu.matmul %get3A_1, %get3A_217, %dot_general3A_218 {dimension_numbers = #tpu.dot_dimension_numbers<[1], [0], [0], [1], [0, 0, 1, 1], [], []>, transpose_lhs_hint = false} : vector<1000x128xf32>, vector<128x128xf32>, vector<1000x128xf32> -> vector<1000x128xf32>
    %add3A_220 = arith.addf %add3A_212, %dot_general3A_219 : vector<1000x128xf32>
    %max3A_221 = arith.constant 0.000000e+00 : f32
    %max3A_222 = vector.broadcast %max3A_221 : f32 to vector<1000x128xf32>
    %max3A_223 = arith.maximumf %add3A_220, %max3A_222 : vector<1000x128xf32>
    %get3A_224 = arith.constant 1 : index
    %get3A_225 = arith.constant 0 : index
    %get3A_226 = arith.constant 0 : index
    %get3A_227 = vector.load %arg16[%get3A_224, %get3A_225, %get3A_226] : memref<8x128x128xf32, #tpu.memory_space<vmem>>, vector<1x128x128xf32>
    %get3A_228 = vector.shape_cast %get3A_227 : vector<1x128x128xf32> to vector<128x128xf32>
    %dot_general3A_229 = arith.constant dense<0.000000e+00> : vector<1000x128xf32>
    %dot_general3A_230 = tpu.matmul %max3A_223, %get3A_228, %dot_general3A_229 {dimension_numbers = #tpu.dot_dimension_numbers<[1], [0], [0], [1], [0, 0, 1, 1], [], []>, transpose_lhs_hint = false} : vector<1000x128xf32>, vector<128x128xf32>, vector<1000x128xf32> -> vector<1000x128xf32>
    %swap3A_231 = arith.constant 1 : index
    %swap3A_232 = arith.constant 0 : index
    %swap3A_233 = arith.constant 0 : index
    %swap3A_234 = vector.load %arg19[%swap3A_231, %swap3A_232, %swap3A_233] : memref<8x1000x128xf32, #tpu.memory_space<vmem>>, vector<1x1000x128xf32>
    %swap3A_235 = vector.shape_cast %swap3A_234 : vector<1x1000x128xf32> to vector<1000x128xf32>
    %swap3A_236 = vector.shape_cast %dot_general3A_230 : vector<1000x128xf32> to vector<1x1000x128xf32>
    tpu.vector_store %arg19[%swap3A_231, %swap3A_232, %swap3A_233], %swap3A_236 {strides = array<i32>} : memref<8x1000x128xf32, #tpu.memory_space<vmem>>, vector<1x1000x128xf32>,
    %get3A_237 = arith.constant 1 : index
    %get3A_238 = arith.constant 0 : index
    %get3A_239 = arith.constant 0 : index
    %get3A_240 = vector.load %arg18[%get3A_237, %get3A_238, %get3A_239] : memref<8x128x128xf32, #tpu.memory_space<vmem>>, vector<1x128x128xf32>
    %get3A_241 = vector.shape_cast %get3A_240 : vector<1x128x128xf32> to vector<128x128xf32>
    %dot_general3A_242 = arith.constant dense<0.000000e+00> : vector<1000x128xf32>
    %dot_general3A_243 = tpu.matmul %max3A_223, %get3A_241, %dot_general3A_242 {dimension_numbers = #tpu.dot_dimension_numbers<[1], [0], [0], [1], [0, 0, 1, 1], [], []>, transpose_lhs_hint = false} : vector<1000x128xf32>, vector<128x128xf32>, vector<1000x128xf32> -> vector<1000x128xf32>
    %eq3A_244 = arith.constant 1.000000e+00 : f32
    %eq3A_245 = vector.broadcast %eq3A_244 : f32 to vector<1000x1xf32>
    %eq3A_246 = arith.cmpf oeq, %broadcast_in_dim3A_110, %eq3A_245 : vector<1000x1xf32>
    %convert_element_type3A_247 = arith.extui %eq3A_246 : vector<1000x1xi1> to vector<1000x1xi32>
    %convert_element_type3A_248 = arith.sitofp %convert_element_type3A_247 : vector<1000x1xi32> to vector<1000x1xf32>
    %mul3A_249 = arith.mulf %div3A_134, %convert_element_type3A_248 : vector<1000x1xf32>
    %eq3A_250 = arith.constant 1.000000e+00 : f32
    %eq3A_251 = vector.broadcast %eq3A_250 : f32 to vector<1000x1xf32>
    %eq3A_252 = arith.cmpf oeq, %broadcast_in_dim3A_129, %eq3A_251 : vector<1000x1xf32>
    %convert_element_type3A_253 = arith.extui %eq3A_252 : vector<1000x1xi1> to vector<1000x1xi32>
    %convert_element_type3A_254 = arith.sitofp %convert_element_type3A_253 : vector<1000x1xi32> to vector<1000x1xf32>
    %mul3A_255 = arith.mulf %div3A_135, %convert_element_type3A_254 : vector<1000x1xf32>
    %add3A_256 = arith.addf %mul3A_249, %mul3A_255 : vector<1000x1xf32>
    %get3A_257 = arith.constant 1 : index
    %get3A_258 = arith.constant 0 : index
    %get3A_259 = vector.load %arg17[%get3A_257, %get3A_258] : memref<8x128xf32, #tpu.memory_space<vmem>>, vector<1x128xf32>
    %add3A_260 = vector.broadcast %get3A_259 : vector<1x128xf32> to vector<1000x128xf32>
    %add3A_261 = arith.addf %dot_general3A_243, %add3A_260 : vector<1000x128xf32>
    %mul3A_262 = vector.broadcast %add3A_256 : vector<1000x1xf32> to vector<1000x128xf32>
    %mul3A_263 = arith.mulf %mul3A_262, %add3A_261 : vector<1000x128xf32>
    %add3A_264 = arith.addf %add3A_200, %mul3A_263 : vector<1000x128xf32>
    %get3A_265 = arith.constant 2 : index
    %get3A_266 = arith.constant 0 : index
    %get3A_267 = arith.constant 0 : index
    %get3A_268 = vector.load %arg13[%get3A_265, %get3A_266, %get3A_267] : memref<8x128x128xf32, #tpu.memory_space<vmem>>, vector<1x128x128xf32>
    %get3A_269 = vector.shape_cast %get3A_268 : vector<1x128x128xf32> to vector<128x128xf32>
    %dot_general3A_270 = arith.constant dense<0.000000e+00> : vector<1000x128xf32>
    %dot_general3A_271 = tpu.matmul %add3A, %get3A_269, %dot_general3A_270 {dimension_numbers = #tpu.dot_dimension_numbers<[1], [0], [0], [1], [0, 0, 1, 1], [], []>, transpose_lhs_hint = false} : vector<1000x128xf32>, vector<128x128xf32>, vector<1000x128xf32> -> vector<1000x128xf32>
    %get3A_272 = arith.constant 2 : index
    %get3A_273 = arith.constant 0 : index
    %get3A_274 = vector.load %arg14[%get3A_272, %get3A_273] : memref<8x128xf32, #tpu.memory_space<vmem>>, vector<1x128xf32>
    %add3A_275 = vector.broadcast %get3A_274 : vector<1x128xf32> to vector<1000x128xf32>
    %add3A_276 = arith.addf %dot_general3A_271, %add3A_275 : vector<1000x128xf32>
    %get3A_277 = arith.constant 2 : index
    %get3A_278 = arith.constant 0 : index
    %get3A_279 = arith.constant 0 : index
    %get3A_280 = vector.load %arg15[%get3A_277, %get3A_278, %get3A_279] : memref<8x128x128xf32, #tpu.memory_space<vmem>>, vector<1x128x128xf32>
    %get3A_281 = vector.shape_cast %get3A_280 : vector<1x128x128xf32> to vector<128x128xf32>
    %dot_general3A_282 = arith.constant dense<0.000000e+00> : vector<1000x128xf32>
    %dot_general3A_283 = tpu.matmul %get3A_1, %get3A_281, %dot_general3A_282 {dimension_numbers = #tpu.dot_dimension_numbers<[1], [0], [0], [1], [0, 0, 1, 1], [], []>, transpose_lhs_hint = false} : vector<1000x128xf32>, vector<128x128xf32>, vector<1000x128xf32> -> vector<1000x128xf32>
    %add3A_284 = arith.addf %add3A_276, %dot_general3A_283 : vector<1000x128xf32>
    %max3A_285 = arith.constant 0.000000e+00 : f32
    %max3A_286 = vector.broadcast %max3A_285 : f32 to vector<1000x128xf32>
    %max3A_287 = arith.maximumf %add3A_284, %max3A_286 : vector<1000x128xf32>
    %get3A_288 = arith.constant 2 : index
    %get3A_289 = arith.constant 0 : index
    %get3A_290 = arith.constant 0 : index
    %get3A_291 = vector.load %arg16[%get3A_288, %get3A_289, %get3A_290] : memref<8x128x128xf32, #tpu.memory_space<vmem>>, vector<1x128x128xf32>
    %get3A_292 = vector.shape_cast %get3A_291 : vector<1x128x128xf32> to vector<128x128xf32>
    %dot_general3A_293 = arith.constant dense<0.000000e+00> : vector<1000x128xf32>
    %dot_general3A_294 = tpu.matmul %max3A_287, %get3A_292, %dot_general3A_293 {dimension_numbers = #tpu.dot_dimension_numbers<[1], [0], [0], [1], [0, 0, 1, 1], [], []>, transpose_lhs_hint = false} : vector<1000x128xf32>, vector<128x128xf32>, vector<1000x128xf32> -> vector<1000x128xf32>
    %swap3A_295 = arith.constant 2 : index
    %swap3A_296 = arith.constant 0 : index
    %swap3A_297 = arith.constant 0 : index
    %swap3A_298 = vector.load %arg19[%swap3A_295, %swap3A_296, %swap3A_297] : memref<8x1000x128xf32, #tpu.memory_space<vmem>>, vector<1x1000x128xf32>
    %swap3A_299 = vector.shape_cast %swap3A_298 : vector<1x1000x128xf32> to vector<1000x128xf32>
    %swap3A_300 = vector.shape_cast %dot_general3A_294 : vector<1000x128xf32> to vector<1x1000x128xf32>
    tpu.vector_store %arg19[%swap3A_295, %swap3A_296, %swap3A_297], %swap3A_300 {strides = array<i32>} : memref<8x1000x128xf32, #tpu.memory_space<vmem>>, vector<1x1000x128xf32>,
    %get3A_301 = arith.constant 2 : index
    %get3A_302 = arith.constant 0 : index
    %get3A_303 = arith.constant 0 : index
    %get3A_304 = vector.load %arg18[%get3A_301, %get3A_302, %get3A_303] : memref<8x128x128xf32, #tpu.memory_space<vmem>>, vector<1x128x128xf32>
    %get3A_305 = vector.shape_cast %get3A_304 : vector<1x128x128xf32> to vector<128x128xf32>
    %dot_general3A_306 = arith.constant dense<0.000000e+00> : vector<1000x128xf32>
    %dot_general3A_307 = tpu.matmul %max3A_287, %get3A_305, %dot_general3A_306 {dimension_numbers = #tpu.dot_dimension_numbers<[1], [0], [0], [1], [0, 0, 1, 1], [], []>, transpose_lhs_hint = false} : vector<1000x128xf32>, vector<128x128xf32>, vector<1000x128xf32> -> vector<1000x128xf32>
    %eq3A_308 = arith.constant 2.000000e+00 : f32
    %eq3A_309 = vector.broadcast %eq3A_308 : f32 to vector<1000x1xf32>
    %eq3A_310 = arith.cmpf oeq, %broadcast_in_dim3A_110, %eq3A_309 : vector<1000x1xf32>
    %convert_element_type3A_311 = arith.extui %eq3A_310 : vector<1000x1xi1> to vector<1000x1xi32>
    %convert_element_type3A_312 = arith.sitofp %convert_element_type3A_311 : vector<1000x1xi32> to vector<1000x1xf32>
    %mul3A_313 = arith.mulf %div3A_134, %convert_element_type3A_312 : vector<1000x1xf32>
    %eq3A_314 = arith.constant 2.000000e+00 : f32
    %eq3A_315 = vector.broadcast %eq3A_314 : f32 to vector<1000x1xf32>
    %eq3A_316 = arith.cmpf oeq, %broadcast_in_dim3A_129, %eq3A_315 : vector<1000x1xf32>
    %convert_element_type3A_317 = arith.extui %eq3A_316 : vector<1000x1xi1> to vector<1000x1xi32>
    %convert_element_type3A_318 = arith.sitofp %convert_element_type3A_317 : vector<1000x1xi32> to vector<1000x1xf32>
    %mul3A_319 = arith.mulf %div3A_135, %convert_element_type3A_318 : vector<1000x1xf32>
    %add3A_320 = arith.addf %mul3A_313, %mul3A_319 : vector<1000x1xf32>
    %get3A_321 = arith.constant 2 : index
    %get3A_322 = arith.constant 0 : index
    %get3A_323 = vector.load %arg17[%get3A_321, %get3A_322] : memref<8x128xf32, #tpu.memory_space<vmem>>, vector<1x128xf32>
    %add3A_324 = vector.broadcast %get3A_323 : vector<1x128xf32> to vector<1000x128xf32>
    %add3A_325 = arith.addf %dot_general3A_307, %add3A_324 : vector<1000x128xf32>
    %mul3A_326 = vector.broadcast %add3A_320 : vector<1000x1xf32> to vector<1000x128xf32>
    %mul3A_327 = arith.mulf %mul3A_326, %add3A_325 : vector<1000x128xf32>
    %add3A_328 = arith.addf %add3A_264, %mul3A_327 : vector<1000x128xf32>
    %get3A_329 = arith.constant 3 : index
    %get3A_330 = arith.constant 0 : index
    %get3A_331 = arith.constant 0 : index
    %get3A_332 = vector.load %arg13[%get3A_329, %get3A_330, %get3A_331] : memref<8x128x128xf32, #tpu.memory_space<vmem>>, vector<1x128x128xf32>
    %get3A_333 = vector.shape_cast %get3A_332 : vector<1x128x128xf32> to vector<128x128xf32>
    %dot_general3A_334 = arith.constant dense<0.000000e+00> : vector<1000x128xf32>
    %dot_general3A_335 = tpu.matmul %add3A, %get3A_333, %dot_general3A_334 {dimension_numbers = #tpu.dot_dimension_numbers<[1], [0], [0], [1], [0, 0, 1, 1], [], []>, transpose_lhs_hint = false} : vector<1000x128xf32>, vector<128x128xf32>, vector<1000x128xf32> -> vector<1000x128xf32>
    %get3A_336 = arith.constant 3 : index
    %get3A_337 = arith.constant 0 : index
    %get3A_338 = vector.load %arg14[%get3A_336, %get3A_337] : memref<8x128xf32, #tpu.memory_space<vmem>>, vector<1x128xf32>
    %add3A_339 = vector.broadcast %get3A_338 : vector<1x128xf32> to vector<1000x128xf32>
    %add3A_340 = arith.addf %dot_general3A_335, %add3A_339 : vector<1000x128xf32>
    %get3A_341 = arith.constant 3 : index
    %get3A_342 = arith.constant 0 : index
    %get3A_343 = arith.constant 0 : index
    %get3A_344 = vector.load %arg15[%get3A_341, %get3A_342, %get3A_343] : memref<8x128x128xf32, #tpu.memory_space<vmem>>, vector<1x128x128xf32>
    %get3A_345 = vector.shape_cast %get3A_344 : vector<1x128x128xf32> to vector<128x128xf32>
    %dot_general3A_346 = arith.constant dense<0.000000e+00> : vector<1000x128xf32>
    %dot_general3A_347 = tpu.matmul %get3A_1, %get3A_345, %dot_general3A_346 {dimension_numbers = #tpu.dot_dimension_numbers<[1], [0], [0], [1], [0, 0, 1, 1], [], []>, transpose_lhs_hint = false} : vector<1000x128xf32>, vector<128x128xf32>, vector<1000x128xf32> -> vector<1000x128xf32>
    %add3A_348 = arith.addf %add3A_340, %dot_general3A_347 : vector<1000x128xf32>
    %max3A_349 = arith.constant 0.000000e+00 : f32
    %max3A_350 = vector.broadcast %max3A_349 : f32 to vector<1000x128xf32>
    %max3A_351 = arith.maximumf %add3A_348, %max3A_350 : vector<1000x128xf32>
    %get3A_352 = arith.constant 3 : index
    %get3A_353 = arith.constant 0 : index
    %get3A_354 = arith.constant 0 : index
    %get3A_355 = vector.load %arg16[%get3A_352, %get3A_353, %get3A_354] : memref<8x128x128xf32, #tpu.memory_space<vmem>>, vector<1x128x128xf32>
    %get3A_356 = vector.shape_cast %get3A_355 : vector<1x128x128xf32> to vector<128x128xf32>
    %dot_general3A_357 = arith.constant dense<0.000000e+00> : vector<1000x128xf32>
    %dot_general3A_358 = tpu.matmul %max3A_351, %get3A_356, %dot_general3A_357 {dimension_numbers = #tpu.dot_dimension_numbers<[1], [0], [0], [1], [0, 0, 1, 1], [], []>, transpose_lhs_hint = false} : vector<1000x128xf32>, vector<128x128xf32>, vector<1000x128xf32> -> vector<1000x128xf32>
    %swap3A_359 = arith.constant 3 : index
    %swap3A_360 = arith.constant 0 : index
    %swap3A_361 = arith.constant 0 : index
    %swap3A_362 = vector.load %arg19[%swap3A_359, %swap3A_360, %swap3A_361] : memref<8x1000x128xf32, #tpu.memory_space<vmem>>, vector<1x1000x128xf32>
    %swap3A_363 = vector.shape_cast %swap3A_362 : vector<1x1000x128xf32> to vector<1000x128xf32>
    %swap3A_364 = vector.shape_cast %dot_general3A_358 : vector<1000x128xf32> to vector<1x1000x128xf32>
    tpu.vector_store %arg19[%swap3A_359, %swap3A_360, %swap3A_361], %swap3A_364 {strides = array<i32>} : memref<8x1000x128xf32, #tpu.memory_space<vmem>>, vector<1x1000x128xf32>,
    %get3A_365 = arith.constant 3 : index
    %get3A_366 = arith.constant 0 : index
    %get3A_367 = arith.constant 0 : index
    %get3A_368 = vector.load %arg18[%get3A_365, %get3A_366, %get3A_367] : memref<8x128x128xf32, #tpu.memory_space<vmem>>, vector<1x128x128xf32>
    %get3A_369 = vector.shape_cast %get3A_368 : vector<1x128x128xf32> to vector<128x128xf32>
    %dot_general3A_370 = arith.constant dense<0.000000e+00> : vector<1000x128xf32>
    %dot_general3A_371 = tpu.matmul %max3A_351, %get3A_369, %dot_general3A_370 {dimension_numbers = #tpu.dot_dimension_numbers<[1], [0], [0], [1], [0, 0, 1, 1], [], []>, transpose_lhs_hint = false} : vector<1000x128xf32>, vector<128x128xf32>, vector<1000x128xf32> -> vector<1000x128xf32>
    %eq3A_372 = arith.constant 3.000000e+00 : f32
    %eq3A_373 = vector.broadcast %eq3A_372 : f32 to vector<1000x1xf32>
    %eq3A_374 = arith.cmpf oeq, %broadcast_in_dim3A_110, %eq3A_373 : vector<1000x1xf32>
    %convert_element_type3A_375 = arith.extui %eq3A_374 : vector<1000x1xi1> to vector<1000x1xi32>
    %convert_element_type3A_376 = arith.sitofp %convert_element_type3A_375 : vector<1000x1xi32> to vector<1000x1xf32>
    %mul3A_377 = arith.mulf %div3A_134, %convert_element_type3A_376 : vector<1000x1xf32>
    %eq3A_378 = arith.constant 3.000000e+00 : f32
    %eq3A_379 = vector.broadcast %eq3A_378 : f32 to vector<1000x1xf32>
    %eq3A_380 = arith.cmpf oeq, %broadcast_in_dim3A_129, %eq3A_379 : vector<1000x1xf32>
    %convert_element_type3A_381 = arith.extui %eq3A_380 : vector<1000x1xi1> to vector<1000x1xi32>
    %convert_element_type3A_382 = arith.sitofp %convert_element_type3A_381 : vector<1000x1xi32> to vector<1000x1xf32>
    %mul3A_383 = arith.mulf %div3A_135, %convert_element_type3A_382 : vector<1000x1xf32>
    %add3A_384 = arith.addf %mul3A_377, %mul3A_383 : vector<1000x1xf32>
    %get3A_385 = arith.constant 3 : index
    %get3A_386 = arith.constant 0 : index
    %get3A_387 = vector.load %arg17[%get3A_385, %get3A_386] : memref<8x128xf32, #tpu.memory_space<vmem>>, vector<1x128xf32>
    %add3A_388 = vector.broadcast %get3A_387 : vector<1x128xf32> to vector<1000x128xf32>
    %add3A_389 = arith.addf %dot_general3A_371, %add3A_388 : vector<1000x128xf32>
    %mul3A_390 = vector.broadcast %add3A_384 : vector<1000x1xf32> to vector<1000x128xf32>
    %mul3A_391 = arith.mulf %mul3A_390, %add3A_389 : vector<1000x128xf32>
    %add3A_392 = arith.addf %add3A_328, %mul3A_391 : vector<1000x128xf32>
    %get3A_393 = arith.constant 4 : index
    %get3A_394 = arith.constant 0 : index
    %get3A_395 = arith.constant 0 : index
    %get3A_396 = vector.load %arg13[%get3A_393, %get3A_394, %get3A_395] : memref<8x128x128xf32, #tpu.memory_space<vmem>>, vector<1x128x128xf32>
    %get3A_397 = vector.shape_cast %get3A_396 : vector<1x128x128xf32> to vector<128x128xf32>
    %dot_general3A_398 = arith.constant dense<0.000000e+00> : vector<1000x128xf32>
    %dot_general3A_399 = tpu.matmul %add3A, %get3A_397, %dot_general3A_398 {dimension_numbers = #tpu.dot_dimension_numbers<[1], [0], [0], [1], [0, 0, 1, 1], [], []>, transpose_lhs_hint = false} : vector<1000x128xf32>, vector<128x128xf32>, vector<1000x128xf32> -> vector<1000x128xf32>
    %get3A_400 = arith.constant 4 : index
    %get3A_401 = arith.constant 0 : index
    %get3A_402 = vector.load %arg14[%get3A_400, %get3A_401] : memref<8x128xf32, #tpu.memory_space<vmem>>, vector<1x128xf32>
    %add3A_403 = vector.broadcast %get3A_402 : vector<1x128xf32> to vector<1000x128xf32>
    %add3A_404 = arith.addf %dot_general3A_399, %add3A_403 : vector<1000x128xf32>
    %get3A_405 = arith.constant 4 : index
    %get3A_406 = arith.constant 0 : index
    %get3A_407 = arith.constant 0 : index
    %get3A_408 = vector.load %arg15[%get3A_405, %get3A_406, %get3A_407] : memref<8x128x128xf32, #tpu.memory_space<vmem>>, vector<1x128x128xf32>
    %get3A_409 = vector.shape_cast %get3A_408 : vector<1x128x128xf32> to vector<128x128xf32>
    %dot_general3A_410 = arith.constant dense<0.000000e+00> : vector<1000x128xf32>
    %dot_general3A_411 = tpu.matmul %get3A_1, %get3A_409, %dot_general3A_410 {dimension_numbers = #tpu.dot_dimension_numbers<[1], [0], [0], [1], [0, 0, 1, 1], [], []>, transpose_lhs_hint = false} : vector<1000x128xf32>, vector<128x128xf32>, vector<1000x128xf32> -> vector<1000x128xf32>
    %add3A_412 = arith.addf %add3A_404, %dot_general3A_411 : vector<1000x128xf32>
    %max3A_413 = arith.constant 0.000000e+00 : f32
    %max3A_414 = vector.broadcast %max3A_413 : f32 to vector<1000x128xf32>
    %max3A_415 = arith.maximumf %add3A_412, %max3A_414 : vector<1000x128xf32>
    %get3A_416 = arith.constant 4 : index
    %get3A_417 = arith.constant 0 : index
    %get3A_418 = arith.constant 0 : index
    %get3A_419 = vector.load %arg16[%get3A_416, %get3A_417, %get3A_418] : memref<8x128x128xf32, #tpu.memory_space<vmem>>, vector<1x128x128xf32>
    %get3A_420 = vector.shape_cast %get3A_419 : vector<1x128x128xf32> to vector<128x128xf32>
    %dot_general3A_421 = arith.constant dense<0.000000e+00> : vector<1000x128xf32>
    %dot_general3A_422 = tpu.matmul %max3A_415, %get3A_420, %dot_general3A_421 {dimension_numbers = #tpu.dot_dimension_numbers<[1], [0], [0], [1], [0, 0, 1, 1], [], []>, transpose_lhs_hint = false} : vector<1000x128xf32>, vector<128x128xf32>, vector<1000x128xf32> -> vector<1000x128xf32>
    %swap3A_423 = arith.constant 4 : index
    %swap3A_424 = arith.constant 0 : index
    %swap3A_425 = arith.constant 0 : index
    %swap3A_426 = vector.load %arg19[%swap3A_423, %swap3A_424, %swap3A_425] : memref<8x1000x128xf32, #tpu.memory_space<vmem>>, vector<1x1000x128xf32>
    %swap3A_427 = vector.shape_cast %swap3A_426 : vector<1x1000x128xf32> to vector<1000x128xf32>
    %swap3A_428 = vector.shape_cast %dot_general3A_422 : vector<1000x128xf32> to vector<1x1000x128xf32>
    tpu.vector_store %arg19[%swap3A_423, %swap3A_424, %swap3A_425], %swap3A_428 {strides = array<i32>} : memref<8x1000x128xf32, #tpu.memory_space<vmem>>, vector<1x1000x128xf32>,
    %get3A_429 = arith.constant 4 : index
    %get3A_430 = arith.constant 0 : index
    %get3A_431 = arith.constant 0 : index
    %get3A_432 = vector.load %arg18[%get3A_429, %get3A_430, %get3A_431] : memref<8x128x128xf32, #tpu.memory_space<vmem>>, vector<1x128x128xf32>
    %get3A_433 = vector.shape_cast %get3A_432 : vector<1x128x128xf32> to vector<128x128xf32>
    %dot_general3A_434 = arith.constant dense<0.000000e+00> : vector<1000x128xf32>
    %dot_general3A_435 = tpu.matmul %max3A_415, %get3A_433, %dot_general3A_434 {dimension_numbers = #tpu.dot_dimension_numbers<[1], [0], [0], [1], [0, 0, 1, 1], [], []>, transpose_lhs_hint = false} : vector<1000x128xf32>, vector<128x128xf32>, vector<1000x128xf32> -> vector<1000x128xf32>
    %eq3A_436 = arith.constant 4.000000e+00 : f32
    %eq3A_437 = vector.broadcast %eq3A_436 : f32 to vector<1000x1xf32>
    %eq3A_438 = arith.cmpf oeq, %broadcast_in_dim3A_110, %eq3A_437 : vector<1000x1xf32>
    %convert_element_type3A_439 = arith.extui %eq3A_438 : vector<1000x1xi1> to vector<1000x1xi32>
    %convert_element_type3A_440 = arith.sitofp %convert_element_type3A_439 : vector<1000x1xi32> to vector<1000x1xf32>
    %mul3A_441 = arith.mulf %div3A_134, %convert_element_type3A_440 : vector<1000x1xf32>
    %eq3A_442 = arith.constant 4.000000e+00 : f32
    %eq3A_443 = vector.broadcast %eq3A_442 : f32 to vector<1000x1xf32>
    %eq3A_444 = arith.cmpf oeq, %broadcast_in_dim3A_129, %eq3A_443 : vector<1000x1xf32>
    %convert_element_type3A_445 = arith.extui %eq3A_444 : vector<1000x1xi1> to vector<1000x1xi32>
    %convert_element_type3A_446 = arith.sitofp %convert_element_type3A_445 : vector<1000x1xi32> to vector<1000x1xf32>
    %mul3A_447 = arith.mulf %div3A_135, %convert_element_type3A_446 : vector<1000x1xf32>
    %add3A_448 = arith.addf %mul3A_441, %mul3A_447 : vector<1000x1xf32>
    %get3A_449 = arith.constant 4 : index
    %get3A_450 = arith.constant 0 : index
    %get3A_451 = vector.load %arg17[%get3A_449, %get3A_450] : memref<8x128xf32, #tpu.memory_space<vmem>>, vector<1x128xf32>
    %add3A_452 = vector.broadcast %get3A_451 : vector<1x128xf32> to vector<1000x128xf32>
    %add3A_453 = arith.addf %dot_general3A_435, %add3A_452 : vector<1000x128xf32>
    %mul3A_454 = vector.broadcast %add3A_448 : vector<1000x1xf32> to vector<1000x128xf32>
    %mul3A_455 = arith.mulf %mul3A_454, %add3A_453 : vector<1000x128xf32>
    %add3A_456 = arith.addf %add3A_392, %mul3A_455 : vector<1000x128xf32>
    %get3A_457 = arith.constant 5 : index
    %get3A_458 = arith.constant 0 : index
    %get3A_459 = arith.constant 0 : index
    %get3A_460 = vector.load %arg13[%get3A_457, %get3A_458, %get3A_459] : memref<8x128x128xf32, #tpu.memory_space<vmem>>, vector<1x128x128xf32>
    %get3A_461 = vector.shape_cast %get3A_460 : vector<1x128x128xf32> to vector<128x128xf32>
    %dot_general3A_462 = arith.constant dense<0.000000e+00> : vector<1000x128xf32>
    %dot_general3A_463 = tpu.matmul %add3A, %get3A_461, %dot_general3A_462 {dimension_numbers = #tpu.dot_dimension_numbers<[1], [0], [0], [1], [0, 0, 1, 1], [], []>, transpose_lhs_hint = false} : vector<1000x128xf32>, vector<128x128xf32>, vector<1000x128xf32> -> vector<1000x128xf32>
    %get3A_464 = arith.constant 5 : index
    %get3A_465 = arith.constant 0 : index
    %get3A_466 = vector.load %arg14[%get3A_464, %get3A_465] : memref<8x128xf32, #tpu.memory_space<vmem>>, vector<1x128xf32>
    %add3A_467 = vector.broadcast %get3A_466 : vector<1x128xf32> to vector<1000x128xf32>
    %add3A_468 = arith.addf %dot_general3A_463, %add3A_467 : vector<1000x128xf32>
    %get3A_469 = arith.constant 5 : index
    %get3A_470 = arith.constant 0 : index
    %get3A_471 = arith.constant 0 : index
    %get3A_472 = vector.load %arg15[%get3A_469, %get3A_470, %get3A_471] : memref<8x128x128xf32, #tpu.memory_space<vmem>>, vector<1x128x128xf32>
    %get3A_473 = vector.shape_cast %get3A_472 : vector<1x128x128xf32> to vector<128x128xf32>
    %dot_general3A_474 = arith.constant dense<0.000000e+00> : vector<1000x128xf32>
    %dot_general3A_475 = tpu.matmul %get3A_1, %get3A_473, %dot_general3A_474 {dimension_numbers = #tpu.dot_dimension_numbers<[1], [0], [0], [1], [0, 0, 1, 1], [], []>, transpose_lhs_hint = false} : vector<1000x128xf32>, vector<128x128xf32>, vector<1000x128xf32> -> vector<1000x128xf32>
    %add3A_476 = arith.addf %add3A_468, %dot_general3A_475 : vector<1000x128xf32>
    %max3A_477 = arith.constant 0.000000e+00 : f32
    %max3A_478 = vector.broadcast %max3A_477 : f32 to vector<1000x128xf32>
    %max3A_479 = arith.maximumf %add3A_476, %max3A_478 : vector<1000x128xf32>
    %get3A_480 = arith.constant 5 : index
    %get3A_481 = arith.constant 0 : index
    %get3A_482 = arith.constant 0 : index
    %get3A_483 = vector.load %arg16[%get3A_480, %get3A_481, %get3A_482] : memref<8x128x128xf32, #tpu.memory_space<vmem>>, vector<1x128x128xf32>
    %get3A_484 = vector.shape_cast %get3A_483 : vector<1x128x128xf32> to vector<128x128xf32>
    %dot_general3A_485 = arith.constant dense<0.000000e+00> : vector<1000x128xf32>
    %dot_general3A_486 = tpu.matmul %max3A_479, %get3A_484, %dot_general3A_485 {dimension_numbers = #tpu.dot_dimension_numbers<[1], [0], [0], [1], [0, 0, 1, 1], [], []>, transpose_lhs_hint = false} : vector<1000x128xf32>, vector<128x128xf32>, vector<1000x128xf32> -> vector<1000x128xf32>
    %swap3A_487 = arith.constant 5 : index
    %swap3A_488 = arith.constant 0 : index
    %swap3A_489 = arith.constant 0 : index
    %swap3A_490 = vector.load %arg19[%swap3A_487, %swap3A_488, %swap3A_489] : memref<8x1000x128xf32, #tpu.memory_space<vmem>>, vector<1x1000x128xf32>
    %swap3A_491 = vector.shape_cast %swap3A_490 : vector<1x1000x128xf32> to vector<1000x128xf32>
    %swap3A_492 = vector.shape_cast %dot_general3A_486 : vector<1000x128xf32> to vector<1x1000x128xf32>
    tpu.vector_store %arg19[%swap3A_487, %swap3A_488, %swap3A_489], %swap3A_492 {strides = array<i32>} : memref<8x1000x128xf32, #tpu.memory_space<vmem>>, vector<1x1000x128xf32>,
    %get3A_493 = arith.constant 5 : index
    %get3A_494 = arith.constant 0 : index
    %get3A_495 = arith.constant 0 : index
    %get3A_496 = vector.load %arg18[%get3A_493, %get3A_494, %get3A_495] : memref<8x128x128xf32, #tpu.memory_space<vmem>>, vector<1x128x128xf32>
    %get3A_497 = vector.shape_cast %get3A_496 : vector<1x128x128xf32> to vector<128x128xf32>
    %dot_general3A_498 = arith.constant dense<0.000000e+00> : vector<1000x128xf32>
    %dot_general3A_499 = tpu.matmul %max3A_479, %get3A_497, %dot_general3A_498 {dimension_numbers = #tpu.dot_dimension_numbers<[1], [0], [0], [1], [0, 0, 1, 1], [], []>, transpose_lhs_hint = false} : vector<1000x128xf32>, vector<128x128xf32>, vector<1000x128xf32> -> vector<1000x128xf32>
    %eq3A_500 = arith.constant 5.000000e+00 : f32
    %eq3A_501 = vector.broadcast %eq3A_500 : f32 to vector<1000x1xf32>
    %eq3A_502 = arith.cmpf oeq, %broadcast_in_dim3A_110, %eq3A_501 : vector<1000x1xf32>
    %convert_element_type3A_503 = arith.extui %eq3A_502 : vector<1000x1xi1> to vector<1000x1xi32>
    %convert_element_type3A_504 = arith.sitofp %convert_element_type3A_503 : vector<1000x1xi32> to vector<1000x1xf32>
    %mul3A_505 = arith.mulf %div3A_134, %convert_element_type3A_504 : vector<1000x1xf32>
    %eq3A_506 = arith.constant 5.000000e+00 : f32
    %eq3A_507 = vector.broadcast %eq3A_506 : f32 to vector<1000x1xf32>
    %eq3A_508 = arith.cmpf oeq, %broadcast_in_dim3A_129, %eq3A_507 : vector<1000x1xf32>
    %convert_element_type3A_509 = arith.extui %eq3A_508 : vector<1000x1xi1> to vector<1000x1xi32>
    %convert_element_type3A_510 = arith.sitofp %convert_element_type3A_509 : vector<1000x1xi32> to vector<1000x1xf32>
    %mul3A_511 = arith.mulf %div3A_135, %convert_element_type3A_510 : vector<1000x1xf32>
    %add3A_512 = arith.addf %mul3A_505, %mul3A_511 : vector<1000x1xf32>
    %get3A_513 = arith.constant 5 : index
    %get3A_514 = arith.constant 0 : index
    %get3A_515 = vector.load %arg17[%get3A_513, %get3A_514] : memref<8x128xf32, #tpu.memory_space<vmem>>, vector<1x128xf32>
    %add3A_516 = vector.broadcast %get3A_515 : vector<1x128xf32> to vector<1000x128xf32>
    %add3A_517 = arith.addf %dot_general3A_499, %add3A_516 : vector<1000x128xf32>
    %mul3A_518 = vector.broadcast %add3A_512 : vector<1000x1xf32> to vector<1000x128xf32>
    %mul3A_519 = arith.mulf %mul3A_518, %add3A_517 : vector<1000x128xf32>
    %add3A_520 = arith.addf %add3A_456, %mul3A_519 : vector<1000x128xf32>
    %get3A_521 = arith.constant 6 : index
    %get3A_522 = arith.constant 0 : index
    %get3A_523 = arith.constant 0 : index
    %get3A_524 = vector.load %arg13[%get3A_521, %get3A_522, %get3A_523] : memref<8x128x128xf32, #tpu.memory_space<vmem>>, vector<1x128x128xf32>
    %get3A_525 = vector.shape_cast %get3A_524 : vector<1x128x128xf32> to vector<128x128xf32>
    %dot_general3A_526 = arith.constant dense<0.000000e+00> : vector<1000x128xf32>
    %dot_general3A_527 = tpu.matmul %add3A, %get3A_525, %dot_general3A_526 {dimension_numbers = #tpu.dot_dimension_numbers<[1], [0], [0], [1], [0, 0, 1, 1], [], []>, transpose_lhs_hint = false} : vector<1000x128xf32>, vector<128x128xf32>, vector<1000x128xf32> -> vector<1000x128xf32>
    %get3A_528 = arith.constant 6 : index
    %get3A_529 = arith.constant 0 : index
    %get3A_530 = vector.load %arg14[%get3A_528, %get3A_529] : memref<8x128xf32, #tpu.memory_space<vmem>>, vector<1x128xf32>
    %add3A_531 = vector.broadcast %get3A_530 : vector<1x128xf32> to vector<1000x128xf32>
    %add3A_532 = arith.addf %dot_general3A_527, %add3A_531 : vector<1000x128xf32>
    %get3A_533 = arith.constant 6 : index
    %get3A_534 = arith.constant 0 : index
    %get3A_535 = arith.constant 0 : index
    %get3A_536 = vector.load %arg15[%get3A_533, %get3A_534, %get3A_535] : memref<8x128x128xf32, #tpu.memory_space<vmem>>, vector<1x128x128xf32>
    %get3A_537 = vector.shape_cast %get3A_536 : vector<1x128x128xf32> to vector<128x128xf32>
    %dot_general3A_538 = arith.constant dense<0.000000e+00> : vector<1000x128xf32>
    %dot_general3A_539 = tpu.matmul %get3A_1, %get3A_537, %dot_general3A_538 {dimension_numbers = #tpu.dot_dimension_numbers<[1], [0], [0], [1], [0, 0, 1, 1], [], []>, transpose_lhs_hint = false} : vector<1000x128xf32>, vector<128x128xf32>, vector<1000x128xf32> -> vector<1000x128xf32>
    %add3A_540 = arith.addf %add3A_532, %dot_general3A_539 : vector<1000x128xf32>
    %max3A_541 = arith.constant 0.000000e+00 : f32
    %max3A_542 = vector.broadcast %max3A_541 : f32 to vector<1000x128xf32>
    %max3A_543 = arith.maximumf %add3A_540, %max3A_542 : vector<1000x128xf32>
    %get3A_544 = arith.constant 6 : index
    %get3A_545 = arith.constant 0 : index
    %get3A_546 = arith.constant 0 : index
    %get3A_547 = vector.load %arg16[%get3A_544, %get3A_545, %get3A_546] : memref<8x128x128xf32, #tpu.memory_space<vmem>>, vector<1x128x128xf32>
    %get3A_548 = vector.shape_cast %get3A_547 : vector<1x128x128xf32> to vector<128x128xf32>
    %dot_general3A_549 = arith.constant dense<0.000000e+00> : vector<1000x128xf32>
    %dot_general3A_550 = tpu.matmul %max3A_543, %get3A_548, %dot_general3A_549 {dimension_numbers = #tpu.dot_dimension_numbers<[1], [0], [0], [1], [0, 0, 1, 1], [], []>, transpose_lhs_hint = false} : vector<1000x128xf32>, vector<128x128xf32>, vector<1000x128xf32> -> vector<1000x128xf32>
    %swap3A_551 = arith.constant 6 : index
    %swap3A_552 = arith.constant 0 : index
    %swap3A_553 = arith.constant 0 : index
    %swap3A_554 = vector.load %arg19[%swap3A_551, %swap3A_552, %swap3A_553] : memref<8x1000x128xf32, #tpu.memory_space<vmem>>, vector<1x1000x128xf32>
    %swap3A_555 = vector.shape_cast %swap3A_554 : vector<1x1000x128xf32> to vector<1000x128xf32>
    %swap3A_556 = vector.shape_cast %dot_general3A_550 : vector<1000x128xf32> to vector<1x1000x128xf32>
    tpu.vector_store %arg19[%swap3A_551, %swap3A_552, %swap3A_553], %swap3A_556 {strides = array<i32>} : memref<8x1000x128xf32, #tpu.memory_space<vmem>>, vector<1x1000x128xf32>,
    %get3A_557 = arith.constant 6 : index
    %get3A_558 = arith.constant 0 : index
    %get3A_559 = arith.constant 0 : index
    %get3A_560 = vector.load %arg18[%get3A_557, %get3A_558, %get3A_559] : memref<8x128x128xf32, #tpu.memory_space<vmem>>, vector<1x128x128xf32>
    %get3A_561 = vector.shape_cast %get3A_560 : vector<1x128x128xf32> to vector<128x128xf32>
    %dot_general3A_562 = arith.constant dense<0.000000e+00> : vector<1000x128xf32>
    %dot_general3A_563 = tpu.matmul %max3A_543, %get3A_561, %dot_general3A_562 {dimension_numbers = #tpu.dot_dimension_numbers<[1], [0], [0], [1], [0, 0, 1, 1], [], []>, transpose_lhs_hint = false} : vector<1000x128xf32>, vector<128x128xf32>, vector<1000x128xf32> -> vector<1000x128xf32>
    %eq3A_564 = arith.constant 6.000000e+00 : f32
    %eq3A_565 = vector.broadcast %eq3A_564 : f32 to vector<1000x1xf32>
    %eq3A_566 = arith.cmpf oeq, %broadcast_in_dim3A_110, %eq3A_565 : vector<1000x1xf32>
    %convert_element_type3A_567 = arith.extui %eq3A_566 : vector<1000x1xi1> to vector<1000x1xi32>
    %convert_element_type3A_568 = arith.sitofp %convert_element_type3A_567 : vector<1000x1xi32> to vector<1000x1xf32>
    %mul3A_569 = arith.mulf %div3A_134, %convert_element_type3A_568 : vector<1000x1xf32>
    %eq3A_570 = arith.constant 6.000000e+00 : f32
    %eq3A_571 = vector.broadcast %eq3A_570 : f32 to vector<1000x1xf32>
    %eq3A_572 = arith.cmpf oeq, %broadcast_in_dim3A_129, %eq3A_571 : vector<1000x1xf32>
    %convert_element_type3A_573 = arith.extui %eq3A_572 : vector<1000x1xi1> to vector<1000x1xi32>
    %convert_element_type3A_574 = arith.sitofp %convert_element_type3A_573 : vector<1000x1xi32> to vector<1000x1xf32>
    %mul3A_575 = arith.mulf %div3A_135, %convert_element_type3A_574 : vector<1000x1xf32>
    %add3A_576 = arith.addf %mul3A_569, %mul3A_575 : vector<1000x1xf32>
    %get3A_577 = arith.constant 6 : index
    %get3A_578 = arith.constant 0 : index
    %get3A_579 = vector.load %arg17[%get3A_577, %get3A_578] : memref<8x128xf32, #tpu.memory_space<vmem>>, vector<1x128xf32>
    %add3A_580 = vector.broadcast %get3A_579 : vector<1x128xf32> to vector<1000x128xf32>
    %add3A_581 = arith.addf %dot_general3A_563, %add3A_580 : vector<1000x128xf32>
    %mul3A_582 = vector.broadcast %add3A_576 : vector<1000x1xf32> to vector<1000x128xf32>
    %mul3A_583 = arith.mulf %mul3A_582, %add3A_581 : vector<1000x128xf32>
    %add3A_584 = arith.addf %add3A_520, %mul3A_583 : vector<1000x128xf32>
    %get3A_585 = arith.constant 7 : index
    %get3A_586 = arith.constant 0 : index
    %get3A_587 = arith.constant 0 : index
    %get3A_588 = vector.load %arg13[%get3A_585, %get3A_586, %get3A_587] : memref<8x128x128xf32, #tpu.memory_space<vmem>>, vector<1x128x128xf32>
    %get3A_589 = vector.shape_cast %get3A_588 : vector<1x128x128xf32> to vector<128x128xf32>
    %dot_general3A_590 = arith.constant dense<0.000000e+00> : vector<1000x128xf32>
    %dot_general3A_591 = tpu.matmul %add3A, %get3A_589, %dot_general3A_590 {dimension_numbers = #tpu.dot_dimension_numbers<[1], [0], [0], [1], [0, 0, 1, 1], [], []>, transpose_lhs_hint = false} : vector<1000x128xf32>, vector<128x128xf32>, vector<1000x128xf32> -> vector<1000x128xf32>
    %get3A_592 = arith.constant 7 : index
    %get3A_593 = arith.constant 0 : index
    %get3A_594 = vector.load %arg14[%get3A_592, %get3A_593] : memref<8x128xf32, #tpu.memory_space<vmem>>, vector<1x128xf32>
    %add3A_595 = vector.broadcast %get3A_594 : vector<1x128xf32> to vector<1000x128xf32>
    %add3A_596 = arith.addf %dot_general3A_591, %add3A_595 : vector<1000x128xf32>
    %get3A_597 = arith.constant 7 : index
    %get3A_598 = arith.constant 0 : index
    %get3A_599 = arith.constant 0 : index
    %get3A_600 = vector.load %arg15[%get3A_597, %get3A_598, %get3A_599] : memref<8x128x128xf32, #tpu.memory_space<vmem>>, vector<1x128x128xf32>
    %get3A_601 = vector.shape_cast %get3A_600 : vector<1x128x128xf32> to vector<128x128xf32>
    %dot_general3A_602 = arith.constant dense<0.000000e+00> : vector<1000x128xf32>
    %dot_general3A_603 = tpu.matmul %get3A_1, %get3A_601, %dot_general3A_602 {dimension_numbers = #tpu.dot_dimension_numbers<[1], [0], [0], [1], [0, 0, 1, 1], [], []>, transpose_lhs_hint = false} : vector<1000x128xf32>, vector<128x128xf32>, vector<1000x128xf32> -> vector<1000x128xf32>
    %add3A_604 = arith.addf %add3A_596, %dot_general3A_603 : vector<1000x128xf32>
    %max3A_605 = arith.constant 0.000000e+00 : f32
    %max3A_606 = vector.broadcast %max3A_605 : f32 to vector<1000x128xf32>
    %max3A_607 = arith.maximumf %add3A_604, %max3A_606 : vector<1000x128xf32>
    %get3A_608 = arith.constant 7 : index
    %get3A_609 = arith.constant 0 : index
    %get3A_610 = arith.constant 0 : index
    %get3A_611 = vector.load %arg16[%get3A_608, %get3A_609, %get3A_610] : memref<8x128x128xf32, #tpu.memory_space<vmem>>, vector<1x128x128xf32>
    %get3A_612 = vector.shape_cast %get3A_611 : vector<1x128x128xf32> to vector<128x128xf32>
    %dot_general3A_613 = arith.constant dense<0.000000e+00> : vector<1000x128xf32>
    %dot_general3A_614 = tpu.matmul %max3A_607, %get3A_612, %dot_general3A_613 {dimension_numbers = #tpu.dot_dimension_numbers<[1], [0], [0], [1], [0, 0, 1, 1], [], []>, transpose_lhs_hint = false} : vector<1000x128xf32>, vector<128x128xf32>, vector<1000x128xf32> -> vector<1000x128xf32>
    %swap3A_615 = arith.constant 7 : index
    %swap3A_616 = arith.constant 0 : index
    %swap3A_617 = arith.constant 0 : index
    %swap3A_618 = vector.load %arg19[%swap3A_615, %swap3A_616, %swap3A_617] : memref<8x1000x128xf32, #tpu.memory_space<vmem>>, vector<1x1000x128xf32>
    %swap3A_619 = vector.shape_cast %swap3A_618 : vector<1x1000x128xf32> to vector<1000x128xf32>
    %swap3A_620 = vector.shape_cast %dot_general3A_614 : vector<1000x128xf32> to vector<1x1000x128xf32>
    tpu.vector_store %arg19[%swap3A_615, %swap3A_616, %swap3A_617], %swap3A_620 {strides = array<i32>} : memref<8x1000x128xf32, #tpu.memory_space<vmem>>, vector<1x1000x128xf32>,
    %get3A_621 = arith.constant 7 : index
    %get3A_622 = arith.constant 0 : index
    %get3A_623 = arith.constant 0 : index
    %get3A_624 = vector.load %arg18[%get3A_621, %get3A_622, %get3A_623] : memref<8x128x128xf32, #tpu.memory_space<vmem>>, vector<1x128x128xf32>
    %get3A_625 = vector.shape_cast %get3A_624 : vector<1x128x128xf32> to vector<128x128xf32>
    %dot_general3A_626 = arith.constant dense<0.000000e+00> : vector<1000x128xf32>
    %dot_general3A_627 = tpu.matmul %max3A_607, %get3A_625, %dot_general3A_626 {dimension_numbers = #tpu.dot_dimension_numbers<[1], [0], [0], [1], [0, 0, 1, 1], [], []>, transpose_lhs_hint = false} : vector<1000x128xf32>, vector<128x128xf32>, vector<1000x128xf32> -> vector<1000x128xf32>
    %eq3A_628 = arith.constant 7.000000e+00 : f32
    %eq3A_629 = vector.broadcast %eq3A_628 : f32 to vector<1000x1xf32>
    %eq3A_630 = arith.cmpf oeq, %broadcast_in_dim3A_110, %eq3A_629 : vector<1000x1xf32>
    %convert_element_type3A_631 = arith.extui %eq3A_630 : vector<1000x1xi1> to vector<1000x1xi32>
    %convert_element_type3A_632 = arith.sitofp %convert_element_type3A_631 : vector<1000x1xi32> to vector<1000x1xf32>
    %mul3A_633 = arith.mulf %div3A_134, %convert_element_type3A_632 : vector<1000x1xf32>
    %eq3A_634 = arith.constant 7.000000e+00 : f32
    %eq3A_635 = vector.broadcast %eq3A_634 : f32 to vector<1000x1xf32>
    %eq3A_636 = arith.cmpf oeq, %broadcast_in_dim3A_129, %eq3A_635 : vector<1000x1xf32>
    %convert_element_type3A_637 = arith.extui %eq3A_636 : vector<1000x1xi1> to vector<1000x1xi32>
    %convert_element_type3A_638 = arith.sitofp %convert_element_type3A_637 : vector<1000x1xi32> to vector<1000x1xf32>
    %mul3A_639 = arith.mulf %div3A_135, %convert_element_type3A_638 : vector<1000x1xf32>
    %add3A_640 = arith.addf %mul3A_633, %mul3A_639 : vector<1000x1xf32>
    %get3A_641 = arith.constant 7 : index
    %get3A_642 = arith.constant 0 : index
    %get3A_643 = vector.load %arg17[%get3A_641, %get3A_642] : memref<8x128xf32, #tpu.memory_space<vmem>>, vector<1x128xf32>
    %add3A_644 = vector.broadcast %get3A_643 : vector<1x128xf32> to vector<1000x128xf32>
    %add3A_645 = arith.addf %dot_general3A_627, %add3A_644 : vector<1000x128xf32>
    %mul3A_646 = vector.broadcast %add3A_640 : vector<1000x1xf32> to vector<1000x128xf32>
    %mul3A_647 = arith.mulf %mul3A_646, %add3A_645 : vector<1000x128xf32>
    %add3A_648 = arith.addf %add3A_584, %mul3A_647 : vector<1000x128xf32>
    %swap3A_649 = arith.constant 0 : index
    %swap3A_650 = arith.constant 0 : index
    %swap3A_651 = vector.load %arg20[%swap3A_649, %swap3A_650] : memref<1000x128xf32, #tpu.memory_space<vmem>>, vector<1000x128xf32>
    tpu.vector_store %arg20[%swap3A_649, %swap3A_650], %add3A_648 {strides = array<i32>} : memref<1000x128xf32, #tpu.memory_space<vmem>>, vector<1000x128xf32>,
    %broadcast_in_dim3A_652 = arith.constant 0.000000e+00 : f32
    %broadcast_in_dim3A_653 = vector.broadcast %broadcast_in_dim3A_652 : f32 to vector<1000x6xf32>
    %convert_element_type3A_654 = arith.fptosi %broadcast_in_dim3A_110 : vector<1000x1xf32> to vector<1000x1xi32>
    %convert_element_type3A_655 = arith.fptosi %broadcast_in_dim3A_129 : vector<1000x1xf32> to vector<1000x1xi32>
    %broadcast_in_dim3A_656 = arith.constant 0 : i32
    %broadcast_in_dim3A_657 = vector.broadcast %broadcast_in_dim3A_656 : i32 to vector<1000x6xi32>
    %concatenate3A = tpu.concatenate %convert_element_type3A_654, %convert_element_type3A_655, %broadcast_in_dim3A_657 in 1 : vector<1000x1xi32>, vector<1000x1xi32>, vector<1000x6xi32> -> vector<1000x8xi32>
    %swap3A_658 = arith.constant 0 : index
    %swap3A_659 = arith.constant 0 : index
    %swap3A_660 = vector.load %arg21[%swap3A_658, %swap3A_659] : memref<1000x8xi32, #tpu.memory_space<vmem>>, vector<1000x8xi32>
    tpu.vector_store %arg21[%swap3A_658, %swap3A_659], %concatenate3A {strides = array<i32>} : memref<1000x8xi32, #tpu.memory_space<vmem>>, vector<1000x8xi32>,
    %concatenate3A_661 = tpu.concatenate %div3A_134, %div3A_135, %broadcast_in_dim3A_653 in 1 : vector<1000x1xf32>, vector<1000x1xf32>, vector<1000x6xf32> -> vector<1000x8xf32>
    %swap3A_662 = arith.constant 0 : index
    %swap3A_663 = arith.constant 0 : index
    %swap3A_664 = vector.load %arg22[%swap3A_662, %swap3A_663] : memref<1000x8xf32, #tpu.memory_space<vmem>>, vector<1000x8xf32>
    tpu.vector_store %arg22[%swap3A_662, %swap3A_663], %concatenate3A_661 {strides = array<i32>} : memref<1000x8xf32, #tpu.memory_space<vmem>>, vector<1000x8xf32>,
    return
  }
  func.func @transform_0(%arg0: i32) -> (i32, i32) {
    %c0_i32 = arith.constant 0 : i32
    %c0_i32_0 = arith.constant 0 : i32
    return %arg0, %c0_i32 : i32, i32
  }
  func.func @transform_1(%arg0: i32) -> (i32, i32) {
    %c0_i32 = arith.constant 0 : i32
    %c0_i32_0 = arith.constant 0 : i32
    return %arg0, %c0_i32 : i32, i32
  }
  func.func @transform_2(%arg0: i32) -> (i32, i32) {
    %c0_i32 = arith.constant 0 : i32
    %c0_i32_0 = arith.constant 0 : i32
    return %arg0, %c0_i32 : i32, i32
  }
  func.func @transform_3(%arg0: i32) -> (i32, i32) {
    %c0_i32 = arith.constant 0 : i32
    %c0_i32_0 = arith.constant 0 : i32
    return %arg0, %c0_i32 : i32, i32
  }
  func.func @transform_4(%arg0: i32) -> (i32, i32) {
    %c0_i32 = arith.constant 0 : i32
    %c0_i32_0 = arith.constant 0 : i32
    %c0_i32_1 = arith.constant 0 : i32
    return %c0_i32, %c0_i32_0 : i32, i32
  }
  func.func @transform_5(%arg0: i32) -> (i32, i32) {
    %c0_i32 = arith.constant 0 : i32
    %c0_i32_0 = arith.constant 0 : i32
    %c0_i32_1 = arith.constant 0 : i32
    return %c0_i32, %c0_i32_0 : i32, i32
  }
  func.func @transform_6(%arg0: i32) -> (i32, i32) {
    %c0_i32 = arith.constant 0 : i32
    %c0_i32_0 = arith.constant 0 : i32
    %c0_i32_1 = arith.constant 0 : i32
    return %c0_i32, %c0_i32_0 : i32, i32
  }
  func.func @transform_7(%arg0: i32) -> (i32, i32) {
    %c0_i32 = arith.constant 0 : i32
    %c0_i32_0 = arith.constant 0 : i32
    %c0_i32_1 = arith.constant 0 : i32
    return %c0_i32, %c0_i32_0 : i32, i32
  }
  func.func @transform_8(%arg0: i32) -> (i32, i32) {
    %c0_i32 = arith.constant 0 : i32
    %c0_i32_0 = arith.constant 0 : i32
    %c0_i32_1 = arith.constant 0 : i32
    return %c0_i32, %c0_i32_0 : i32, i32
  }
  func.func @transform_9(%arg0: i32) -> (i32, i32) {
    %c0_i32 = arith.constant 0 : i32
    %c0_i32_0 = arith.constant 0 : i32
    %c0_i32_1 = arith.constant 0 : i32
    return %c0_i32, %c0_i32_0 : i32, i32
  }
  func.func @transform_10(%arg0: i32) -> (i32, i32) {
    %c0_i32 = arith.constant 0 : i32
    %c0_i32_0 = arith.constant 0 : i32
    %c0_i32_1 = arith.constant 0 : i32
    return %c0_i32, %c0_i32_0 : i32, i32
  }
  func.func @transform_11(%arg0: i32) -> (i32, i32) {
    %c0_i32 = arith.constant 0 : i32
    %c0_i32_0 = arith.constant 0 : i32
    %c0_i32_1 = arith.constant 0 : i32
    return %c0_i32, %c0_i32_0 : i32, i32
  }
  func.func @transform_12(%arg0: i32) -> (i32, i32, i32) {
    %c0_i32 = arith.constant 0 : i32
    %c0_i32_0 = arith.constant 0 : i32
    %c0_i32_1 = arith.constant 0 : i32
    %c0_i32_2 = arith.constant 0 : i32
    return %c0_i32, %c0_i32_0, %c0_i32_1 : i32, i32, i32
  }
  func.func @transform_13(%arg0: i32) -> (i32, i32) {
    %c0_i32 = arith.constant 0 : i32
    %c0_i32_0 = arith.constant 0 : i32
    %c0_i32_1 = arith.constant 0 : i32
    return %c0_i32, %c0_i32_0 : i32, i32
  }
  func.func @transform_14(%arg0: i32) -> (i32, i32, i32) {
    %c0_i32 = arith.constant 0 : i32
    %c0_i32_0 = arith.constant 0 : i32
    %c0_i32_1 = arith.constant 0 : i32
    %c0_i32_2 = arith.constant 0 : i32
    return %c0_i32, %c0_i32_0, %c0_i32_1 : i32, i32, i32
  }
  func.func @transform_15(%arg0: i32) -> (i32, i32, i32) {
    %c0_i32 = arith.constant 0 : i32
    %c0_i32_0 = arith.constant 0 : i32
    %c0_i32_1 = arith.constant 0 : i32
    %c0_i32_2 = arith.constant 0 : i32
    return %c0_i32, %c0_i32_0, %c0_i32_1 : i32, i32, i32
  }
  func.func @transform_16(%arg0: i32) -> (i32, i32) {
    %c0_i32 = arith.constant 0 : i32
    %c0_i32_0 = arith.constant 0 : i32
    %c0_i32_1 = arith.constant 0 : i32
    return %c0_i32, %c0_i32_0 : i32, i32
  }
  func.func @transform_17(%arg0: i32) -> (i32, i32, i32) {
    %c0_i32 = arith.constant 0 : i32
    %c0_i32_0 = arith.constant 0 : i32
    %c0_i32_1 = arith.constant 0 : i32
    %c0_i32_2 = arith.constant 0 : i32
    return %c0_i32, %c0_i32_0, %c0_i32_1 : i32, i32, i32
  }
  func.func @transform_18(%arg0: i32) -> (i32, i32, i32) {
    %c0_i32 = arith.constant 0 : i32
    %c0_i32_0 = arith.constant 0 : i32
    %c0_i32_1 = arith.constant 0 : i32
    return %c0_i32, %arg0, %c0_i32_0 : i32, i32, i32
  }
  func.func @transform_19(%arg0: i32) -> (i32, i32) {
    %c0_i32 = arith.constant 0 : i32
    %c0_i32_0 = arith.constant 0 : i32
    return %arg0, %c0_i32 : i32, i32
  }
  func.func @transform_20(%arg0: i32) -> (i32, i32) {
    %c0_i32 = arith.constant 0 : i32
    %c0_i32_0 = arith.constant 0 : i32
    return %arg0, %c0_i32 : i32, i32
  }
  func.func @transform_21(%arg0: i32) -> (i32, i32) {
    %c0_i32 = arith.constant 0 : i32
    %c0_i32_0 = arith.constant 0 : i32
    return %arg0, %c0_i32 : i32, i32
  }
}

module attributes {stable_mosaic.version = 14 : i64} {
  func.func @_comb_body(%arg0: i32, %arg1: memref<1000x128xf32, #tpu.memory_space<vmem>>, %arg2: memref<1000x128xf32, #tpu.memory_space<vmem>>, %arg3: memref<1000x128xf32, #tpu.memory_space<vmem>>, %arg4: memref<1000x8xf32, #tpu.memory_space<vmem>>, %arg5: memref<1000x128xf32, #tpu.memory_space<vmem>>) attributes {dimension_semantics = [#tpu.dimension_semantics<arbitrary>], iteration_bounds = array<i64: 10>, scalar_prefetch = 0 : i64, scratch_operands = 0 : i64, tpu.core_type = #tpu.core_type<tc>, window_params = [{transform_indices = @transform_0, window_bounds = array<i64: 1000, 128>}, {transform_indices = @transform_1, window_bounds = array<i64: 1000, 128>}, {transform_indices = @transform_2, window_bounds = array<i64: 1000, 128>}, {transform_indices = @transform_3, window_bounds = array<i64: 1000, 8>}, {transform_indices = @transform_4, window_bounds = array<i64: 1000, 128>}]} {
    %get3A = arith.constant 0 : index
    %get3A_0 = arith.constant 0 : index
    %get3A_1 = vector.load %arg4[%get3A, %get3A_0] : memref<1000x8xf32, #tpu.memory_space<vmem>>, vector<1000x8xf32>
    %get3A_2 = arith.constant 0 : index
    %get3A_3 = arith.constant 0 : index
    %get3A_4 = vector.load %arg1[%get3A_2, %get3A_3] : memref<1000x128xf32, #tpu.memory_space<vmem>>, vector<1000x128xf32>
    %slice3A = vector.extract_strided_slice %get3A_1 {offsets = [0, 0], sizes = [1000, 1], strides = [1, 1]} : vector<1000x8xf32> to vector<1000x1xf32>
    %get3A_5 = arith.constant 0 : index
    %get3A_6 = arith.constant 0 : index
    %get3A_7 = vector.load %arg2[%get3A_5, %get3A_6] : memref<1000x128xf32, #tpu.memory_space<vmem>>, vector<1000x128xf32>
    %mul3A = vector.broadcast %slice3A : vector<1000x1xf32> to vector<1000x128xf32>
    %mul3A_8 = arith.mulf %mul3A, %get3A_7 : vector<1000x128xf32>
    %add3A = arith.addf %get3A_4, %mul3A_8 : vector<1000x128xf32>
    %slice3A_9 = vector.extract_strided_slice %get3A_1 {offsets = [0, 1], sizes = [1000, 1], strides = [1, 1]} : vector<1000x8xf32> to vector<1000x1xf32>
    %get3A_10 = arith.constant 0 : index
    %get3A_11 = arith.constant 0 : index
    %get3A_12 = vector.load %arg3[%get3A_10, %get3A_11] : memref<1000x128xf32, #tpu.memory_space<vmem>>, vector<1000x128xf32>
    %mul3A_13 = vector.broadcast %slice3A_9 : vector<1000x1xf32> to vector<1000x128xf32>
    %mul3A_14 = arith.mulf %mul3A_13, %get3A_12 : vector<1000x128xf32>
    %add3A_15 = arith.addf %add3A, %mul3A_14 : vector<1000x128xf32>
    %swap3A = arith.constant 0 : index
    %swap3A_16 = arith.constant 0 : index
    %swap3A_17 = vector.load %arg5[%swap3A, %swap3A_16] : memref<1000x128xf32, #tpu.memory_space<vmem>>, vector<1000x128xf32>
    tpu.vector_store %arg5[%swap3A, %swap3A_16], %add3A_15 {strides = array<i32>} : memref<1000x128xf32, #tpu.memory_space<vmem>>, vector<1000x128xf32>,
    return
  }
  func.func @transform_0(%arg0: i32) -> (i32, i32) {
    %c0_i32 = arith.constant 0 : i32
    %c0_i32_0 = arith.constant 0 : i32
    return %arg0, %c0_i32 : i32, i32
  }
  func.func @transform_1(%arg0: i32) -> (i32, i32) {
    %c0_i32 = arith.constant 0 : i32
    %c0_i32_0 = arith.constant 0 : i32
    return %arg0, %c0_i32 : i32, i32
  }
  func.func @transform_2(%arg0: i32) -> (i32, i32) {
    %c0_i32 = arith.constant 0 : i32
    %c0_i32_0 = arith.constant 0 : i32
    return %arg0, %c0_i32 : i32, i32
  }
  func.func @transform_3(%arg0: i32) -> (i32, i32) {
    %c0_i32 = arith.constant 0 : i32
    %c0_i32_0 = arith.constant 0 : i32
    return %arg0, %c0_i32 : i32, i32
  }
  func.func @transform_4(%arg0: i32) -> (i32, i32) {
    %c0_i32 = arith.constant 0 : i32
    %c0_i32_0 = arith.constant 0 : i32
    return %arg0, %c0_i32 : i32, i32
  }
}

</mosaic_0001>

<sc_bundles>
// kernel: kernel.11.cloned.1.call-start
scs
__scs_entry_jumppad:
0x0: {  	(pc) =	sbr.rel $0x88, $3  }
0x1: {  	(tag) =	ssettag $0x0;
	lr =	simm.s32 $0x1  }
0x2: {  	[smem:$0x3F8D] =	sst lr;
	_ =	strace $0xD0000000  }
0x3: {  	_ = 	snop  }
0x4: {  	_ = 	snop  }
0x5: {  	_ = 	snop  }
0x6: {  	_ = 	snop  }
0x7: {  	_ = 	snop  }
__scs_overlays_trampoline_lowered:
0x8: {  	[smem:$0x3F9C] =	sst s0  }
0x9: {  	[smem:$0x3F9D] =	sst s1  }
0xa: {  	[smem:$0x3F9E] =	sst s2  }
0xb: {  	[smem:$0x3F9F] =	sst s3  }
0xc: {  	[smem:$0x3FA0] =	sst s4  }
0xd: {  	[smem:$0x3FA1] =	sst s5  }
0xe: {  	[smem:$0x3FA2] =	sst s6  }
0xf: {  	[smem:$0x3FA3] =	sst s7  }
0x10: {  	[smem:$0x3FA4] =	sst s8  }
0x11: {  	[smem:$0x3FA5] =	sst s9;
	s0 =	simm.s32 @!p0 $0x0  }
0x12: {  	s1 =	sld [smem:$0x3F8B];
	s0 =	simm.s32 @p0 $0x1  }
0x13: {  	[smem:$0x3FA6] =	sst s0;
	s0 =	simm.s32 @!p1 $0x0  }
0x14: {  	s2 =	sld [smem:$0x3F8A];
	s0 =	simm.s32 @p1 $0x1  }
0x15: {  	[smem:$0x3FA7] =	sst s0;
	s0 =	simm.s32 @!p2 $0x0  }
0x16: {  	s3 =	sld [smem:$0x3FDB];
	s0 =	simm.s32 @p2 $0x1  }
0x17: {  	s4 =	simm.s32 $0x1BF5;
	[smem:$0x3FA9] =	sst s0  }
0x18: {  	s0 =	sld [smem:$0x3F8C];
	_ =	swait.ge [sflag:s4], $0x0  }
0x19: {  	s7 =	sld [smem:$0x3F8D]  }
0x1a: {  	s8 =	sadd.s32 $0xFFFFE003, lr  }
0x1b: {  	s9 =	sadd.s32 $0xFFFFFEF7, lr;
	s5 =	simm.s32 $0xFFFFFFFF;
	p2 =	slt.u32 s8, $0xFFFFF086  }
0x1c: {  	p1 =	slt.u32 s9, $0xF7A;
	s5 =	simm.s32 @!p2 $0x0  }
0x1d: {  	s5 =	simm.s32 @p1 $0x1;
	p0 =	seq.s32 s7, s2  }
0x1e: {  	s7 =	smul.u32 @!p0 $0xF7A, s2;
	p2 =	seq.s32 @!p0 s5, $0x0  }
0x1f: {  	s9 =	smul.u32 $0xF7A, s1;
	s8 =	simm.s32 @!p0 $0x1BF5;
	p2 =	por !p2, p0  }
0x20: {  	[sflag:s8] =	ssyncset.s32 @!p0 $0xFFFFF086;
	s6 =	sadd.s32 @!p0 s3, s7;
	s7 =	simm.s32 @!p0 $0x108  }
0x21: {  	s3 =	sadd.s32 s3, s9;
	s6 =	sadd.s32 @!p0 $0x88, s6;
	s7 =	simm.s32 @p2 $0x1082  }
0x22: {  	[simem:s7], [sflag:s8] =	dma.local @!p0 [hbm:s6], $0xF7A  }
0x23: {  	s9 =	sor.u32 $0xD0000000, s2;
	s6 =	simm.s32 $0x108;
	_ =	swait.ge @!p0 [sflag:s8], $0x0  }
0x24: {  	s3 =	sadd.s32 $0x88, s3;
	s6 =	simm.s32 @!p1 $0x1082;
	[sflag:s4] =	ssyncset.s32 $0xFFFFF086  }
0x25: {  	[simem:s6], [sflag:s4] =	dma.local [hbm:s3], $0xF7A  }
0x26: {  	[smem:$0x3F8D] =	sst s1;
	(tag) =	ssettag s2;
	_ =	strace s9  }
0x27: {  	s1 =	sld [smem:$0x3F9D]  }
0x28: {  	s2 =	sld [smem:$0x3F9E]  }
0x29: {  	s4 =	sld [smem:$0x3FA0]  }
0x2a: {  	p0 =	seq.s32 s5, $0x0;
	s5 =	sld [smem:$0x3FA1]  }
0x2b: {  	s6 =	sld [smem:$0x3FA2]  }
0x2c: {  	s7 =	sld [smem:$0x3FA3]  }
0x2d: {  	s3 =	simm.s32 $0x108;
	s8 =	sld [smem:$0x3FA4]  }
0x2e: {  	s3 =	simm.s32 @!p0 $0x1082;
	s9 =	sld [smem:$0x3FA5]  }
0x2f: {  	lr =	sadd.s32 s0, s3;
	s0 =	sld [smem:$0x3F9C]  }
0x30: {  	s3 =	sld [smem:$0x3F9F]  }
0x31: {  	[smem:$0x3FA8] =	sst s10  }
0x32: {  	s10 =	sld [smem:$0x3FA6];
	_ =	sdelay $0x3  }
0x33: {  	p0 =	seq.s32 s10, $0x1;
	s10 =	sld [smem:$0x3FA8];
	_ =	sdelay $0x3  }
0x34: {  	[smem:$0x3FA8] =	sst s10  }
0x35: {  	s10 =	sld [smem:$0x3FA7];
	_ =	sdelay $0x3  }
0x36: {  	p1 =	seq.s32 s10, $0x1;
	s10 =	sld [smem:$0x3FA8];
	_ =	sdelay $0x3  }
0x37: {  	[smem:$0x3FA8] =	sst s10  }
0x38: {  	s10 =	sld [smem:$0x3FA9]  }
0x39: {  	_ = 	snop;
	(pc) =	sbr.ind lr, $3  }
0x3a: {  	_ = 	snop  }
0x3b: {  	_ = 	snop  }
0x3c: {  	p2 =	seq.s32 s10, $0x1;
	s10 =	sld [smem:$0x3FA8]  }
0x3d: {  	_ =	shalt  }
0x3e: {  	_ =	shalt  }
0x3f: {  	_ =	shalt  }
0x40: {  	_ =	shalt  }
0x41: {  	_ =	shalt  }
0x42: {  	_ =	shalt  }
0x43: {  	_ =	shalt  }
0x44: {  	_ =	shalt  }
0x45: {  	_ =	shalt  }
0x46: {  	_ =	shalt  }
0x47: {  	_ =	shalt  }
0x48: {  	_ =	shalt  }
0x49: {  	_ =	shalt  }
0x4a: {  	_ =	shalt  }
0x4b: {  	_ =	shalt  }
0x4c: {  	_ =	shalt  }
0x4d: {  	_ =	shalt  }
0x4e: {  	_ =	shalt  }
0x4f: {  	_ =	shalt  }
0x50: {  	_ =	shalt  }
0x51: {  	_ =	shalt  }
0x52: {  	_ =	shalt  }
0x53: {  	_ =	shalt  }
0x54: {  	_ =	shalt  }
0x55: {  	_ =	shalt  }
0x56: {  	_ =	shalt  }
0x57: {  	_ =	shalt  }
0x58: {  	_ =	shalt  }
0x59: {  	_ =	shalt  }
0x5a: {  	_ =	shalt  }
0x5b: {  	_ =	shalt  }
0x5c: {  	_ =	shalt  }
0x5d: {  	_ =	shalt  }
0x5e: {  	_ =	shalt  }
0x5f: {  	_ =	shalt  }
0x60: {  	_ =	shalt  }
0x61: {  	_ =	shalt  }
0x62: {  	_ =	shalt  }
0x63: {  	_ =	shalt  }
0x64: {  	_ =	shalt  }
0x65: {  	_ =	shalt  }
0x66: {  	_ =	shalt  }
0x67: {  	_ =	shalt  }
0x68: {  	_ =	shalt  }
0x69: {  	_ =	shalt  }
0x6a: {  	_ =	shalt  }
0x6b: {  	_ =	shalt  }
0x6c: {  	_ =	shalt  }
0x6d: {  	_ =	shalt  }
0x6e: {  	_ =	shalt  }
0x6f: {  	_ =	shalt  }
0x70: {  	_ =	shalt  }
0x71: {  	_ =	shalt  }
0x72: {  	_ =	shalt  }
0x73: {  	_ =	shalt  }
0x74: {  	_ =	shalt  }
0x75: {  	_ =	shalt  }
0x76: {  	_ =	shalt  }
0x77: {  	_ =	shalt  }
0x78: {  	_ =	shalt  }
0x79: {  	_ =	shalt  }
0x7a: {  	_ =	shalt  }
0x7b: {  	_ =	shalt  }
0x7c: {  	_ =	shalt  }
0x7d: {  	_ =	shalt  }
0x7e: {  	_ =	shalt  }
0x7f: {  	_ =	shalt  }
0x80: {  	_ =	shalt  }
0x81: {  	_ =	shalt  }
0x82: {  	_ =	shalt  }
0x83: {  	_ =	shalt  }
0x84: {  	_ =	shalt  }
0x85: {  	_ =	shalt  }
0x86: {  	_ =	shalt  }
0x87: {  	_ =	shalt  }
.Lfunc_end0:
.L_simem_size_0:
called_computation.1_lowered:
.L_overlay_start_0:
0x88: {  	s2 =	sld [smem:$0x3FD9]  }
0x89: {  	s3 =	sld [smem:$0x3FFE];
	_ =	sdelay $0x1  }
0x8a: {  	s1 =	srdreg.scid  }
0x8b: {  	s0 =	sand.u32 $0x1, s1  }
0x8c: {  	s17 =	sshll.u32 s0, $0xA;
	s2 =	sadd.s32 s3, s2  }
0x8d: {  	s2 =	sadd.s32 s2, s17  }
0x8e: {  	[smem:$0x3FB4] =	sst s2  }
0x8f: {  	_ = 	snop  }
0x90: {  	s2 =	sld [smem:$0x3FD0];
	(tm) =	ssettm $0x1  }
0x91: {  	s18 =	sld [smem:$0x3FFB];
	_ =	sdelay $0x3  }
0x92: {  	_ =	strace s18  }
0x93: {  	s3 =	sld [smem:$0x3FFC];
	_ =	sdelay $0x3  }
0x94: {  	_ =	strace s3  }
0x95: {  	s3 =	sld [smem:$0x3FFD];
	_ =	sdelay $0x3  }
0x96: {  	_ =	strace s3  }
0x97: {  	_ =	strace $0x8FFFFFFF  }
0x98: {  	s19 =	sld [smem:$0x3FDB];
	_ =	sdelay $0x1  }
0x99: {  	s4 =	simm.s32 $_scs_section_size  }
0x9a: {  	s5 =	simm.s32 $_size__tile_overlayer_lowered;
	s6 =	simm.s32 $_tile_overlayer_lowered  }
0x9b: {  	s22 =	simm.s32 $0x1BFF;
	s21 =	sshll.u32 s6, $0x1;
	s3 =	sadd.s32 s4, s19  }
0x9c: {  	s7 =	simm.s32 $0x0;
	s20 =	sshll.u32 s5, $0x1;
	s5 =	sadd.s32 s21, s3  }
0x9d: {  	[timem:s7], [sflag:s22] =	dma.local [hbm:s5], s20  }
0x9e: {  	_ =	swait.ge [sflag:s22], s20  }
0x9f: {  	s4 =	ssub.s32 $0x0, s20;
	[sflag:s22] =	ssyncset.done $0x0  }
0xa0: {  	[sflag:s22] =	ssyncadd.s32 s4;
	_ =	sdelay $0x1  }
0xa1: {  	s23 =	simm.s32 $0x1B8B  }
0xa2: {  	_ =	swait.ge [sflag:s23], $0x1  }
0xa3: {  	[sflag:s23] =	ssyncset.done $0x0  }
0xa4: {  	s25 =	simm.s32 $0x1B8E;
	s24 =	sld [smem:$0x3FFE];
	[sflag:s23] =	ssyncadd.s32 $0xFFFFFFFF  }
0xa5: {  	s26 =	simm.s32 $execute0_lowered;
	[smem:$0x3FD2] =	sst s25  }
0xa6: {  	s5 =	sshll.u32 s26, $0x1;
	_ =	strace $0x80000049;
	[dreg:$0x1] =	wrdreg $0xFFFFFFFF  }
0xa7: {  	s28 =	simm.s32 $_size_execute0_lowered;
	s3 =	sadd.s32 s3, s5;
	[dreg:$0x0] =	wrdreg $0x0  }
0xa8: {  	s5 =	sshll.u32 s28, $0x1;
	[dreg:$0x2] =	wrdreg s3  }
0xa9: {  	[dreg:$0x3] =	wrdreg s5  }
0xaa: {  	[dreg:$0x4] =	wrdreg $0xC0  }
0xab: {  	_ =	task [dreg:s7], $0x5FFFF  }
0xac: {  	[dreg:$0x1] =	wrdreg $0xFFFFFFFF  }
0xad: {  	[dreg:$0x0] =	wrdreg $0x60  }
0xae: {  	[dreg:$0x2] =	wrdreg s24  }
0xaf: {  	[dreg:$0x3] =	wrdreg s2  }
0xb0: {  	[dreg:$0x4] =	wrdreg $0x98000  }
0xb1: {  	[dreg:$0x5] =	wrdreg $0x9  }
0xb2: {  	_ =	task.clear_ibuf [dreg:s7], $0x6FFFF;
	_ =	strace $0x90000049  }
0xb3: {  	s29 =	simm.s32 $0x9;
	_ =	strace $0x8000004B  }
0xb4: {  	_ =	swait.ge [sflag:s29], $0x1  }
0xb5: {  	[sflag:s29] =	ssyncadd.s32 $0xFFFFFFFF  }
0xb6: {  	_ =	strace $0x9000004B  }
0xb7: {  	_ =	sfence  }
0xb8: {  	s30 =	sld [smem:$0x0];
	_ =	sdelay $0x2  }
0xb9: {  	s31 =	sshll.u32 s1, $0xD;
	s1 =	sshrl.u32 s1, $0x2  }
0xba: {  	s3 =	sand.u32 $0x4000, s31;
	s1 =	sadd.s32 s1, s30  }
0xbb: {  	s0 =	sor.u32 s3, s0;
	s1 =	sshll.u32 s1, $0x11  }
0xbc: {  	s0 =	sor.u32 s1, s0  }
0xbd: {  	s0 =	sadd.s32 $0x8F2B, s0  }
0xbe: {  	[sflag:s0] =	ssyncadd.remote.s32 $0x1  }
0xbf: {  	_ =	sfence.sel $0xFFFF  }
0xc0: {  	[dreg:$0x0] =	wrdreg $0xFFFFFFFF;
	(pc) =	sbr.abs _section_cstart, $3  }
0xc1: {  	[dreg:$0x1] =	wrdreg $0xFFFFFFFF  }
0xc2: {  	_ =	task.clear_ibuf [dreg:s7], $0x2FFFF;
	_ =	strace $0x9FFFFFFF  }
0xc3: {  	(tm) =	ssettm $0x7FFFFFFF  }
tec
execute0_lowered:
.L_overlay_start_1:
0x0: {  	(tag) =	ssettag $0x1  }
0x1: {  	s0 =	rddreg [dreg:$0x0]  }
0x2: {  	s1 =	rddreg [dreg:$0x1]  }
0x3: {  	s2 =	rddreg [dreg:$0x2];
	s3 =	simm.s32 $0x0;
	s4 =	srdreg.scid  }
0x4: {  	s19 =	stileid.u32;
	s30 =	simm.s32 $0x2000;
	s31 =	simm.s32 $0x8  }
0x5: {  	s28 =	simm.s32 $0x1280;
	s29 =	simm.s32 $0x1300;
	[smem:$0x7FF] =	sst s3  }
0x6: {  	s5 =	sadd.s32 $0xFC400, s0;
	s6 =	sadd.s32 $0x2E00, s0;
	s4 =	sand.u32 $0x1, s4  }
0x7: {  	s8 =	sadd.s32 $0x21200, s0;
	s10 =	smul.u32 $0x14000, s19;
	s26 =	sadd.s32 $0x71200, s0  }
0x8: {  	_ =	strace $0x8000004A;
	[dreg:$0x4] =	wrdreg s6;
	s7 =	smul.u32 $0x140000, s4  }
0x9: {  	s15 =	ssub.s32 $0x2, s4;
	p0 =	seq.s32 s4, $0x1;
	s4 =	smul.u32 $0x50000, s19  }
0xa: {  	[dreg:$0xd] =	wrdreg s26;
	s26 =	simm.s32 $0x5;
	s9 =	sshrl.u32 s15, $0x1  }
0xb: {  	s11 =	sadd.s32 $0x5000, s10;
	s12 =	sadd.s32 $0x7800, s10;
	s13 =	sadd.s32 $0xA000, s10  }
0xc: {  	s14 =	sadd.s32 $0xC800, s10;
	s20 =	sadd.s32 $0xF000, s10;
	s6 =	ssub.s32 s15, s9  }
0xd: {  	s9 =	sor.u32 $0x2800, s10;
	s15 =	sadd.s32 s7, s10;
	s10 =	sadd.s32 $0x11800, s10  }
0xe: {  	s17 =	sadd.s32 s7, s11;
	s18 =	sadd.s32 s7, s12;
	s23 =	sadd.s32 s7, s14  }
0xf: {  	s24 =	sadd.s32 s7, s20;
	s4 =	sshrl.u32 s4, $0x2;
	s12 =	sadd.s32 s12, s2  }
0x10: {  	s15 =	sshrl.u32 s15, $0x3;
	s16 =	sadd.s32 s7, s9;
	s9 =	sadd.s32 s9, s2  }
0x11: {  	[dreg:$0x12] =	wrdreg s12;
	s12 =	simm.s32 $0x7;
	s15 =	sadd.s32 s8, s15  }
0x12: {  	s16 =	sshrl.u32 s16, $0x3;
	[dreg:$0x11] =	wrdreg s9;
	s9 =	simm.s32 $0x3  }
0x13: {  	[dreg:$0x5] =	wrdreg s15;
	s15 =	sadd.s32 s8, s16;
	s16 =	sshrl.u32 s18, $0x3  }
0x14: {  	s18 =	sadd.s32 s7, s13;
	s7 =	sadd.s32 s7, s10;
	[dreg:$0x6] =	wrdreg s15  }
0x15: {  	s15 =	sshrl.u32 s17, $0x3;
	s21 =	sadd.s32 s8, s16;
	s22 =	sshrl.u32 s18, $0x3  }
0x16: {  	s16 =	sshrl.u32 s24, $0x3;
	s18 =	sadd.s32 s14, s2;
	[dreg:$0x8] =	wrdreg s21  }
0x17: {  	s7 =	sshrl.u32 s7, $0x3;
	s17 =	sadd.s32 s4, s2;
	[dreg:$0x14] =	wrdreg s18  }
0x18: {  	s24 =	smul.u32 $0xA000, s19;
	s15 =	sadd.s32 s8, s15;
	[dreg:$0xf] =	wrdreg s17  }
0x19: {  	s4 =	simm.s32 $0x50;
	s25 =	sadd.s32 s8, s16;
	[dreg:$0x7] =	wrdreg s15  }
0x1a: {  	s14 =	simm.s32 $0x4800;
	s7 =	sadd.s32 s8, s7;
	[dreg:$0xb] =	wrdreg s25  }
0x1b: {  	s16 =	sadd.s32 $0xCC00, s0;
	s0 =	sadd.s32 $0x20C00, s0;
	[dreg:$0xc] =	wrdreg s7  }
0x1c: {  	s21 =	sadd.s32 s20, s2;
	s18 =	sadd.s32 s10, s2;
	[dreg:$0xe] =	wrdreg s0  }
0x1d: {  	s10 =	simm.s32 $0x1400;
	s20 =	simm.s32 $0x1;
	[dreg:$0x15] =	wrdreg s21  }
0x1e: {  	s15 =	sadd.s32 s8, s22;
	s22 =	smul.u32 $0x4E20, s19;
	[dreg:$0x18] =	wrdreg s24  }
0x1f: {  	s0 =	simm.s32 $0x800;
	s21 =	simm.s32 $0x1080;
	s19 =	simm.s32 $0x7000  }
0x20: {  	s24 =	simm.s32 $0x2;
	s25 =	simm.s32 $0x0;
	[dreg:$0x16] =	wrdreg s18  }
0x21: {  	[dreg:$0x9] =	wrdreg s15;
	s15 =	sshrl.u32 s23, $0x3;
	s23 =	sadd.s32 s11, s2  }
0x22: {  	s11 =	simm.s32 $0x1100;
	[dreg:$0x19] =	wrdreg s25;
	s15 =	sadd.s32 s8, s15  }
0x23: {  	s8 =	smax.u32 s6, $0x1;
	[dreg:$0x17] =	wrdreg s22;
	s6 =	simm.s32 $0x1180  }
0x24: {  	s22 =	simm.s32 $0x4;
	s25 =	smov.u32 s23;
	[dreg:$0xa] =	wrdreg s15  }
0x25: {  	[dreg:$0x10] =	wrdreg s8;
	s15 =	sadd.s32 s13, s2;
	s8 =	simm.s32 $0x1380  }
0x26: {  	s13 =	simm.s32 $0x6;
	[dreg:$0x13] =	wrdreg s15;
	s15 =	simm.s32 $0x1200  }
.LBB2_1:
0x27: {  	s7 =	rddreg [dreg:$0xe]  }
0x28: {  	[tilespmem:s30], [sflag:$0x8] =	stream.linear.gather [hbm4b:s7+s3], $0x2800, $0x38;
	[tilespmem:$0x1D800] =	vst v63  }
0x29: {  	_ =	swait.ge [sflag:s31], $0x2800  }
0x2a: {  	[sflag:s31] =	ssyncset.done $0x0  }
0x2b: {  	[sflag:s31] =	ssyncadd.s32 $0xFFFFD800  }
0x2c: {  	[spmem:s17] =	stream.linear.scatter [tilespmem:s30], [sflag:$0x8], $0x2800, $0x38;
	[tilespmem:$0x1D800] =	vst v63  }
0x2d: {  	_ =	swait.ge [sflag:s31], $0x2800  }
0x2e: {  	[sflag:s31] =	ssyncset.done $0x0  }
0x2f: {  	s17 =	rddreg [dreg:$0x11];
	[sflag:s31] =	ssyncadd.s32 $0xFFFFD800  }
0x30: {  	[spmem:s17] =	stream.linear.scatter [tilespmem:s30], [sflag:$0x8], $0x2800, $0x38;
	[tilespmem:$0x1D800] =	vst v63  }
0x31: {  	_ =	swait.ge [sflag:s31], $0x2800  }
0x32: {  	[sflag:s31] =	ssyncset.done $0x0  }
0x33: {  	[sflag:s31] =	ssyncadd.s32 $0xFFFFD800  }
0x34: {  	[spmem:s23] =	stream.linear.scatter [tilespmem:s30], [sflag:$0x8], $0x2800, $0x38;
	[tilespmem:$0x1D800] =	vst v63  }
0x35: {  	_ =	swait.ge [sflag:s31], $0x2800  }
0x36: {  	[sflag:s31] =	ssyncset.done $0x0  }
0x37: {  	s17 =	rddreg [dreg:$0x12];
	[sflag:s31] =	ssyncadd.s32 $0xFFFFD800  }
0x38: {  	[spmem:s17] =	stream.linear.scatter [tilespmem:s30], [sflag:$0x8], $0x2800, $0x38;
	[tilespmem:$0x1D800] =	vst v63  }
0x39: {  	_ =	swait.ge [sflag:s31], $0x2800  }
0x3a: {  	[sflag:s31] =	ssyncset.done $0x0  }
0x3b: {  	s23 =	rddreg [dreg:$0x13];
	[sflag:s31] =	ssyncadd.s32 $0xFFFFD800  }
0x3c: {  	[spmem:s23] =	stream.linear.scatter [tilespmem:s30], [sflag:$0x8], $0x2800, $0x38;
	[tilespmem:$0x1D800] =	vst v63  }
0x3d: {  	_ =	swait.ge [sflag:s31], $0x2800  }
0x3e: {  	[sflag:s31] =	ssyncset.done $0x0  }
0x3f: {  	s17 =	rddreg [dreg:$0x14];
	[sflag:s31] =	ssyncadd.s32 $0xFFFFD800  }
0x40: {  	[spmem:s17] =	stream.linear.scatter [tilespmem:s30], [sflag:$0x8], $0x2800, $0x38;
	[tilespmem:$0x1D800] =	vst v63  }
0x41: {  	_ =	swait.ge [sflag:s31], $0x2800  }
0x42: {  	[sflag:s31] =	ssyncset.done $0x0  }
0x43: {  	s23 =	rddreg [dreg:$0x15];
	[sflag:s31] =	ssyncadd.s32 $0xFFFFD800  }
0x44: {  	[spmem:s23] =	stream.linear.scatter [tilespmem:s30], [sflag:$0x8], $0x2800, $0x38;
	[tilespmem:$0x1D800] =	vst v63  }
0x45: {  	_ =	swait.ge [sflag:s31], $0x2800  }
0x46: {  	[sflag:s31] =	ssyncset.done $0x0  }
0x47: {  	[sflag:s31] =	ssyncadd.s32 $0xFFFFD800  }
0x48: {  	[spmem:s18] =	stream.linear.scatter [tilespmem:s30], [sflag:$0x8], $0x2800, $0x38;
	[tilespmem:$0x1D800] =	vst v63  }
0x49: {  	_ =	swait.ge [sflag:s31], $0x2800  }
0x4a: {  	[sflag:s31] =	ssyncset.done $0x0  }
0x4b: {  	[sflag:s31] =	ssyncadd.s32 $0xFFFFD800  }
0x4c: {  	s18 =	simm.s32 $0x0;
	[bflag:$0x0] =	sbarrier.arrive $0xFFFF  }
.LBB2_2:
0x4d: {  	s7 =	smul.u32 $0x7D0, s18  }
0x4e: {  	s17 =	rddreg [dreg:$0x17]  }
0x4f: {  	s7 =	sadd.s32 s17, s7  }
0x50: {  	s23 =	rddreg [dreg:$0x4];
	s7 =	sshrl.u32 s7, $0x3  }
0x51: {  	s7 =	sadd.s32 s23, s7  }
0x52: {  	[tilespmem:s3], [sflag:$0x8] =	stream.linear.gather [hbm4b:s7+s3], $0x7D0, $0x38;
	[tilespmem:$0x1D800] =	vst v63  }
0x53: {  	_ =	swait.ge [sflag:s31], $0x7D0  }
0x54: {  	s17 =	sshll.u32 s18, $0xC;
	s23 =	rddreg [dreg:$0x18]  }
0x55: {  	s7 =	sadd.s32 s23, s17  }
0x56: {  	[sflag:s31] =	ssyncset.done $0x0;
	s23 =	rddreg [dreg:$0xd];
	s7 =	sshrl.u32 s7, $0x3  }
.Ltmp0:
0x57: {  	[sflag:s31] =	ssyncadd.s32 $0xFFFFF830;
	s7 =	sadd.s32 s23, s7;
	(pc) =	sbr.rel @!p0 .LBB2_3-.Ltmp0, $4  }
0x58: {  	[tilespmem:s0], [sflag:$0x8] =	stream.linear.gather [hbm4b:s7+s3], $0xC80, $0x38;
	[tilespmem:$0x1D800] =	vst v63  }
0x59: {  	_ =	swait.ge [sflag:s31], $0xC80  }
0x5a: {  	[sflag:s31] =	ssyncset.done $0x0  }
0x5b: {  	s7 =	simm.s32 $0x1800;
	[sflag:s31] =	ssyncadd.s32 $0xFFFFF380  }
0x5c: {  	[tilespmem:s7], [sflag:$0x7] =	stream.indirect.gather [hbm4b:s1+s4], $0x1, s0, s4, $0xb8;
	[tilespmem:$0x1D800] =	vst v63  }
0x5d: {  	s23 =	simm.s32 $0x880;
	s17 =	simm.s32 $0x1850  }
0x5e: {  	[tilespmem:s17], [sflag:$0x7] =	stream.indirect.gather [hbm4b:s1+s4], $0x1, s23, s4, $0xb8;
	[tilespmem:$0x1D800] =	vst v63  }
0x5f: {  	s17 =	simm.s32 $0x900;
	s23 =	simm.s32 $0x18A0  }
0x60: {  	[tilespmem:s23], [sflag:$0x7] =	stream.indirect.gather [hbm4b:s1+s4], $0x1, s17, s4, $0xb8;
	[tilespmem:$0x1D800] =	vst v63  }
0x61: {  	s17 =	simm.s32 $0x980;
	s23 =	simm.s32 $0x18F0  }
0x62: {  	[tilespmem:s23], [sflag:$0x7] =	stream.indirect.gather [hbm4b:s1+s4], $0x1, s17, s4, $0xb8;
	[tilespmem:$0x1D800] =	vst v63  }
0x63: {  	s17 =	simm.s32 $0xA00;
	s23 =	simm.s32 $0x1940  }
0x64: {  	[tilespmem:s23], [sflag:$0x7] =	stream.indirect.gather [hbm4b:s1+s4], $0x1, s17, s4, $0xb8;
	[tilespmem:$0x1D800] =	vst v63  }
0x65: {  	s17 =	simm.s32 $0xA80;
	s23 =	simm.s32 $0x1990  }
0x66: {  	[tilespmem:s23], [sflag:$0x7] =	stream.indirect.gather [hbm4b:s1+s4], $0x1, s17, s4, $0xb8;
	[tilespmem:$0x1D800] =	vst v63  }
0x67: {  	s17 =	simm.s32 $0xB00;
	s23 =	simm.s32 $0x19E0  }
0x68: {  	[tilespmem:s23], [sflag:$0x7] =	stream.indirect.gather [hbm4b:s1+s4], $0x1, s17, s4, $0xb8;
	[tilespmem:$0x1D800] =	vst v63  }
0x69: {  	s17 =	simm.s32 $0xB80;
	s23 =	simm.s32 $0x1A30  }
0x6a: {  	[tilespmem:s23], [sflag:$0x7] =	stream.indirect.gather [hbm4b:s1+s4], $0x1, s17, s4, $0xb8;
	[tilespmem:$0x1D800] =	vst v63  }
0x6b: {  	s17 =	simm.s32 $0xC00;
	s23 =	simm.s32 $0x1A80  }
0x6c: {  	[tilespmem:s23], [sflag:$0x7] =	stream.indirect.gather [hbm4b:s1+s4], $0x1, s17, s4, $0xb8;
	[tilespmem:$0x1D800] =	vst v63  }
0x6d: {  	s17 =	simm.s32 $0xC80;
	s23 =	simm.s32 $0x1AD0  }
0x6e: {  	[tilespmem:s23], [sflag:$0x7] =	stream.indirect.gather [hbm4b:s1+s4], $0x1, s17, s4, $0xb8;
	[tilespmem:$0x1D800] =	vst v63  }
0x6f: {  	s17 =	simm.s32 $0xD00;
	s23 =	simm.s32 $0x1B20  }
0x70: {  	[tilespmem:s23], [sflag:$0x7] =	stream.indirect.gather [hbm4b:s1+s4], $0x1, s17, s4, $0xb8;
	[tilespmem:$0x1D800] =	vst v63  }
0x71: {  	s17 =	simm.s32 $0xD80;
	s23 =	simm.s32 $0x1B70  }
0x72: {  	[tilespmem:s23], [sflag:$0x7] =	stream.indirect.gather [hbm4b:s1+s4], $0x1, s17, s4, $0xb8;
	[tilespmem:$0x1D800] =	vst v63  }
0x73: {  	s17 =	simm.s32 $0xE00;
	s23 =	simm.s32 $0x1BC0  }
0x74: {  	[tilespmem:s23], [sflag:$0x7] =	stream.indirect.gather [hbm4b:s1+s4], $0x1, s17, s4, $0xb8;
	[tilespmem:$0x1D800] =	vst v63  }
0x75: {  	s17 =	simm.s32 $0xE80;
	s23 =	simm.s32 $0x1C10  }
0x76: {  	[tilespmem:s23], [sflag:$0x7] =	stream.indirect.gather [hbm4b:s1+s4], $0x1, s17, s4, $0xb8;
	[tilespmem:$0x1D800] =	vst v63  }
0x77: {  	s17 =	simm.s32 $0xF00;
	s23 =	simm.s32 $0x1C60  }
0x78: {  	[tilespmem:s23], [sflag:$0x7] =	stream.indirect.gather [hbm4b:s1+s4], $0x1, s17, s4, $0xb8;
	[tilespmem:$0x1D800] =	vst v63  }
0x79: {  	s17 =	simm.s32 $0xF80;
	s23 =	simm.s32 $0x1CB0  }
0x7a: {  	[tilespmem:s23], [sflag:$0x7] =	stream.indirect.gather [hbm4b:s1+s4], $0x1, s17, s4, $0xb8;
	[tilespmem:$0x1D800] =	vst v63  }
0x7b: {  	s17 =	simm.s32 $0x1000;
	s23 =	simm.s32 $0x1D00  }
0x7c: {  	[tilespmem:s23], [sflag:$0x7] =	stream.indirect.gather [hbm4b:s1+s4], $0x1, s17, s4, $0xb8;
	[tilespmem:$0x1D800] =	vst v63  }
0x7d: {  	s17 =	simm.s32 $0x1D50  }
0x7e: {  	[tilespmem:s17], [sflag:$0x7] =	stream.indirect.gather [hbm4b:s1+s4], $0x1, s21, s4, $0xb8;
	[tilespmem:$0x1D800] =	vst v63  }
0x7f: {  	s23 =	simm.s32 $0x1DA0  }
0x80: {  	[tilespmem:s23], [sflag:$0x7] =	stream.indirect.gather [hbm4b:s1+s4], $0x1, s11, s4, $0xb8;
	[tilespmem:$0x1D800] =	vst v63  }
0x81: {  	s17 =	simm.s32 $0x1DF0  }
0x82: {  	[tilespmem:s17], [sflag:$0x7] =	stream.indirect.gather [hbm4b:s1+s4], $0x1, s6, s4, $0xb8;
	[tilespmem:$0x1D800] =	vst v63  }
0x83: {  	s23 =	simm.s32 $0x1E40  }
0x84: {  	[tilespmem:s23], [sflag:$0x7] =	stream.indirect.gather [hbm4b:s1+s4], $0x1, s15, s4, $0xb8;
	[tilespmem:$0x1D800] =	vst v63  }
0x85: {  	s17 =	simm.s32 $0x1E90  }
0x86: {  	[tilespmem:s17], [sflag:$0x7] =	stream.indirect.gather [hbm4b:s1+s4], $0x1, s28, s4, $0xb8;
	[tilespmem:$0x1D800] =	vst v63  }
0x87: {  	s23 =	simm.s32 $0x1EE0  }
0x88: {  	[tilespmem:s23], [sflag:$0x7] =	stream.indirect.gather [hbm4b:s1+s4], $0x1, s29, s4, $0xb8;
	[tilespmem:$0x1D800] =	vst v63  }
.Ltmp1:
0x89: {  	_ = 	snop;
	(pc) =	sbr.rel .LBB2_5-.Ltmp1, $4  }
0x8a: {  	s17 =	simm.s32 $0x1F30  }
0x8b: {  	[tilespmem:s17], [sflag:$0x7] =	stream.indirect.gather [hbm4b:s1+s4], $0x1, s8, s4, $0xb8;
	[tilespmem:$0x1D800] =	vst v63  }
0x8c: {  	s23 =	simm.s32 $0x1F80  }
0x8d: {  	[tilespmem:s23], [sflag:$0x7] =	stream.indirect.gather [hbm4b:s1+s4], $0x1, s10, s4, $0xb8;
	[tilespmem:$0x1D800] =	vst v63  }
.LBB2_3:
0x8e: {  	[tilespmem:s7], [sflag:$0x7] =	stream.indirect.gather [hbm4b:s16+s4], $0x1, s0, s4, $0xb8;
	[tilespmem:$0x1D800] =	vst v63  }
0x8f: {  	s23 =	simm.s32 $0x880;
	s17 =	simm.s32 $0x1850  }
0x90: {  	[tilespmem:s17], [sflag:$0x7] =	stream.indirect.gather [hbm4b:s16+s4], $0x1, s23, s4, $0xb8;
	[tilespmem:$0x1D800] =	vst v63  }
0x91: {  	s17 =	simm.s32 $0x900;
	s23 =	simm.s32 $0x18A0  }
0x92: {  	[tilespmem:s23], [sflag:$0x7] =	stream.indirect.gather [hbm4b:s16+s4], $0x1, s17, s4, $0xb8;
	[tilespmem:$0x1D800] =	vst v63  }
0x93: {  	s17 =	simm.s32 $0x980;
	s23 =	simm.s32 $0x18F0  }
0x94: {  	[tilespmem:s23], [sflag:$0x7] =	stream.indirect.gather [hbm4b:s16+s4], $0x1, s17, s4, $0xb8;
	[tilespmem:$0x1D800] =	vst v63  }
0x95: {  	s17 =	simm.s32 $0xA00;
	s23 =	simm.s32 $0x1940  }
0x96: {  	[tilespmem:s23], [sflag:$0x7] =	stream.indirect.gather [hbm4b:s16+s4], $0x1, s17, s4, $0xb8;
	[tilespmem:$0x1D800] =	vst v63  }
0x97: {  	s17 =	simm.s32 $0xA80;
	s23 =	simm.s32 $0x1990  }
0x98: {  	[tilespmem:s23], [sflag:$0x7] =	stream.indirect.gather [hbm4b:s16+s4], $0x1, s17, s4, $0xb8;
	[tilespmem:$0x1D800] =	vst v63  }
0x99: {  	s17 =	simm.s32 $0xB00;
	s23 =	simm.s32 $0x19E0  }
0x9a: {  	[tilespmem:s23], [sflag:$0x7] =	stream.indirect.gather [hbm4b:s16+s4], $0x1, s17, s4, $0xb8;
	[tilespmem:$0x1D800] =	vst v63  }
0x9b: {  	s17 =	simm.s32 $0xB80;
	s23 =	simm.s32 $0x1A30  }
0x9c: {  	[tilespmem:s23], [sflag:$0x7] =	stream.indirect.gather [hbm4b:s16+s4], $0x1, s17, s4, $0xb8;
	[tilespmem:$0x1D800] =	vst v63  }
0x9d: {  	s17 =	simm.s32 $0xC00;
	s23 =	simm.s32 $0x1A80  }
0x9e: {  	[tilespmem:s23], [sflag:$0x7] =	stream.indirect.gather [hbm4b:s16+s4], $0x1, s17, s4, $0xb8;
	[tilespmem:$0x1D800] =	vst v63  }
0x9f: {  	s17 =	simm.s32 $0xC80;
	s23 =	simm.s32 $0x1AD0  }
0xa0: {  	[tilespmem:s23], [sflag:$0x7] =	stream.indirect.gather [hbm4b:s16+s4], $0x1, s17, s4, $0xb8;
	[tilespmem:$0x1D800] =	vst v63  }
0xa1: {  	s17 =	simm.s32 $0xD00;
	s23 =	simm.s32 $0x1B20  }
0xa2: {  	[tilespmem:s23], [sflag:$0x7] =	stream.indirect.gather [hbm4b:s16+s4], $0x1, s17, s4, $0xb8;
	[tilespmem:$0x1D800] =	vst v63  }
0xa3: {  	s17 =	simm.s32 $0xD80;
	s23 =	simm.s32 $0x1B70  }
0xa4: {  	[tilespmem:s23], [sflag:$0x7] =	stream.indirect.gather [hbm4b:s16+s4], $0x1, s17, s4, $0xb8;
	[tilespmem:$0x1D800] =	vst v63  }
0xa5: {  	s17 =	simm.s32 $0xE00;
	s23 =	simm.s32 $0x1BC0  }
0xa6: {  	[tilespmem:s23], [sflag:$0x7] =	stream.indirect.gather [hbm4b:s16+s4], $0x1, s17, s4, $0xb8;
	[tilespmem:$0x1D800] =	vst v63  }
0xa7: {  	s17 =	simm.s32 $0xE80;
	s23 =	simm.s32 $0x1C10  }
0xa8: {  	[tilespmem:s23], [sflag:$0x7] =	stream.indirect.gather [hbm4b:s16+s4], $0x1, s17, s4, $0xb8;
	[tilespmem:$0x1D800] =	vst v63  }
0xa9: {  	s17 =	simm.s32 $0xF00;
	s23 =	simm.s32 $0x1C60  }
0xaa: {  	[tilespmem:s23], [sflag:$0x7] =	stream.indirect.gather [hbm4b:s16+s4], $0x1, s17, s4, $0xb8;
	[tilespmem:$0x1D800] =	vst v63  }
0xab: {  	s17 =	simm.s32 $0xF80;
	s23 =	simm.s32 $0x1CB0  }
0xac: {  	[tilespmem:s23], [sflag:$0x7] =	stream.indirect.gather [hbm4b:s16+s4], $0x1, s17, s4, $0xb8;
	[tilespmem:$0x1D800] =	vst v63  }
0xad: {  	s17 =	simm.s32 $0x1000;
	s23 =	simm.s32 $0x1D00  }
0xae: {  	[tilespmem:s23], [sflag:$0x7] =	stream.indirect.gather [hbm4b:s16+s4], $0x1, s17, s4, $0xb8;
	[tilespmem:$0x1D800] =	vst v63  }
0xaf: {  	s17 =	simm.s32 $0x1D50  }
0xb0: {  	[tilespmem:s17], [sflag:$0x7] =	stream.indirect.gather [hbm4b:s16+s4], $0x1, s21, s4, $0xb8;
	[tilespmem:$0x1D800] =	vst v63  }
0xb1: {  	s23 =	simm.s32 $0x1DA0  }
0xb2: {  	[tilespmem:s23], [sflag:$0x7] =	stream.indirect.gather [hbm4b:s16+s4], $0x1, s11, s4, $0xb8;
	[tilespmem:$0x1D800] =	vst v63  }
0xb3: {  	s17 =	simm.s32 $0x1DF0  }
0xb4: {  	[tilespmem:s17], [sflag:$0x7] =	stream.indirect.gather [hbm4b:s16+s4], $0x1, s6, s4, $0xb8;
	[tilespmem:$0x1D800] =	vst v63  }
0xb5: {  	s23 =	simm.s32 $0x1E40  }
0xb6: {  	[tilespmem:s23], [sflag:$0x7] =	stream.indirect.gather [hbm4b:s16+s4], $0x1, s15, s4, $0xb8;
	[tilespmem:$0x1D800] =	vst v63  }
0xb7: {  	s17 =	simm.s32 $0x1E90  }
0xb8: {  	[tilespmem:s17], [sflag:$0x7] =	stream.indirect.gather [hbm4b:s16+s4], $0x1, s28, s4, $0xb8;
	[tilespmem:$0x1D800] =	vst v63  }
0xb9: {  	s23 =	simm.s32 $0x1EE0  }
0xba: {  	[tilespmem:s23], [sflag:$0x7] =	stream.indirect.gather [hbm4b:s16+s4], $0x1, s29, s4, $0xb8;
	[tilespmem:$0x1D800] =	vst v63  }
0xbb: {  	s17 =	simm.s32 $0x1F30  }
0xbc: {  	[tilespmem:s17], [sflag:$0x7] =	stream.indirect.gather [hbm4b:s16+s4], $0x1, s8, s4, $0xb8;
	[tilespmem:$0x1D800] =	vst v63  }
0xbd: {  	s23 =	simm.s32 $0x1F80  }
0xbe: {  	[tilespmem:s23], [sflag:$0x7] =	stream.indirect.gather [hbm4b:s16+s4], $0x1, s10, s4, $0xb8;
	[tilespmem:$0x1D800] =	vst v63  }
.LBB2_5:
0xbf: {  	_ =	swait.ge [sflag:s12], $0x50  }
0xc0: {  	[sflag:s12] =	ssyncset.done $0x0  }
0xc1: {  	[sflag:s12] =	ssyncadd.s32 $0xFFFFFFB0  }
0xc2: {  	_ =	swait.ge [sflag:s12], $0x50  }
0xc3: {  	[sflag:s12] =	ssyncset.done $0x0  }
0xc4: {  	[sflag:s12] =	ssyncadd.s32 $0xFFFFFFB0  }
0xc5: {  	_ =	swait.ge [sflag:s12], $0x50  }
0xc6: {  	[sflag:s12] =	ssyncset.done $0x0  }
0xc7: {  	[sflag:s12] =	ssyncadd.s32 $0xFFFFFFB0  }
0xc8: {  	_ =	swait.ge [sflag:s12], $0x50  }
0xc9: {  	[sflag:s12] =	ssyncset.done $0x0  }
0xca: {  	[sflag:s12] =	ssyncadd.s32 $0xFFFFFFB0  }
0xcb: {  	_ =	swait.ge [sflag:s12], $0x50  }
0xcc: {  	[sflag:s12] =	ssyncset.done $0x0  }
0xcd: {  	[sflag:s12] =	ssyncadd.s32 $0xFFFFFFB0  }
0xce: {  	_ =	swait.ge [sflag:s12], $0x50  }
0xcf: {  	[sflag:s12] =	ssyncset.done $0x0  }
0xd0: {  	[sflag:s12] =	ssyncadd.s32 $0xFFFFFFB0  }
0xd1: {  	_ =	swait.ge [sflag:s12], $0x50  }
0xd2: {  	[sflag:s12] =	ssyncset.done $0x0  }
0xd3: {  	[sflag:s12] =	ssyncadd.s32 $0xFFFFFFB0  }
0xd4: {  	_ =	swait.ge [sflag:s12], $0x50  }
0xd5: {  	[sflag:s12] =	ssyncset.done $0x0  }
0xd6: {  	[sflag:s12] =	ssyncadd.s32 $0xFFFFFFB0  }
0xd7: {  	_ =	swait.ge [sflag:s12], $0x50  }
0xd8: {  	[sflag:s12] =	ssyncset.done $0x0  }
0xd9: {  	[sflag:s12] =	ssyncadd.s32 $0xFFFFFFB0  }
0xda: {  	_ =	swait.ge [sflag:s12], $0x50  }
0xdb: {  	[sflag:s12] =	ssyncset.done $0x0  }
0xdc: {  	[sflag:s12] =	ssyncadd.s32 $0xFFFFFFB0  }
0xdd: {  	_ =	swait.ge [sflag:s12], $0x50  }
0xde: {  	[sflag:s12] =	ssyncset.done $0x0  }
0xdf: {  	[sflag:s12] =	ssyncadd.s32 $0xFFFFFFB0  }
0xe0: {  	_ =	swait.ge [sflag:s12], $0x50  }
0xe1: {  	[sflag:s12] =	ssyncset.done $0x0  }
0xe2: {  	[sflag:s12] =	ssyncadd.s32 $0xFFFFFFB0  }
0xe3: {  	_ =	swait.ge [sflag:s12], $0x50  }
0xe4: {  	[sflag:s12] =	ssyncset.done $0x0  }
0xe5: {  	[sflag:s12] =	ssyncadd.s32 $0xFFFFFFB0  }
0xe6: {  	_ =	swait.ge [sflag:s12], $0x50  }
0xe7: {  	[sflag:s12] =	ssyncset.done $0x0  }
0xe8: {  	[sflag:s12] =	ssyncadd.s32 $0xFFFFFFB0  }
0xe9: {  	_ =	swait.ge [sflag:s12], $0x50  }
0xea: {  	[sflag:s12] =	ssyncset.done $0x0  }
0xeb: {  	[sflag:s12] =	ssyncadd.s32 $0xFFFFFFB0  }
0xec: {  	_ =	swait.ge [sflag:s12], $0x50  }
0xed: {  	[sflag:s12] =	ssyncset.done $0x0  }
0xee: {  	[sflag:s12] =	ssyncadd.s32 $0xFFFFFFB0  }
0xef: {  	_ =	swait.ge [sflag:s12], $0x50  }
0xf0: {  	[sflag:s12] =	ssyncset.done $0x0  }
0xf1: {  	[sflag:s12] =	ssyncadd.s32 $0xFFFFFFB0  }
0xf2: {  	_ =	swait.ge [sflag:s12], $0x50  }
0xf3: {  	[sflag:s12] =	ssyncset.done $0x0  }
0xf4: {  	[sflag:s12] =	ssyncadd.s32 $0xFFFFFFB0  }
0xf5: {  	_ =	swait.ge [sflag:s12], $0x50  }
0xf6: {  	[sflag:s12] =	ssyncset.done $0x0  }
0xf7: {  	[sflag:s12] =	ssyncadd.s32 $0xFFFFFFB0  }
0xf8: {  	_ =	swait.ge [sflag:s12], $0x50  }
0xf9: {  	[sflag:s12] =	ssyncset.done $0x0  }
0xfa: {  	[sflag:s12] =	ssyncadd.s32 $0xFFFFFFB0  }
0xfb: {  	_ =	swait.ge [sflag:s12], $0x50  }
0xfc: {  	[sflag:s12] =	ssyncset.done $0x0  }
0xfd: {  	[sflag:s12] =	ssyncadd.s32 $0xFFFFFFB0  }
0xfe: {  	_ =	swait.ge [sflag:s12], $0x50  }
0xff: {  	[sflag:s12] =	ssyncset.done $0x0  }
0x100: {  	[sflag:s12] =	ssyncadd.s32 $0xFFFFFFB0  }
0x101: {  	_ =	swait.ge [sflag:s12], $0x50  }
0x102: {  	[sflag:s12] =	ssyncset.done $0x0  }
0x103: {  	[sflag:s12] =	ssyncadd.s32 $0xFFFFFFB0  }
0x104: {  	_ =	swait.ge [sflag:s12], $0x50  }
0x105: {  	[sflag:s12] =	ssyncset.done $0x0  }
0x106: {  	[sflag:s12] =	ssyncadd.s32 $0xFFFFFFB0  }
0x107: {  	_ =	swait.ge [sflag:s12], $0x50  }
0x108: {  	[sflag:s12] =	ssyncset.done $0x0  }
0x109: {  	s23 =	simm.s32 $0x0;
	[sflag:s12] =	ssyncadd.s32 $0xFFFFFFB0  }
0x10a: {  	v1 =	vld [tilespmem:s23+$0x1800];
	_ =	sdelay $0x1  }
0x10b: {  	v0 =	vld [tilespmem:s23+$0x0];
	_ =	sdelay $0x2  }
0x10c: {  	v1 =	vmul.u32 $0x2710, v1  }
0x10d: {  	s7 =	simm.s32 $0x10;
	s17 =	simm.s32 $0x80  }
.LBB2_6:
0x10e: {  	p1 =	sne.s32 s17, $0x1F00;
	v2 =	vld [tilespmem:s7+$0x1800];
	v0 =	vadd.s32 v0, v1  }
0x10f: {  	[tilespmem:s23+$0x0] =	vst v0;
	s23 =	smov.u32 s7  }
.Ltmp2:
0x110: {  	v0 =	vld [tilespmem:s23+$0x0];
	(pc) =	sbr.rel @p1 .LBB2_6-.Ltmp2, $3  }
0x111: {  	_ =	sdelay $0x1  }
0x112: {  	v1 =	vmul.u32 $0x2710, v2  }
0x113: {  	s7 =	sshra.s32 s17, $0x2;
	s17 =	sadd.s32 $0x40, s17  }
0x114: {  	v2 =	vld [tilespmem:s7+$0x1800];
	v0 =	vadd.s32 v0, v1  }
0x115: {  	[tilespmem:s23+$0x0] =	vst v0  }
0x116: {  	v0 =	vld [tilespmem:s7+$0x0];
	_ =	sdelay $0x2  }
0x117: {  	v63 =	vmul.u32 $0x2710, v2;
	_ =	sdelay $0x1  }
0x118: {  	v0 =	vadd.s32 v0, v63  }
0x119: {  	[tilespmem:s7+$0x0] =	vst v0  }
0x11a: {  	[tilespmem:s30], [sflag:$0x1] =	stream.indirect.gather [hbm4b:s5+s4], $0x80, s3, s4, $0xb8;
	[tilespmem:$0x1D800] =	vst v63  }
0x11b: {  	_ = 	snop  }
0x11c: {  	[tilespmem:s14], [sflag:$0x2] =	stream.indirect.gather [hbm4b:s5+s4], $0x80, s4, s4, $0xb8;
	[tilespmem:$0x1D800] =	vst v63  }
0x11d: {  	s23 =	simm.s32 $0xA0  }
0x11e: {  	[tilespmem:s19], [sflag:$0x3] =	stream.indirect.gather [hbm4b:s5+s4], $0x80, s23, s4, $0xb8;
	[tilespmem:$0x1D800] =	vst v63  }
0x11f: {  	_ =	swait.ge [sflag:s20], $0x2800  }
0x120: {  	[sflag:s20] =	ssyncset.done $0x0  }
0x121: {  	[sflag:s20] =	ssyncadd.s32 $0xFFFFD800  }
0x122: {  	[spmem:s2] =	stream.indirect.scatter.add.f32 [tilespmem:s30], [sflag:$0x4], $0x80, s0, s4, $0xb8;
	[tilespmem:$0x1D800] =	vst v63  }
0x123: {  	_ =	swait.ge [sflag:s22], $0x2800  }
0x124: {  	[sflag:s22] =	ssyncset.done $0x0  }
0x125: {  	s17 =	simm.s32 $0xF0;
	[sflag:s22] =	ssyncadd.s32 $0xFFFFD800  }
0x126: {  	[tilespmem:s30], [sflag:$0x1] =	stream.indirect.gather [hbm4b:s5+s4], $0x80, s17, s4, $0xb8;
	[tilespmem:$0x1D800] =	vst v63  }
0x127: {  	_ =	swait.ge [sflag:s24], $0x2800  }
0x128: {  	[sflag:s24] =	ssyncset.done $0x0  }
0x129: {  	s23 =	simm.s32 $0x880;
	[sflag:s24] =	ssyncadd.s32 $0xFFFFD800  }
0x12a: {  	[spmem:s2] =	stream.indirect.scatter.add.f32 [tilespmem:s14], [sflag:$0x5], $0x80, s23, s4, $0xb8;
	[tilespmem:$0x1D800] =	vst v63  }
0x12b: {  	_ =	swait.ge [sflag:s26], $0x2800  }
0x12c: {  	[sflag:s26] =	ssyncset.done $0x0  }
0x12d: {  	s17 =	simm.s32 $0x140;
	[sflag:s26] =	ssyncadd.s32 $0xFFFFD800  }
0x12e: {  	[tilespmem:s14], [sflag:$0x2] =	stream.indirect.gather [hbm4b:s5+s4], $0x80, s17, s4, $0xb8;
	[tilespmem:$0x1D800] =	vst v63  }
0x12f: {  	_ =	swait.ge [sflag:s9], $0x2800  }
0x130: {  	[sflag:s9] =	ssyncset.done $0x0  }
0x131: {  	s23 =	simm.s32 $0x900;
	[sflag:s9] =	ssyncadd.s32 $0xFFFFD800  }
0x132: {  	[spmem:s2] =	stream.indirect.scatter.add.f32 [tilespmem:s19], [sflag:$0x6], $0x80, s23, s4, $0xb8;
	[tilespmem:$0x1D800] =	vst v63  }
0x133: {  	_ =	swait.ge [sflag:s13], $0x2800  }
0x134: {  	[sflag:s13] =	ssyncset.done $0x0  }
0x135: {  	s17 =	simm.s32 $0x190;
	[sflag:s13] =	ssyncadd.s32 $0xFFFFD800  }
0x136: {  	[tilespmem:s19], [sflag:$0x3] =	stream.indirect.gather [hbm4b:s5+s4], $0x80, s17, s4, $0xb8;
	[tilespmem:$0x1D800] =	vst v63  }
0x137: {  	_ =	swait.ge [sflag:s20], $0x2800  }
0x138: {  	[sflag:s20] =	ssyncset.done $0x0  }
0x139: {  	s23 =	simm.s32 $0x980;
	[sflag:s20] =	ssyncadd.s32 $0xFFFFD800  }
0x13a: {  	[spmem:s2] =	stream.indirect.scatter.add.f32 [tilespmem:s30], [sflag:$0x4], $0x80, s23, s4, $0xb8;
	[tilespmem:$0x1D800] =	vst v63  }
0x13b: {  	_ =	swait.ge [sflag:s22], $0x2800  }
0x13c: {  	[sflag:s22] =	ssyncset.done $0x0  }
0x13d: {  	s17 =	simm.s32 $0x1E0;
	[sflag:s22] =	ssyncadd.s32 $0xFFFFD800  }
0x13e: {  	[tilespmem:s30], [sflag:$0x1] =	stream.indirect.gather [hbm4b:s5+s4], $0x80, s17, s4, $0xb8;
	[tilespmem:$0x1D800] =	vst v63  }
0x13f: {  	_ =	swait.ge [sflag:s24], $0x2800  }
0x140: {  	[sflag:s24] =	ssyncset.done $0x0  }
0x141: {  	s23 =	simm.s32 $0xA00;
	[sflag:s24] =	ssyncadd.s32 $0xFFFFD800  }
0x142: {  	[spmem:s2] =	stream.indirect.scatter.add.f32 [tilespmem:s14], [sflag:$0x5], $0x80, s23, s4, $0xb8;
	[tilespmem:$0x1D800] =	vst v63  }
0x143: {  	_ =	swait.ge [sflag:s26], $0x2800  }
0x144: {  	[sflag:s26] =	ssyncset.done $0x0  }
0x145: {  	s17 =	simm.s32 $0x230;
	[sflag:s26] =	ssyncadd.s32 $0xFFFFD800  }
0x146: {  	[tilespmem:s14], [sflag:$0x2] =	stream.indirect.gather [hbm4b:s5+s4], $0x80, s17, s4, $0xb8;
	[tilespmem:$0x1D800] =	vst v63  }
0x147: {  	_ =	swait.ge [sflag:s9], $0x2800  }
0x148: {  	[sflag:s9] =	ssyncset.done $0x0  }
0x149: {  	s23 =	simm.s32 $0xA80;
	[sflag:s9] =	ssyncadd.s32 $0xFFFFD800  }
0x14a: {  	[spmem:s2] =	stream.indirect.scatter.add.f32 [tilespmem:s19], [sflag:$0x6], $0x80, s23, s4, $0xb8;
	[tilespmem:$0x1D800] =	vst v63  }
0x14b: {  	_ =	swait.ge [sflag:s13], $0x2800  }
0x14c: {  	[sflag:s13] =	ssyncset.done $0x0  }
0x14d: {  	s17 =	simm.s32 $0x280;
	[sflag:s13] =	ssyncadd.s32 $0xFFFFD800  }
0x14e: {  	[tilespmem:s19], [sflag:$0x3] =	stream.indirect.gather [hbm4b:s5+s4], $0x80, s17, s4, $0xb8;
	[tilespmem:$0x1D800] =	vst v63  }
0x14f: {  	_ =	swait.ge [sflag:s20], $0x2800  }
0x150: {  	[sflag:s20] =	ssyncset.done $0x0  }
0x151: {  	s23 =	simm.s32 $0xB00;
	[sflag:s20] =	ssyncadd.s32 $0xFFFFD800  }
0x152: {  	[spmem:s2] =	stream.indirect.scatter.add.f32 [tilespmem:s30], [sflag:$0x4], $0x80, s23, s4, $0xb8;
	[tilespmem:$0x1D800] =	vst v63  }
0x153: {  	_ =	swait.ge [sflag:s22], $0x2800  }
0x154: {  	[sflag:s22] =	ssyncset.done $0x0  }
0x155: {  	s17 =	simm.s32 $0x2D0;
	[sflag:s22] =	ssyncadd.s32 $0xFFFFD800  }
0x156: {  	[tilespmem:s30], [sflag:$0x1] =	stream.indirect.gather [hbm4b:s5+s4], $0x80, s17, s4, $0xb8;
	[tilespmem:$0x1D800] =	vst v63  }
0x157: {  	_ =	swait.ge [sflag:s24], $0x2800  }
0x158: {  	[sflag:s24] =	ssyncset.done $0x0  }
0x159: {  	s23 =	simm.s32 $0xB80;
	[sflag:s24] =	ssyncadd.s32 $0xFFFFD800  }
0x15a: {  	[spmem:s2] =	stream.indirect.scatter.add.f32 [tilespmem:s14], [sflag:$0x5], $0x80, s23, s4, $0xb8;
	[tilespmem:$0x1D800] =	vst v63  }
0x15b: {  	_ =	swait.ge [sflag:s26], $0x2800  }
0x15c: {  	[sflag:s26] =	ssyncset.done $0x0  }
0x15d: {  	s17 =	simm.s32 $0x320;
	[sflag:s26] =	ssyncadd.s32 $0xFFFFD800  }
0x15e: {  	[tilespmem:s14], [sflag:$0x2] =	stream.indirect.gather [hbm4b:s5+s4], $0x80, s17, s4, $0xb8;
	[tilespmem:$0x1D800] =	vst v63  }
0x15f: {  	_ =	swait.ge [sflag:s9], $0x2800  }
0x160: {  	[sflag:s9] =	ssyncset.done $0x0  }
0x161: {  	s23 =	simm.s32 $0xC00;
	[sflag:s9] =	ssyncadd.s32 $0xFFFFD800  }
0x162: {  	[spmem:s2] =	stream.indirect.scatter.add.f32 [tilespmem:s19], [sflag:$0x6], $0x80, s23, s4, $0xb8;
	[tilespmem:$0x1D800] =	vst v63  }
0x163: {  	_ =	swait.ge [sflag:s13], $0x2800  }
0x164: {  	[sflag:s13] =	ssyncset.done $0x0  }
0x165: {  	s17 =	simm.s32 $0x370;
	[sflag:s13] =	ssyncadd.s32 $0xFFFFD800  }
0x166: {  	[tilespmem:s19], [sflag:$0x3] =	stream.indirect.gather [hbm4b:s5+s4], $0x80, s17, s4, $0xb8;
	[tilespmem:$0x1D800] =	vst v63  }
0x167: {  	_ =	swait.ge [sflag:s20], $0x2800  }
0x168: {  	[sflag:s20] =	ssyncset.done $0x0  }
0x169: {  	s23 =	simm.s32 $0xC80;
	[sflag:s20] =	ssyncadd.s32 $0xFFFFD800  }
0x16a: {  	[spmem:s2] =	stream.indirect.scatter.add.f32 [tilespmem:s30], [sflag:$0x4], $0x80, s23, s4, $0xb8;
	[tilespmem:$0x1D800] =	vst v63  }
0x16b: {  	_ =	swait.ge [sflag:s22], $0x2800  }
0x16c: {  	[sflag:s22] =	ssyncset.done $0x0  }
0x16d: {  	s17 =	simm.s32 $0x3C0;
	[sflag:s22] =	ssyncadd.s32 $0xFFFFD800  }
0x16e: {  	[tilespmem:s30], [sflag:$0x1] =	stream.indirect.gather [hbm4b:s5+s4], $0x80, s17, s4, $0xb8;
	[tilespmem:$0x1D800] =	vst v63  }
0x16f: {  	_ =	swait.ge [sflag:s24], $0x2800  }
0x170: {  	[sflag:s24] =	ssyncset.done $0x0  }
0x171: {  	s23 =	simm.s32 $0xD00;
	[sflag:s24] =	ssyncadd.s32 $0xFFFFD800  }
0x172: {  	[spmem:s2] =	stream.indirect.scatter.add.f32 [tilespmem:s14], [sflag:$0x5], $0x80, s23, s4, $0xb8;
	[tilespmem:$0x1D800] =	vst v63  }
0x173: {  	_ =	swait.ge [sflag:s26], $0x2800  }
0x174: {  	[sflag:s26] =	ssyncset.done $0x0  }
0x175: {  	s17 =	simm.s32 $0x410;
	[sflag:s26] =	ssyncadd.s32 $0xFFFFD800  }
0x176: {  	[tilespmem:s14], [sflag:$0x2] =	stream.indirect.gather [hbm4b:s5+s4], $0x80, s17, s4, $0xb8;
	[tilespmem:$0x1D800] =	vst v63  }
0x177: {  	_ =	swait.ge [sflag:s9], $0x2800  }
0x178: {  	[sflag:s9] =	ssyncset.done $0x0  }
0x179: {  	s23 =	simm.s32 $0xD80;
	[sflag:s9] =	ssyncadd.s32 $0xFFFFD800  }
0x17a: {  	[spmem:s2] =	stream.indirect.scatter.add.f32 [tilespmem:s19], [sflag:$0x6], $0x80, s23, s4, $0xb8;
	[tilespmem:$0x1D800] =	vst v63  }
0x17b: {  	_ =	swait.ge [sflag:s13], $0x2800  }
0x17c: {  	[sflag:s13] =	ssyncset.done $0x0  }
0x17d: {  	s17 =	simm.s32 $0x460;
	[sflag:s13] =	ssyncadd.s32 $0xFFFFD800  }
0x17e: {  	[tilespmem:s19], [sflag:$0x3] =	stream.indirect.gather [hbm4b:s5+s4], $0x80, s17, s4, $0xb8;
	[tilespmem:$0x1D800] =	vst v63  }
0x17f: {  	_ =	swait.ge [sflag:s20], $0x2800  }
0x180: {  	[sflag:s20] =	ssyncset.done $0x0  }
0x181: {  	s23 =	simm.s32 $0xE00;
	[sflag:s20] =	ssyncadd.s32 $0xFFFFD800  }
0x182: {  	[spmem:s2] =	stream.indirect.scatter.add.f32 [tilespmem:s30], [sflag:$0x4], $0x80, s23, s4, $0xb8;
	[tilespmem:$0x1D800] =	vst v63  }
0x183: {  	_ =	swait.ge [sflag:s22], $0x2800  }
0x184: {  	[sflag:s22] =	ssyncset.done $0x0  }
0x185: {  	s17 =	simm.s32 $0x4B0;
	[sflag:s22] =	ssyncadd.s32 $0xFFFFD800  }
0x186: {  	[tilespmem:s30], [sflag:$0x1] =	stream.indirect.gather [hbm4b:s5+s4], $0x80, s17, s4, $0xb8;
	[tilespmem:$0x1D800] =	vst v63  }
0x187: {  	_ =	swait.ge [sflag:s24], $0x2800  }
0x188: {  	[sflag:s24] =	ssyncset.done $0x0  }
0x189: {  	s23 =	simm.s32 $0xE80;
	[sflag:s24] =	ssyncadd.s32 $0xFFFFD800  }
0x18a: {  	[spmem:s2] =	stream.indirect.scatter.add.f32 [tilespmem:s14], [sflag:$0x5], $0x80, s23, s4, $0xb8;
	[tilespmem:$0x1D800] =	vst v63  }
0x18b: {  	_ =	swait.ge [sflag:s26], $0x2800  }
0x18c: {  	[sflag:s26] =	ssyncset.done $0x0  }
0x18d: {  	s17 =	simm.s32 $0x500;
	[sflag:s26] =	ssyncadd.s32 $0xFFFFD800  }
0x18e: {  	[tilespmem:s14], [sflag:$0x2] =	stream.indirect.gather [hbm4b:s5+s4], $0x80, s17, s4, $0xb8;
	[tilespmem:$0x1D800] =	vst v63  }
0x18f: {  	_ =	swait.ge [sflag:s9], $0x2800  }
0x190: {  	[sflag:s9] =	ssyncset.done $0x0  }
0x191: {  	s23 =	simm.s32 $0xF00;
	[sflag:s9] =	ssyncadd.s32 $0xFFFFD800  }
0x192: {  	[spmem:s2] =	stream.indirect.scatter.add.f32 [tilespmem:s19], [sflag:$0x6], $0x80, s23, s4, $0xb8;
	[tilespmem:$0x1D800] =	vst v63  }
0x193: {  	_ =	swait.ge [sflag:s13], $0x2800  }
0x194: {  	[sflag:s13] =	ssyncset.done $0x0  }
0x195: {  	s17 =	simm.s32 $0x550;
	[sflag:s13] =	ssyncadd.s32 $0xFFFFD800  }
0x196: {  	[tilespmem:s19], [sflag:$0x3] =	stream.indirect.gather [hbm4b:s5+s4], $0x80, s17, s4, $0xb8;
	[tilespmem:$0x1D800] =	vst v63  }
0x197: {  	_ =	swait.ge [sflag:s20], $0x2800  }
0x198: {  	[sflag:s20] =	ssyncset.done $0x0  }
0x199: {  	s23 =	simm.s32 $0xF80;
	[sflag:s20] =	ssyncadd.s32 $0xFFFFD800  }
0x19a: {  	[spmem:s2] =	stream.indirect.scatter.add.f32 [tilespmem:s30], [sflag:$0x4], $0x80, s23, s4, $0xb8;
	[tilespmem:$0x1D800] =	vst v63  }
0x19b: {  	_ =	swait.ge [sflag:s22], $0x2800  }
0x19c: {  	[sflag:s22] =	ssyncset.done $0x0  }
0x19d: {  	s17 =	simm.s32 $0x5A0;
	[sflag:s22] =	ssyncadd.s32 $0xFFFFD800  }
0x19e: {  	[tilespmem:s30], [sflag:$0x1] =	stream.indirect.gather [hbm4b:s5+s4], $0x80, s17, s4, $0xb8;
	[tilespmem:$0x1D800] =	vst v63  }
0x19f: {  	_ =	swait.ge [sflag:s24], $0x2800  }
0x1a0: {  	[sflag:s24] =	ssyncset.done $0x0  }
0x1a1: {  	s23 =	simm.s32 $0x1000;
	[sflag:s24] =	ssyncadd.s32 $0xFFFFD800  }
0x1a2: {  	[spmem:s2] =	stream.indirect.scatter.add.f32 [tilespmem:s14], [sflag:$0x5], $0x80, s23, s4, $0xb8;
	[tilespmem:$0x1D800] =	vst v63  }
0x1a3: {  	_ =	swait.ge [sflag:s26], $0x2800  }
0x1a4: {  	[sflag:s26] =	ssyncset.done $0x0  }
0x1a5: {  	s17 =	simm.s32 $0x5F0;
	[sflag:s26] =	ssyncadd.s32 $0xFFFFD800  }
0x1a6: {  	[tilespmem:s14], [sflag:$0x2] =	stream.indirect.gather [hbm4b:s5+s4], $0x80, s17, s4, $0xb8;
	[tilespmem:$0x1D800] =	vst v63  }
0x1a7: {  	_ =	swait.ge [sflag:s9], $0x2800  }
0x1a8: {  	[sflag:s9] =	ssyncset.done $0x0  }
0x1a9: {  	[sflag:s9] =	ssyncadd.s32 $0xFFFFD800  }
0x1aa: {  	[spmem:s2] =	stream.indirect.scatter.add.f32 [tilespmem:s19], [sflag:$0x6], $0x80, s21, s4, $0xb8;
	[tilespmem:$0x1D800] =	vst v63  }
0x1ab: {  	_ =	swait.ge [sflag:s13], $0x2800  }
0x1ac: {  	[sflag:s13] =	ssyncset.done $0x0  }
0x1ad: {  	s23 =	simm.s32 $0x640;
	[sflag:s13] =	ssyncadd.s32 $0xFFFFD800  }
0x1ae: {  	[tilespmem:s19], [sflag:$0x3] =	stream.indirect.gather [hbm4b:s5+s4], $0x80, s23, s4, $0xb8;
	[tilespmem:$0x1D800] =	vst v63  }
0x1af: {  	_ =	swait.ge [sflag:s20], $0x2800  }
0x1b0: {  	[sflag:s20] =	ssyncset.done $0x0  }
0x1b1: {  	[sflag:s20] =	ssyncadd.s32 $0xFFFFD800  }
0x1b2: {  	[spmem:s2] =	stream.indirect.scatter.add.f32 [tilespmem:s30], [sflag:$0x4], $0x80, s11, s4, $0xb8;
	[tilespmem:$0x1D800] =	vst v63  }
0x1b3: {  	_ =	swait.ge [sflag:s22], $0x2800  }
0x1b4: {  	[sflag:s22] =	ssyncset.done $0x0  }
0x1b5: {  	s17 =	simm.s32 $0x690;
	[sflag:s22] =	ssyncadd.s32 $0xFFFFD800  }
0x1b6: {  	[tilespmem:s30], [sflag:$0x1] =	stream.indirect.gather [hbm4b:s5+s4], $0x80, s17, s4, $0xb8;
	[tilespmem:$0x1D800] =	vst v63  }
0x1b7: {  	_ =	swait.ge [sflag:s24], $0x2800  }
0x1b8: {  	[sflag:s24] =	ssyncset.done $0x0  }
0x1b9: {  	[sflag:s24] =	ssyncadd.s32 $0xFFFFD800  }
0x1ba: {  	[spmem:s2] =	stream.indirect.scatter.add.f32 [tilespmem:s14], [sflag:$0x5], $0x80, s6, s4, $0xb8;
	[tilespmem:$0x1D800] =	vst v63  }
0x1bb: {  	_ =	swait.ge [sflag:s26], $0x2800  }
0x1bc: {  	[sflag:s26] =	ssyncset.done $0x0  }
0x1bd: {  	s23 =	simm.s32 $0x6E0;
	[sflag:s26] =	ssyncadd.s32 $0xFFFFD800  }
0x1be: {  	[tilespmem:s14], [sflag:$0x2] =	stream.indirect.gather [hbm4b:s5+s4], $0x80, s23, s4, $0xb8;
	[tilespmem:$0x1D800] =	vst v63  }
0x1bf: {  	_ =	swait.ge [sflag:s9], $0x2800  }
0x1c0: {  	[sflag:s9] =	ssyncset.done $0x0  }
0x1c1: {  	[sflag:s9] =	ssyncadd.s32 $0xFFFFD800  }
0x1c2: {  	[spmem:s2] =	stream.indirect.scatter.add.f32 [tilespmem:s19], [sflag:$0x6], $0x80, s15, s4, $0xb8;
	[tilespmem:$0x1D800] =	vst v63  }
0x1c3: {  	_ =	swait.ge [sflag:s13], $0x2800  }
0x1c4: {  	[sflag:s13] =	ssyncset.done $0x0  }
0x1c5: {  	s17 =	simm.s32 $0x730;
	[sflag:s13] =	ssyncadd.s32 $0xFFFFD800  }
0x1c6: {  	[tilespmem:s19], [sflag:$0x3] =	stream.indirect.gather [hbm4b:s5+s4], $0x80, s17, s4, $0xb8;
	[tilespmem:$0x1D800] =	vst v63  }
0x1c7: {  	_ =	swait.ge [sflag:s20], $0x2800  }
0x1c8: {  	[sflag:s20] =	ssyncset.done $0x0  }
0x1c9: {  	[sflag:s20] =	ssyncadd.s32 $0xFFFFD800  }
0x1ca: {  	[spmem:s2] =	stream.indirect.scatter.add.f32 [tilespmem:s30], [sflag:$0x4], $0x80, s28, s4, $0xb8;
	[tilespmem:$0x1D800] =	vst v63  }
0x1cb: {  	_ =	swait.ge [sflag:s22], $0x2800  }
0x1cc: {  	[sflag:s22] =	ssyncset.done $0x0  }
0x1cd: {  	s23 =	simm.s32 $0x780;
	[sflag:s22] =	ssyncadd.s32 $0xFFFFD800  }
0x1ce: {  	[tilespmem:s30], [sflag:$0x1] =	stream.indirect.gather [hbm4b:s5+s4], $0x80, s23, s4, $0xb8;
	[tilespmem:$0x1D800] =	vst v63  }
0x1cf: {  	_ =	swait.ge [sflag:s24], $0x2800  }
0x1d0: {  	[sflag:s24] =	ssyncset.done $0x0  }
0x1d1: {  	[sflag:s24] =	ssyncadd.s32 $0xFFFFD800  }
0x1d2: {  	[spmem:s2] =	stream.indirect.scatter.add.f32 [tilespmem:s14], [sflag:$0x5], $0x80, s29, s4, $0xb8;
	[tilespmem:$0x1D800] =	vst v63  }
0x1d3: {  	_ =	swait.ge [sflag:s9], $0x2800  }
0x1d4: {  	[sflag:s9] =	ssyncset.done $0x0  }
0x1d5: {  	[sflag:s9] =	ssyncadd.s32 $0xFFFFD800  }
0x1d6: {  	[spmem:s2] =	stream.indirect.scatter.add.f32 [tilespmem:s19], [sflag:$0x6], $0x80, s8, s4, $0xb8;
	[tilespmem:$0x1D800] =	vst v63  }
0x1d7: {  	_ =	swait.ge [sflag:s20], $0x2800  }
0x1d8: {  	[sflag:s20] =	ssyncset.done $0x0  }
0x1d9: {  	[sflag:s20] =	ssyncadd.s32 $0xFFFFD800  }
0x1da: {  	[spmem:s2] =	stream.indirect.scatter.add.f32 [tilespmem:s30], [sflag:$0x4], $0x80, s10, s4, $0xb8;
	[tilespmem:$0x1D800] =	vst v63  }
0x1db: {  	_ =	swait.ge [sflag:s22], $0x2800  }
0x1dc: {  	[sflag:s22] =	ssyncset.done $0x0  }
0x1dd: {  	s18 =	sadd.s32 $0x1, s18;
	[sflag:s22] =	ssyncadd.s32 $0xFFFFD800  }
0x1de: {  	p1 =	sne.s32 s18, $0xA;
	_ =	swait.ge [sflag:s26], $0x2800  }
.Ltmp3:
0x1df: {  	[sflag:s26] =	ssyncset.done $0x0;
	(pc) =	sbr.rel @p1 .LBB2_2-.Ltmp3, $4  }
0x1e0: {  	[sflag:s26] =	ssyncadd.s32 $0xFFFFD800  }
0x1e1: {  	_ =	swait.ge [sflag:s13], $0x2800  }
0x1e2: {  	[sflag:s13] =	ssyncset.done $0x0  }
0x1e3: {  	[sflag:s13] =	ssyncadd.s32 $0xFFFFD800  }
0x1e4: {  	[bflag:$0x0] =	sbarrier.arrive $0xFFFF  }
0x1e5: {  	s7 =	rddreg [dreg:$0xf]  }
0x1e6: {  	[tilespmem:s30], [sflag:$0x8] =	stream.linear.gather [spmem:s7], $0x2800, $0x38;
	[tilespmem:$0x1D800] =	vst v63  }
0x1e7: {  	_ =	swait.ge [sflag:s31], $0x2800  }
0x1e8: {  	[sflag:s31] =	ssyncset.done $0x0  }
0x1e9: {  	s17 =	rddreg [dreg:$0x5];
	[sflag:s31] =	ssyncadd.s32 $0xFFFFD800  }
0x1ea: {  	[hbm4b:s17+s3] =	stream.linear.scatter [tilespmem:s30], [sflag:$0x8], $0x2800, $0x38;
	[tilespmem:$0x1D800] =	vst v63  }
0x1eb: {  	_ =	swait.ge [sflag:s31], $0x2800  }
0x1ec: {  	[sflag:s31] =	ssyncset.done $0x0  }
0x1ed: {  	s18 =	rddreg [dreg:$0x11];
	[sflag:s31] =	ssyncadd.s32 $0xFFFFD800  }
0x1ee: {  	[tilespmem:s30], [sflag:$0x8] =	stream.linear.gather [spmem:s18], $0x2800, $0x38;
	[tilespmem:$0x1D800] =	vst v63  }
0x1ef: {  	_ =	swait.ge [sflag:s31], $0x2800  }
0x1f0: {  	[sflag:s31] =	ssyncset.done $0x0  }
0x1f1: {  	s17 =	rddreg [dreg:$0x6];
	[sflag:s31] =	ssyncadd.s32 $0xFFFFD800  }
0x1f2: {  	[hbm4b:s17+s3] =	stream.linear.scatter [tilespmem:s30], [sflag:$0x8], $0x2800, $0x38;
	[tilespmem:$0x1D800] =	vst v63  }
0x1f3: {  	_ =	swait.ge [sflag:s31], $0x2800  }
0x1f4: {  	[sflag:s31] =	ssyncset.done $0x0  }
0x1f5: {  	[sflag:s31] =	ssyncadd.s32 $0xFFFFD800  }
0x1f6: {  	[tilespmem:s30], [sflag:$0x8] =	stream.linear.gather [spmem:s25], $0x2800, $0x38;
	[tilespmem:$0x1D800] =	vst v63  }
0x1f7: {  	_ =	swait.ge [sflag:s31], $0x2800  }
0x1f8: {  	[sflag:s31] =	ssyncset.done $0x0  }
0x1f9: {  	s18 =	rddreg [dreg:$0x7];
	[sflag:s31] =	ssyncadd.s32 $0xFFFFD800  }
0x1fa: {  	[hbm4b:s18+s3] =	stream.linear.scatter [tilespmem:s30], [sflag:$0x8], $0x2800, $0x38;
	[tilespmem:$0x1D800] =	vst v63  }
0x1fb: {  	_ =	swait.ge [sflag:s31], $0x2800  }
0x1fc: {  	[sflag:s31] =	ssyncset.done $0x0  }
0x1fd: {  	s17 =	rddreg [dreg:$0x12];
	[sflag:s31] =	ssyncadd.s32 $0xFFFFD800  }
0x1fe: {  	[tilespmem:s30], [sflag:$0x8] =	stream.linear.gather [spmem:s17], $0x2800, $0x38;
	[tilespmem:$0x1D800] =	vst v63  }
0x1ff: {  	_ =	swait.ge [sflag:s31], $0x2800  }
0x200: {  	[sflag:s31] =	ssyncset.done $0x0  }
0x201: {  	s18 =	rddreg [dreg:$0x8];
	[sflag:s31] =	ssyncadd.s32 $0xFFFFD800  }
0x202: {  	[hbm4b:s18+s3] =	stream.linear.scatter [tilespmem:s30], [sflag:$0x8], $0x2800, $0x38;
	[tilespmem:$0x1D800] =	vst v63  }
0x203: {  	_ =	swait.ge [sflag:s31], $0x2800  }
0x204: {  	[sflag:s31] =	ssyncset.done $0x0  }
0x205: {  	s17 =	rddreg [dreg:$0x13];
	[sflag:s31] =	ssyncadd.s32 $0xFFFFD800  }
0x206: {  	[tilespmem:s30], [sflag:$0x8] =	stream.linear.gather [spmem:s17], $0x2800, $0x38;
	[tilespmem:$0x1D800] =	vst v63  }
0x207: {  	_ =	swait.ge [sflag:s31], $0x2800  }
0x208: {  	[sflag:s31] =	ssyncset.done $0x0  }
0x209: {  	s18 =	rddreg [dreg:$0x9];
	[sflag:s31] =	ssyncadd.s32 $0xFFFFD800  }
0x20a: {  	[hbm4b:s18+s3] =	stream.linear.scatter [tilespmem:s30], [sflag:$0x8], $0x2800, $0x38;
	[tilespmem:$0x1D800] =	vst v63  }
0x20b: {  	_ =	swait.ge [sflag:s31], $0x2800  }
0x20c: {  	[sflag:s31] =	ssyncset.done $0x0  }
0x20d: {  	s17 =	rddreg [dreg:$0x14];
	[sflag:s31] =	ssyncadd.s32 $0xFFFFD800  }
0x20e: {  	[tilespmem:s30], [sflag:$0x8] =	stream.linear.gather [spmem:s17], $0x2800, $0x38;
	[tilespmem:$0x1D800] =	vst v63  }
0x20f: {  	_ =	swait.ge [sflag:s31], $0x2800  }
0x210: {  	[sflag:s31] =	ssyncset.done $0x0  }
0x211: {  	s18 =	rddreg [dreg:$0xa];
	[sflag:s31] =	ssyncadd.s32 $0xFFFFD800  }
0x212: {  	[hbm4b:s18+s3] =	stream.linear.scatter [tilespmem:s30], [sflag:$0x8], $0x2800, $0x38;
	[tilespmem:$0x1D800] =	vst v63  }
0x213: {  	_ =	swait.ge [sflag:s31], $0x2800  }
0x214: {  	[sflag:s31] =	ssyncset.done $0x0  }
0x215: {  	s17 =	rddreg [dreg:$0x15];
	[sflag:s31] =	ssyncadd.s32 $0xFFFFD800  }
0x216: {  	[tilespmem:s30], [sflag:$0x8] =	stream.linear.gather [spmem:s17], $0x2800, $0x38;
	[tilespmem:$0x1D800] =	vst v63  }
0x217: {  	_ =	swait.ge [sflag:s31], $0x2800  }
0x218: {  	[sflag:s31] =	ssyncset.done $0x0  }
0x219: {  	s18 =	rddreg [dreg:$0xb];
	[sflag:s31] =	ssyncadd.s32 $0xFFFFD800  }
0x21a: {  	[hbm4b:s18+s3] =	stream.linear.scatter [tilespmem:s30], [sflag:$0x8], $0x2800, $0x38;
	[tilespmem:$0x1D800] =	vst v63  }
0x21b: {  	_ =	swait.ge [sflag:s31], $0x2800  }
0x21c: {  	[sflag:s31] =	ssyncset.done $0x0  }
0x21d: {  	s18 =	rddreg [dreg:$0x16];
	[sflag:s31] =	ssyncadd.s32 $0xFFFFD800  }
0x21e: {  	[tilespmem:s30], [sflag:$0x8] =	stream.linear.gather [spmem:s18], $0x2800, $0x38;
	[tilespmem:$0x1D800] =	vst v63  }
0x21f: {  	_ =	swait.ge [sflag:s31], $0x2800  }
0x220: {  	[sflag:s31] =	ssyncset.done $0x0  }
0x221: {  	s17 =	rddreg [dreg:$0xc];
	[sflag:s31] =	ssyncadd.s32 $0xFFFFD800  }
0x222: {  	[hbm4b:s17+s3] =	stream.linear.scatter [tilespmem:s30], [sflag:$0x8], $0x2800, $0x38;
	[tilespmem:$0x1D800] =	vst v63  }
0x223: {  	_ =	swait.ge [sflag:s31], $0x2800  }
0x224: {  	s17 =	rddreg [dreg:$0x19]  }
0x225: {  	s7 =	rddreg [dreg:$0x10];
	s17 =	sadd.s32 $0x1, s17  }
0x226: {  	p1 =	sne.s32 s17, s7  }
.Ltmp4:
0x227: {  	_ = 	snop;
	(pc) =	sbr.rel @p1 .LBB2_1-.Ltmp4, $3  }
0x228: {  	_ =	sdelay $0x1  }
0x229: {  	[sflag:s31] =	ssyncset.done $0x0;
	[dreg:$0x19] =	wrdreg s17  }
0x22a: {  	s23 =	smov.u32 s25;
	[sflag:s31] =	ssyncadd.s32 $0xFFFFD800;
	s17 =	rddreg [dreg:$0xf]  }
0x22b: {  	_ =	sfence.sel $0x180000  }
0x22c: {  	[bflag:$0x0] =	sbarrier.arrive $0xFFFF  }
0x22d: {  	_ =	strace $0x9000004A  }
0x22e: {  	s0 =	stileid.u32;
	[bflag:$0x2] =	sbarrier.arrive $0xFFFF  }
0x22f: {  	p0 =	sne.s32 s0, $0x0;
	s0 =	rddreg [dreg:$0x3]  }
0x230: {  	s0 =	sadd.s32 @!p0 $0x100000, s0  }
0x231: {  	[sflag:s0] =	ssyncadd.tile.s32 @!p0 $0x1;
	_ =	shalt  }
.Lfunc_end2:
_tile_overlayer_lowered:
.L_overlay_start_2:
0x232: {  	(tag) =	ssettag $0x2  }
0x233: {  	s0 =	rddreg [dreg:$0x0];
	s2 =	stileid.u32  }
0x234: {  	s1 =	rddreg [dreg:$0x1];
	p0 =	sne.s32 s2, $0x0  }
0x235: {  	s3 =	rddreg [dreg:$0x2];
	[bflag:$0x3] =	sbarrier.arrive $0xFFFF;
	s2 =	simm.s32 @!p0 $0x1C08  }
0x236: {  	[timem:s3], [sflag:s2] =	dma.local @!p0 [hbm:s0], s1  }
0x237: {  	s0 =	simm.s32 @!p0 $0x8  }
0x238: {  	_ =	swait.ge @!p0 [sflag:s0], s1  }
0x239: {  	s1 =	ssub.s32 @!p0 $0x0, s1;
	[sflag:s0] =	ssyncset.done @!p0 $0x0  }
0x23a: {  	[sflag:s0] =	ssyncadd.s32 @!p0 s1  }
0x23b: {  	[bflag:$0x3] =	sbarrier.arrive $0xFFFF  }
0x23c: {  	_ =	shalt  }

// kernel: kernel.8.cloned.1.call-start
scs
__scs_entry_jumppad:
0x0: {  	(pc) =	sbr.rel $0x88, $3  }
0x1: {  	(tag) =	ssettag $0x0;
	lr =	simm.s32 $0x1  }
0x2: {  	[smem:$0x3F8D] =	sst lr;
	_ =	strace $0xD0000000  }
0x3: {  	_ = 	snop  }
0x4: {  	_ = 	snop  }
0x5: {  	_ = 	snop  }
0x6: {  	_ = 	snop  }
0x7: {  	_ = 	snop  }
__scs_overlays_trampoline_lowered:
0x8: {  	[smem:$0x3F9C] =	sst s0  }
0x9: {  	[smem:$0x3F9D] =	sst s1  }
0xa: {  	[smem:$0x3F9E] =	sst s2  }
0xb: {  	[smem:$0x3F9F] =	sst s3  }
0xc: {  	[smem:$0x3FA0] =	sst s4  }
0xd: {  	[smem:$0x3FA1] =	sst s5  }
0xe: {  	[smem:$0x3FA2] =	sst s6  }
0xf: {  	[smem:$0x3FA3] =	sst s7  }
0x10: {  	[smem:$0x3FA4] =	sst s8  }
0x11: {  	[smem:$0x3FA5] =	sst s9;
	s0 =	simm.s32 @!p0 $0x0  }
0x12: {  	s1 =	sld [smem:$0x3F8B];
	s0 =	simm.s32 @p0 $0x1  }
0x13: {  	[smem:$0x3FA6] =	sst s0;
	s0 =	simm.s32 @!p1 $0x0  }
0x14: {  	s2 =	sld [smem:$0x3F8A];
	s0 =	simm.s32 @p1 $0x1  }
0x15: {  	[smem:$0x3FA7] =	sst s0;
	s0 =	simm.s32 @!p2 $0x0  }
0x16: {  	s3 =	sld [smem:$0x3FDB];
	s0 =	simm.s32 @p2 $0x1  }
0x17: {  	s4 =	simm.s32 $0x1BF5;
	[smem:$0x3FA9] =	sst s0  }
0x18: {  	s0 =	sld [smem:$0x3F8C];
	_ =	swait.ge [sflag:s4], $0x0  }
0x19: {  	s7 =	sld [smem:$0x3F8D]  }
0x1a: {  	s8 =	sadd.s32 $0xFFFFE003, lr  }
0x1b: {  	s9 =	sadd.s32 $0xFFFFFEF7, lr;
	s5 =	simm.s32 $0xFFFFFFFF;
	p2 =	slt.u32 s8, $0xFFFFF086  }
0x1c: {  	p1 =	slt.u32 s9, $0xF7A;
	s5 =	simm.s32 @!p2 $0x0  }
0x1d: {  	s5 =	simm.s32 @p1 $0x1;
	p0 =	seq.s32 s7, s2  }
0x1e: {  	s7 =	smul.u32 @!p0 $0xF7A, s2;
	p2 =	seq.s32 @!p0 s5, $0x0  }
0x1f: {  	s9 =	smul.u32 $0xF7A, s1;
	s8 =	simm.s32 @!p0 $0x1BF5;
	p2 =	por !p2, p0  }
0x20: {  	[sflag:s8] =	ssyncset.s32 @!p0 $0xFFFFF086;
	s6 =	sadd.s32 @!p0 s3, s7;
	s7 =	simm.s32 @!p0 $0x108  }
0x21: {  	s3 =	sadd.s32 s3, s9;
	s6 =	sadd.s32 @!p0 $0x88, s6;
	s7 =	simm.s32 @p2 $0x1082  }
0x22: {  	[simem:s7], [sflag:s8] =	dma.local @!p0 [hbm:s6], $0xF7A  }
0x23: {  	s9 =	sor.u32 $0xD0000000, s2;
	s6 =	simm.s32 $0x108;
	_ =	swait.ge @!p0 [sflag:s8], $0x0  }
0x24: {  	s3 =	sadd.s32 $0x88, s3;
	s6 =	simm.s32 @!p1 $0x1082;
	[sflag:s4] =	ssyncset.s32 $0xFFFFF086  }
0x25: {  	[simem:s6], [sflag:s4] =	dma.local [hbm:s3], $0xF7A  }
0x26: {  	[smem:$0x3F8D] =	sst s1;
	(tag) =	ssettag s2;
	_ =	strace s9  }
0x27: {  	s1 =	sld [smem:$0x3F9D]  }
0x28: {  	s2 =	sld [smem:$0x3F9E]  }
0x29: {  	s4 =	sld [smem:$0x3FA0]  }
0x2a: {  	p0 =	seq.s32 s5, $0x0;
	s5 =	sld [smem:$0x3FA1]  }
0x2b: {  	s6 =	sld [smem:$0x3FA2]  }
0x2c: {  	s7 =	sld [smem:$0x3FA3]  }
0x2d: {  	s3 =	simm.s32 $0x108;
	s8 =	sld [smem:$0x3FA4]  }
0x2e: {  	s3 =	simm.s32 @!p0 $0x1082;
	s9 =	sld [smem:$0x3FA5]  }
0x2f: {  	lr =	sadd.s32 s0, s3;
	s0 =	sld [smem:$0x3F9C]  }
0x30: {  	s3 =	sld [smem:$0x3F9F]  }
0x31: {  	[smem:$0x3FA8] =	sst s10  }
0x32: {  	s10 =	sld [smem:$0x3FA6];
	_ =	sdelay $0x3  }
0x33: {  	p0 =	seq.s32 s10, $0x1;
	s10 =	sld [smem:$0x3FA8];
	_ =	sdelay $0x3  }
0x34: {  	[smem:$0x3FA8] =	sst s10  }
0x35: {  	s10 =	sld [smem:$0x3FA7];
	_ =	sdelay $0x3  }
0x36: {  	p1 =	seq.s32 s10, $0x1;
	s10 =	sld [smem:$0x3FA8];
	_ =	sdelay $0x3  }
0x37: {  	[smem:$0x3FA8] =	sst s10  }
0x38: {  	s10 =	sld [smem:$0x3FA9]  }
0x39: {  	_ = 	snop;
	(pc) =	sbr.ind lr, $3  }
0x3a: {  	_ = 	snop  }
0x3b: {  	_ = 	snop  }
0x3c: {  	p2 =	seq.s32 s10, $0x1;
	s10 =	sld [smem:$0x3FA8]  }
0x3d: {  	_ =	shalt  }
0x3e: {  	_ =	shalt  }
0x3f: {  	_ =	shalt  }
0x40: {  	_ =	shalt  }
0x41: {  	_ =	shalt  }
0x42: {  	_ =	shalt  }
0x43: {  	_ =	shalt  }
0x44: {  	_ =	shalt  }
0x45: {  	_ =	shalt  }
0x46: {  	_ =	shalt  }
0x47: {  	_ =	shalt  }
0x48: {  	_ =	shalt  }
0x49: {  	_ =	shalt  }
0x4a: {  	_ =	shalt  }
0x4b: {  	_ =	shalt  }
0x4c: {  	_ =	shalt  }
0x4d: {  	_ =	shalt  }
0x4e: {  	_ =	shalt  }
0x4f: {  	_ =	shalt  }
0x50: {  	_ =	shalt  }
0x51: {  	_ =	shalt  }
0x52: {  	_ =	shalt  }
0x53: {  	_ =	shalt  }
0x54: {  	_ =	shalt  }
0x55: {  	_ =	shalt  }
0x56: {  	_ =	shalt  }
0x57: {  	_ =	shalt  }
0x58: {  	_ =	shalt  }
0x59: {  	_ =	shalt  }
0x5a: {  	_ =	shalt  }
0x5b: {  	_ =	shalt  }
0x5c: {  	_ =	shalt  }
0x5d: {  	_ =	shalt  }
0x5e: {  	_ =	shalt  }
0x5f: {  	_ =	shalt  }
0x60: {  	_ =	shalt  }
0x61: {  	_ =	shalt  }
0x62: {  	_ =	shalt  }
0x63: {  	_ =	shalt  }
0x64: {  	_ =	shalt  }
0x65: {  	_ =	shalt  }
0x66: {  	_ =	shalt  }
0x67: {  	_ =	shalt  }
0x68: {  	_ =	shalt  }
0x69: {  	_ =	shalt  }
0x6a: {  	_ =	shalt  }
0x6b: {  	_ =	shalt  }
0x6c: {  	_ =	shalt  }
0x6d: {  	_ =	shalt  }
0x6e: {  	_ =	shalt  }
0x6f: {  	_ =	shalt  }
0x70: {  	_ =	shalt  }
0x71: {  	_ =	shalt  }
0x72: {  	_ =	shalt  }
0x73: {  	_ =	shalt  }
0x74: {  	_ =	shalt  }
0x75: {  	_ =	shalt  }
0x76: {  	_ =	shalt  }
0x77: {  	_ =	shalt  }
0x78: {  	_ =	shalt  }
0x79: {  	_ =	shalt  }
0x7a: {  	_ =	shalt  }
0x7b: {  	_ =	shalt  }
0x7c: {  	_ =	shalt  }
0x7d: {  	_ =	shalt  }
0x7e: {  	_ =	shalt  }
0x7f: {  	_ =	shalt  }
0x80: {  	_ =	shalt  }
0x81: {  	_ =	shalt  }
0x82: {  	_ =	shalt  }
0x83: {  	_ =	shalt  }
0x84: {  	_ =	shalt  }
0x85: {  	_ =	shalt  }
0x86: {  	_ =	shalt  }
0x87: {  	_ =	shalt  }
.Lfunc_end0:
.L_simem_size_0:
called_computation_lowered:
.L_overlay_start_0:
0x88: {  	s2 =	sld [smem:$0x3FD9]  }
0x89: {  	s3 =	sld [smem:$0x3FFE];
	_ =	sdelay $0x1  }
0x8a: {  	s1 =	srdreg.scid  }
0x8b: {  	s0 =	sand.u32 $0x1, s1  }
0x8c: {  	s17 =	sshll.u32 s0, $0xA;
	s2 =	sadd.s32 s3, s2  }
0x8d: {  	s2 =	sadd.s32 s2, s17  }
0x8e: {  	[smem:$0x3FB4] =	sst s2  }
0x8f: {  	_ = 	snop  }
0x90: {  	s2 =	sld [smem:$0x3FD0];
	(tm) =	ssettm $0x1  }
0x91: {  	s18 =	sld [smem:$0x3FFB];
	_ =	sdelay $0x3  }
0x92: {  	_ =	strace s18  }
0x93: {  	s3 =	sld [smem:$0x3FFC];
	_ =	sdelay $0x3  }
0x94: {  	_ =	strace s3  }
0x95: {  	s3 =	sld [smem:$0x3FFD];
	_ =	sdelay $0x3  }
0x96: {  	_ =	strace s3  }
0x97: {  	_ =	strace $0x8FFFFFFF  }
0x98: {  	s19 =	sld [smem:$0x3FDB];
	_ =	sdelay $0x1  }
0x99: {  	s4 =	simm.s32 $_scs_section_size  }
0x9a: {  	s5 =	simm.s32 $_size__tile_overlayer_lowered;
	s6 =	simm.s32 $_tile_overlayer_lowered  }
0x9b: {  	s22 =	simm.s32 $0x1BFF;
	s21 =	sshll.u32 s6, $0x1;
	s3 =	sadd.s32 s4, s19  }
0x9c: {  	s7 =	simm.s32 $0x0;
	s20 =	sshll.u32 s5, $0x1;
	s5 =	sadd.s32 s21, s3  }
0x9d: {  	[timem:s7], [sflag:s22] =	dma.local [hbm:s5], s20  }
0x9e: {  	_ =	swait.ge [sflag:s22], s20  }
0x9f: {  	s4 =	ssub.s32 $0x0, s20;
	[sflag:s22] =	ssyncset.done $0x0  }
0xa0: {  	[sflag:s22] =	ssyncadd.s32 s4;
	_ =	sdelay $0x1  }
0xa1: {  	s23 =	simm.s32 $0x1B8B  }
0xa2: {  	_ =	swait.ge [sflag:s23], $0x1  }
0xa3: {  	[sflag:s23] =	ssyncset.done $0x0  }
0xa4: {  	s25 =	simm.s32 $0x1B8E;
	s24 =	sld [smem:$0x3FFE];
	[sflag:s23] =	ssyncadd.s32 $0xFFFFFFFF  }
0xa5: {  	s26 =	simm.s32 $execute0_lowered;
	[smem:$0x3FD2] =	sst s25  }
0xa6: {  	s5 =	sshll.u32 s26, $0x1;
	_ =	strace $0x80000046;
	[dreg:$0x1] =	wrdreg $0xFFFFFFFF  }
0xa7: {  	s28 =	simm.s32 $_size_execute0_lowered;
	s3 =	sadd.s32 s3, s5;
	[dreg:$0x0] =	wrdreg $0x0  }
0xa8: {  	s5 =	sshll.u32 s28, $0x1;
	[dreg:$0x2] =	wrdreg s3  }
0xa9: {  	[dreg:$0x3] =	wrdreg s5  }
0xaa: {  	[dreg:$0x4] =	wrdreg $0xC0  }
0xab: {  	_ =	task [dreg:s7], $0x5FFFF  }
0xac: {  	[dreg:$0x1] =	wrdreg $0xFFFFFFFF  }
0xad: {  	[dreg:$0x0] =	wrdreg $0x60  }
0xae: {  	[dreg:$0x2] =	wrdreg s2  }
0xaf: {  	[dreg:$0x3] =	wrdreg s24  }
0xb0: {  	[dreg:$0x4] =	wrdreg $0xB8000  }
0xb1: {  	[dreg:$0x5] =	wrdreg $0x9  }
0xb2: {  	_ =	task.clear_ibuf [dreg:s7], $0x6FFFF;
	_ =	strace $0x90000046  }
0xb3: {  	s29 =	simm.s32 $0x9;
	_ =	strace $0x80000048  }
0xb4: {  	_ =	swait.ge [sflag:s29], $0x1  }
0xb5: {  	[sflag:s29] =	ssyncadd.s32 $0xFFFFFFFF  }
0xb6: {  	_ =	strace $0x90000048  }
0xb7: {  	_ =	sfence  }
0xb8: {  	s30 =	sld [smem:$0x0];
	_ =	sdelay $0x2  }
0xb9: {  	s31 =	sshll.u32 s1, $0xD;
	s1 =	sshrl.u32 s1, $0x2  }
0xba: {  	s3 =	sand.u32 $0x4000, s31;
	s1 =	sadd.s32 s1, s30  }
0xbb: {  	s0 =	sor.u32 s3, s0;
	s1 =	sshll.u32 s1, $0x11  }
0xbc: {  	s0 =	sor.u32 s1, s0  }
0xbd: {  	s0 =	sadd.s32 $0x8F2B, s0  }
0xbe: {  	[sflag:s0] =	ssyncadd.remote.s32 $0x1  }
0xbf: {  	_ =	sfence.sel $0xFFFF  }
0xc0: {  	[dreg:$0x0] =	wrdreg $0xFFFFFFFF;
	(pc) =	sbr.abs _section_cstart, $3  }
0xc1: {  	[dreg:$0x1] =	wrdreg $0xFFFFFFFF  }
0xc2: {  	_ =	task.clear_ibuf [dreg:s7], $0x2FFFF;
	_ =	strace $0x9FFFFFFF  }
0xc3: {  	(tm) =	ssettm $0x7FFFFFFF  }
tec
execute0_lowered:
.L_overlay_start_1:
0x0: {  	(tag) =	ssettag $0x1  }
0x1: {  	s2 =	rddreg [dreg:$0x0]  }
0x2: {  	s6 =	rddreg [dreg:$0x1]  }
0x3: {  	s3 =	rddreg [dreg:$0x2];
	s4 =	simm.s32 $0x0  }
0x4: {  	s0 =	srdreg.scid;
	[smem:$0x7FF] =	sst s4;
	s11 =	sadd.s32 $0x20C00, s6  }
0x5: {  	s13 =	simm.s32 $0xA0;
	_ =	strace $0x80000047;
	[smem:$0x7DE] =	sst s11  }
0x6: {  	s10 =	stileid.u32;
	s14 =	simm.s32 $0xF0;
	[dreg:$0x5] =	wrdreg s13  }
0x7: {  	s17 =	simm.s32 $0x140;
	s18 =	simm.s32 $0x880;
	[dreg:$0x6] =	wrdreg s14  }
0x8: {  	s19 =	simm.s32 $0x190;
	s20 =	simm.s32 $0x900;
	[dreg:$0x7] =	wrdreg s17  }
0x9: {  	s21 =	simm.s32 $0x1E0;
	s22 =	simm.s32 $0x980;
	[dreg:$0x8] =	wrdreg s18  }
0xa: {  	s23 =	simm.s32 $0x230;
	s28 =	simm.s32 $0x50;
	[dreg:$0x9] =	wrdreg s19  }
0xb: {  	s29 =	simm.s32 $0x4000;
	s30 =	simm.s32 $0x6800;
	[dreg:$0xa] =	wrdreg s20  }
0xc: {  	s31 =	simm.s32 $0x9000;
	s1 =	smul.u32 $0x2710, s10;
	[dreg:$0xb] =	wrdreg s21  }
0xd: {  	s5 =	sand.u32 $0x1, s0;
	s8 =	smul.u32 $0x5000, s10;
	[dreg:$0xc] =	wrdreg s22  }
0xe: {  	s26 =	smul.u32 $0x50000, s10;
	[dreg:$0xd] =	wrdreg s23;
	s18 =	simm.s32 $0x2D0  }
0xf: {  	s10 =	smul.u32 $0x14000, s10;
	s19 =	simm.s32 $0xB00;
	[dreg:$0x11] =	wrdreg s18  }
0x10: {  	s0 =	smul.u32 $0x27100, s5;
	s20 =	simm.s32 $0x320;
	[dreg:$0x12] =	wrdreg s19  }
0x11: {  	s7 =	smul.u32 $0x50000, s5;
	s21 =	simm.s32 $0xB80;
	[dreg:$0x13] =	wrdreg s20  }
0x12: {  	s12 =	ssub.s32 $0x2, s5;
	s22 =	simm.s32 $0x370;
	[dreg:$0x14] =	wrdreg s21  }
0x13: {  	s5 =	smul.u32 $0x140000, s5;
	s23 =	simm.s32 $0xC00;
	[dreg:$0x15] =	wrdreg s22  }
0x14: {  	s9 =	sshrl.u32 s12, $0x1;
	[dreg:$0x16] =	wrdreg s23;
	s18 =	simm.s32 $0x460  }
0x15: {  	s11 =	sadd.s32 $0xA000, s10;
	s19 =	simm.s32 $0xD80;
	[dreg:$0x1b] =	wrdreg s18  }
0x16: {  	s20 =	simm.s32 $0x4B0;
	s22 =	simm.s32 $0xE00;
	[dreg:$0x1c] =	wrdreg s19  }
0x17: {  	s0 =	sadd.s32 s1, s0;
	s24 =	sadd.s32 s8, s7;
	[dreg:$0x1d] =	wrdreg s20  }
0x18: {  	s8 =	sshrl.u32 s26, $0x2;
	s26 =	simm.s32 $0xA80;
	[dreg:$0x1e] =	wrdreg s22  }
0x19: {  	s18 =	simm.s32 $0x5F0;
	s20 =	simm.s32 $0x1000;
	[dreg:$0x10] =	wrdreg s26  }
0x1a: {  	s22 =	simm.s32 $0x1080;
	s0 =	sshrl.u32 s0, $0x3;
	[smem:$0x7EF] =	sst s18  }
0x1b: {  	s1 =	sshrl.u32 s24, $0x3;
	s8 =	sadd.s32 s8, s3;
	[smem:$0x7F1] =	sst s20  }
0x1c: {  	s24 =	simm.s32 $0xA00;
	s26 =	simm.s32 $0x410;
	[smem:$0x7F4] =	sst s22  }
0x1d: {  	s18 =	simm.s32 $0x8;
	s20 =	simm.s32 $0x730;
	s22 =	simm.s32 $0x780  }
0x1e: {  	s25 =	sadd.s32 s0, s6;
	s0 =	sadd.s32 s1, s6;
	s1 =	sadd.s32 $0x21200, s6  }
0x1f: {  	s6 =	ssub.s32 s12, s9;
	[smem:$0x7DF] =	sst s8;
	s8 =	sadd.s32 $0x5000, s10  }
0x20: {  	s9 =	sadd.s32 $0x7800, s10;
	s12 =	sadd.s32 s11, s3;
	[dreg:$0xe] =	wrdreg s24  }
0x21: {  	s11 =	sadd.s32 s5, s11;
	s24 =	simm.s32 $0x3C0;
	[dreg:$0x19] =	wrdreg s26  }
0x22: {  	s26 =	simm.s32 $0xE80;
	s6 =	smax.u32 s6, $0x1;
	[smem:$0x7E1] =	sst s12  }
0x23: {  	s7 =	sadd.s32 $0x2E00, s25;
	s16 =	sadd.s32 s8, s3;
	[dreg:$0x17] =	wrdreg s24  }
0x24: {  	s17 =	sadd.s32 s9, s3;
	s12 =	sadd.s32 $0xC800, s10;
	[smem:$0x7E8] =	sst s26  }
0x25: {  	s25 =	simm.s32 $0x280;
	s8 =	sadd.s32 s5, s8;
	[smem:$0x7E0] =	sst s6  }
0x26: {  	s9 =	sadd.s32 s5, s9;
	s24 =	simm.s32 $0x500;
	[dreg:$0x4] =	wrdreg s7  }
0x27: {  	s0 =	sadd.s32 $0xCC00, s0;
	s26 =	simm.s32 $0x6E0;
	[dreg:$0xf] =	wrdreg s25  }
0x28: {  	s6 =	sor.u32 $0x2800, s10;
	s13 =	sadd.s32 s12, s3;
	[dreg:$0x1f] =	wrdreg s24  }
0x29: {  	s12 =	sadd.s32 s5, s12;
	s25 =	simm.s32 $0xC80;
	[smem:$0x7F5] =	sst s0  }
0x2a: {  	s21 =	sshrl.u32 s8, $0x3;
	s8 =	sshrl.u32 s11, $0x3;
	[smem:$0x7F8] =	sst s26  }
0x2b: {  	s24 =	simm.s32 $0x690;
	s26 =	simm.s32 $0x800;
	[smem:$0x7E2] =	sst s13  }
0x2c: {  	s15 =	sadd.s32 s6, s3;
	s13 =	sadd.s32 $0xF000, s10;
	[dreg:$0x18] =	wrdreg s25  }
0x2d: {  	s6 =	sadd.s32 s5, s6;
	s7 =	sadd.s32 s1, s21;
	[smem:$0x7F6] =	sst s24  }
0x2e: {  	s25 =	sshrl.u32 s9, $0x3;
	s9 =	simm.s32 $0xF00;
	[smem:$0x7E6] =	sst s7  }
0x2f: {  	s11 =	sshrl.u32 s12, $0x3;
	s21 =	simm.s32 $0x640;
	[smem:$0x7EB] =	sst s9  }
0x30: {  	s14 =	sadd.s32 s13, s3;
	s13 =	sadd.s32 s5, s13;
	[smem:$0x7F2] =	sst s21  }
0x31: {  	s6 =	sshrl.u32 s6, $0x3;
	s7 =	sadd.s32 s1, s25;
	[smem:$0x7E3] =	sst s14  }
0x32: {  	s12 =	smov.u32 s15;
	s25 =	simm.s32 $0x1100;
	[smem:$0x7E7] =	sst s7  }
0x33: {  	s14 =	sadd.s32 $0x11800, s10;
	s10 =	sadd.s32 s5, s10;
	[smem:$0x7F7] =	sst s25  }
0x34: {  	s6 =	sadd.s32 s1, s6;
	s7 =	simm.s32 $0x550;
	[smem:$0x7FA] =	sst s12  }
0x35: {  	s19 =	sshrl.u32 s13, $0x3;
	s13 =	smov.u32 s16;
	[smem:$0x7E5] =	sst s6  }
0x36: {  	s5 =	sadd.s32 s5, s14;
	s23 =	sadd.s32 s14, s3;
	[smem:$0x7E9] =	sst s7  }
0x37: {  	s14 =	smov.u32 s17;
	s17 =	simm.s32 $0xD00;
	[smem:$0x7FB] =	sst s13  }
0x38: {  	s0 =	simm.s32 $0x5;
	s7 =	sadd.s32 s1, s8;
	[dreg:$0x1a] =	wrdreg s17  }
0x39: {  	s24 =	simm.s32 $0x1800;
	s15 =	simm.s32 $0x3;
	[smem:$0x7EA] =	sst s7  }
0x3a: {  	s21 =	simm.s32 $0x1200;
	s10 =	sshrl.u32 s10, $0x3;
	[smem:$0x7FC] =	sst s14  }
0x3b: {  	s9 =	simm.s32 $0x1380;
	s10 =	sadd.s32 s1, s10;
	[smem:$0x7FD] =	sst s23  }
0x3c: {  	s25 =	simm.s32 $0x9;
	s7 =	sadd.s32 s1, s11;
	[smem:$0x7E4] =	sst s10  }
0x3d: {  	s16 =	simm.s32 $0x7;
	s17 =	simm.s32 $0xF80;
	[smem:$0x7ED] =	sst s7  }
0x3e: {  	s6 =	simm.s32 $0x1280;
	s11 =	simm.s32 $0x0;
	[smem:$0x7EE] =	sst s17  }
0x3f: {  	s8 =	simm.s32 $0x1300;
	s10 =	simm.s32 $0x5A0;
	[smem:$0x7F9] =	sst s11  }
0x40: {  	s5 =	sshrl.u32 s5, $0x3;
	s7 =	sadd.s32 s1, s19;
	[smem:$0x7EC] =	sst s10  }
0x41: {  	s1 =	sadd.s32 s1, s5;
	s5 =	simm.s32 $0x2;
	[smem:$0x7F0] =	sst s7  }
0x42: {  	s17 =	simm.s32 $0x4;
	s19 =	simm.s32 $0x1180;
	[smem:$0x7F3] =	sst s1  }
0x43: {  	s1 =	simm.s32 $0x1;
	s7 =	simm.s32 $0x6;
	s10 =	simm.s32 $0x1400  }
.LBB2_1:
0x44: {  	s11 =	sld [smem:$0x7DE];
	_ =	sdelay $0x2  }
0x45: {  	[tilespmem:s24], [sflag:$0x9] =	stream.linear.gather [hbm4b:s11+s4], $0x2800, $0x38;
	[tilespmem:$0x1F800] =	vst v63  }
0x46: {  	_ =	swait.ge [sflag:s25], $0x2800  }
0x47: {  	s11 =	sld [smem:$0x7DF]  }
0x48: {  	[sflag:s25] =	ssyncset.done $0x0  }
0x49: {  	[sflag:s25] =	ssyncadd.s32 $0xFFFFD800  }
0x4a: {  	[spmem:s11] =	stream.linear.scatter [tilespmem:s24], [sflag:$0x9], $0x2800, $0x38;
	[tilespmem:$0x1F800] =	vst v63  }
0x4b: {  	_ =	swait.ge [sflag:s25], $0x2800  }
0x4c: {  	[sflag:s25] =	ssyncset.done $0x0  }
0x4d: {  	[sflag:s25] =	ssyncadd.s32 $0xFFFFD800  }
0x4e: {  	[spmem:s12] =	stream.linear.scatter [tilespmem:s24], [sflag:$0x9], $0x2800, $0x38;
	[tilespmem:$0x1F800] =	vst v63  }
0x4f: {  	_ =	swait.ge [sflag:s25], $0x2800  }
0x50: {  	[sflag:s25] =	ssyncset.done $0x0  }
0x51: {  	[sflag:s25] =	ssyncadd.s32 $0xFFFFD800  }
0x52: {  	[spmem:s13] =	stream.linear.scatter [tilespmem:s24], [sflag:$0x9], $0x2800, $0x38;
	[tilespmem:$0x1F800] =	vst v63  }
0x53: {  	_ =	swait.ge [sflag:s25], $0x2800  }
0x54: {  	[sflag:s25] =	ssyncset.done $0x0  }
0x55: {  	[sflag:s25] =	ssyncadd.s32 $0xFFFFD800  }
0x56: {  	[spmem:s14] =	stream.linear.scatter [tilespmem:s24], [sflag:$0x9], $0x2800, $0x38;
	[tilespmem:$0x1F800] =	vst v63  }
0x57: {  	_ =	swait.ge [sflag:s25], $0x2800  }
0x58: {  	s13 =	sld [smem:$0x7E1]  }
0x59: {  	[sflag:s25] =	ssyncset.done $0x0  }
0x5a: {  	[sflag:s25] =	ssyncadd.s32 $0xFFFFD800  }
0x5b: {  	[spmem:s13] =	stream.linear.scatter [tilespmem:s24], [sflag:$0x9], $0x2800, $0x38;
	[tilespmem:$0x1F800] =	vst v63  }
0x5c: {  	_ =	swait.ge [sflag:s25], $0x2800  }
0x5d: {  	s14 =	sld [smem:$0x7E2]  }
0x5e: {  	[sflag:s25] =	ssyncset.done $0x0  }
0x5f: {  	[sflag:s25] =	ssyncadd.s32 $0xFFFFD800  }
0x60: {  	[spmem:s14] =	stream.linear.scatter [tilespmem:s24], [sflag:$0x9], $0x2800, $0x38;
	[tilespmem:$0x1F800] =	vst v63  }
0x61: {  	_ =	swait.ge [sflag:s25], $0x2800  }
0x62: {  	s12 =	sld [smem:$0x7E3]  }
0x63: {  	[sflag:s25] =	ssyncset.done $0x0  }
0x64: {  	[sflag:s25] =	ssyncadd.s32 $0xFFFFD800  }
0x65: {  	[spmem:s12] =	stream.linear.scatter [tilespmem:s24], [sflag:$0x9], $0x2800, $0x38;
	[tilespmem:$0x1F800] =	vst v63  }
0x66: {  	_ =	swait.ge [sflag:s25], $0x2800  }
0x67: {  	[sflag:s25] =	ssyncset.done $0x0  }
0x68: {  	[sflag:s25] =	ssyncadd.s32 $0xFFFFD800  }
0x69: {  	[spmem:s23] =	stream.linear.scatter [tilespmem:s24], [sflag:$0x9], $0x2800, $0x38;
	[tilespmem:$0x1F800] =	vst v63  }
0x6a: {  	_ =	swait.ge [sflag:s25], $0x2800  }
0x6b: {  	[sflag:s25] =	ssyncset.done $0x0  }
0x6c: {  	[sflag:s25] =	ssyncadd.s32 $0xFFFFD800  }
0x6d: {  	[bflag:$0x0] =	sbarrier.arrive $0xFFFF  }
0x6e: {  	s13 =	rddreg [dreg:$0x4]  }
0x6f: {  	s12 =	sadd.s32 $0x0, s13  }
0x70: {  	[tilespmem:s4], [sflag:$0x9] =	stream.linear.gather [hbm4b:s12+s4], $0x7D0, $0x38;
	[tilespmem:$0x1F800] =	vst v63  }
0x71: {  	_ =	swait.ge [sflag:s25], $0x7D0  }
0x72: {  	s23 =	sld [smem:$0x7F5]  }
0x73: {  	[sflag:s25] =	ssyncset.done $0x0  }
0x74: {  	[sflag:s25] =	ssyncadd.s32 $0xFFFFF830  }
0x75: {  	[tilespmem:s26], [sflag:$0x9] =	stream.linear.gather [hbm4b:s23+s4], $0xC80, $0x38;
	[tilespmem:$0x1F800] =	vst v63  }
0x76: {  	_ =	swait.ge [sflag:s25], $0xC80  }
0x77: {  	[sflag:s25] =	ssyncset.done $0x0  }
0x78: {  	[sflag:s25] =	ssyncadd.s32 $0xFFFFF380  }
0x79: {  	[tilespmem:s24], [sflag:$0x1] =	stream.indirect.gather [hbm4b:s2+s28], $0x80, s4, s28, $0xb8;
	[tilespmem:$0x1F800] =	vst v63  }
0x7a: {  	_ = 	snop  }
0x7b: {  	[tilespmem:s29], [sflag:$0x2] =	stream.indirect.gather [hbm4b:s2+s28], $0x80, s28, s28, $0xb8;
	[tilespmem:$0x1F800] =	vst v63  }
0x7c: {  	s14 =	rddreg [dreg:$0x5]  }
0x7d: {  	[tilespmem:s30], [sflag:$0x3] =	stream.indirect.gather [hbm4b:s2+s28], $0x80, s14, s28, $0xb8;
	[tilespmem:$0x1F800] =	vst v63  }
0x7e: {  	s11 =	rddreg [dreg:$0x6]  }
0x7f: {  	[tilespmem:s31], [sflag:$0x4] =	stream.indirect.gather [hbm4b:s2+s28], $0x80, s11, s28, $0xb8;
	[tilespmem:$0x1F800] =	vst v63  }
0x80: {  	_ =	swait.ge [sflag:s1], $0x2800  }
0x81: {  	[sflag:s1] =	ssyncset.done $0x0  }
0x82: {  	[sflag:s1] =	ssyncadd.s32 $0xFFFFD800  }
0x83: {  	[spmem:s3] =	stream.indirect.scatter.add.f32 [tilespmem:s24], [sflag:$0x5], $0x80, s26, s28, $0xb8;
	[tilespmem:$0x1F800] =	vst v63  }
0x84: {  	_ =	swait.ge [sflag:s0], $0x2800  }
0x85: {  	[sflag:s0] =	ssyncset.done $0x0  }
0x86: {  	s14 =	rddreg [dreg:$0x7];
	[sflag:s0] =	ssyncadd.s32 $0xFFFFD800  }
0x87: {  	[tilespmem:s24], [sflag:$0x1] =	stream.indirect.gather [hbm4b:s2+s28], $0x80, s14, s28, $0xb8;
	[tilespmem:$0x1F800] =	vst v63  }
0x88: {  	_ =	swait.ge [sflag:s5], $0x2800  }
0x89: {  	[sflag:s5] =	ssyncset.done $0x0  }
0x8a: {  	s11 =	rddreg [dreg:$0x8];
	[sflag:s5] =	ssyncadd.s32 $0xFFFFD800  }
0x8b: {  	[spmem:s3] =	stream.indirect.scatter.add.f32 [tilespmem:s29], [sflag:$0x6], $0x80, s11, s28, $0xb8;
	[tilespmem:$0x1F800] =	vst v63  }
0x8c: {  	_ =	swait.ge [sflag:s7], $0x2800  }
0x8d: {  	[sflag:s7] =	ssyncset.done $0x0  }
0x8e: {  	s13 =	rddreg [dreg:$0x9];
	[sflag:s7] =	ssyncadd.s32 $0xFFFFD800  }
0x8f: {  	[tilespmem:s29], [sflag:$0x2] =	stream.indirect.gather [hbm4b:s2+s28], $0x80, s13, s28, $0xb8;
	[tilespmem:$0x1F800] =	vst v63  }
0x90: {  	_ =	swait.ge [sflag:s15], $0x2800  }
0x91: {  	[sflag:s15] =	ssyncset.done $0x0  }
0x92: {  	s14 =	rddreg [dreg:$0xa];
	[sflag:s15] =	ssyncadd.s32 $0xFFFFD800  }
0x93: {  	[spmem:s3] =	stream.indirect.scatter.add.f32 [tilespmem:s30], [sflag:$0x7], $0x80, s14, s28, $0xb8;
	[tilespmem:$0x1F800] =	vst v63  }
0x94: {  	_ =	swait.ge [sflag:s16], $0x2800  }
0x95: {  	[sflag:s16] =	ssyncset.done $0x0  }
0x96: {  	s11 =	rddreg [dreg:$0xb];
	[sflag:s16] =	ssyncadd.s32 $0xFFFFD800  }
0x97: {  	[tilespmem:s30], [sflag:$0x3] =	stream.indirect.gather [hbm4b:s2+s28], $0x80, s11, s28, $0xb8;
	[tilespmem:$0x1F800] =	vst v63  }
0x98: {  	_ =	swait.ge [sflag:s17], $0x2800  }
0x99: {  	[sflag:s17] =	ssyncset.done $0x0  }
0x9a: {  	s13 =	rddreg [dreg:$0xc];
	[sflag:s17] =	ssyncadd.s32 $0xFFFFD800  }
0x9b: {  	[spmem:s3] =	stream.indirect.scatter.add.f32 [tilespmem:s31], [sflag:$0x8], $0x80, s13, s28, $0xb8;
	[tilespmem:$0x1F800] =	vst v63  }
0x9c: {  	_ =	swait.ge [sflag:s18], $0x2800  }
0x9d: {  	[sflag:s18] =	ssyncset.done $0x0  }
0x9e: {  	s14 =	rddreg [dreg:$0xd];
	[sflag:s18] =	ssyncadd.s32 $0xFFFFD800  }
0x9f: {  	[tilespmem:s31], [sflag:$0x4] =	stream.indirect.gather [hbm4b:s2+s28], $0x80, s14, s28, $0xb8;
	[tilespmem:$0x1F800] =	vst v63  }
0xa0: {  	_ =	swait.ge [sflag:s1], $0x2800  }
0xa1: {  	[sflag:s1] =	ssyncset.done $0x0  }
0xa2: {  	s11 =	rddreg [dreg:$0xe];
	[sflag:s1] =	ssyncadd.s32 $0xFFFFD800  }
0xa3: {  	[spmem:s3] =	stream.indirect.scatter.add.f32 [tilespmem:s24], [sflag:$0x5], $0x80, s11, s28, $0xb8;
	[tilespmem:$0x1F800] =	vst v63  }
0xa4: {  	_ =	swait.ge [sflag:s0], $0x2800  }
0xa5: {  	[sflag:s0] =	ssyncset.done $0x0  }
0xa6: {  	s13 =	rddreg [dreg:$0xf];
	[sflag:s0] =	ssyncadd.s32 $0xFFFFD800  }
0xa7: {  	[tilespmem:s24], [sflag:$0x1] =	stream.indirect.gather [hbm4b:s2+s28], $0x80, s13, s28, $0xb8;
	[tilespmem:$0x1F800] =	vst v63  }
0xa8: {  	_ =	swait.ge [sflag:s5], $0x2800  }
0xa9: {  	[sflag:s5] =	ssyncset.done $0x0  }
0xaa: {  	s14 =	rddreg [dreg:$0x10];
	[sflag:s5] =	ssyncadd.s32 $0xFFFFD800  }
0xab: {  	[spmem:s3] =	stream.indirect.scatter.add.f32 [tilespmem:s29], [sflag:$0x6], $0x80, s14, s28, $0xb8;
	[tilespmem:$0x1F800] =	vst v63  }
0xac: {  	_ =	swait.ge [sflag:s7], $0x2800  }
0xad: {  	[sflag:s7] =	ssyncset.done $0x0  }
0xae: {  	s11 =	rddreg [dreg:$0x11];
	[sflag:s7] =	ssyncadd.s32 $0xFFFFD800  }
0xaf: {  	[tilespmem:s29], [sflag:$0x2] =	stream.indirect.gather [hbm4b:s2+s28], $0x80, s11, s28, $0xb8;
	[tilespmem:$0x1F800] =	vst v63  }
0xb0: {  	_ =	swait.ge [sflag:s15], $0x2800  }
0xb1: {  	[sflag:s15] =	ssyncset.done $0x0  }
0xb2: {  	s13 =	rddreg [dreg:$0x12];
	[sflag:s15] =	ssyncadd.s32 $0xFFFFD800  }
0xb3: {  	[spmem:s3] =	stream.indirect.scatter.add.f32 [tilespmem:s30], [sflag:$0x7], $0x80, s13, s28, $0xb8;
	[tilespmem:$0x1F800] =	vst v63  }
0xb4: {  	_ =	swait.ge [sflag:s16], $0x2800  }
0xb5: {  	[sflag:s16] =	ssyncset.done $0x0  }
0xb6: {  	s14 =	rddreg [dreg:$0x13];
	[sflag:s16] =	ssyncadd.s32 $0xFFFFD800  }
0xb7: {  	[tilespmem:s30], [sflag:$0x3] =	stream.indirect.gather [hbm4b:s2+s28], $0x80, s14, s28, $0xb8;
	[tilespmem:$0x1F800] =	vst v63  }
0xb8: {  	_ =	swait.ge [sflag:s17], $0x2800  }
0xb9: {  	[sflag:s17] =	ssyncset.done $0x0  }
0xba: {  	s11 =	rddreg [dreg:$0x14];
	[sflag:s17] =	ssyncadd.s32 $0xFFFFD800  }
0xbb: {  	[spmem:s3] =	stream.indirect.scatter.add.f32 [tilespmem:s31], [sflag:$0x8], $0x80, s11, s28, $0xb8;
	[tilespmem:$0x1F800] =	vst v63  }
0xbc: {  	_ =	swait.ge [sflag:s18], $0x2800  }
0xbd: {  	[sflag:s18] =	ssyncset.done $0x0  }
0xbe: {  	s13 =	rddreg [dreg:$0x15];
	[sflag:s18] =	ssyncadd.s32 $0xFFFFD800  }
0xbf: {  	[tilespmem:s31], [sflag:$0x4] =	stream.indirect.gather [hbm4b:s2+s28], $0x80, s13, s28, $0xb8;
	[tilespmem:$0x1F800] =	vst v63  }
0xc0: {  	_ =	swait.ge [sflag:s1], $0x2800  }
0xc1: {  	[sflag:s1] =	ssyncset.done $0x0  }
0xc2: {  	s14 =	rddreg [dreg:$0x16];
	[sflag:s1] =	ssyncadd.s32 $0xFFFFD800  }
0xc3: {  	[spmem:s3] =	stream.indirect.scatter.add.f32 [tilespmem:s24], [sflag:$0x5], $0x80, s14, s28, $0xb8;
	[tilespmem:$0x1F800] =	vst v63  }
0xc4: {  	_ =	swait.ge [sflag:s0], $0x2800  }
0xc5: {  	[sflag:s0] =	ssyncset.done $0x0  }
0xc6: {  	s11 =	rddreg [dreg:$0x17];
	[sflag:s0] =	ssyncadd.s32 $0xFFFFD800  }
0xc7: {  	[tilespmem:s24], [sflag:$0x1] =	stream.indirect.gather [hbm4b:s2+s28], $0x80, s11, s28, $0xb8;
	[tilespmem:$0x1F800] =	vst v63  }
0xc8: {  	_ =	swait.ge [sflag:s5], $0x2800  }
0xc9: {  	[sflag:s5] =	ssyncset.done $0x0  }
0xca: {  	s13 =	rddreg [dreg:$0x18];
	[sflag:s5] =	ssyncadd.s32 $0xFFFFD800  }
0xcb: {  	[spmem:s3] =	stream.indirect.scatter.add.f32 [tilespmem:s29], [sflag:$0x6], $0x80, s13, s28, $0xb8;
	[tilespmem:$0x1F800] =	vst v63  }
0xcc: {  	_ =	swait.ge [sflag:s7], $0x2800  }
0xcd: {  	[sflag:s7] =	ssyncset.done $0x0  }
0xce: {  	s14 =	rddreg [dreg:$0x19];
	[sflag:s7] =	ssyncadd.s32 $0xFFFFD800  }
0xcf: {  	[tilespmem:s29], [sflag:$0x2] =	stream.indirect.gather [hbm4b:s2+s28], $0x80, s14, s28, $0xb8;
	[tilespmem:$0x1F800] =	vst v63  }
0xd0: {  	_ =	swait.ge [sflag:s15], $0x2800  }
0xd1: {  	[sflag:s15] =	ssyncset.done $0x0  }
0xd2: {  	s11 =	rddreg [dreg:$0x1a];
	[sflag:s15] =	ssyncadd.s32 $0xFFFFD800  }
0xd3: {  	[spmem:s3] =	stream.indirect.scatter.add.f32 [tilespmem:s30], [sflag:$0x7], $0x80, s11, s28, $0xb8;
	[tilespmem:$0x1F800] =	vst v63  }
0xd4: {  	_ =	swait.ge [sflag:s16], $0x2800  }
0xd5: {  	[sflag:s16] =	ssyncset.done $0x0  }
0xd6: {  	s13 =	rddreg [dreg:$0x1b];
	[sflag:s16] =	ssyncadd.s32 $0xFFFFD800  }
0xd7: {  	[tilespmem:s30], [sflag:$0x3] =	stream.indirect.gather [hbm4b:s2+s28], $0x80, s13, s28, $0xb8;
	[tilespmem:$0x1F800] =	vst v63  }
0xd8: {  	_ =	swait.ge [sflag:s17], $0x2800  }
0xd9: {  	[sflag:s17] =	ssyncset.done $0x0  }
0xda: {  	s14 =	rddreg [dreg:$0x1c];
	[sflag:s17] =	ssyncadd.s32 $0xFFFFD800  }
0xdb: {  	[spmem:s3] =	stream.indirect.scatter.add.f32 [tilespmem:s31], [sflag:$0x8], $0x80, s14, s28, $0xb8;
	[tilespmem:$0x1F800] =	vst v63  }
0xdc: {  	_ =	swait.ge [sflag:s18], $0x2800  }
0xdd: {  	[sflag:s18] =	ssyncset.done $0x0  }
0xde: {  	s11 =	rddreg [dreg:$0x1d];
	[sflag:s18] =	ssyncadd.s32 $0xFFFFD800  }
0xdf: {  	[tilespmem:s31], [sflag:$0x4] =	stream.indirect.gather [hbm4b:s2+s28], $0x80, s11, s28, $0xb8;
	[tilespmem:$0x1F800] =	vst v63  }
0xe0: {  	_ =	swait.ge [sflag:s1], $0x2800  }
0xe1: {  	[sflag:s1] =	ssyncset.done $0x0  }
0xe2: {  	s13 =	rddreg [dreg:$0x1e];
	[sflag:s1] =	ssyncadd.s32 $0xFFFFD800  }
0xe3: {  	[spmem:s3] =	stream.indirect.scatter.add.f32 [tilespmem:s24], [sflag:$0x5], $0x80, s13, s28, $0xb8;
	[tilespmem:$0x1F800] =	vst v63  }
0xe4: {  	_ =	swait.ge [sflag:s0], $0x2800  }
0xe5: {  	[sflag:s0] =	ssyncset.done $0x0  }
0xe6: {  	s14 =	rddreg [dreg:$0x1f];
	[sflag:s0] =	ssyncadd.s32 $0xFFFFD800  }
0xe7: {  	[tilespmem:s24], [sflag:$0x1] =	stream.indirect.gather [hbm4b:s2+s28], $0x80, s14, s28, $0xb8;
	[tilespmem:$0x1F800] =	vst v63  }
0xe8: {  	_ =	swait.ge [sflag:s5], $0x2800  }
0xe9: {  	s11 =	sld [smem:$0x7E8]  }
0xea: {  	[sflag:s5] =	ssyncset.done $0x0  }
0xeb: {  	[sflag:s5] =	ssyncadd.s32 $0xFFFFD800  }
0xec: {  	[spmem:s3] =	stream.indirect.scatter.add.f32 [tilespmem:s29], [sflag:$0x6], $0x80, s11, s28, $0xb8;
	[tilespmem:$0x1F800] =	vst v63  }
0xed: {  	_ =	swait.ge [sflag:s7], $0x2800  }
0xee: {  	s13 =	sld [smem:$0x7E9]  }
0xef: {  	[sflag:s7] =	ssyncset.done $0x0  }
0xf0: {  	[sflag:s7] =	ssyncadd.s32 $0xFFFFD800  }
0xf1: {  	[tilespmem:s29], [sflag:$0x2] =	stream.indirect.gather [hbm4b:s2+s28], $0x80, s13, s28, $0xb8;
	[tilespmem:$0x1F800] =	vst v63  }
0xf2: {  	_ =	swait.ge [sflag:s15], $0x2800  }
0xf3: {  	s14 =	sld [smem:$0x7EB]  }
0xf4: {  	[sflag:s15] =	ssyncset.done $0x0  }
0xf5: {  	[sflag:s15] =	ssyncadd.s32 $0xFFFFD800  }
0xf6: {  	[spmem:s3] =	stream.indirect.scatter.add.f32 [tilespmem:s30], [sflag:$0x7], $0x80, s14, s28, $0xb8;
	[tilespmem:$0x1F800] =	vst v63  }
0xf7: {  	_ =	swait.ge [sflag:s16], $0x2800  }
0xf8: {  	s11 =	sld [smem:$0x7EC]  }
0xf9: {  	[sflag:s16] =	ssyncset.done $0x0  }
0xfa: {  	[sflag:s16] =	ssyncadd.s32 $0xFFFFD800  }
0xfb: {  	[tilespmem:s30], [sflag:$0x3] =	stream.indirect.gather [hbm4b:s2+s28], $0x80, s11, s28, $0xb8;
	[tilespmem:$0x1F800] =	vst v63  }
0xfc: {  	_ =	swait.ge [sflag:s17], $0x2800  }
0xfd: {  	s13 =	sld [smem:$0x7EE]  }
0xfe: {  	[sflag:s17] =	ssyncset.done $0x0  }
0xff: {  	[sflag:s17] =	ssyncadd.s32 $0xFFFFD800  }
0x100: {  	[spmem:s3] =	stream.indirect.scatter.add.f32 [tilespmem:s31], [sflag:$0x8], $0x80, s13, s28, $0xb8;
	[tilespmem:$0x1F800] =	vst v63  }
0x101: {  	_ =	swait.ge [sflag:s18], $0x2800  }
0x102: {  	s14 =	sld [smem:$0x7EF]  }
0x103: {  	[sflag:s18] =	ssyncset.done $0x0  }
0x104: {  	[sflag:s18] =	ssyncadd.s32 $0xFFFFD800  }
0x105: {  	[tilespmem:s31], [sflag:$0x4] =	stream.indirect.gather [hbm4b:s2+s28], $0x80, s14, s28, $0xb8;
	[tilespmem:$0x1F800] =	vst v63  }
0x106: {  	_ =	swait.ge [sflag:s1], $0x2800  }
0x107: {  	s11 =	sld [smem:$0x7F1]  }
0x108: {  	[sflag:s1] =	ssyncset.done $0x0  }
0x109: {  	[sflag:s1] =	ssyncadd.s32 $0xFFFFD800  }
0x10a: {  	[spmem:s3] =	stream.indirect.scatter.add.f32 [tilespmem:s24], [sflag:$0x5], $0x80, s11, s28, $0xb8;
	[tilespmem:$0x1F800] =	vst v63  }
0x10b: {  	_ =	swait.ge [sflag:s0], $0x2800  }
0x10c: {  	s13 =	sld [smem:$0x7F2]  }
0x10d: {  	[sflag:s0] =	ssyncset.done $0x0  }
0x10e: {  	[sflag:s0] =	ssyncadd.s32 $0xFFFFD800  }
0x10f: {  	[tilespmem:s24], [sflag:$0x1] =	stream.indirect.gather [hbm4b:s2+s28], $0x80, s13, s28, $0xb8;
	[tilespmem:$0x1F800] =	vst v63  }
0x110: {  	_ =	swait.ge [sflag:s5], $0x2800  }
0x111: {  	s14 =	sld [smem:$0x7F4]  }
0x112: {  	[sflag:s5] =	ssyncset.done $0x0  }
0x113: {  	[sflag:s5] =	ssyncadd.s32 $0xFFFFD800  }
0x114: {  	[spmem:s3] =	stream.indirect.scatter.add.f32 [tilespmem:s29], [sflag:$0x6], $0x80, s14, s28, $0xb8;
	[tilespmem:$0x1F800] =	vst v63  }
0x115: {  	_ =	swait.ge [sflag:s7], $0x2800  }
0x116: {  	s11 =	sld [smem:$0x7F6]  }
0x117: {  	[sflag:s7] =	ssyncset.done $0x0  }
0x118: {  	[sflag:s7] =	ssyncadd.s32 $0xFFFFD800  }
0x119: {  	[tilespmem:s29], [sflag:$0x2] =	stream.indirect.gather [hbm4b:s2+s28], $0x80, s11, s28, $0xb8;
	[tilespmem:$0x1F800] =	vst v63  }
0x11a: {  	_ =	swait.ge [sflag:s15], $0x2800  }
0x11b: {  	s13 =	sld [smem:$0x7F7]  }
0x11c: {  	[sflag:s15] =	ssyncset.done $0x0  }
0x11d: {  	[sflag:s15] =	ssyncadd.s32 $0xFFFFD800  }
0x11e: {  	[spmem:s3] =	stream.indirect.scatter.add.f32 [tilespmem:s30], [sflag:$0x7], $0x80, s13, s28, $0xb8;
	[tilespmem:$0x1F800] =	vst v63  }
0x11f: {  	_ =	swait.ge [sflag:s16], $0x2800  }
0x120: {  	s14 =	sld [smem:$0x7F8]  }
0x121: {  	[sflag:s16] =	ssyncset.done $0x0  }
0x122: {  	[sflag:s16] =	ssyncadd.s32 $0xFFFFD800  }
0x123: {  	[tilespmem:s30], [sflag:$0x3] =	stream.indirect.gather [hbm4b:s2+s28], $0x80, s14, s28, $0xb8;
	[tilespmem:$0x1F800] =	vst v63  }
0x124: {  	_ =	swait.ge [sflag:s17], $0x2800  }
0x125: {  	[sflag:s17] =	ssyncset.done $0x0  }
0x126: {  	[sflag:s17] =	ssyncadd.s32 $0xFFFFD800  }
0x127: {  	[spmem:s3] =	stream.indirect.scatter.add.f32 [tilespmem:s31], [sflag:$0x8], $0x80, s19, s28, $0xb8;
	[tilespmem:$0x1F800] =	vst v63  }
0x128: {  	_ =	swait.ge [sflag:s18], $0x2800  }
0x129: {  	[sflag:s18] =	ssyncset.done $0x0  }
0x12a: {  	[sflag:s18] =	ssyncadd.s32 $0xFFFFD800  }
0x12b: {  	[tilespmem:s31], [sflag:$0x4] =	stream.indirect.gather [hbm4b:s2+s28], $0x80, s20, s28, $0xb8;
	[tilespmem:$0x1F800] =	vst v63  }
0x12c: {  	_ =	swait.ge [sflag:s1], $0x2800  }
0x12d: {  	[sflag:s1] =	ssyncset.done $0x0  }
0x12e: {  	[sflag:s1] =	ssyncadd.s32 $0xFFFFD800  }
0x12f: {  	[spmem:s3] =	stream.indirect.scatter.add.f32 [tilespmem:s24], [sflag:$0x5], $0x80, s21, s28, $0xb8;
	[tilespmem:$0x1F800] =	vst v63  }
0x130: {  	_ =	swait.ge [sflag:s0], $0x2800  }
0x131: {  	[sflag:s0] =	ssyncset.done $0x0  }
0x132: {  	[sflag:s0] =	ssyncadd.s32 $0xFFFFD800  }
0x133: {  	[tilespmem:s24], [sflag:$0x1] =	stream.indirect.gather [hbm4b:s2+s28], $0x80, s22, s28, $0xb8;
	[tilespmem:$0x1F800] =	vst v63  }
0x134: {  	_ =	swait.ge [sflag:s5], $0x2800  }
0x135: {  	[sflag:s5] =	ssyncset.done $0x0  }
0x136: {  	[sflag:s5] =	ssyncadd.s32 $0xFFFFD800  }
0x137: {  	[spmem:s3] =	stream.indirect.scatter.add.f32 [tilespmem:s29], [sflag:$0x6], $0x80, s6, s28, $0xb8;
	[tilespmem:$0x1F800] =	vst v63  }
0x138: {  	_ =	swait.ge [sflag:s15], $0x2800  }
0x139: {  	[sflag:s15] =	ssyncset.done $0x0  }
0x13a: {  	[sflag:s15] =	ssyncadd.s32 $0xFFFFD800  }
0x13b: {  	[spmem:s3] =	stream.indirect.scatter.add.f32 [tilespmem:s30], [sflag:$0x7], $0x80, s8, s28, $0xb8;
	[tilespmem:$0x1F800] =	vst v63  }
0x13c: {  	_ =	swait.ge [sflag:s17], $0x2800  }
0x13d: {  	[sflag:s17] =	ssyncset.done $0x0  }
0x13e: {  	[sflag:s17] =	ssyncadd.s32 $0xFFFFD800  }
0x13f: {  	[spmem:s3] =	stream.indirect.scatter.add.f32 [tilespmem:s31], [sflag:$0x8], $0x80, s9, s28, $0xb8;
	[tilespmem:$0x1F800] =	vst v63  }
0x140: {  	_ =	swait.ge [sflag:s1], $0x2800  }
0x141: {  	[sflag:s1] =	ssyncset.done $0x0  }
0x142: {  	[sflag:s1] =	ssyncadd.s32 $0xFFFFD800  }
0x143: {  	[spmem:s3] =	stream.indirect.scatter.add.f32 [tilespmem:s24], [sflag:$0x5], $0x80, s10, s28, $0xb8;
	[tilespmem:$0x1F800] =	vst v63  }
0x144: {  	_ =	swait.ge [sflag:s0], $0x2800  }
0x145: {  	[sflag:s0] =	ssyncset.done $0x0  }
0x146: {  	[sflag:s0] =	ssyncadd.s32 $0xFFFFD800  }
0x147: {  	_ =	swait.ge [sflag:s7], $0x2800  }
0x148: {  	[sflag:s7] =	ssyncset.done $0x0  }
0x149: {  	[sflag:s7] =	ssyncadd.s32 $0xFFFFD800  }
0x14a: {  	_ =	swait.ge [sflag:s16], $0x2800  }
0x14b: {  	[sflag:s16] =	ssyncset.done $0x0  }
0x14c: {  	[sflag:s16] =	ssyncadd.s32 $0xFFFFD800  }
0x14d: {  	s13 =	simm.s32 $0xFA;
	_ =	swait.ge [sflag:s18], $0x2800  }
0x14e: {  	s14 =	simm.s32 $0x1F4;
	s12 =	rddreg [dreg:$0x4];
	[sflag:s18] =	ssyncset.done $0x0  }
.LBB2_2:
0x14f: {  	[sflag:s18] =	ssyncadd.s32 $0xFFFFD800;
	s12 =	sadd.s32 s13, s12  }
0x150: {  	[tilespmem:s4], [sflag:$0x9] =	stream.linear.gather [hbm4b:s12+s4], $0x7D0, $0x38;
	[tilespmem:$0x1F800] =	vst v63  }
0x151: {  	_ =	swait.ge [sflag:s25], $0x7D0  }
0x152: {  	[sflag:s25] =	ssyncset.done $0x0  }
0x153: {  	s23 =	sadd.s32 $0x200, s23;
	[sflag:s25] =	ssyncadd.s32 $0xFFFFF830  }
0x154: {  	[tilespmem:s26], [sflag:$0x9] =	stream.linear.gather [hbm4b:s23+s4], $0xC80, $0x38;
	[tilespmem:$0x1F800] =	vst v63  }
0x155: {  	_ =	swait.ge [sflag:s25], $0xC80  }
0x156: {  	[sflag:s25] =	ssyncset.done $0x0  }
0x157: {  	[sflag:s25] =	ssyncadd.s32 $0xFFFFF380  }
0x158: {  	[tilespmem:s24], [sflag:$0x1] =	stream.indirect.gather [hbm4b:s2+s28], $0x80, s4, s28, $0xb8;
	[tilespmem:$0x1F800] =	vst v63  }
0x159: {  	s11 =	smov.u32 s14  }
0x15a: {  	[tilespmem:s29], [sflag:$0x2] =	stream.indirect.gather [hbm4b:s2+s28], $0x80, s28, s28, $0xb8;
	[tilespmem:$0x1F800] =	vst v63  }
0x15b: {  	s13 =	smov.u32 s11;
	s11 =	rddreg [dreg:$0x5]  }
0x15c: {  	[tilespmem:s30], [sflag:$0x3] =	stream.indirect.gather [hbm4b:s2+s28], $0x80, s11, s28, $0xb8;
	[tilespmem:$0x1F800] =	vst v63  }
0x15d: {  	s12 =	rddreg [dreg:$0x6]  }
0x15e: {  	[tilespmem:s31], [sflag:$0x4] =	stream.indirect.gather [hbm4b:s2+s28], $0x80, s12, s28, $0xb8;
	[tilespmem:$0x1F800] =	vst v63  }
0x15f: {  	_ =	swait.ge [sflag:s1], $0x2800  }
0x160: {  	[sflag:s1] =	ssyncset.done $0x0  }
0x161: {  	[sflag:s1] =	ssyncadd.s32 $0xFFFFD800  }
0x162: {  	[spmem:s3] =	stream.indirect.scatter.add.f32 [tilespmem:s24], [sflag:$0x5], $0x80, s26, s28, $0xb8;
	[tilespmem:$0x1F800] =	vst v63  }
0x163: {  	_ =	swait.ge [sflag:s0], $0x2800  }
0x164: {  	[sflag:s0] =	ssyncset.done $0x0  }
0x165: {  	s12 =	rddreg [dreg:$0x7];
	[sflag:s0] =	ssyncadd.s32 $0xFFFFD800  }
0x166: {  	[tilespmem:s24], [sflag:$0x1] =	stream.indirect.gather [hbm4b:s2+s28], $0x80, s12, s28, $0xb8;
	[tilespmem:$0x1F800] =	vst v63  }
0x167: {  	_ =	swait.ge [sflag:s5], $0x2800  }
0x168: {  	[sflag:s5] =	ssyncset.done $0x0  }
0x169: {  	s12 =	rddreg [dreg:$0x8];
	[sflag:s5] =	ssyncadd.s32 $0xFFFFD800  }
0x16a: {  	[spmem:s3] =	stream.indirect.scatter.add.f32 [tilespmem:s29], [sflag:$0x6], $0x80, s12, s28, $0xb8;
	[tilespmem:$0x1F800] =	vst v63  }
0x16b: {  	_ =	swait.ge [sflag:s7], $0x2800  }
0x16c: {  	[sflag:s7] =	ssyncset.done $0x0  }
0x16d: {  	s12 =	rddreg [dreg:$0x9];
	[sflag:s7] =	ssyncadd.s32 $0xFFFFD800  }
0x16e: {  	[tilespmem:s29], [sflag:$0x2] =	stream.indirect.gather [hbm4b:s2+s28], $0x80, s12, s28, $0xb8;
	[tilespmem:$0x1F800] =	vst v63  }
0x16f: {  	_ =	swait.ge [sflag:s15], $0x2800  }
0x170: {  	[sflag:s15] =	ssyncset.done $0x0  }
0x171: {  	s12 =	rddreg [dreg:$0xa];
	[sflag:s15] =	ssyncadd.s32 $0xFFFFD800  }
0x172: {  	[spmem:s3] =	stream.indirect.scatter.add.f32 [tilespmem:s30], [sflag:$0x7], $0x80, s12, s28, $0xb8;
	[tilespmem:$0x1F800] =	vst v63  }
0x173: {  	_ =	swait.ge [sflag:s16], $0x2800  }
0x174: {  	[sflag:s16] =	ssyncset.done $0x0  }
0x175: {  	s12 =	rddreg [dreg:$0xb];
	[sflag:s16] =	ssyncadd.s32 $0xFFFFD800  }
0x176: {  	[tilespmem:s30], [sflag:$0x3] =	stream.indirect.gather [hbm4b:s2+s28], $0x80, s12, s28, $0xb8;
	[tilespmem:$0x1F800] =	vst v63  }
0x177: {  	_ =	swait.ge [sflag:s17], $0x2800  }
0x178: {  	[sflag:s17] =	ssyncset.done $0x0  }
0x179: {  	s12 =	rddreg [dreg:$0xc];
	[sflag:s17] =	ssyncadd.s32 $0xFFFFD800  }
0x17a: {  	[spmem:s3] =	stream.indirect.scatter.add.f32 [tilespmem:s31], [sflag:$0x8], $0x80, s12, s28, $0xb8;
	[tilespmem:$0x1F800] =	vst v63  }
0x17b: {  	_ =	swait.ge [sflag:s18], $0x2800  }
0x17c: {  	[sflag:s18] =	ssyncset.done $0x0  }
0x17d: {  	s12 =	rddreg [dreg:$0xd];
	[sflag:s18] =	ssyncadd.s32 $0xFFFFD800  }
0x17e: {  	[tilespmem:s31], [sflag:$0x4] =	stream.indirect.gather [hbm4b:s2+s28], $0x80, s12, s28, $0xb8;
	[tilespmem:$0x1F800] =	vst v63  }
0x17f: {  	_ =	swait.ge [sflag:s1], $0x2800  }
0x180: {  	[sflag:s1] =	ssyncset.done $0x0  }
0x181: {  	s12 =	rddreg [dreg:$0xe];
	[sflag:s1] =	ssyncadd.s32 $0xFFFFD800  }
0x182: {  	[spmem:s3] =	stream.indirect.scatter.add.f32 [tilespmem:s24], [sflag:$0x5], $0x80, s12, s28, $0xb8;
	[tilespmem:$0x1F800] =	vst v63  }
0x183: {  	_ =	swait.ge [sflag:s0], $0x2800  }
0x184: {  	[sflag:s0] =	ssyncset.done $0x0  }
0x185: {  	s12 =	rddreg [dreg:$0xf];
	[sflag:s0] =	ssyncadd.s32 $0xFFFFD800  }
0x186: {  	[tilespmem:s24], [sflag:$0x1] =	stream.indirect.gather [hbm4b:s2+s28], $0x80, s12, s28, $0xb8;
	[tilespmem:$0x1F800] =	vst v63  }
0x187: {  	_ =	swait.ge [sflag:s5], $0x2800  }
0x188: {  	[sflag:s5] =	ssyncset.done $0x0  }
0x189: {  	s12 =	rddreg [dreg:$0x10];
	[sflag:s5] =	ssyncadd.s32 $0xFFFFD800  }
0x18a: {  	[spmem:s3] =	stream.indirect.scatter.add.f32 [tilespmem:s29], [sflag:$0x6], $0x80, s12, s28, $0xb8;
	[tilespmem:$0x1F800] =	vst v63  }
0x18b: {  	_ =	swait.ge [sflag:s7], $0x2800  }
0x18c: {  	[sflag:s7] =	ssyncset.done $0x0  }
0x18d: {  	s12 =	rddreg [dreg:$0x11];
	[sflag:s7] =	ssyncadd.s32 $0xFFFFD800  }
0x18e: {  	[tilespmem:s29], [sflag:$0x2] =	stream.indirect.gather [hbm4b:s2+s28], $0x80, s12, s28, $0xb8;
	[tilespmem:$0x1F800] =	vst v63  }
0x18f: {  	_ =	swait.ge [sflag:s15], $0x2800  }
0x190: {  	[sflag:s15] =	ssyncset.done $0x0  }
0x191: {  	s12 =	rddreg [dreg:$0x12];
	[sflag:s15] =	ssyncadd.s32 $0xFFFFD800  }
0x192: {  	[spmem:s3] =	stream.indirect.scatter.add.f32 [tilespmem:s30], [sflag:$0x7], $0x80, s12, s28, $0xb8;
	[tilespmem:$0x1F800] =	vst v63  }
0x193: {  	_ =	swait.ge [sflag:s16], $0x2800  }
0x194: {  	[sflag:s16] =	ssyncset.done $0x0  }
0x195: {  	s12 =	rddreg [dreg:$0x13];
	[sflag:s16] =	ssyncadd.s32 $0xFFFFD800  }
0x196: {  	[tilespmem:s30], [sflag:$0x3] =	stream.indirect.gather [hbm4b:s2+s28], $0x80, s12, s28, $0xb8;
	[tilespmem:$0x1F800] =	vst v63  }
0x197: {  	_ =	swait.ge [sflag:s17], $0x2800  }
0x198: {  	[sflag:s17] =	ssyncset.done $0x0  }
0x199: {  	s12 =	rddreg [dreg:$0x14];
	[sflag:s17] =	ssyncadd.s32 $0xFFFFD800  }
0x19a: {  	[spmem:s3] =	stream.indirect.scatter.add.f32 [tilespmem:s31], [sflag:$0x8], $0x80, s12, s28, $0xb8;
	[tilespmem:$0x1F800] =	vst v63  }
0x19b: {  	_ =	swait.ge [sflag:s18], $0x2800  }
0x19c: {  	[sflag:s18] =	ssyncset.done $0x0  }
0x19d: {  	s12 =	rddreg [dreg:$0x15];
	[sflag:s18] =	ssyncadd.s32 $0xFFFFD800  }
0x19e: {  	[tilespmem:s31], [sflag:$0x4] =	stream.indirect.gather [hbm4b:s2+s28], $0x80, s12, s28, $0xb8;
	[tilespmem:$0x1F800] =	vst v63  }
0x19f: {  	_ =	swait.ge [sflag:s1], $0x2800  }
0x1a0: {  	[sflag:s1] =	ssyncset.done $0x0  }
0x1a1: {  	s12 =	rddreg [dreg:$0x16];
	[sflag:s1] =	ssyncadd.s32 $0xFFFFD800  }
0x1a2: {  	[spmem:s3] =	stream.indirect.scatter.add.f32 [tilespmem:s24], [sflag:$0x5], $0x80, s12, s28, $0xb8;
	[tilespmem:$0x1F800] =	vst v63  }
0x1a3: {  	_ =	swait.ge [sflag:s0], $0x2800  }
0x1a4: {  	[sflag:s0] =	ssyncset.done $0x0  }
0x1a5: {  	s12 =	rddreg [dreg:$0x17];
	[sflag:s0] =	ssyncadd.s32 $0xFFFFD800  }
0x1a6: {  	[tilespmem:s24], [sflag:$0x1] =	stream.indirect.gather [hbm4b:s2+s28], $0x80, s12, s28, $0xb8;
	[tilespmem:$0x1F800] =	vst v63  }
0x1a7: {  	_ =	swait.ge [sflag:s5], $0x2800  }
0x1a8: {  	[sflag:s5] =	ssyncset.done $0x0  }
0x1a9: {  	s12 =	rddreg [dreg:$0x18];
	[sflag:s5] =	ssyncadd.s32 $0xFFFFD800  }
0x1aa: {  	[spmem:s3] =	stream.indirect.scatter.add.f32 [tilespmem:s29], [sflag:$0x6], $0x80, s12, s28, $0xb8;
	[tilespmem:$0x1F800] =	vst v63  }
0x1ab: {  	_ =	swait.ge [sflag:s7], $0x2800  }
0x1ac: {  	[sflag:s7] =	ssyncset.done $0x0  }
0x1ad: {  	s12 =	rddreg [dreg:$0x19];
	[sflag:s7] =	ssyncadd.s32 $0xFFFFD800  }
0x1ae: {  	[tilespmem:s29], [sflag:$0x2] =	stream.indirect.gather [hbm4b:s2+s28], $0x80, s12, s28, $0xb8;
	[tilespmem:$0x1F800] =	vst v63  }
0x1af: {  	_ =	swait.ge [sflag:s15], $0x2800  }
0x1b0: {  	[sflag:s15] =	ssyncset.done $0x0  }
0x1b1: {  	s12 =	rddreg [dreg:$0x1a];
	[sflag:s15] =	ssyncadd.s32 $0xFFFFD800  }
0x1b2: {  	[spmem:s3] =	stream.indirect.scatter.add.f32 [tilespmem:s30], [sflag:$0x7], $0x80, s12, s28, $0xb8;
	[tilespmem:$0x1F800] =	vst v63  }
0x1b3: {  	_ =	swait.ge [sflag:s16], $0x2800  }
0x1b4: {  	[sflag:s16] =	ssyncset.done $0x0  }
0x1b5: {  	s12 =	rddreg [dreg:$0x1b];
	[sflag:s16] =	ssyncadd.s32 $0xFFFFD800  }
0x1b6: {  	[tilespmem:s30], [sflag:$0x3] =	stream.indirect.gather [hbm4b:s2+s28], $0x80, s12, s28, $0xb8;
	[tilespmem:$0x1F800] =	vst v63  }
0x1b7: {  	_ =	swait.ge [sflag:s17], $0x2800  }
0x1b8: {  	[sflag:s17] =	ssyncset.done $0x0  }
0x1b9: {  	s12 =	rddreg [dreg:$0x1c];
	[sflag:s17] =	ssyncadd.s32 $0xFFFFD800  }
0x1ba: {  	[spmem:s3] =	stream.indirect.scatter.add.f32 [tilespmem:s31], [sflag:$0x8], $0x80, s12, s28, $0xb8;
	[tilespmem:$0x1F800] =	vst v63  }
0x1bb: {  	_ =	swait.ge [sflag:s18], $0x2800  }
0x1bc: {  	[sflag:s18] =	ssyncset.done $0x0  }
0x1bd: {  	s12 =	rddreg [dreg:$0x1d];
	[sflag:s18] =	ssyncadd.s32 $0xFFFFD800  }
0x1be: {  	[tilespmem:s31], [sflag:$0x4] =	stream.indirect.gather [hbm4b:s2+s28], $0x80, s12, s28, $0xb8;
	[tilespmem:$0x1F800] =	vst v63  }
0x1bf: {  	_ =	swait.ge [sflag:s1], $0x2800  }
0x1c0: {  	[sflag:s1] =	ssyncset.done $0x0  }
0x1c1: {  	s12 =	rddreg [dreg:$0x1e];
	[sflag:s1] =	ssyncadd.s32 $0xFFFFD800  }
0x1c2: {  	[spmem:s3] =	stream.indirect.scatter.add.f32 [tilespmem:s24], [sflag:$0x5], $0x80, s12, s28, $0xb8;
	[tilespmem:$0x1F800] =	vst v63  }
0x1c3: {  	_ =	swait.ge [sflag:s0], $0x2800  }
0x1c4: {  	[sflag:s0] =	ssyncset.done $0x0  }
0x1c5: {  	s12 =	rddreg [dreg:$0x1f];
	[sflag:s0] =	ssyncadd.s32 $0xFFFFD800  }
0x1c6: {  	[tilespmem:s24], [sflag:$0x1] =	stream.indirect.gather [hbm4b:s2+s28], $0x80, s12, s28, $0xb8;
	[tilespmem:$0x1F800] =	vst v63  }
0x1c7: {  	_ =	swait.ge [sflag:s5], $0x2800  }
0x1c8: {  	s12 =	sld [smem:$0x7E8]  }
0x1c9: {  	[sflag:s5] =	ssyncset.done $0x0  }
0x1ca: {  	[sflag:s5] =	ssyncadd.s32 $0xFFFFD800  }
0x1cb: {  	[spmem:s3] =	stream.indirect.scatter.add.f32 [tilespmem:s29], [sflag:$0x6], $0x80, s12, s28, $0xb8;
	[tilespmem:$0x1F800] =	vst v63  }
0x1cc: {  	_ =	swait.ge [sflag:s7], $0x2800  }
0x1cd: {  	s12 =	sld [smem:$0x7E9]  }
0x1ce: {  	[sflag:s7] =	ssyncset.done $0x0  }
0x1cf: {  	[sflag:s7] =	ssyncadd.s32 $0xFFFFD800  }
0x1d0: {  	[tilespmem:s29], [sflag:$0x2] =	stream.indirect.gather [hbm4b:s2+s28], $0x80, s12, s28, $0xb8;
	[tilespmem:$0x1F800] =	vst v63  }
0x1d1: {  	_ =	swait.ge [sflag:s15], $0x2800  }
0x1d2: {  	s12 =	sld [smem:$0x7EB]  }
0x1d3: {  	[sflag:s15] =	ssyncset.done $0x0  }
0x1d4: {  	[sflag:s15] =	ssyncadd.s32 $0xFFFFD800  }
0x1d5: {  	[spmem:s3] =	stream.indirect.scatter.add.f32 [tilespmem:s30], [sflag:$0x7], $0x80, s12, s28, $0xb8;
	[tilespmem:$0x1F800] =	vst v63  }
0x1d6: {  	_ =	swait.ge [sflag:s16], $0x2800  }
0x1d7: {  	s12 =	sld [smem:$0x7EC]  }
0x1d8: {  	[sflag:s16] =	ssyncset.done $0x0  }
0x1d9: {  	[sflag:s16] =	ssyncadd.s32 $0xFFFFD800  }
0x1da: {  	[tilespmem:s30], [sflag:$0x3] =	stream.indirect.gather [hbm4b:s2+s28], $0x80, s12, s28, $0xb8;
	[tilespmem:$0x1F800] =	vst v63  }
0x1db: {  	_ =	swait.ge [sflag:s17], $0x2800  }
0x1dc: {  	s12 =	sld [smem:$0x7EE]  }
0x1dd: {  	[sflag:s17] =	ssyncset.done $0x0  }
0x1de: {  	[sflag:s17] =	ssyncadd.s32 $0xFFFFD800  }
0x1df: {  	[spmem:s3] =	stream.indirect.scatter.add.f32 [tilespmem:s31], [sflag:$0x8], $0x80, s12, s28, $0xb8;
	[tilespmem:$0x1F800] =	vst v63  }
0x1e0: {  	_ =	swait.ge [sflag:s18], $0x2800  }
0x1e1: {  	s12 =	sld [smem:$0x7EF]  }
0x1e2: {  	[sflag:s18] =	ssyncset.done $0x0  }
0x1e3: {  	[sflag:s18] =	ssyncadd.s32 $0xFFFFD800  }
0x1e4: {  	[tilespmem:s31], [sflag:$0x4] =	stream.indirect.gather [hbm4b:s2+s28], $0x80, s12, s28, $0xb8;
	[tilespmem:$0x1F800] =	vst v63  }
0x1e5: {  	_ =	swait.ge [sflag:s1], $0x2800  }
0x1e6: {  	s12 =	sld [smem:$0x7F1]  }
0x1e7: {  	[sflag:s1] =	ssyncset.done $0x0  }
0x1e8: {  	[sflag:s1] =	ssyncadd.s32 $0xFFFFD800  }
0x1e9: {  	[spmem:s3] =	stream.indirect.scatter.add.f32 [tilespmem:s24], [sflag:$0x5], $0x80, s12, s28, $0xb8;
	[tilespmem:$0x1F800] =	vst v63  }
0x1ea: {  	_ =	swait.ge [sflag:s0], $0x2800  }
0x1eb: {  	s12 =	sld [smem:$0x7F2]  }
0x1ec: {  	[sflag:s0] =	ssyncset.done $0x0  }
0x1ed: {  	[sflag:s0] =	ssyncadd.s32 $0xFFFFD800  }
0x1ee: {  	[tilespmem:s24], [sflag:$0x1] =	stream.indirect.gather [hbm4b:s2+s28], $0x80, s12, s28, $0xb8;
	[tilespmem:$0x1F800] =	vst v63  }
0x1ef: {  	_ =	swait.ge [sflag:s5], $0x2800  }
0x1f0: {  	s12 =	sld [smem:$0x7F4]  }
0x1f1: {  	[sflag:s5] =	ssyncset.done $0x0  }
0x1f2: {  	[sflag:s5] =	ssyncadd.s32 $0xFFFFD800  }
0x1f3: {  	[spmem:s3] =	stream.indirect.scatter.add.f32 [tilespmem:s29], [sflag:$0x6], $0x80, s12, s28, $0xb8;
	[tilespmem:$0x1F800] =	vst v63  }
0x1f4: {  	_ =	swait.ge [sflag:s7], $0x2800  }
0x1f5: {  	s12 =	sld [smem:$0x7F6]  }
0x1f6: {  	[sflag:s7] =	ssyncset.done $0x0  }
0x1f7: {  	[sflag:s7] =	ssyncadd.s32 $0xFFFFD800  }
0x1f8: {  	[tilespmem:s29], [sflag:$0x2] =	stream.indirect.gather [hbm4b:s2+s28], $0x80, s12, s28, $0xb8;
	[tilespmem:$0x1F800] =	vst v63  }
0x1f9: {  	_ =	swait.ge [sflag:s15], $0x2800  }
0x1fa: {  	s12 =	sld [smem:$0x7F7]  }
0x1fb: {  	[sflag:s15] =	ssyncset.done $0x0  }
0x1fc: {  	[sflag:s15] =	ssyncadd.s32 $0xFFFFD800  }
0x1fd: {  	[spmem:s3] =	stream.indirect.scatter.add.f32 [tilespmem:s30], [sflag:$0x7], $0x80, s12, s28, $0xb8;
	[tilespmem:$0x1F800] =	vst v63  }
0x1fe: {  	_ =	swait.ge [sflag:s16], $0x2800  }
0x1ff: {  	s12 =	sld [smem:$0x7F8]  }
0x200: {  	[sflag:s16] =	ssyncset.done $0x0  }
0x201: {  	[sflag:s16] =	ssyncadd.s32 $0xFFFFD800  }
0x202: {  	[tilespmem:s30], [sflag:$0x3] =	stream.indirect.gather [hbm4b:s2+s28], $0x80, s12, s28, $0xb8;
	[tilespmem:$0x1F800] =	vst v63  }
0x203: {  	_ =	swait.ge [sflag:s17], $0x2800  }
0x204: {  	[sflag:s17] =	ssyncset.done $0x0  }
0x205: {  	[sflag:s17] =	ssyncadd.s32 $0xFFFFD800  }
0x206: {  	[spmem:s3] =	stream.indirect.scatter.add.f32 [tilespmem:s31], [sflag:$0x8], $0x80, s19, s28, $0xb8;
	[tilespmem:$0x1F800] =	vst v63  }
0x207: {  	_ =	swait.ge [sflag:s18], $0x2800  }
0x208: {  	[sflag:s18] =	ssyncset.done $0x0  }
0x209: {  	[sflag:s18] =	ssyncadd.s32 $0xFFFFD800  }
0x20a: {  	[tilespmem:s31], [sflag:$0x4] =	stream.indirect.gather [hbm4b:s2+s28], $0x80, s20, s28, $0xb8;
	[tilespmem:$0x1F800] =	vst v63  }
0x20b: {  	_ =	swait.ge [sflag:s1], $0x2800  }
0x20c: {  	[sflag:s1] =	ssyncset.done $0x0  }
0x20d: {  	[sflag:s1] =	ssyncadd.s32 $0xFFFFD800  }
0x20e: {  	[spmem:s3] =	stream.indirect.scatter.add.f32 [tilespmem:s24], [sflag:$0x5], $0x80, s21, s28, $0xb8;
	[tilespmem:$0x1F800] =	vst v63  }
0x20f: {  	_ =	swait.ge [sflag:s0], $0x2800  }
0x210: {  	[sflag:s0] =	ssyncset.done $0x0  }
0x211: {  	[sflag:s0] =	ssyncadd.s32 $0xFFFFD800  }
0x212: {  	[tilespmem:s24], [sflag:$0x1] =	stream.indirect.gather [hbm4b:s2+s28], $0x80, s22, s28, $0xb8;
	[tilespmem:$0x1F800] =	vst v63  }
0x213: {  	_ =	swait.ge [sflag:s5], $0x2800  }
0x214: {  	[sflag:s5] =	ssyncset.done $0x0  }
0x215: {  	[sflag:s5] =	ssyncadd.s32 $0xFFFFD800  }
0x216: {  	[spmem:s3] =	stream.indirect.scatter.add.f32 [tilespmem:s29], [sflag:$0x6], $0x80, s6, s28, $0xb8;
	[tilespmem:$0x1F800] =	vst v63  }
0x217: {  	_ =	swait.ge [sflag:s15], $0x2800  }
0x218: {  	[sflag:s15] =	ssyncset.done $0x0  }
0x219: {  	[sflag:s15] =	ssyncadd.s32 $0xFFFFD800  }
0x21a: {  	[spmem:s3] =	stream.indirect.scatter.add.f32 [tilespmem:s30], [sflag:$0x7], $0x80, s8, s28, $0xb8;
	[tilespmem:$0x1F800] =	vst v63  }
0x21b: {  	_ =	swait.ge [sflag:s17], $0x2800  }
0x21c: {  	[sflag:s17] =	ssyncset.done $0x0  }
0x21d: {  	[sflag:s17] =	ssyncadd.s32 $0xFFFFD800  }
0x21e: {  	[spmem:s3] =	stream.indirect.scatter.add.f32 [tilespmem:s31], [sflag:$0x8], $0x80, s9, s28, $0xb8;
	[tilespmem:$0x1F800] =	vst v63  }
0x21f: {  	_ =	swait.ge [sflag:s1], $0x2800  }
0x220: {  	[sflag:s1] =	ssyncset.done $0x0  }
0x221: {  	[sflag:s1] =	ssyncadd.s32 $0xFFFFD800  }
0x222: {  	[spmem:s3] =	stream.indirect.scatter.add.f32 [tilespmem:s24], [sflag:$0x5], $0x80, s10, s28, $0xb8;
	[tilespmem:$0x1F800] =	vst v63  }
0x223: {  	_ =	swait.ge [sflag:s0], $0x2800  }
0x224: {  	[sflag:s0] =	ssyncset.done $0x0  }
0x225: {  	[sflag:s0] =	ssyncadd.s32 $0xFFFFD800  }
0x226: {  	_ =	swait.ge [sflag:s7], $0x2800  }
0x227: {  	[sflag:s7] =	ssyncset.done $0x0  }
0x228: {  	p0 =	sne.s32 s14, $0x3E8;
	[sflag:s7] =	ssyncadd.s32 $0xFFFFD800  }
.Ltmp0:
0x229: {  	_ =	swait.ge [sflag:s16], $0x2800;
	(pc) =	sbr.rel @p0 .LBB2_2-.Ltmp0, $4  }
0x22a: {  	[sflag:s16] =	ssyncset.done $0x0  }
0x22b: {  	[sflag:s16] =	ssyncadd.s32 $0xFFFFD800  }
0x22c: {  	_ =	swait.ge [sflag:s18], $0x2800  }
0x22d: {  	s14 =	sadd.s32 $0xFA, s14;
	s12 =	rddreg [dreg:$0x4];
	[sflag:s18] =	ssyncset.done $0x0  }
0x22e: {  	s11 =	sadd.s32 s13, s12;
	[sflag:s18] =	ssyncadd.s32 $0xFFFFD800  }
0x22f: {  	[tilespmem:s4], [sflag:$0x9] =	stream.linear.gather [hbm4b:s11+s4], $0x7D0, $0x38;
	[tilespmem:$0x1F800] =	vst v63  }
0x230: {  	_ =	swait.ge [sflag:s25], $0x7D0  }
0x231: {  	[sflag:s25] =	ssyncset.done $0x0  }
0x232: {  	s13 =	sadd.s32 $0x200, s23;
	[sflag:s25] =	ssyncadd.s32 $0xFFFFF830  }
0x233: {  	[tilespmem:s26], [sflag:$0x9] =	stream.linear.gather [hbm4b:s13+s4], $0xC80, $0x38;
	[tilespmem:$0x1F800] =	vst v63  }
0x234: {  	_ =	swait.ge [sflag:s25], $0xC80  }
0x235: {  	[sflag:s25] =	ssyncset.done $0x0  }
0x236: {  	[sflag:s25] =	ssyncadd.s32 $0xFFFFF380  }
0x237: {  	[tilespmem:s24], [sflag:$0x1] =	stream.indirect.gather [hbm4b:s2+s28], $0x80, s4, s28, $0xb8;
	[tilespmem:$0x1F800] =	vst v63  }
0x238: {  	_ = 	snop  }
0x239: {  	[tilespmem:s29], [sflag:$0x2] =	stream.indirect.gather [hbm4b:s2+s28], $0x80, s28, s28, $0xb8;
	[tilespmem:$0x1F800] =	vst v63  }
0x23a: {  	s14 =	rddreg [dreg:$0x5]  }
0x23b: {  	[tilespmem:s30], [sflag:$0x3] =	stream.indirect.gather [hbm4b:s2+s28], $0x80, s14, s28, $0xb8;
	[tilespmem:$0x1F800] =	vst v63  }
0x23c: {  	s23 =	rddreg [dreg:$0x6]  }
0x23d: {  	[tilespmem:s31], [sflag:$0x4] =	stream.indirect.gather [hbm4b:s2+s28], $0x80, s23, s28, $0xb8;
	[tilespmem:$0x1F800] =	vst v63  }
0x23e: {  	_ =	swait.ge [sflag:s1], $0x2800  }
0x23f: {  	[sflag:s1] =	ssyncset.done $0x0  }
0x240: {  	[sflag:s1] =	ssyncadd.s32 $0xFFFFD800  }
0x241: {  	[spmem:s3] =	stream.indirect.scatter.add.f32 [tilespmem:s24], [sflag:$0x5], $0x80, s26, s28, $0xb8;
	[tilespmem:$0x1F800] =	vst v63  }
0x242: {  	_ =	swait.ge [sflag:s0], $0x2800  }
0x243: {  	[sflag:s0] =	ssyncset.done $0x0  }
0x244: {  	s13 =	rddreg [dreg:$0x7];
	[sflag:s0] =	ssyncadd.s32 $0xFFFFD800  }
0x245: {  	[tilespmem:s24], [sflag:$0x1] =	stream.indirect.gather [hbm4b:s2+s28], $0x80, s13, s28, $0xb8;
	[tilespmem:$0x1F800] =	vst v63  }
0x246: {  	_ =	swait.ge [sflag:s5], $0x2800  }
0x247: {  	[sflag:s5] =	ssyncset.done $0x0  }
0x248: {  	s14 =	rddreg [dreg:$0x8];
	[sflag:s5] =	ssyncadd.s32 $0xFFFFD800  }
0x249: {  	[spmem:s3] =	stream.indirect.scatter.add.f32 [tilespmem:s29], [sflag:$0x6], $0x80, s14, s28, $0xb8;
	[tilespmem:$0x1F800] =	vst v63  }
0x24a: {  	_ =	swait.ge [sflag:s7], $0x2800  }
0x24b: {  	[sflag:s7] =	ssyncset.done $0x0  }
0x24c: {  	s23 =	rddreg [dreg:$0x9];
	[sflag:s7] =	ssyncadd.s32 $0xFFFFD800  }
0x24d: {  	[tilespmem:s29], [sflag:$0x2] =	stream.indirect.gather [hbm4b:s2+s28], $0x80, s23, s28, $0xb8;
	[tilespmem:$0x1F800] =	vst v63  }
0x24e: {  	_ =	swait.ge [sflag:s15], $0x2800  }
0x24f: {  	[sflag:s15] =	ssyncset.done $0x0  }
0x250: {  	s12 =	rddreg [dreg:$0xa];
	[sflag:s15] =	ssyncadd.s32 $0xFFFFD800  }
0x251: {  	[spmem:s3] =	stream.indirect.scatter.add.f32 [tilespmem:s30], [sflag:$0x7], $0x80, s12, s28, $0xb8;
	[tilespmem:$0x1F800] =	vst v63  }
0x252: {  	_ =	swait.ge [sflag:s16], $0x2800  }
0x253: {  	[sflag:s16] =	ssyncset.done $0x0  }
0x254: {  	s13 =	rddreg [dreg:$0xb];
	[sflag:s16] =	ssyncadd.s32 $0xFFFFD800  }
0x255: {  	[tilespmem:s30], [sflag:$0x3] =	stream.indirect.gather [hbm4b:s2+s28], $0x80, s13, s28, $0xb8;
	[tilespmem:$0x1F800] =	vst v63  }
0x256: {  	_ =	swait.ge [sflag:s17], $0x2800  }
0x257: {  	[sflag:s17] =	ssyncset.done $0x0  }
0x258: {  	s14 =	rddreg [dreg:$0xc];
	[sflag:s17] =	ssyncadd.s32 $0xFFFFD800  }
0x259: {  	[spmem:s3] =	stream.indirect.scatter.add.f32 [tilespmem:s31], [sflag:$0x8], $0x80, s14, s28, $0xb8;
	[tilespmem:$0x1F800] =	vst v63  }
0x25a: {  	_ =	swait.ge [sflag:s18], $0x2800  }
0x25b: {  	[sflag:s18] =	ssyncset.done $0x0  }
0x25c: {  	s23 =	rddreg [dreg:$0xd];
	[sflag:s18] =	ssyncadd.s32 $0xFFFFD800  }
0x25d: {  	[tilespmem:s31], [sflag:$0x4] =	stream.indirect.gather [hbm4b:s2+s28], $0x80, s23, s28, $0xb8;
	[tilespmem:$0x1F800] =	vst v63  }
0x25e: {  	_ =	swait.ge [sflag:s1], $0x2800  }
0x25f: {  	[sflag:s1] =	ssyncset.done $0x0  }
0x260: {  	s12 =	rddreg [dreg:$0xe];
	[sflag:s1] =	ssyncadd.s32 $0xFFFFD800  }
0x261: {  	[spmem:s3] =	stream.indirect.scatter.add.f32 [tilespmem:s24], [sflag:$0x5], $0x80, s12, s28, $0xb8;
	[tilespmem:$0x1F800] =	vst v63  }
0x262: {  	_ =	swait.ge [sflag:s0], $0x2800  }
0x263: {  	[sflag:s0] =	ssyncset.done $0x0  }
0x264: {  	s13 =	rddreg [dreg:$0xf];
	[sflag:s0] =	ssyncadd.s32 $0xFFFFD800  }
0x265: {  	[tilespmem:s24], [sflag:$0x1] =	stream.indirect.gather [hbm4b:s2+s28], $0x80, s13, s28, $0xb8;
	[tilespmem:$0x1F800] =	vst v63  }
0x266: {  	_ =	swait.ge [sflag:s5], $0x2800  }
0x267: {  	[sflag:s5] =	ssyncset.done $0x0  }
0x268: {  	s14 =	rddreg [dreg:$0x10];
	[sflag:s5] =	ssyncadd.s32 $0xFFFFD800  }
0x269: {  	[spmem:s3] =	stream.indirect.scatter.add.f32 [tilespmem:s29], [sflag:$0x6], $0x80, s14, s28, $0xb8;
	[tilespmem:$0x1F800] =	vst v63  }
0x26a: {  	_ =	swait.ge [sflag:s7], $0x2800  }
0x26b: {  	[sflag:s7] =	ssyncset.done $0x0  }
0x26c: {  	s23 =	rddreg [dreg:$0x11];
	[sflag:s7] =	ssyncadd.s32 $0xFFFFD800  }
0x26d: {  	[tilespmem:s29], [sflag:$0x2] =	stream.indirect.gather [hbm4b:s2+s28], $0x80, s23, s28, $0xb8;
	[tilespmem:$0x1F800] =	vst v63  }
0x26e: {  	_ =	swait.ge [sflag:s15], $0x2800  }
0x26f: {  	[sflag:s15] =	ssyncset.done $0x0  }
0x270: {  	s12 =	rddreg [dreg:$0x12];
	[sflag:s15] =	ssyncadd.s32 $0xFFFFD800  }
0x271: {  	[spmem:s3] =	stream.indirect.scatter.add.f32 [tilespmem:s30], [sflag:$0x7], $0x80, s12, s28, $0xb8;
	[tilespmem:$0x1F800] =	vst v63  }
0x272: {  	_ =	swait.ge [sflag:s16], $0x2800  }
0x273: {  	[sflag:s16] =	ssyncset.done $0x0  }
0x274: {  	s13 =	rddreg [dreg:$0x13];
	[sflag:s16] =	ssyncadd.s32 $0xFFFFD800  }
0x275: {  	[tilespmem:s30], [sflag:$0x3] =	stream.indirect.gather [hbm4b:s2+s28], $0x80, s13, s28, $0xb8;
	[tilespmem:$0x1F800] =	vst v63  }
0x276: {  	_ =	swait.ge [sflag:s17], $0x2800  }
0x277: {  	[sflag:s17] =	ssyncset.done $0x0  }
0x278: {  	s14 =	rddreg [dreg:$0x14];
	[sflag:s17] =	ssyncadd.s32 $0xFFFFD800  }
0x279: {  	[spmem:s3] =	stream.indirect.scatter.add.f32 [tilespmem:s31], [sflag:$0x8], $0x80, s14, s28, $0xb8;
	[tilespmem:$0x1F800] =	vst v63  }
0x27a: {  	_ =	swait.ge [sflag:s18], $0x2800  }
0x27b: {  	[sflag:s18] =	ssyncset.done $0x0  }
0x27c: {  	s23 =	rddreg [dreg:$0x15];
	[sflag:s18] =	ssyncadd.s32 $0xFFFFD800  }
0x27d: {  	[tilespmem:s31], [sflag:$0x4] =	stream.indirect.gather [hbm4b:s2+s28], $0x80, s23, s28, $0xb8;
	[tilespmem:$0x1F800] =	vst v63  }
0x27e: {  	_ =	swait.ge [sflag:s1], $0x2800  }
0x27f: {  	[sflag:s1] =	ssyncset.done $0x0  }
0x280: {  	s12 =	rddreg [dreg:$0x16];
	[sflag:s1] =	ssyncadd.s32 $0xFFFFD800  }
0x281: {  	[spmem:s3] =	stream.indirect.scatter.add.f32 [tilespmem:s24], [sflag:$0x5], $0x80, s12, s28, $0xb8;
	[tilespmem:$0x1F800] =	vst v63  }
0x282: {  	_ =	swait.ge [sflag:s0], $0x2800  }
0x283: {  	[sflag:s0] =	ssyncset.done $0x0  }
0x284: {  	s13 =	rddreg [dreg:$0x17];
	[sflag:s0] =	ssyncadd.s32 $0xFFFFD800  }
0x285: {  	[tilespmem:s24], [sflag:$0x1] =	stream.indirect.gather [hbm4b:s2+s28], $0x80, s13, s28, $0xb8;
	[tilespmem:$0x1F800] =	vst v63  }
0x286: {  	_ =	swait.ge [sflag:s5], $0x2800  }
0x287: {  	[sflag:s5] =	ssyncset.done $0x0  }
0x288: {  	s14 =	rddreg [dreg:$0x18];
	[sflag:s5] =	ssyncadd.s32 $0xFFFFD800  }
0x289: {  	[spmem:s3] =	stream.indirect.scatter.add.f32 [tilespmem:s29], [sflag:$0x6], $0x80, s14, s28, $0xb8;
	[tilespmem:$0x1F800] =	vst v63  }
0x28a: {  	_ =	swait.ge [sflag:s7], $0x2800  }
0x28b: {  	[sflag:s7] =	ssyncset.done $0x0  }
0x28c: {  	s23 =	rddreg [dreg:$0x19];
	[sflag:s7] =	ssyncadd.s32 $0xFFFFD800  }
0x28d: {  	[tilespmem:s29], [sflag:$0x2] =	stream.indirect.gather [hbm4b:s2+s28], $0x80, s23, s28, $0xb8;
	[tilespmem:$0x1F800] =	vst v63  }
0x28e: {  	_ =	swait.ge [sflag:s15], $0x2800  }
0x28f: {  	[sflag:s15] =	ssyncset.done $0x0  }
0x290: {  	s12 =	rddreg [dreg:$0x1a];
	[sflag:s15] =	ssyncadd.s32 $0xFFFFD800  }
0x291: {  	[spmem:s3] =	stream.indirect.scatter.add.f32 [tilespmem:s30], [sflag:$0x7], $0x80, s12, s28, $0xb8;
	[tilespmem:$0x1F800] =	vst v63  }
0x292: {  	_ =	swait.ge [sflag:s16], $0x2800  }
0x293: {  	[sflag:s16] =	ssyncset.done $0x0  }
0x294: {  	s13 =	rddreg [dreg:$0x1b];
	[sflag:s16] =	ssyncadd.s32 $0xFFFFD800  }
0x295: {  	[tilespmem:s30], [sflag:$0x3] =	stream.indirect.gather [hbm4b:s2+s28], $0x80, s13, s28, $0xb8;
	[tilespmem:$0x1F800] =	vst v63  }
0x296: {  	_ =	swait.ge [sflag:s17], $0x2800  }
0x297: {  	[sflag:s17] =	ssyncset.done $0x0  }
0x298: {  	s14 =	rddreg [dreg:$0x1c];
	[sflag:s17] =	ssyncadd.s32 $0xFFFFD800  }
0x299: {  	[spmem:s3] =	stream.indirect.scatter.add.f32 [tilespmem:s31], [sflag:$0x8], $0x80, s14, s28, $0xb8;
	[tilespmem:$0x1F800] =	vst v63  }
0x29a: {  	_ =	swait.ge [sflag:s18], $0x2800  }
0x29b: {  	[sflag:s18] =	ssyncset.done $0x0  }
0x29c: {  	s23 =	rddreg [dreg:$0x1d];
	[sflag:s18] =	ssyncadd.s32 $0xFFFFD800  }
0x29d: {  	[tilespmem:s31], [sflag:$0x4] =	stream.indirect.gather [hbm4b:s2+s28], $0x80, s23, s28, $0xb8;
	[tilespmem:$0x1F800] =	vst v63  }
0x29e: {  	_ =	swait.ge [sflag:s1], $0x2800  }
0x29f: {  	[sflag:s1] =	ssyncset.done $0x0  }
0x2a0: {  	s12 =	rddreg [dreg:$0x1e];
	[sflag:s1] =	ssyncadd.s32 $0xFFFFD800  }
0x2a1: {  	[spmem:s3] =	stream.indirect.scatter.add.f32 [tilespmem:s24], [sflag:$0x5], $0x80, s12, s28, $0xb8;
	[tilespmem:$0x1F800] =	vst v63  }
0x2a2: {  	_ =	swait.ge [sflag:s0], $0x2800  }
0x2a3: {  	[sflag:s0] =	ssyncset.done $0x0  }
0x2a4: {  	s13 =	rddreg [dreg:$0x1f];
	[sflag:s0] =	ssyncadd.s32 $0xFFFFD800  }
0x2a5: {  	[tilespmem:s24], [sflag:$0x1] =	stream.indirect.gather [hbm4b:s2+s28], $0x80, s13, s28, $0xb8;
	[tilespmem:$0x1F800] =	vst v63  }
0x2a6: {  	_ =	swait.ge [sflag:s5], $0x2800  }
0x2a7: {  	s14 =	sld [smem:$0x7E8]  }
0x2a8: {  	[sflag:s5] =	ssyncset.done $0x0  }
0x2a9: {  	[sflag:s5] =	ssyncadd.s32 $0xFFFFD800  }
0x2aa: {  	[spmem:s3] =	stream.indirect.scatter.add.f32 [tilespmem:s29], [sflag:$0x6], $0x80, s14, s28, $0xb8;
	[tilespmem:$0x1F800] =	vst v63  }
0x2ab: {  	_ =	swait.ge [sflag:s7], $0x2800  }
0x2ac: {  	s23 =	sld [smem:$0x7E9]  }
0x2ad: {  	[sflag:s7] =	ssyncset.done $0x0  }
0x2ae: {  	[sflag:s7] =	ssyncadd.s32 $0xFFFFD800  }
0x2af: {  	[tilespmem:s29], [sflag:$0x2] =	stream.indirect.gather [hbm4b:s2+s28], $0x80, s23, s28, $0xb8;
	[tilespmem:$0x1F800] =	vst v63  }
0x2b0: {  	_ =	swait.ge [sflag:s15], $0x2800  }
0x2b1: {  	s12 =	sld [smem:$0x7EB]  }
0x2b2: {  	[sflag:s15] =	ssyncset.done $0x0  }
0x2b3: {  	[sflag:s15] =	ssyncadd.s32 $0xFFFFD800  }
0x2b4: {  	[spmem:s3] =	stream.indirect.scatter.add.f32 [tilespmem:s30], [sflag:$0x7], $0x80, s12, s28, $0xb8;
	[tilespmem:$0x1F800] =	vst v63  }
0x2b5: {  	_ =	swait.ge [sflag:s16], $0x2800  }
0x2b6: {  	s13 =	sld [smem:$0x7EC]  }
0x2b7: {  	[sflag:s16] =	ssyncset.done $0x0  }
0x2b8: {  	[sflag:s16] =	ssyncadd.s32 $0xFFFFD800  }
0x2b9: {  	[tilespmem:s30], [sflag:$0x3] =	stream.indirect.gather [hbm4b:s2+s28], $0x80, s13, s28, $0xb8;
	[tilespmem:$0x1F800] =	vst v63  }
0x2ba: {  	_ =	swait.ge [sflag:s17], $0x2800  }
0x2bb: {  	s14 =	sld [smem:$0x7EE]  }
0x2bc: {  	[sflag:s17] =	ssyncset.done $0x0  }
0x2bd: {  	[sflag:s17] =	ssyncadd.s32 $0xFFFFD800  }
0x2be: {  	[spmem:s3] =	stream.indirect.scatter.add.f32 [tilespmem:s31], [sflag:$0x8], $0x80, s14, s28, $0xb8;
	[tilespmem:$0x1F800] =	vst v63  }
0x2bf: {  	_ =	swait.ge [sflag:s18], $0x2800  }
0x2c0: {  	s23 =	sld [smem:$0x7EF]  }
0x2c1: {  	[sflag:s18] =	ssyncset.done $0x0  }
0x2c2: {  	[sflag:s18] =	ssyncadd.s32 $0xFFFFD800  }
0x2c3: {  	[tilespmem:s31], [sflag:$0x4] =	stream.indirect.gather [hbm4b:s2+s28], $0x80, s23, s28, $0xb8;
	[tilespmem:$0x1F800] =	vst v63  }
0x2c4: {  	_ =	swait.ge [sflag:s1], $0x2800  }
0x2c5: {  	s12 =	sld [smem:$0x7F1]  }
0x2c6: {  	[sflag:s1] =	ssyncset.done $0x0  }
0x2c7: {  	[sflag:s1] =	ssyncadd.s32 $0xFFFFD800  }
0x2c8: {  	[spmem:s3] =	stream.indirect.scatter.add.f32 [tilespmem:s24], [sflag:$0x5], $0x80, s12, s28, $0xb8;
	[tilespmem:$0x1F800] =	vst v63  }
0x2c9: {  	_ =	swait.ge [sflag:s0], $0x2800  }
0x2ca: {  	s13 =	sld [smem:$0x7F2]  }
0x2cb: {  	[sflag:s0] =	ssyncset.done $0x0  }
0x2cc: {  	[sflag:s0] =	ssyncadd.s32 $0xFFFFD800  }
0x2cd: {  	[tilespmem:s24], [sflag:$0x1] =	stream.indirect.gather [hbm4b:s2+s28], $0x80, s13, s28, $0xb8;
	[tilespmem:$0x1F800] =	vst v63  }
0x2ce: {  	_ =	swait.ge [sflag:s5], $0x2800  }
0x2cf: {  	s14 =	sld [smem:$0x7F4]  }
0x2d0: {  	[sflag:s5] =	ssyncset.done $0x0  }
0x2d1: {  	[sflag:s5] =	ssyncadd.s32 $0xFFFFD800  }
0x2d2: {  	[spmem:s3] =	stream.indirect.scatter.add.f32 [tilespmem:s29], [sflag:$0x6], $0x80, s14, s28, $0xb8;
	[tilespmem:$0x1F800] =	vst v63  }
0x2d3: {  	_ =	swait.ge [sflag:s7], $0x2800  }
0x2d4: {  	s23 =	sld [smem:$0x7F6]  }
0x2d5: {  	[sflag:s7] =	ssyncset.done $0x0  }
0x2d6: {  	[sflag:s7] =	ssyncadd.s32 $0xFFFFD800  }
0x2d7: {  	[tilespmem:s29], [sflag:$0x2] =	stream.indirect.gather [hbm4b:s2+s28], $0x80, s23, s28, $0xb8;
	[tilespmem:$0x1F800] =	vst v63  }
0x2d8: {  	_ =	swait.ge [sflag:s15], $0x2800  }
0x2d9: {  	s12 =	sld [smem:$0x7F7]  }
0x2da: {  	[sflag:s15] =	ssyncset.done $0x0  }
0x2db: {  	[sflag:s15] =	ssyncadd.s32 $0xFFFFD800  }
0x2dc: {  	[spmem:s3] =	stream.indirect.scatter.add.f32 [tilespmem:s30], [sflag:$0x7], $0x80, s12, s28, $0xb8;
	[tilespmem:$0x1F800] =	vst v63  }
0x2dd: {  	_ =	swait.ge [sflag:s16], $0x2800  }
0x2de: {  	s13 =	sld [smem:$0x7F8]  }
0x2df: {  	[sflag:s16] =	ssyncset.done $0x0  }
0x2e0: {  	[sflag:s16] =	ssyncadd.s32 $0xFFFFD800  }
0x2e1: {  	[tilespmem:s30], [sflag:$0x3] =	stream.indirect.gather [hbm4b:s2+s28], $0x80, s13, s28, $0xb8;
	[tilespmem:$0x1F800] =	vst v63  }
0x2e2: {  	_ =	swait.ge [sflag:s17], $0x2800  }
0x2e3: {  	[sflag:s17] =	ssyncset.done $0x0  }
0x2e4: {  	[sflag:s17] =	ssyncadd.s32 $0xFFFFD800  }
0x2e5: {  	[spmem:s3] =	stream.indirect.scatter.add.f32 [tilespmem:s31], [sflag:$0x8], $0x80, s19, s28, $0xb8;
	[tilespmem:$0x1F800] =	vst v63  }
0x2e6: {  	_ =	swait.ge [sflag:s18], $0x2800  }
0x2e7: {  	[sflag:s18] =	ssyncset.done $0x0  }
0x2e8: {  	[sflag:s18] =	ssyncadd.s32 $0xFFFFD800  }
0x2e9: {  	[tilespmem:s31], [sflag:$0x4] =	stream.indirect.gather [hbm4b:s2+s28], $0x80, s20, s28, $0xb8;
	[tilespmem:$0x1F800] =	vst v63  }
0x2ea: {  	_ =	swait.ge [sflag:s1], $0x2800  }
0x2eb: {  	[sflag:s1] =	ssyncset.done $0x0  }
0x2ec: {  	[sflag:s1] =	ssyncadd.s32 $0xFFFFD800  }
0x2ed: {  	[spmem:s3] =	stream.indirect.scatter.add.f32 [tilespmem:s24], [sflag:$0x5], $0x80, s21, s28, $0xb8;
	[tilespmem:$0x1F800] =	vst v63  }
0x2ee: {  	_ =	swait.ge [sflag:s0], $0x2800  }
0x2ef: {  	[sflag:s0] =	ssyncset.done $0x0  }
0x2f0: {  	[sflag:s0] =	ssyncadd.s32 $0xFFFFD800  }
0x2f1: {  	[tilespmem:s24], [sflag:$0x1] =	stream.indirect.gather [hbm4b:s2+s28], $0x80, s22, s28, $0xb8;
	[tilespmem:$0x1F800] =	vst v63  }
0x2f2: {  	_ =	swait.ge [sflag:s5], $0x2800  }
0x2f3: {  	[sflag:s5] =	ssyncset.done $0x0  }
0x2f4: {  	[sflag:s5] =	ssyncadd.s32 $0xFFFFD800  }
0x2f5: {  	[spmem:s3] =	stream.indirect.scatter.add.f32 [tilespmem:s29], [sflag:$0x6], $0x80, s6, s28, $0xb8;
	[tilespmem:$0x1F800] =	vst v63  }
0x2f6: {  	_ =	swait.ge [sflag:s15], $0x2800  }
0x2f7: {  	[sflag:s15] =	ssyncset.done $0x0  }
0x2f8: {  	[sflag:s15] =	ssyncadd.s32 $0xFFFFD800  }
0x2f9: {  	[spmem:s3] =	stream.indirect.scatter.add.f32 [tilespmem:s30], [sflag:$0x7], $0x80, s8, s28, $0xb8;
	[tilespmem:$0x1F800] =	vst v63  }
0x2fa: {  	_ =	swait.ge [sflag:s17], $0x2800  }
0x2fb: {  	[sflag:s17] =	ssyncset.done $0x0  }
0x2fc: {  	[sflag:s17] =	ssyncadd.s32 $0xFFFFD800  }
0x2fd: {  	[spmem:s3] =	stream.indirect.scatter.add.f32 [tilespmem:s31], [sflag:$0x8], $0x80, s9, s28, $0xb8;
	[tilespmem:$0x1F800] =	vst v63  }
0x2fe: {  	_ =	swait.ge [sflag:s1], $0x2800  }
0x2ff: {  	[sflag:s1] =	ssyncset.done $0x0  }
0x300: {  	[sflag:s1] =	ssyncadd.s32 $0xFFFFD800  }
0x301: {  	[spmem:s3] =	stream.indirect.scatter.add.f32 [tilespmem:s24], [sflag:$0x5], $0x80, s10, s28, $0xb8;
	[tilespmem:$0x1F800] =	vst v63  }
0x302: {  	_ =	swait.ge [sflag:s0], $0x2800  }
0x303: {  	[sflag:s0] =	ssyncset.done $0x0  }
0x304: {  	[sflag:s0] =	ssyncadd.s32 $0xFFFFD800  }
0x305: {  	_ =	swait.ge [sflag:s7], $0x2800  }
0x306: {  	[sflag:s7] =	ssyncset.done $0x0  }
0x307: {  	[sflag:s7] =	ssyncadd.s32 $0xFFFFD800  }
0x308: {  	_ =	swait.ge [sflag:s16], $0x2800  }
0x309: {  	[sflag:s16] =	ssyncset.done $0x0  }
0x30a: {  	[sflag:s16] =	ssyncadd.s32 $0xFFFFD800  }
0x30b: {  	_ =	swait.ge [sflag:s18], $0x2800  }
0x30c: {  	[sflag:s18] =	ssyncset.done $0x0  }
0x30d: {  	[sflag:s18] =	ssyncadd.s32 $0xFFFFD800  }
0x30e: {  	[bflag:$0x0] =	sbarrier.arrive $0xFFFF  }
0x30f: {  	s14 =	sld [smem:$0x7DF];
	_ =	sdelay $0x2  }
0x310: {  	[tilespmem:s24], [sflag:$0x9] =	stream.linear.gather [spmem:s14], $0x2800, $0x38;
	[tilespmem:$0x1F800] =	vst v63  }
0x311: {  	_ =	swait.ge [sflag:s25], $0x2800  }
0x312: {  	s23 =	sld [smem:$0x7E4]  }
0x313: {  	[sflag:s25] =	ssyncset.done $0x0  }
0x314: {  	[sflag:s25] =	ssyncadd.s32 $0xFFFFD800  }
0x315: {  	[hbm4b:s23+s4] =	stream.linear.scatter [tilespmem:s24], [sflag:$0x9], $0x2800, $0x38;
	[tilespmem:$0x1F800] =	vst v63  }
0x316: {  	_ =	swait.ge [sflag:s25], $0x2800  }
0x317: {  	s12 =	sld [smem:$0x7FA]  }
0x318: {  	[sflag:s25] =	ssyncset.done $0x0  }
0x319: {  	[sflag:s25] =	ssyncadd.s32 $0xFFFFD800  }
0x31a: {  	[tilespmem:s24], [sflag:$0x9] =	stream.linear.gather [spmem:s12], $0x2800, $0x38;
	[tilespmem:$0x1F800] =	vst v63  }
0x31b: {  	_ =	swait.ge [sflag:s25], $0x2800  }
0x31c: {  	s13 =	sld [smem:$0x7E5]  }
0x31d: {  	[sflag:s25] =	ssyncset.done $0x0  }
0x31e: {  	[sflag:s25] =	ssyncadd.s32 $0xFFFFD800  }
0x31f: {  	[hbm4b:s13+s4] =	stream.linear.scatter [tilespmem:s24], [sflag:$0x9], $0x2800, $0x38;
	[tilespmem:$0x1F800] =	vst v63  }
0x320: {  	_ =	swait.ge [sflag:s25], $0x2800  }
0x321: {  	s13 =	sld [smem:$0x7FB]  }
0x322: {  	[sflag:s25] =	ssyncset.done $0x0  }
0x323: {  	[sflag:s25] =	ssyncadd.s32 $0xFFFFD800  }
0x324: {  	[tilespmem:s24], [sflag:$0x9] =	stream.linear.gather [spmem:s13], $0x2800, $0x38;
	[tilespmem:$0x1F800] =	vst v63  }
0x325: {  	_ =	swait.ge [sflag:s25], $0x2800  }
0x326: {  	s14 =	sld [smem:$0x7E6]  }
0x327: {  	[sflag:s25] =	ssyncset.done $0x0  }
0x328: {  	[sflag:s25] =	ssyncadd.s32 $0xFFFFD800  }
0x329: {  	[hbm4b:s14+s4] =	stream.linear.scatter [tilespmem:s24], [sflag:$0x9], $0x2800, $0x38;
	[tilespmem:$0x1F800] =	vst v63  }
0x32a: {  	_ =	swait.ge [sflag:s25], $0x2800  }
0x32b: {  	s12 =	sld [smem:$0x7FC]  }
0x32c: {  	[sflag:s25] =	ssyncset.done $0x0  }
0x32d: {  	[sflag:s25] =	ssyncadd.s32 $0xFFFFD800  }
0x32e: {  	[tilespmem:s24], [sflag:$0x9] =	stream.linear.gather [spmem:s12], $0x2800, $0x38;
	[tilespmem:$0x1F800] =	vst v63  }
0x32f: {  	_ =	swait.ge [sflag:s25], $0x2800  }
0x330: {  	s23 =	sld [smem:$0x7E7]  }
0x331: {  	[sflag:s25] =	ssyncset.done $0x0  }
0x332: {  	[sflag:s25] =	ssyncadd.s32 $0xFFFFD800  }
0x333: {  	[hbm4b:s23+s4] =	stream.linear.scatter [tilespmem:s24], [sflag:$0x9], $0x2800, $0x38;
	[tilespmem:$0x1F800] =	vst v63  }
0x334: {  	_ =	swait.ge [sflag:s25], $0x2800  }
0x335: {  	s14 =	sld [smem:$0x7E1]  }
0x336: {  	[sflag:s25] =	ssyncset.done $0x0  }
0x337: {  	[sflag:s25] =	ssyncadd.s32 $0xFFFFD800  }
0x338: {  	[tilespmem:s24], [sflag:$0x9] =	stream.linear.gather [spmem:s14], $0x2800, $0x38;
	[tilespmem:$0x1F800] =	vst v63  }
0x339: {  	_ =	swait.ge [sflag:s25], $0x2800  }
0x33a: {  	s23 =	sld [smem:$0x7EA]  }
0x33b: {  	[sflag:s25] =	ssyncset.done $0x0  }
0x33c: {  	[sflag:s25] =	ssyncadd.s32 $0xFFFFD800  }
0x33d: {  	[hbm4b:s23+s4] =	stream.linear.scatter [tilespmem:s24], [sflag:$0x9], $0x2800, $0x38;
	[tilespmem:$0x1F800] =	vst v63  }
0x33e: {  	_ =	swait.ge [sflag:s25], $0x2800  }
0x33f: {  	s14 =	sld [smem:$0x7E2]  }
0x340: {  	[sflag:s25] =	ssyncset.done $0x0  }
0x341: {  	[sflag:s25] =	ssyncadd.s32 $0xFFFFD800  }
0x342: {  	[tilespmem:s24], [sflag:$0x9] =	stream.linear.gather [spmem:s14], $0x2800, $0x38;
	[tilespmem:$0x1F800] =	vst v63  }
0x343: {  	_ =	swait.ge [sflag:s25], $0x2800  }
0x344: {  	s23 =	sld [smem:$0x7ED]  }
0x345: {  	[sflag:s25] =	ssyncset.done $0x0  }
0x346: {  	[sflag:s25] =	ssyncadd.s32 $0xFFFFD800  }
0x347: {  	[hbm4b:s23+s4] =	stream.linear.scatter [tilespmem:s24], [sflag:$0x9], $0x2800, $0x38;
	[tilespmem:$0x1F800] =	vst v63  }
0x348: {  	_ =	swait.ge [sflag:s25], $0x2800  }
0x349: {  	s14 =	sld [smem:$0x7E3]  }
0x34a: {  	[sflag:s25] =	ssyncset.done $0x0  }
0x34b: {  	[sflag:s25] =	ssyncadd.s32 $0xFFFFD800  }
0x34c: {  	[tilespmem:s24], [sflag:$0x9] =	stream.linear.gather [spmem:s14], $0x2800, $0x38;
	[tilespmem:$0x1F800] =	vst v63  }
0x34d: {  	_ =	swait.ge [sflag:s25], $0x2800  }
0x34e: {  	s23 =	sld [smem:$0x7F0]  }
0x34f: {  	[sflag:s25] =	ssyncset.done $0x0  }
0x350: {  	[sflag:s25] =	ssyncadd.s32 $0xFFFFD800  }
0x351: {  	[hbm4b:s23+s4] =	stream.linear.scatter [tilespmem:s24], [sflag:$0x9], $0x2800, $0x38;
	[tilespmem:$0x1F800] =	vst v63  }
0x352: {  	_ =	swait.ge [sflag:s25], $0x2800  }
0x353: {  	s23 =	sld [smem:$0x7FD]  }
0x354: {  	[sflag:s25] =	ssyncset.done $0x0  }
0x355: {  	[sflag:s25] =	ssyncadd.s32 $0xFFFFD800  }
0x356: {  	[tilespmem:s24], [sflag:$0x9] =	stream.linear.gather [spmem:s23], $0x2800, $0x38;
	[tilespmem:$0x1F800] =	vst v63  }
0x357: {  	_ =	swait.ge [sflag:s25], $0x2800  }
0x358: {  	s14 =	sld [smem:$0x7F3]  }
0x359: {  	[sflag:s25] =	ssyncset.done $0x0  }
0x35a: {  	[sflag:s25] =	ssyncadd.s32 $0xFFFFD800  }
0x35b: {  	[hbm4b:s14+s4] =	stream.linear.scatter [tilespmem:s24], [sflag:$0x9], $0x2800, $0x38;
	[tilespmem:$0x1F800] =	vst v63  }
0x35c: {  	_ =	swait.ge [sflag:s25], $0x2800  }
0x35d: {  	s14 =	sld [smem:$0x7F9]  }
0x35e: {  	s11 =	sld [smem:$0x7E0];
	_ =	sdelay $0x1  }
0x35f: {  	s14 =	sadd.s32 $0x1, s14  }
0x360: {  	p0 =	sne.s32 s14, s11  }
.Ltmp1:
0x361: {  	_ = 	snop;
	(pc) =	sbr.rel @p0 .LBB2_1-.Ltmp1, $3  }
0x362: {  	_ =	sdelay $0x1  }
0x363: {  	[sflag:s25] =	ssyncset.done $0x0;
	[smem:$0x7F9] =	sst s14  }
0x364: {  	[sflag:s25] =	ssyncadd.s32 $0xFFFFD800;
	s14 =	smov.u32 s12;
	s12 =	sld [smem:$0x7FA]  }
0x365: {  	_ =	sfence.sel $0x180000  }
0x366: {  	[bflag:$0x0] =	sbarrier.arrive $0xFFFF  }
0x367: {  	_ =	strace $0x90000047  }
0x368: {  	s0 =	stileid.u32;
	[bflag:$0x2] =	sbarrier.arrive $0xFFFF  }
0x369: {  	p0 =	sne.s32 s0, $0x0;
	s0 =	rddreg [dreg:$0x3]  }
0x36a: {  	s0 =	sadd.s32 @!p0 $0x100000, s0  }
0x36b: {  	[sflag:s0] =	ssyncadd.tile.s32 @!p0 $0x1;
	_ =	shalt  }
.Lfunc_end2:
_tile_overlayer_lowered:
.L_overlay_start_2:
0x36c: {  	(tag) =	ssettag $0x2  }
0x36d: {  	s0 =	rddreg [dreg:$0x0];
	s2 =	stileid.u32  }
0x36e: {  	s1 =	rddreg [dreg:$0x1];
	p0 =	sne.s32 s2, $0x0  }
0x36f: {  	s3 =	rddreg [dreg:$0x2];
	[bflag:$0x3] =	sbarrier.arrive $0xFFFF;
	s2 =	simm.s32 @!p0 $0x1C09  }
0x370: {  	[timem:s3], [sflag:s2] =	dma.local @!p0 [hbm:s0], s1  }
0x371: {  	s0 =	simm.s32 @!p0 $0x9  }
0x372: {  	_ =	swait.ge @!p0 [sflag:s0], s1  }
0x373: {  	s1 =	ssub.s32 @!p0 $0x0, s1;
	[sflag:s0] =	ssyncset.done @!p0 $0x0  }
0x374: {  	[sflag:s0] =	ssyncadd.s32 @!p0 s1  }
0x375: {  	[bflag:$0x3] =	sbarrier.arrive $0xFFFF  }
0x376: {  	_ =	shalt  }

</sc_bundles>
